<compile_context>
chip_gen: v7x
topology: tpu7x:2x2x1
jax: 0.10.2.dev20260603
libtpu: 0.0.44.dev20260713+nightly
codegen_flags: <defaults>
</compile_context>

<pallas_src>
import functools

import jax
import jax.numpy as jnp
from jax import lax
from jax.experimental import pallas as pl
from jax.experimental.pallas import tpu as pltpu
from jax.experimental.pallas import tpu_sc as plsc


_N, _L, _D, _H, _E, _M, _P = 4, 512, 768, 12, 64, 3, 1024
_NW = 32
_EPW = (_N * _H * _E) // _NW
_EC = 32


def _sc_gather_sum(att_hbm, ridx_hbm, out_hbm, idx_v, rows_v, out_v, sem0,
                   sem1):
    wid = lax.axis_index("s") * 2 + lax.axis_index("c")
    nchunk = _EPW // _EC
    sems = (sem0, sem1)
    pltpu.sync_copy(ridx_hbm.at[pl.ds(wid * _EPW * _M, _EPW * _M)], idx_v)

    def start(c):
        return pltpu.async_copy(
            att_hbm.at[idx_v.at[pl.ds(c * _EC * _M, _EC * _M)]],
            rows_v.at[c % 2], sems[c % 2])

    copies = {0: start(0)}
    for c in range(nchunk):
        if c + 1 < nchunk:
            copies[c + 1] = start(c + 1)
        copies[c].wait()
        buf = c % 2

        def body_e(e, _):
            for g in range(_L // 16):
                s = pl.ds(g * 16, 16)
                out_v[e, s] = (rows_v[buf, _M * e, s]
                               + rows_v[buf, _M * e + 1, s]
                               + rows_v[buf, _M * e + 2, s])
            return 0
        lax.fori_loop(0, _EC, body_e, 0)
        pltpu.sync_copy(out_v, out_hbm.at[pl.ds(wid * _EPW + c * _EC, _EC)])


_sc_gather = functools.partial(
    pl.kernel,
    out_type=jax.ShapeDtypeStruct((_N * _H * _E, _L), jnp.float32),
    mesh=plsc.VectorSubcoreMesh(core_axis_name="c", subcore_axis_name="s"),
    scratch_types=[
        pltpu.VMEM((_EPW * _M,), jnp.int32),
        pltpu.VMEM((2, _EC * _M, _L), jnp.float32),
        pltpu.VMEM((_EC, _L), jnp.float32),
        pltpu.SemaphoreType.DMA,
        pltpu.SemaphoreType.DMA,
    ],
)(_sc_gather_sum)


def _entity_onehots(hidx, tidx):
    e_iota = jax.lax.broadcasted_iota(jnp.int32, (_P, _E), 1)
    oh_h = (hidx[:, None] == e_iota).astype(jnp.bfloat16)
    oh_t = (tidx[:, None] == e_iota).astype(jnp.bfloat16)
    return oh_h, oh_t


def _tc_emb_kernel(pos_ref, hidx_ref, tidx_ref, seq_ref, hs_ref, ts_ref):
    seq16 = seq_ref[0].astype(jnp.bfloat16)
    pos = pos_ref[0, 0, :]

    l_iota = jax.lax.broadcasted_iota(jnp.int32, (_E * _M, _L), 1)
    poh = (pos[:, None] == l_iota).astype(jnp.bfloat16)

    mention = jnp.dot(poh, seq16, preferred_element_type=jnp.float32)
    me = mention.reshape(_E, _M, _D)
    mmax = jnp.max(me, axis=1)
    e_emb = mmax + jnp.log(jnp.sum(jnp.exp(me - mmax[:, None, :]), axis=1))
    e_emb16 = e_emb.astype(jnp.bfloat16)

    oh_h, oh_t = _entity_onehots(hidx_ref[0, 0, :], tidx_ref[0, 0, :])
    hs_ref[0] = jnp.dot(oh_h, e_emb16, preferred_element_type=jnp.float32)
    ts_ref[0] = jnp.dot(oh_t, e_emb16, preferred_element_type=jnp.float32)


def _tc_pair_kernel(hidx_ref, tidx_ref, seq_ref, esum_ref, rs_ref):
    oh_h, oh_t = _entity_onehots(hidx_ref[0, 0, :], tidx_ref[0, 0, :])

    e_att_cols = [
        (esum_ref[0, hh] * (1.0 / _M)).astype(jnp.bfloat16)
        for hh in range(_H)
    ]
    e_att_all = jnp.concatenate(e_att_cols, axis=1)

    hc = 4
    acc = jnp.zeros((_P, _L), jnp.float32)
    for c in range(_H // hc):
        ec = e_att_all[:, c * hc * _L:(c + 1) * hc * _L]
        h_att = jnp.dot(oh_h, ec, preferred_element_type=jnp.float32)
        t_att = jnp.dot(oh_t, ec, preferred_element_type=jnp.float32)
        prod = h_att * t_att
        for k in range(hc):
            acc = acc + prod[:, k * _L:(k + 1) * _L]

    ht_att = acc * (1.0 / _H)
    ht_att = ht_att / (jnp.sum(ht_att, axis=1, keepdims=True) + 1e-5)

    rs_ref[0] = jnp.dot(ht_att.astype(jnp.bfloat16),
                        seq_ref[0].astype(jnp.bfloat16),
                        preferred_element_type=jnp.float32)


def kernel(sequence_output, attention, entity_pos, hts):
    n, L, d = sequence_output.shape
    h = attention.shape[1]
    E, M = entity_pos.shape[1], entity_pos.shape[2]
    P = hts.shape[1]
    assert (n, L, d, h, E, M, P) == (_N, _L, _D, _H, _E, _M, _P)

    pos1 = (entity_pos[:, :, :, 0] + 1).astype(jnp.int32)
    base = (jnp.arange(n * h, dtype=jnp.int32).reshape(n, h, 1, 1)) * L
    ridx = (base + pos1[:, None, :, :]).reshape(n * h * E * M)

    esum = _sc_gather(attention.reshape(n * h * L, L), ridx)
    esum = esum.reshape(n, h, E, L)

    pos = pos1.reshape(n, 1, E * M)
    hidx = hts[:, :, 0].reshape(n, 1, P).astype(jnp.int32)
    tidx = hts[:, :, 1].reshape(n, 1, P).astype(jnp.int32)

    idx_spec = pl.BlockSpec((1, 1, P), lambda i: (i, 0, 0))
    seq_spec = pl.BlockSpec((1, L, d), lambda i: (i, 0, 0))
    out_spec = pl.BlockSpec((1, P, d), lambda i: (i, 0, 0))

    hs, ts = pl.pallas_call(
        _tc_emb_kernel,
        grid=(n,),
        in_specs=[
            pl.BlockSpec((1, 1, E * M), lambda i: (i, 0, 0)),
            idx_spec, idx_spec, seq_spec,
        ],
        out_specs=[out_spec, out_spec],
        out_shape=[jax.ShapeDtypeStruct((n, P, d), jnp.float32)] * 2,
    )(pos, hidx, tidx, sequence_output)

    rs = pl.pallas_call(
        _tc_pair_kernel,
        grid=(n,),
        in_specs=[
            idx_spec, idx_spec, seq_spec,
            pl.BlockSpec((1, h, E, L), lambda i: (i, 0, 0, 0)),
        ],
        out_specs=out_spec,
        out_shape=jax.ShapeDtypeStruct((n, P, d), jnp.float32),
    )(hidx, tidx, sequence_output, esum)

    return hs.reshape(-1, d), ts.reshape(-1, d), rs.reshape(-1, d)

# --- scband reference (transcript-rebuilt; emitter-appended) ---
"""Pipeline reference for scband-hrtextractor-81320910782627 (READ-ONLY COPY).

The authoritative reference and input builder live on the scoring server;
editing this copy changes nothing except your own understanding.
"""

import jax, jax.numpy as jnp
import numpy as np


def setup_inputs(seed: int = 0):
    key = jax.random.key(seed)
    k1, k2, k3, k4 = jax.random.split(key, 4)
    n, L, d, h, E, M, P = 4, 512, 768, 12, 64, 3, 1024
    sequence_output = jax.random.normal(k1, (n, L, d), dtype=jnp.float32)
    attention = jax.random.uniform(k2, (n, h, L, L), dtype=jnp.float32)
    entity_pos = jax.random.randint(k3, (n, E, M, 2), 0, 510)
    hts = jax.random.randint(k4, (n, P, 2), 0, E)
    return {"sequence_output": sequence_output, "attention": attention,
            "entity_pos": entity_pos, "hts": hts}


def reference(sequence_output, attention, entity_pos, hts):
    # HRTExtractor forward (ATLOP-style). Dense representation: every entity has
    # M mentions; mention starts satisfy start + offset < L, so no zero-fallback
    # branches are taken. offset = 1 (bert).
    offset = 1

    def per_sample(seq, att, epos, ht):
        # seq: [L, d], att: [h, L, L], epos: [E, M, 2], ht: [P, 2]
        pos = epos[:, :, 0] + offset                       # [E, M]
        mention_embs = seq[pos]                            # [E, M, d]
        e_emb = jax.nn.logsumexp(mention_embs, axis=1)     # [E, d]
        mention_atts = att[:, pos, :]                      # [h, E, M, L]
        e_att = jnp.transpose(mention_atts, (1, 2, 0, 3)).mean(axis=1)  # [E, h, L]
        hs = e_emb[ht[:, 0]]                               # [P, d]
        ts = e_emb[ht[:, 1]]                               # [P, d]
        h_att = e_att[ht[:, 0]]                            # [P, h, L]
        t_att = e_att[ht[:, 1]]                            # [P, h, L]
        ht_att = (h_att * t_att).mean(axis=1)              # [P, L]
        ht_att = ht_att / (ht_att.sum(axis=1, keepdims=True) + 1e-5)
        rs = ht_att @ seq                                  # einsum('ld,rl->rd')
        return hs, rs, ts

    hs, rs, ts = jax.vmap(per_sample)(sequence_output, attention, entity_pos, hts)
    d = sequence_output.shape[-1]
    hss = hs.reshape(-1, d)
    rss = rs.reshape(-1, d)
    tss = ts.reshape(-1, d)
    return hss, tss, rss

if __name__ == "__main__":
    import jax
    _d = setup_inputs()
    print(jax.jit(kernel)(*tuple(_d.values())))

</pallas_src>

<mosaic_0001>
#map = affine_map<(d0, d1) -> (0, 0)>
#map1 = affine_map<(d0, d1) -> (0)>
module attributes {stable_mosaic.version = 14 : i64} {
  func.func @_sc_gather_sum(%arg0: i32, %arg1: i32, %arg2: memref<24576x512xf32, #tpu.memory_space<hbm>>, %arg3: memref<9216xi32, #tpu.memory_space<hbm>>, %arg4: memref<3072x512xf32, #tpu.memory_space<hbm>>, %arg5: memref<288xi32, #tpu.memory_space<vmem>>, %arg6: memref<2x96x512xf32, #tpu.memory_space<vmem>>, %arg7: memref<32x512xf32, #tpu.memory_space<vmem>>, %arg8: memref<!tpu.dma_semaphore, #tpu.memory_space<semaphore_mem>>, %arg9: memref<!tpu.dma_semaphore, #tpu.memory_space<semaphore_mem>>) attributes {dimension_semantics = [#tpu.dimension_semantics<core_parallel>, #tpu.dimension_semantics<subcore_parallel>], iteration_bounds = array<i64: 2, 16>, scalar_prefetch = 0 : i64, scratch_operands = 5 : i64, tpu.core_type = #tpu.core_type<sc_vector_subcore>, window_params = [{transform_indices = #map}, {transform_indices = #map1}, {transform_indices = #map}]} {
    %mul3A = arith.constant 2 : i32
    %mul3A_0 = arith.muli %arg1, %mul3A : i32
    %add3A = arith.addi %mul3A_0, %arg0 : i32
    %mul3A_1 = arith.constant 96 : i32
    %mul3A_2 = arith.muli %add3A, %mul3A_1 : i32
    %mul3A_3 = arith.constant 3 : i32
    %mul3A_4 = arith.muli %mul3A_2, %mul3A_3 : i32
    "tpu.region"() ({
      %run_scoped3A = tpu.sem_alloc : memref<!tpu.dma_semaphore, #tpu.memory_space<semaphore_mem>>
      %dma_start3A_95 = tpu.memref_slice %arg3[%mul3A_4] : memref<9216xi32, #tpu.memory_space<hbm>> -> memref<288xi32, #tpu.memory_space<hbm>>
      %dma_start3A_96 = tpu.memref_slice %arg3[%mul3A_4] : memref<9216xi32, #tpu.memory_space<hbm>> -> memref<288xi32, #tpu.memory_space<hbm>>
      tpu.enqueue_dma source(%dma_start3A_96 : memref<288xi32, #tpu.memory_space<hbm>>) target(%arg5 : memref<288xi32, #tpu.memory_space<vmem>>) target_semaphore(%run_scoped3A : memref<!tpu.dma_semaphore, #tpu.memory_space<semaphore_mem>>)
      %dma_wait3A_97 = tpu.memref_slice %arg3[%mul3A_4] : memref<9216xi32, #tpu.memory_space<hbm>> -> memref<288xi32, #tpu.memory_space<hbm>>
      %dma_wait3A_98 = tpu.memref_slice %arg3[%mul3A_4] : memref<9216xi32, #tpu.memory_space<hbm>> -> memref<288xi32, #tpu.memory_space<hbm>>
      tpu.wait_dma2 semaphore(%run_scoped3A : memref<!tpu.dma_semaphore, #tpu.memory_space<semaphore_mem>>) src(%dma_wait3A_98 : memref<288xi32, #tpu.memory_space<hbm>>) dst(%arg5 : memref<288xi32, #tpu.memory_space<vmem>>)
      tpu.yield
    }) : () -> ()
    %dma_start3A = arith.constant 0 : i32
    %dma_start3A_5 = arith.constant 0 : i32
    %dma_start3A_6 = arith.constant 0 : i32
    %dma_start3A_7 = tpu.memref_slice %arg6[%dma_start3A, %dma_start3A_5, %dma_start3A_6] : memref<2x96x512xf32, #tpu.memory_space<vmem>> -> memref<1x96x512xf32, #tpu.memory_space<vmem>>
    %dma_start3A_8 = tpu.memref_squeeze %dma_start3A_7 : memref<1x96x512xf32, #tpu.memory_space<vmem>> -> memref<96x512xf32, #tpu.memory_space<vmem>>
    %dma_start3A_9 = arith.constant 0 : i32
    %dma_start3A_10 = tpu.memref_slice %arg5[%dma_start3A_9] : memref<288xi32, #tpu.memory_space<vmem>> -> memref<96xi32, #tpu.memory_space<vmem>>
    %dma_start3A_11 = arith.constant 0 : i32
    %dma_start3A_12 = arith.constant 0 : i32
    %dma_start3A_13 = tpu.memref_slice %arg2[%dma_start3A_11, %dma_start3A_12] : memref<24576x512xf32, #tpu.memory_space<hbm>> -> memref<24576x512xf32, #tpu.memory_space<hbm>>
    tpu.enqueue_indirect_dma source(%dma_start3A_13 : memref<24576x512xf32, #tpu.memory_space<hbm>>) target(%dma_start3A_8 : memref<96x512xf32, #tpu.memory_space<vmem>>) offsets(%dma_start3A_10 : memref<96xi32, #tpu.memory_space<vmem>>) semaphore(%arg8 : memref<!tpu.dma_semaphore, #tpu.memory_space<semaphore_mem>>)
    %dma_start3A_14 = arith.constant 1 : i32
    %dma_start3A_15 = arith.constant 0 : i32
    %dma_start3A_16 = arith.constant 0 : i32
    %dma_start3A_17 = tpu.memref_slice %arg6[%dma_start3A_14, %dma_start3A_15, %dma_start3A_16] : memref<2x96x512xf32, #tpu.memory_space<vmem>> -> memref<1x96x512xf32, #tpu.memory_space<vmem>>
    %dma_start3A_18 = tpu.memref_squeeze %dma_start3A_17 : memref<1x96x512xf32, #tpu.memory_space<vmem>> -> memref<96x512xf32, #tpu.memory_space<vmem>>
    %dma_start3A_19 = arith.constant 96 : i32
    %dma_start3A_20 = tpu.memref_slice %arg5[%dma_start3A_19] : memref<288xi32, #tpu.memory_space<vmem>> -> memref<96xi32, #tpu.memory_space<vmem>>
    %dma_start3A_21 = arith.constant 0 : i32
    %dma_start3A_22 = arith.constant 0 : i32
    %dma_start3A_23 = tpu.memref_slice %arg2[%dma_start3A_21, %dma_start3A_22] : memref<24576x512xf32, #tpu.memory_space<hbm>> -> memref<24576x512xf32, #tpu.memory_space<hbm>>
    tpu.enqueue_indirect_dma source(%dma_start3A_23 : memref<24576x512xf32, #tpu.memory_space<hbm>>) target(%dma_start3A_18 : memref<96x512xf32, #tpu.memory_space<vmem>>) offsets(%dma_start3A_20 : memref<96xi32, #tpu.memory_space<vmem>>) semaphore(%arg9 : memref<!tpu.dma_semaphore, #tpu.memory_space<semaphore_mem>>)
    %dma_wait3A = arith.constant 0 : i32
    %dma_wait3A_24 = arith.constant 0 : i32
    %dma_wait3A_25 = arith.constant 0 : i32
    %dma_wait3A_26 = tpu.memref_slice %arg6[%dma_wait3A, %dma_wait3A_24, %dma_wait3A_25] : memref<2x96x512xf32, #tpu.memory_space<vmem>> -> memref<1x96x512xf32, #tpu.memory_space<vmem>>
    %dma_wait3A_27 = tpu.memref_squeeze %dma_wait3A_26 : memref<1x96x512xf32, #tpu.memory_space<vmem>> -> memref<96x512xf32, #tpu.memory_space<vmem>>
    %dma_wait3A_28 = arith.constant 0 : i32
    %dma_wait3A_29 = tpu.memref_slice %arg5[%dma_wait3A_28] : memref<288xi32, #tpu.memory_space<vmem>> -> memref<96xi32, #tpu.memory_space<vmem>>
    %dma_wait3A_30 = arith.constant 0 : i32
    %dma_wait3A_31 = arith.constant 0 : i32
    %dma_wait3A_32 = tpu.memref_slice %arg2[%dma_wait3A_30, %dma_wait3A_31] : memref<24576x512xf32, #tpu.memory_space<hbm>> -> memref<24576x512xf32, #tpu.memory_space<hbm>>
    tpu.wait_indirect_dma semaphore(%arg8 : memref<!tpu.dma_semaphore, #tpu.memory_space<semaphore_mem>>) src(%dma_wait3A_32 : memref<24576x512xf32, #tpu.memory_space<hbm>>) dst(%dma_wait3A_27 : memref<96x512xf32, #tpu.memory_space<vmem>>)
    %scan3A = arith.constant 0 : i32
    %scan3A_33 = arith.constant 0 : i32
    %scan3A_34 = arith.constant 32 : i32
    %scan3A_35 = arith.addi %scan3A_33, %scan3A_34 : i32
    %scan3A_36 = arith.constant 1 : i32
    %scan3A_37 = scf.for %scan3A_95 = %scan3A_33 to %scan3A_35 step %scan3A_36 iter_args(%scan3A_96 = %scan3A) -> (i32)  : i32 {
      %mul3A_97 = arith.constant 3 : i32
      %mul3A_98 = arith.muli %mul3A_97, %scan3A_95 : i32
      %get3A = arith.constant 0 : i32
      %get3A_99 = arith.index_cast %get3A : i32 to index
      %get3A_100 = arith.index_cast %mul3A_98 : i32 to index
      %get3A_101 = arith.constant 0 : index
      %get3A_102 = tpu.vector_load %arg6[%get3A_99, %get3A_100, %get3A_101] {strides = array<i32>} : memref<2x96x512xf32, #tpu.memory_space<vmem>>, vector<1x1x16xf32>,
      %get3A_103 = vector.shape_cast %get3A_102 : vector<1x1x16xf32> to vector<16xf32>
      %mul3A_104 = arith.constant 3 : i32
      %mul3A_105 = arith.muli %mul3A_104, %scan3A_95 : i32
      %add3A_106 = arith.constant 1 : i32
      %add3A_107 = arith.addi %mul3A_105, %add3A_106 : i32
      %get3A_108 = arith.constant 0 : i32
      %get3A_109 = arith.index_cast %get3A_108 : i32 to index
      %get3A_110 = arith.index_cast %add3A_107 : i32 to index
      %get3A_111 = arith.constant 0 : index
      %get3A_112 = tpu.vector_load %arg6[%get3A_109, %get3A_110, %get3A_111] {strides = array<i32>} : memref<2x96x512xf32, #tpu.memory_space<vmem>>, vector<1x1x16xf32>,
      %get3A_113 = vector.shape_cast %get3A_112 : vector<1x1x16xf32> to vector<16xf32>
      %add3A_114 = arith.addf %get3A_103, %get3A_113 : vector<16xf32>
      %mul3A_115 = arith.constant 3 : i32
      %mul3A_116 = arith.muli %mul3A_115, %scan3A_95 : i32
      %add3A_117 = arith.constant 2 : i32
      %add3A_118 = arith.addi %mul3A_116, %add3A_117 : i32
      %get3A_119 = arith.constant 0 : i32
      %get3A_120 = arith.index_cast %get3A_119 : i32 to index
      %get3A_121 = arith.index_cast %add3A_118 : i32 to index
      %get3A_122 = arith.constant 0 : index
      %get3A_123 = tpu.vector_load %arg6[%get3A_120, %get3A_121, %get3A_122] {strides = array<i32>} : memref<2x96x512xf32, #tpu.memory_space<vmem>>, vector<1x1x16xf32>,
      %get3A_124 = vector.shape_cast %get3A_123 : vector<1x1x16xf32> to vector<16xf32>
      %add3A_125 = arith.addf %add3A_114, %get3A_124 : vector<16xf32>
      %swap3A = arith.index_cast %scan3A_95 : i32 to index
      %swap3A_126 = arith.constant 0 : index
      %swap3A_127 = tpu.vector_load %arg7[%swap3A, %swap3A_126] {strides = array<i32>} : memref<32x512xf32, #tpu.memory_space<vmem>>, vector<1x16xf32>,
      %swap3A_128 = vector.shape_cast %swap3A_127 : vector<1x16xf32> to vector<16xf32>
      %swap3A_129 = vector.shape_cast %add3A_125 : vector<16xf32> to vector<1x16xf32>
      tpu.vector_store %arg7[%swap3A, %swap3A_126], %swap3A_129 {strides = array<i32>} : memref<32x512xf32, #tpu.memory_space<vmem>>, vector<1x16xf32>,
      %mul3A_130 = arith.constant 3 : i32
      %mul3A_131 = arith.muli %mul3A_130, %scan3A_95 : i32
      %get3A_132 = arith.constant 0 : i32
      %get3A_133 = arith.index_cast %get3A_132 : i32 to index
      %get3A_134 = arith.index_cast %mul3A_131 : i32 to index
      %get3A_135 = arith.constant 16 : index
      %get3A_136 = tpu.vector_load %arg6[%get3A_133, %get3A_134, %get3A_135] {strides = array<i32>} : memref<2x96x512xf32, #tpu.memory_space<vmem>>, vector<1x1x16xf32>,
      %get3A_137 = vector.shape_cast %get3A_136 : vector<1x1x16xf32> to vector<16xf32>
      %mul3A_138 = arith.constant 3 : i32
      %mul3A_139 = arith.muli %mul3A_138, %scan3A_95 : i32
      %add3A_140 = arith.constant 1 : i32
      %add3A_141 = arith.addi %mul3A_139, %add3A_140 : i32
      %get3A_142 = arith.constant 0 : i32
      %get3A_143 = arith.index_cast %get3A_142 : i32 to index
      %get3A_144 = arith.index_cast %add3A_141 : i32 to index
      %get3A_145 = arith.constant 16 : index
      %get3A_146 = tpu.vector_load %arg6[%get3A_143, %get3A_144, %get3A_145] {strides = array<i32>} : memref<2x96x512xf32, #tpu.memory_space<vmem>>, vector<1x1x16xf32>,
      %get3A_147 = vector.shape_cast %get3A_146 : vector<1x1x16xf32> to vector<16xf32>
      %add3A_148 = arith.addf %get3A_137, %get3A_147 : vector<16xf32>
      %mul3A_149 = arith.constant 3 : i32
      %mul3A_150 = arith.muli %mul3A_149, %scan3A_95 : i32
      %add3A_151 = arith.constant 2 : i32
      %add3A_152 = arith.addi %mul3A_150, %add3A_151 : i32
      %get3A_153 = arith.constant 0 : i32
      %get3A_154 = arith.index_cast %get3A_153 : i32 to index
      %get3A_155 = arith.index_cast %add3A_152 : i32 to index
      %get3A_156 = arith.constant 16 : index
      %get3A_157 = tpu.vector_load %arg6[%get3A_154, %get3A_155, %get3A_156] {strides = array<i32>} : memref<2x96x512xf32, #tpu.memory_space<vmem>>, vector<1x1x16xf32>,
      %get3A_158 = vector.shape_cast %get3A_157 : vector<1x1x16xf32> to vector<16xf32>
      %add3A_159 = arith.addf %add3A_148, %get3A_158 : vector<16xf32>
      %swap3A_160 = arith.index_cast %scan3A_95 : i32 to index
      %swap3A_161 = arith.constant 16 : index
      %swap3A_162 = tpu.vector_load %arg7[%swap3A_160, %swap3A_161] {strides = array<i32>} : memref<32x512xf32, #tpu.memory_space<vmem>>, vector<1x16xf32>,
      %swap3A_163 = vector.shape_cast %swap3A_162 : vector<1x16xf32> to vector<16xf32>
      %swap3A_164 = vector.shape_cast %add3A_159 : vector<16xf32> to vector<1x16xf32>
      tpu.vector_store %arg7[%swap3A_160, %swap3A_161], %swap3A_164 {strides = array<i32>} : memref<32x512xf32, #tpu.memory_space<vmem>>, vector<1x16xf32>,
      %mul3A_165 = arith.constant 3 : i32
      %mul3A_166 = arith.muli %mul3A_165, %scan3A_95 : i32
      %get3A_167 = arith.constant 0 : i32
      %get3A_168 = arith.index_cast %get3A_167 : i32 to index
      %get3A_169 = arith.index_cast %mul3A_166 : i32 to index
      %get3A_170 = arith.constant 32 : index
      %get3A_171 = tpu.vector_load %arg6[%get3A_168, %get3A_169, %get3A_170] {strides = array<i32>} : memref<2x96x512xf32, #tpu.memory_space<vmem>>, vector<1x1x16xf32>,
      %get3A_172 = vector.shape_cast %get3A_171 : vector<1x1x16xf32> to vector<16xf32>
      %mul3A_173 = arith.constant 3 : i32
      %mul3A_174 = arith.muli %mul3A_173, %scan3A_95 : i32
      %add3A_175 = arith.constant 1 : i32
      %add3A_176 = arith.addi %mul3A_174, %add3A_175 : i32
      %get3A_177 = arith.constant 0 : i32
      %get3A_178 = arith.index_cast %get3A_177 : i32 to index
      %get3A_179 = arith.index_cast %add3A_176 : i32 to index
      %get3A_180 = arith.constant 32 : index
      %get3A_181 = tpu.vector_load %arg6[%get3A_178, %get3A_179, %get3A_180] {strides = array<i32>} : memref<2x96x512xf32, #tpu.memory_space<vmem>>, vector<1x1x16xf32>,
      %get3A_182 = vector.shape_cast %get3A_181 : vector<1x1x16xf32> to vector<16xf32>
      %add3A_183 = arith.addf %get3A_172, %get3A_182 : vector<16xf32>
      %mul3A_184 = arith.constant 3 : i32
      %mul3A_185 = arith.muli %mul3A_184, %scan3A_95 : i32
      %add3A_186 = arith.constant 2 : i32
      %add3A_187 = arith.addi %mul3A_185, %add3A_186 : i32
      %get3A_188 = arith.constant 0 : i32
      %get3A_189 = arith.index_cast %get3A_188 : i32 to index
      %get3A_190 = arith.index_cast %add3A_187 : i32 to index
      %get3A_191 = arith.constant 32 : index
      %get3A_192 = tpu.vector_load %arg6[%get3A_189, %get3A_190, %get3A_191] {strides = array<i32>} : memref<2x96x512xf32, #tpu.memory_space<vmem>>, vector<1x1x16xf32>,
      %get3A_193 = vector.shape_cast %get3A_192 : vector<1x1x16xf32> to vector<16xf32>
      %add3A_194 = arith.addf %add3A_183, %get3A_193 : vector<16xf32>
      %swap3A_195 = arith.index_cast %scan3A_95 : i32 to index
      %swap3A_196 = arith.constant 32 : index
      %swap3A_197 = tpu.vector_load %arg7[%swap3A_195, %swap3A_196] {strides = array<i32>} : memref<32x512xf32, #tpu.memory_space<vmem>>, vector<1x16xf32>,
      %swap3A_198 = vector.shape_cast %swap3A_197 : vector<1x16xf32> to vector<16xf32>
      %swap3A_199 = vector.shape_cast %add3A_194 : vector<16xf32> to vector<1x16xf32>
      tpu.vector_store %arg7[%swap3A_195, %swap3A_196], %swap3A_199 {strides = array<i32>} : memref<32x512xf32, #tpu.memory_space<vmem>>, vector<1x16xf32>,
      %mul3A_200 = arith.constant 3 : i32
      %mul3A_201 = arith.muli %mul3A_200, %scan3A_95 : i32
      %get3A_202 = arith.constant 0 : i32
      %get3A_203 = arith.index_cast %get3A_202 : i32 to index
      %get3A_204 = arith.index_cast %mul3A_201 : i32 to index
      %get3A_205 = arith.constant 48 : index
      %get3A_206 = tpu.vector_load %arg6[%get3A_203, %get3A_204, %get3A_205] {strides = array<i32>} : memref<2x96x512xf32, #tpu.memory_space<vmem>>, vector<1x1x16xf32>,
      %get3A_207 = vector.shape_cast %get3A_206 : vector<1x1x16xf32> to vector<16xf32>
      %mul3A_208 = arith.constant 3 : i32
      %mul3A_209 = arith.muli %mul3A_208, %scan3A_95 : i32
      %add3A_210 = arith.constant 1 : i32
      %add3A_211 = arith.addi %mul3A_209, %add3A_210 : i32
      %get3A_212 = arith.constant 0 : i32
      %get3A_213 = arith.index_cast %get3A_212 : i32 to index
      %get3A_214 = arith.index_cast %add3A_211 : i32 to index
      %get3A_215 = arith.constant 48 : index
      %get3A_216 = tpu.vector_load %arg6[%get3A_213, %get3A_214, %get3A_215] {strides = array<i32>} : memref<2x96x512xf32, #tpu.memory_space<vmem>>, vector<1x1x16xf32>,
      %get3A_217 = vector.shape_cast %get3A_216 : vector<1x1x16xf32> to vector<16xf32>
      %add3A_218 = arith.addf %get3A_207, %get3A_217 : vector<16xf32>
      %mul3A_219 = arith.constant 3 : i32
      %mul3A_220 = arith.muli %mul3A_219, %scan3A_95 : i32
      %add3A_221 = arith.constant 2 : i32
      %add3A_222 = arith.addi %mul3A_220, %add3A_221 : i32
      %get3A_223 = arith.constant 0 : i32
      %get3A_224 = arith.index_cast %get3A_223 : i32 to index
      %get3A_225 = arith.index_cast %add3A_222 : i32 to index
      %get3A_226 = arith.constant 48 : index
      %get3A_227 = tpu.vector_load %arg6[%get3A_224, %get3A_225, %get3A_226] {strides = array<i32>} : memref<2x96x512xf32, #tpu.memory_space<vmem>>, vector<1x1x16xf32>,
      %get3A_228 = vector.shape_cast %get3A_227 : vector<1x1x16xf32> to vector<16xf32>
      %add3A_229 = arith.addf %add3A_218, %get3A_228 : vector<16xf32>
      %swap3A_230 = arith.index_cast %scan3A_95 : i32 to index
      %swap3A_231 = arith.constant 48 : index
      %swap3A_232 = tpu.vector_load %arg7[%swap3A_230, %swap3A_231] {strides = array<i32>} : memref<32x512xf32, #tpu.memory_space<vmem>>, vector<1x16xf32>,
      %swap3A_233 = vector.shape_cast %swap3A_232 : vector<1x16xf32> to vector<16xf32>
      %swap3A_234 = vector.shape_cast %add3A_229 : vector<16xf32> to vector<1x16xf32>
      tpu.vector_store %arg7[%swap3A_230, %swap3A_231], %swap3A_234 {strides = array<i32>} : memref<32x512xf32, #tpu.memory_space<vmem>>, vector<1x16xf32>,
      %mul3A_235 = arith.constant 3 : i32
      %mul3A_236 = arith.muli %mul3A_235, %scan3A_95 : i32
      %get3A_237 = arith.constant 0 : i32
      %get3A_238 = arith.index_cast %get3A_237 : i32 to index
      %get3A_239 = arith.index_cast %mul3A_236 : i32 to index
      %get3A_240 = arith.constant 64 : index
      %get3A_241 = tpu.vector_load %arg6[%get3A_238, %get3A_239, %get3A_240] {strides = array<i32>} : memref<2x96x512xf32, #tpu.memory_space<vmem>>, vector<1x1x16xf32>,
      %get3A_242 = vector.shape_cast %get3A_241 : vector<1x1x16xf32> to vector<16xf32>
      %mul3A_243 = arith.constant 3 : i32
      %mul3A_244 = arith.muli %mul3A_243, %scan3A_95 : i32
      %add3A_245 = arith.constant 1 : i32
      %add3A_246 = arith.addi %mul3A_244, %add3A_245 : i32
      %get3A_247 = arith.constant 0 : i32
      %get3A_248 = arith.index_cast %get3A_247 : i32 to index
      %get3A_249 = arith.index_cast %add3A_246 : i32 to index
      %get3A_250 = arith.constant 64 : index
      %get3A_251 = tpu.vector_load %arg6[%get3A_248, %get3A_249, %get3A_250] {strides = array<i32>} : memref<2x96x512xf32, #tpu.memory_space<vmem>>, vector<1x1x16xf32>,
      %get3A_252 = vector.shape_cast %get3A_251 : vector<1x1x16xf32> to vector<16xf32>
      %add3A_253 = arith.addf %get3A_242, %get3A_252 : vector<16xf32>
      %mul3A_254 = arith.constant 3 : i32
      %mul3A_255 = arith.muli %mul3A_254, %scan3A_95 : i32
      %add3A_256 = arith.constant 2 : i32
      %add3A_257 = arith.addi %mul3A_255, %add3A_256 : i32
      %get3A_258 = arith.constant 0 : i32
      %get3A_259 = arith.index_cast %get3A_258 : i32 to index
      %get3A_260 = arith.index_cast %add3A_257 : i32 to index
      %get3A_261 = arith.constant 64 : index
      %get3A_262 = tpu.vector_load %arg6[%get3A_259, %get3A_260, %get3A_261] {strides = array<i32>} : memref<2x96x512xf32, #tpu.memory_space<vmem>>, vector<1x1x16xf32>,
      %get3A_263 = vector.shape_cast %get3A_262 : vector<1x1x16xf32> to vector<16xf32>
      %add3A_264 = arith.addf %add3A_253, %get3A_263 : vector<16xf32>
      %swap3A_265 = arith.index_cast %scan3A_95 : i32 to index
      %swap3A_266 = arith.constant 64 : index
      %swap3A_267 = tpu.vector_load %arg7[%swap3A_265, %swap3A_266] {strides = array<i32>} : memref<32x512xf32, #tpu.memory_space<vmem>>, vector<1x16xf32>,
      %swap3A_268 = vector.shape_cast %swap3A_267 : vector<1x16xf32> to vector<16xf32>
      %swap3A_269 = vector.shape_cast %add3A_264 : vector<16xf32> to vector<1x16xf32>
      tpu.vector_store %arg7[%swap3A_265, %swap3A_266], %swap3A_269 {strides = array<i32>} : memref<32x512xf32, #tpu.memory_space<vmem>>, vector<1x16xf32>,
      %mul3A_270 = arith.constant 3 : i32
      %mul3A_271 = arith.muli %mul3A_270, %scan3A_95 : i32
      %get3A_272 = arith.constant 0 : i32
      %get3A_273 = arith.index_cast %get3A_272 : i32 to index
      %get3A_274 = arith.index_cast %mul3A_271 : i32 to index
      %get3A_275 = arith.constant 80 : index
      %get3A_276 = tpu.vector_load %arg6[%get3A_273, %get3A_274, %get3A_275] {strides = array<i32>} : memref<2x96x512xf32, #tpu.memory_space<vmem>>, vector<1x1x16xf32>,
      %get3A_277 = vector.shape_cast %get3A_276 : vector<1x1x16xf32> to vector<16xf32>
      %mul3A_278 = arith.constant 3 : i32
      %mul3A_279 = arith.muli %mul3A_278, %scan3A_95 : i32
      %add3A_280 = arith.constant 1 : i32
      %add3A_281 = arith.addi %mul3A_279, %add3A_280 : i32
      %get3A_282 = arith.constant 0 : i32
      %get3A_283 = arith.index_cast %get3A_282 : i32 to index
      %get3A_284 = arith.index_cast %add3A_281 : i32 to index
      %get3A_285 = arith.constant 80 : index
      %get3A_286 = tpu.vector_load %arg6[%get3A_283, %get3A_284, %get3A_285] {strides = array<i32>} : memref<2x96x512xf32, #tpu.memory_space<vmem>>, vector<1x1x16xf32>,
      %get3A_287 = vector.shape_cast %get3A_286 : vector<1x1x16xf32> to vector<16xf32>
      %add3A_288 = arith.addf %get3A_277, %get3A_287 : vector<16xf32>
      %mul3A_289 = arith.constant 3 : i32
      %mul3A_290 = arith.muli %mul3A_289, %scan3A_95 : i32
      %add3A_291 = arith.constant 2 : i32
      %add3A_292 = arith.addi %mul3A_290, %add3A_291 : i32
      %get3A_293 = arith.constant 0 : i32
      %get3A_294 = arith.index_cast %get3A_293 : i32 to index
      %get3A_295 = arith.index_cast %add3A_292 : i32 to index
      %get3A_296 = arith.constant 80 : index
      %get3A_297 = tpu.vector_load %arg6[%get3A_294, %get3A_295, %get3A_296] {strides = array<i32>} : memref<2x96x512xf32, #tpu.memory_space<vmem>>, vector<1x1x16xf32>,
      %get3A_298 = vector.shape_cast %get3A_297 : vector<1x1x16xf32> to vector<16xf32>
      %add3A_299 = arith.addf %add3A_288, %get3A_298 : vector<16xf32>
      %swap3A_300 = arith.index_cast %scan3A_95 : i32 to index
      %swap3A_301 = arith.constant 80 : index
      %swap3A_302 = tpu.vector_load %arg7[%swap3A_300, %swap3A_301] {strides = array<i32>} : memref<32x512xf32, #tpu.memory_space<vmem>>, vector<1x16xf32>,
      %swap3A_303 = vector.shape_cast %swap3A_302 : vector<1x16xf32> to vector<16xf32>
      %swap3A_304 = vector.shape_cast %add3A_299 : vector<16xf32> to vector<1x16xf32>
      tpu.vector_store %arg7[%swap3A_300, %swap3A_301], %swap3A_304 {strides = array<i32>} : memref<32x512xf32, #tpu.memory_space<vmem>>, vector<1x16xf32>,
      %mul3A_305 = arith.constant 3 : i32
      %mul3A_306 = arith.muli %mul3A_305, %scan3A_95 : i32
      %get3A_307 = arith.constant 0 : i32
      %get3A_308 = arith.index_cast %get3A_307 : i32 to index
      %get3A_309 = arith.index_cast %mul3A_306 : i32 to index
      %get3A_310 = arith.constant 96 : index
      %get3A_311 = tpu.vector_load %arg6[%get3A_308, %get3A_309, %get3A_310] {strides = array<i32>} : memref<2x96x512xf32, #tpu.memory_space<vmem>>, vector<1x1x16xf32>,
      %get3A_312 = vector.shape_cast %get3A_311 : vector<1x1x16xf32> to vector<16xf32>
      %mul3A_313 = arith.constant 3 : i32
      %mul3A_314 = arith.muli %mul3A_313, %scan3A_95 : i32
      %add3A_315 = arith.constant 1 : i32
      %add3A_316 = arith.addi %mul3A_314, %add3A_315 : i32
      %get3A_317 = arith.constant 0 : i32
      %get3A_318 = arith.index_cast %get3A_317 : i32 to index
      %get3A_319 = arith.index_cast %add3A_316 : i32 to index
      %get3A_320 = arith.constant 96 : index
      %get3A_321 = tpu.vector_load %arg6[%get3A_318, %get3A_319, %get3A_320] {strides = array<i32>} : memref<2x96x512xf32, #tpu.memory_space<vmem>>, vector<1x1x16xf32>,
      %get3A_322 = vector.shape_cast %get3A_321 : vector<1x1x16xf32> to vector<16xf32>
      %add3A_323 = arith.addf %get3A_312, %get3A_322 : vector<16xf32>
      %mul3A_324 = arith.constant 3 : i32
      %mul3A_325 = arith.muli %mul3A_324, %scan3A_95 : i32
      %add3A_326 = arith.constant 2 : i32
      %add3A_327 = arith.addi %mul3A_325, %add3A_326 : i32
      %get3A_328 = arith.constant 0 : i32
      %get3A_329 = arith.index_cast %get3A_328 : i32 to index
      %get3A_330 = arith.index_cast %add3A_327 : i32 to index
      %get3A_331 = arith.constant 96 : index
      %get3A_332 = tpu.vector_load %arg6[%get3A_329, %get3A_330, %get3A_331] {strides = array<i32>} : memref<2x96x512xf32, #tpu.memory_space<vmem>>, vector<1x1x16xf32>,
      %get3A_333 = vector.shape_cast %get3A_332 : vector<1x1x16xf32> to vector<16xf32>
      %add3A_334 = arith.addf %add3A_323, %get3A_333 : vector<16xf32>
      %swap3A_335 = arith.index_cast %scan3A_95 : i32 to index
      %swap3A_336 = arith.constant 96 : index
      %swap3A_337 = tpu.vector_load %arg7[%swap3A_335, %swap3A_336] {strides = array<i32>} : memref<32x512xf32, #tpu.memory_space<vmem>>, vector<1x16xf32>,
      %swap3A_338 = vector.shape_cast %swap3A_337 : vector<1x16xf32> to vector<16xf32>
      %swap3A_339 = vector.shape_cast %add3A_334 : vector<16xf32> to vector<1x16xf32>
      tpu.vector_store %arg7[%swap3A_335, %swap3A_336], %swap3A_339 {strides = array<i32>} : memref<32x512xf32, #tpu.memory_space<vmem>>, vector<1x16xf32>,
      %mul3A_340 = arith.constant 3 : i32
      %mul3A_341 = arith.muli %mul3A_340, %scan3A_95 : i32
      %get3A_342 = arith.constant 0 : i32
      %get3A_343 = arith.index_cast %get3A_342 : i32 to index
      %get3A_344 = arith.index_cast %mul3A_341 : i32 to index
      %get3A_345 = arith.constant 112 : index
      %get3A_346 = tpu.vector_load %arg6[%get3A_343, %get3A_344, %get3A_345] {strides = array<i32>} : memref<2x96x512xf32, #tpu.memory_space<vmem>>, vector<1x1x16xf32>,
      %get3A_347 = vector.shape_cast %get3A_346 : vector<1x1x16xf32> to vector<16xf32>
      %mul3A_348 = arith.constant 3 : i32
      %mul3A_349 = arith.muli %mul3A_348, %scan3A_95 : i32
      %add3A_350 = arith.constant 1 : i32
      %add3A_351 = arith.addi %mul3A_349, %add3A_350 : i32
      %get3A_352 = arith.constant 0 : i32
      %get3A_353 = arith.index_cast %get3A_352 : i32 to index
      %get3A_354 = arith.index_cast %add3A_351 : i32 to index
      %get3A_355 = arith.constant 112 : index
      %get3A_356 = tpu.vector_load %arg6[%get3A_353, %get3A_354, %get3A_355] {strides = array<i32>} : memref<2x96x512xf32, #tpu.memory_space<vmem>>, vector<1x1x16xf32>,
      %get3A_357 = vector.shape_cast %get3A_356 : vector<1x1x16xf32> to vector<16xf32>
      %add3A_358 = arith.addf %get3A_347, %get3A_357 : vector<16xf32>
      %mul3A_359 = arith.constant 3 : i32
      %mul3A_360 = arith.muli %mul3A_359, %scan3A_95 : i32
      %add3A_361 = arith.constant 2 : i32
      %add3A_362 = arith.addi %mul3A_360, %add3A_361 : i32
      %get3A_363 = arith.constant 0 : i32
      %get3A_364 = arith.index_cast %get3A_363 : i32 to index
      %get3A_365 = arith.index_cast %add3A_362 : i32 to index
      %get3A_366 = arith.constant 112 : index
      %get3A_367 = tpu.vector_load %arg6[%get3A_364, %get3A_365, %get3A_366] {strides = array<i32>} : memref<2x96x512xf32, #tpu.memory_space<vmem>>, vector<1x1x16xf32>,
      %get3A_368 = vector.shape_cast %get3A_367 : vector<1x1x16xf32> to vector<16xf32>
      %add3A_369 = arith.addf %add3A_358, %get3A_368 : vector<16xf32>
      %swap3A_370 = arith.index_cast %scan3A_95 : i32 to index
      %swap3A_371 = arith.constant 112 : index
      %swap3A_372 = tpu.vector_load %arg7[%swap3A_370, %swap3A_371] {strides = array<i32>} : memref<32x512xf32, #tpu.memory_space<vmem>>, vector<1x16xf32>,
      %swap3A_373 = vector.shape_cast %swap3A_372 : vector<1x16xf32> to vector<16xf32>
      %swap3A_374 = vector.shape_cast %add3A_369 : vector<16xf32> to vector<1x16xf32>
      tpu.vector_store %arg7[%swap3A_370, %swap3A_371], %swap3A_374 {strides = array<i32>} : memref<32x512xf32, #tpu.memory_space<vmem>>, vector<1x16xf32>,
      %mul3A_375 = arith.constant 3 : i32
      %mul3A_376 = arith.muli %mul3A_375, %scan3A_95 : i32
      %get3A_377 = arith.constant 0 : i32
      %get3A_378 = arith.index_cast %get3A_377 : i32 to index
      %get3A_379 = arith.index_cast %mul3A_376 : i32 to index
      %get3A_380 = arith.constant 128 : index
      %get3A_381 = tpu.vector_load %arg6[%get3A_378, %get3A_379, %get3A_380] {strides = array<i32>} : memref<2x96x512xf32, #tpu.memory_space<vmem>>, vector<1x1x16xf32>,
      %get3A_382 = vector.shape_cast %get3A_381 : vector<1x1x16xf32> to vector<16xf32>
      %mul3A_383 = arith.constant 3 : i32
      %mul3A_384 = arith.muli %mul3A_383, %scan3A_95 : i32
      %add3A_385 = arith.constant 1 : i32
      %add3A_386 = arith.addi %mul3A_384, %add3A_385 : i32
      %get3A_387 = arith.constant 0 : i32
      %get3A_388 = arith.index_cast %get3A_387 : i32 to index
      %get3A_389 = arith.index_cast %add3A_386 : i32 to index
      %get3A_390 = arith.constant 128 : index
      %get3A_391 = tpu.vector_load %arg6[%get3A_388, %get3A_389, %get3A_390] {strides = array<i32>} : memref<2x96x512xf32, #tpu.memory_space<vmem>>, vector<1x1x16xf32>,
      %get3A_392 = vector.shape_cast %get3A_391 : vector<1x1x16xf32> to vector<16xf32>
      %add3A_393 = arith.addf %get3A_382, %get3A_392 : vector<16xf32>
      %mul3A_394 = arith.constant 3 : i32
      %mul3A_395 = arith.muli %mul3A_394, %scan3A_95 : i32
      %add3A_396 = arith.constant 2 : i32
      %add3A_397 = arith.addi %mul3A_395, %add3A_396 : i32
      %get3A_398 = arith.constant 0 : i32
      %get3A_399 = arith.index_cast %get3A_398 : i32 to index
      %get3A_400 = arith.index_cast %add3A_397 : i32 to index
      %get3A_401 = arith.constant 128 : index
      %get3A_402 = tpu.vector_load %arg6[%get3A_399, %get3A_400, %get3A_401] {strides = array<i32>} : memref<2x96x512xf32, #tpu.memory_space<vmem>>, vector<1x1x16xf32>,
      %get3A_403 = vector.shape_cast %get3A_402 : vector<1x1x16xf32> to vector<16xf32>
      %add3A_404 = arith.addf %add3A_393, %get3A_403 : vector<16xf32>
      %swap3A_405 = arith.index_cast %scan3A_95 : i32 to index
      %swap3A_406 = arith.constant 128 : index
      %swap3A_407 = tpu.vector_load %arg7[%swap3A_405, %swap3A_406] {strides = array<i32>} : memref<32x512xf32, #tpu.memory_space<vmem>>, vector<1x16xf32>,
      %swap3A_408 = vector.shape_cast %swap3A_407 : vector<1x16xf32> to vector<16xf32>
      %swap3A_409 = vector.shape_cast %add3A_404 : vector<16xf32> to vector<1x16xf32>
      tpu.vector_store %arg7[%swap3A_405, %swap3A_406], %swap3A_409 {strides = array<i32>} : memref<32x512xf32, #tpu.memory_space<vmem>>, vector<1x16xf32>,
      %mul3A_410 = arith.constant 3 : i32
      %mul3A_411 = arith.muli %mul3A_410, %scan3A_95 : i32
      %get3A_412 = arith.constant 0 : i32
      %get3A_413 = arith.index_cast %get3A_412 : i32 to index
      %get3A_414 = arith.index_cast %mul3A_411 : i32 to index
      %get3A_415 = arith.constant 144 : index
      %get3A_416 = tpu.vector_load %arg6[%get3A_413, %get3A_414, %get3A_415] {strides = array<i32>} : memref<2x96x512xf32, #tpu.memory_space<vmem>>, vector<1x1x16xf32>,
      %get3A_417 = vector.shape_cast %get3A_416 : vector<1x1x16xf32> to vector<16xf32>
      %mul3A_418 = arith.constant 3 : i32
      %mul3A_419 = arith.muli %mul3A_418, %scan3A_95 : i32
      %add3A_420 = arith.constant 1 : i32
      %add3A_421 = arith.addi %mul3A_419, %add3A_420 : i32
      %get3A_422 = arith.constant 0 : i32
      %get3A_423 = arith.index_cast %get3A_422 : i32 to index
      %get3A_424 = arith.index_cast %add3A_421 : i32 to index
      %get3A_425 = arith.constant 144 : index
      %get3A_426 = tpu.vector_load %arg6[%get3A_423, %get3A_424, %get3A_425] {strides = array<i32>} : memref<2x96x512xf32, #tpu.memory_space<vmem>>, vector<1x1x16xf32>,
      %get3A_427 = vector.shape_cast %get3A_426 : vector<1x1x16xf32> to vector<16xf32>
      %add3A_428 = arith.addf %get3A_417, %get3A_427 : vector<16xf32>
      %mul3A_429 = arith.constant 3 : i32
      %mul3A_430 = arith.muli %mul3A_429, %scan3A_95 : i32
      %add3A_431 = arith.constant 2 : i32
      %add3A_432 = arith.addi %mul3A_430, %add3A_431 : i32
      %get3A_433 = arith.constant 0 : i32
      %get3A_434 = arith.index_cast %get3A_433 : i32 to index
      %get3A_435 = arith.index_cast %add3A_432 : i32 to index
      %get3A_436 = arith.constant 144 : index
      %get3A_437 = tpu.vector_load %arg6[%get3A_434, %get3A_435, %get3A_436] {strides = array<i32>} : memref<2x96x512xf32, #tpu.memory_space<vmem>>, vector<1x1x16xf32>,
      %get3A_438 = vector.shape_cast %get3A_437 : vector<1x1x16xf32> to vector<16xf32>
      %add3A_439 = arith.addf %add3A_428, %get3A_438 : vector<16xf32>
      %swap3A_440 = arith.index_cast %scan3A_95 : i32 to index
      %swap3A_441 = arith.constant 144 : index
      %swap3A_442 = tpu.vector_load %arg7[%swap3A_440, %swap3A_441] {strides = array<i32>} : memref<32x512xf32, #tpu.memory_space<vmem>>, vector<1x16xf32>,
      %swap3A_443 = vector.shape_cast %swap3A_442 : vector<1x16xf32> to vector<16xf32>
      %swap3A_444 = vector.shape_cast %add3A_439 : vector<16xf32> to vector<1x16xf32>
      tpu.vector_store %arg7[%swap3A_440, %swap3A_441], %swap3A_444 {strides = array<i32>} : memref<32x512xf32, #tpu.memory_space<vmem>>, vector<1x16xf32>,
      %mul3A_445 = arith.constant 3 : i32
      %mul3A_446 = arith.muli %mul3A_445, %scan3A_95 : i32
      %get3A_447 = arith.constant 0 : i32
      %get3A_448 = arith.index_cast %get3A_447 : i32 to index
      %get3A_449 = arith.index_cast %mul3A_446 : i32 to index
      %get3A_450 = arith.constant 160 : index
      %get3A_451 = tpu.vector_load %arg6[%get3A_448, %get3A_449, %get3A_450] {strides = array<i32>} : memref<2x96x512xf32, #tpu.memory_space<vmem>>, vector<1x1x16xf32>,
      %get3A_452 = vector.shape_cast %get3A_451 : vector<1x1x16xf32> to vector<16xf32>
      %mul3A_453 = arith.constant 3 : i32
      %mul3A_454 = arith.muli %mul3A_453, %scan3A_95 : i32
      %add3A_455 = arith.constant 1 : i32
      %add3A_456 = arith.addi %mul3A_454, %add3A_455 : i32
      %get3A_457 = arith.constant 0 : i32
      %get3A_458 = arith.index_cast %get3A_457 : i32 to index
      %get3A_459 = arith.index_cast %add3A_456 : i32 to index
      %get3A_460 = arith.constant 160 : index
      %get3A_461 = tpu.vector_load %arg6[%get3A_458, %get3A_459, %get3A_460] {strides = array<i32>} : memref<2x96x512xf32, #tpu.memory_space<vmem>>, vector<1x1x16xf32>,
      %get3A_462 = vector.shape_cast %get3A_461 : vector<1x1x16xf32> to vector<16xf32>
      %add3A_463 = arith.addf %get3A_452, %get3A_462 : vector<16xf32>
      %mul3A_464 = arith.constant 3 : i32
      %mul3A_465 = arith.muli %mul3A_464, %scan3A_95 : i32
      %add3A_466 = arith.constant 2 : i32
      %add3A_467 = arith.addi %mul3A_465, %add3A_466 : i32
      %get3A_468 = arith.constant 0 : i32
      %get3A_469 = arith.index_cast %get3A_468 : i32 to index
      %get3A_470 = arith.index_cast %add3A_467 : i32 to index
      %get3A_471 = arith.constant 160 : index
      %get3A_472 = tpu.vector_load %arg6[%get3A_469, %get3A_470, %get3A_471] {strides = array<i32>} : memref<2x96x512xf32, #tpu.memory_space<vmem>>, vector<1x1x16xf32>,
      %get3A_473 = vector.shape_cast %get3A_472 : vector<1x1x16xf32> to vector<16xf32>
      %add3A_474 = arith.addf %add3A_463, %get3A_473 : vector<16xf32>
      %swap3A_475 = arith.index_cast %scan3A_95 : i32 to index
      %swap3A_476 = arith.constant 160 : index
      %swap3A_477 = tpu.vector_load %arg7[%swap3A_475, %swap3A_476] {strides = array<i32>} : memref<32x512xf32, #tpu.memory_space<vmem>>, vector<1x16xf32>,
      %swap3A_478 = vector.shape_cast %swap3A_477 : vector<1x16xf32> to vector<16xf32>
      %swap3A_479 = vector.shape_cast %add3A_474 : vector<16xf32> to vector<1x16xf32>
      tpu.vector_store %arg7[%swap3A_475, %swap3A_476], %swap3A_479 {strides = array<i32>} : memref<32x512xf32, #tpu.memory_space<vmem>>, vector<1x16xf32>,
      %mul3A_480 = arith.constant 3 : i32
      %mul3A_481 = arith.muli %mul3A_480, %scan3A_95 : i32
      %get3A_482 = arith.constant 0 : i32
      %get3A_483 = arith.index_cast %get3A_482 : i32 to index
      %get3A_484 = arith.index_cast %mul3A_481 : i32 to index
      %get3A_485 = arith.constant 176 : index
      %get3A_486 = tpu.vector_load %arg6[%get3A_483, %get3A_484, %get3A_485] {strides = array<i32>} : memref<2x96x512xf32, #tpu.memory_space<vmem>>, vector<1x1x16xf32>,
      %get3A_487 = vector.shape_cast %get3A_486 : vector<1x1x16xf32> to vector<16xf32>
      %mul3A_488 = arith.constant 3 : i32
      %mul3A_489 = arith.muli %mul3A_488, %scan3A_95 : i32
      %add3A_490 = arith.constant 1 : i32
      %add3A_491 = arith.addi %mul3A_489, %add3A_490 : i32
      %get3A_492 = arith.constant 0 : i32
      %get3A_493 = arith.index_cast %get3A_492 : i32 to index
      %get3A_494 = arith.index_cast %add3A_491 : i32 to index
      %get3A_495 = arith.constant 176 : index
      %get3A_496 = tpu.vector_load %arg6[%get3A_493, %get3A_494, %get3A_495] {strides = array<i32>} : memref<2x96x512xf32, #tpu.memory_space<vmem>>, vector<1x1x16xf32>,
      %get3A_497 = vector.shape_cast %get3A_496 : vector<1x1x16xf32> to vector<16xf32>
      %add3A_498 = arith.addf %get3A_487, %get3A_497 : vector<16xf32>
      %mul3A_499 = arith.constant 3 : i32
      %mul3A_500 = arith.muli %mul3A_499, %scan3A_95 : i32
      %add3A_501 = arith.constant 2 : i32
      %add3A_502 = arith.addi %mul3A_500, %add3A_501 : i32
      %get3A_503 = arith.constant 0 : i32
      %get3A_504 = arith.index_cast %get3A_503 : i32 to index
      %get3A_505 = arith.index_cast %add3A_502 : i32 to index
      %get3A_506 = arith.constant 176 : index
      %get3A_507 = tpu.vector_load %arg6[%get3A_504, %get3A_505, %get3A_506] {strides = array<i32>} : memref<2x96x512xf32, #tpu.memory_space<vmem>>, vector<1x1x16xf32>,
      %get3A_508 = vector.shape_cast %get3A_507 : vector<1x1x16xf32> to vector<16xf32>
      %add3A_509 = arith.addf %add3A_498, %get3A_508 : vector<16xf32>
      %swap3A_510 = arith.index_cast %scan3A_95 : i32 to index
      %swap3A_511 = arith.constant 176 : index
      %swap3A_512 = tpu.vector_load %arg7[%swap3A_510, %swap3A_511] {strides = array<i32>} : memref<32x512xf32, #tpu.memory_space<vmem>>, vector<1x16xf32>,
      %swap3A_513 = vector.shape_cast %swap3A_512 : vector<1x16xf32> to vector<16xf32>
      %swap3A_514 = vector.shape_cast %add3A_509 : vector<16xf32> to vector<1x16xf32>
      tpu.vector_store %arg7[%swap3A_510, %swap3A_511], %swap3A_514 {strides = array<i32>} : memref<32x512xf32, #tpu.memory_space<vmem>>, vector<1x16xf32>,
      %mul3A_515 = arith.constant 3 : i32
      %mul3A_516 = arith.muli %mul3A_515, %scan3A_95 : i32
      %get3A_517 = arith.constant 0 : i32
      %get3A_518 = arith.index_cast %get3A_517 : i32 to index
      %get3A_519 = arith.index_cast %mul3A_516 : i32 to index
      %get3A_520 = arith.constant 192 : index
      %get3A_521 = tpu.vector_load %arg6[%get3A_518, %get3A_519, %get3A_520] {strides = array<i32>} : memref<2x96x512xf32, #tpu.memory_space<vmem>>, vector<1x1x16xf32>,
      %get3A_522 = vector.shape_cast %get3A_521 : vector<1x1x16xf32> to vector<16xf32>
      %mul3A_523 = arith.constant 3 : i32
      %mul3A_524 = arith.muli %mul3A_523, %scan3A_95 : i32
      %add3A_525 = arith.constant 1 : i32
      %add3A_526 = arith.addi %mul3A_524, %add3A_525 : i32
      %get3A_527 = arith.constant 0 : i32
      %get3A_528 = arith.index_cast %get3A_527 : i32 to index
      %get3A_529 = arith.index_cast %add3A_526 : i32 to index
      %get3A_530 = arith.constant 192 : index
      %get3A_531 = tpu.vector_load %arg6[%get3A_528, %get3A_529, %get3A_530] {strides = array<i32>} : memref<2x96x512xf32, #tpu.memory_space<vmem>>, vector<1x1x16xf32>,
      %get3A_532 = vector.shape_cast %get3A_531 : vector<1x1x16xf32> to vector<16xf32>
      %add3A_533 = arith.addf %get3A_522, %get3A_532 : vector<16xf32>
      %mul3A_534 = arith.constant 3 : i32
      %mul3A_535 = arith.muli %mul3A_534, %scan3A_95 : i32
      %add3A_536 = arith.constant 2 : i32
      %add3A_537 = arith.addi %mul3A_535, %add3A_536 : i32
      %get3A_538 = arith.constant 0 : i32
      %get3A_539 = arith.index_cast %get3A_538 : i32 to index
      %get3A_540 = arith.index_cast %add3A_537 : i32 to index
      %get3A_541 = arith.constant 192 : index
      %get3A_542 = tpu.vector_load %arg6[%get3A_539, %get3A_540, %get3A_541] {strides = array<i32>} : memref<2x96x512xf32, #tpu.memory_space<vmem>>, vector<1x1x16xf32>,
      %get3A_543 = vector.shape_cast %get3A_542 : vector<1x1x16xf32> to vector<16xf32>
      %add3A_544 = arith.addf %add3A_533, %get3A_543 : vector<16xf32>
      %swap3A_545 = arith.index_cast %scan3A_95 : i32 to index
      %swap3A_546 = arith.constant 192 : index
      %swap3A_547 = tpu.vector_load %arg7[%swap3A_545, %swap3A_546] {strides = array<i32>} : memref<32x512xf32, #tpu.memory_space<vmem>>, vector<1x16xf32>,
      %swap3A_548 = vector.shape_cast %swap3A_547 : vector<1x16xf32> to vector<16xf32>
      %swap3A_549 = vector.shape_cast %add3A_544 : vector<16xf32> to vector<1x16xf32>
      tpu.vector_store %arg7[%swap3A_545, %swap3A_546], %swap3A_549 {strides = array<i32>} : memref<32x512xf32, #tpu.memory_space<vmem>>, vector<1x16xf32>,
      %mul3A_550 = arith.constant 3 : i32
      %mul3A_551 = arith.muli %mul3A_550, %scan3A_95 : i32
      %get3A_552 = arith.constant 0 : i32
      %get3A_553 = arith.index_cast %get3A_552 : i32 to index
      %get3A_554 = arith.index_cast %mul3A_551 : i32 to index
      %get3A_555 = arith.constant 208 : index
      %get3A_556 = tpu.vector_load %arg6[%get3A_553, %get3A_554, %get3A_555] {strides = array<i32>} : memref<2x96x512xf32, #tpu.memory_space<vmem>>, vector<1x1x16xf32>,
      %get3A_557 = vector.shape_cast %get3A_556 : vector<1x1x16xf32> to vector<16xf32>
      %mul3A_558 = arith.constant 3 : i32
      %mul3A_559 = arith.muli %mul3A_558, %scan3A_95 : i32
      %add3A_560 = arith.constant 1 : i32
      %add3A_561 = arith.addi %mul3A_559, %add3A_560 : i32
      %get3A_562 = arith.constant 0 : i32
      %get3A_563 = arith.index_cast %get3A_562 : i32 to index
      %get3A_564 = arith.index_cast %add3A_561 : i32 to index
      %get3A_565 = arith.constant 208 : index
      %get3A_566 = tpu.vector_load %arg6[%get3A_563, %get3A_564, %get3A_565] {strides = array<i32>} : memref<2x96x512xf32, #tpu.memory_space<vmem>>, vector<1x1x16xf32>,
      %get3A_567 = vector.shape_cast %get3A_566 : vector<1x1x16xf32> to vector<16xf32>
      %add3A_568 = arith.addf %get3A_557, %get3A_567 : vector<16xf32>
      %mul3A_569 = arith.constant 3 : i32
      %mul3A_570 = arith.muli %mul3A_569, %scan3A_95 : i32
      %add3A_571 = arith.constant 2 : i32
      %add3A_572 = arith.addi %mul3A_570, %add3A_571 : i32
      %get3A_573 = arith.constant 0 : i32
      %get3A_574 = arith.index_cast %get3A_573 : i32 to index
      %get3A_575 = arith.index_cast %add3A_572 : i32 to index
      %get3A_576 = arith.constant 208 : index
      %get3A_577 = tpu.vector_load %arg6[%get3A_574, %get3A_575, %get3A_576] {strides = array<i32>} : memref<2x96x512xf32, #tpu.memory_space<vmem>>, vector<1x1x16xf32>,
      %get3A_578 = vector.shape_cast %get3A_577 : vector<1x1x16xf32> to vector<16xf32>
      %add3A_579 = arith.addf %add3A_568, %get3A_578 : vector<16xf32>
      %swap3A_580 = arith.index_cast %scan3A_95 : i32 to index
      %swap3A_581 = arith.constant 208 : index
      %swap3A_582 = tpu.vector_load %arg7[%swap3A_580, %swap3A_581] {strides = array<i32>} : memref<32x512xf32, #tpu.memory_space<vmem>>, vector<1x16xf32>,
      %swap3A_583 = vector.shape_cast %swap3A_582 : vector<1x16xf32> to vector<16xf32>
      %swap3A_584 = vector.shape_cast %add3A_579 : vector<16xf32> to vector<1x16xf32>
      tpu.vector_store %arg7[%swap3A_580, %swap3A_581], %swap3A_584 {strides = array<i32>} : memref<32x512xf32, #tpu.memory_space<vmem>>, vector<1x16xf32>,
      %mul3A_585 = arith.constant 3 : i32
      %mul3A_586 = arith.muli %mul3A_585, %scan3A_95 : i32
      %get3A_587 = arith.constant 0 : i32
      %get3A_588 = arith.index_cast %get3A_587 : i32 to index
      %get3A_589 = arith.index_cast %mul3A_586 : i32 to index
      %get3A_590 = arith.constant 224 : index
      %get3A_591 = tpu.vector_load %arg6[%get3A_588, %get3A_589, %get3A_590] {strides = array<i32>} : memref<2x96x512xf32, #tpu.memory_space<vmem>>, vector<1x1x16xf32>,
      %get3A_592 = vector.shape_cast %get3A_591 : vector<1x1x16xf32> to vector<16xf32>
      %mul3A_593 = arith.constant 3 : i32
      %mul3A_594 = arith.muli %mul3A_593, %scan3A_95 : i32
      %add3A_595 = arith.constant 1 : i32
      %add3A_596 = arith.addi %mul3A_594, %add3A_595 : i32
      %get3A_597 = arith.constant 0 : i32
      %get3A_598 = arith.index_cast %get3A_597 : i32 to index
      %get3A_599 = arith.index_cast %add3A_596 : i32 to index
      %get3A_600 = arith.constant 224 : index
      %get3A_601 = tpu.vector_load %arg6[%get3A_598, %get3A_599, %get3A_600] {strides = array<i32>} : memref<2x96x512xf32, #tpu.memory_space<vmem>>, vector<1x1x16xf32>,
      %get3A_602 = vector.shape_cast %get3A_601 : vector<1x1x16xf32> to vector<16xf32>
      %add3A_603 = arith.addf %get3A_592, %get3A_602 : vector<16xf32>
      %mul3A_604 = arith.constant 3 : i32
      %mul3A_605 = arith.muli %mul3A_604, %scan3A_95 : i32
      %add3A_606 = arith.constant 2 : i32
      %add3A_607 = arith.addi %mul3A_605, %add3A_606 : i32
      %get3A_608 = arith.constant 0 : i32
      %get3A_609 = arith.index_cast %get3A_608 : i32 to index
      %get3A_610 = arith.index_cast %add3A_607 : i32 to index
      %get3A_611 = arith.constant 224 : index
      %get3A_612 = tpu.vector_load %arg6[%get3A_609, %get3A_610, %get3A_611] {strides = array<i32>} : memref<2x96x512xf32, #tpu.memory_space<vmem>>, vector<1x1x16xf32>,
      %get3A_613 = vector.shape_cast %get3A_612 : vector<1x1x16xf32> to vector<16xf32>
      %add3A_614 = arith.addf %add3A_603, %get3A_613 : vector<16xf32>
      %swap3A_615 = arith.index_cast %scan3A_95 : i32 to index
      %swap3A_616 = arith.constant 224 : index
      %swap3A_617 = tpu.vector_load %arg7[%swap3A_615, %swap3A_616] {strides = array<i32>} : memref<32x512xf32, #tpu.memory_space<vmem>>, vector<1x16xf32>,
      %swap3A_618 = vector.shape_cast %swap3A_617 : vector<1x16xf32> to vector<16xf32>
      %swap3A_619 = vector.shape_cast %add3A_614 : vector<16xf32> to vector<1x16xf32>
      tpu.vector_store %arg7[%swap3A_615, %swap3A_616], %swap3A_619 {strides = array<i32>} : memref<32x512xf32, #tpu.memory_space<vmem>>, vector<1x16xf32>,
      %mul3A_620 = arith.constant 3 : i32
      %mul3A_621 = arith.muli %mul3A_620, %scan3A_95 : i32
      %get3A_622 = arith.constant 0 : i32
      %get3A_623 = arith.index_cast %get3A_622 : i32 to index
      %get3A_624 = arith.index_cast %mul3A_621 : i32 to index
      %get3A_625 = arith.constant 240 : index
      %get3A_626 = tpu.vector_load %arg6[%get3A_623, %get3A_624, %get3A_625] {strides = array<i32>} : memref<2x96x512xf32, #tpu.memory_space<vmem>>, vector<1x1x16xf32>,
      %get3A_627 = vector.shape_cast %get3A_626 : vector<1x1x16xf32> to vector<16xf32>
      %mul3A_628 = arith.constant 3 : i32
      %mul3A_629 = arith.muli %mul3A_628, %scan3A_95 : i32
      %add3A_630 = arith.constant 1 : i32
      %add3A_631 = arith.addi %mul3A_629, %add3A_630 : i32
      %get3A_632 = arith.constant 0 : i32
      %get3A_633 = arith.index_cast %get3A_632 : i32 to index
      %get3A_634 = arith.index_cast %add3A_631 : i32 to index
      %get3A_635 = arith.constant 240 : index
      %get3A_636 = tpu.vector_load %arg6[%get3A_633, %get3A_634, %get3A_635] {strides = array<i32>} : memref<2x96x512xf32, #tpu.memory_space<vmem>>, vector<1x1x16xf32>,
      %get3A_637 = vector.shape_cast %get3A_636 : vector<1x1x16xf32> to vector<16xf32>
      %add3A_638 = arith.addf %get3A_627, %get3A_637 : vector<16xf32>
      %mul3A_639 = arith.constant 3 : i32
      %mul3A_640 = arith.muli %mul3A_639, %scan3A_95 : i32
      %add3A_641 = arith.constant 2 : i32
      %add3A_642 = arith.addi %mul3A_640, %add3A_641 : i32
      %get3A_643 = arith.constant 0 : i32
      %get3A_644 = arith.index_cast %get3A_643 : i32 to index
      %get3A_645 = arith.index_cast %add3A_642 : i32 to index
      %get3A_646 = arith.constant 240 : index
      %get3A_647 = tpu.vector_load %arg6[%get3A_644, %get3A_645, %get3A_646] {strides = array<i32>} : memref<2x96x512xf32, #tpu.memory_space<vmem>>, vector<1x1x16xf32>,
      %get3A_648 = vector.shape_cast %get3A_647 : vector<1x1x16xf32> to vector<16xf32>
      %add3A_649 = arith.addf %add3A_638, %get3A_648 : vector<16xf32>
      %swap3A_650 = arith.index_cast %scan3A_95 : i32 to index
      %swap3A_651 = arith.constant 240 : index
      %swap3A_652 = tpu.vector_load %arg7[%swap3A_650, %swap3A_651] {strides = array<i32>} : memref<32x512xf32, #tpu.memory_space<vmem>>, vector<1x16xf32>,
      %swap3A_653 = vector.shape_cast %swap3A_652 : vector<1x16xf32> to vector<16xf32>
      %swap3A_654 = vector.shape_cast %add3A_649 : vector<16xf32> to vector<1x16xf32>
      tpu.vector_store %arg7[%swap3A_650, %swap3A_651], %swap3A_654 {strides = array<i32>} : memref<32x512xf32, #tpu.memory_space<vmem>>, vector<1x16xf32>,
      %mul3A_655 = arith.constant 3 : i32
      %mul3A_656 = arith.muli %mul3A_655, %scan3A_95 : i32
      %get3A_657 = arith.constant 0 : i32
      %get3A_658 = arith.index_cast %get3A_657 : i32 to index
      %get3A_659 = arith.index_cast %mul3A_656 : i32 to index
      %get3A_660 = arith.constant 256 : index
      %get3A_661 = tpu.vector_load %arg6[%get3A_658, %get3A_659, %get3A_660] {strides = array<i32>} : memref<2x96x512xf32, #tpu.memory_space<vmem>>, vector<1x1x16xf32>,
      %get3A_662 = vector.shape_cast %get3A_661 : vector<1x1x16xf32> to vector<16xf32>
      %mul3A_663 = arith.constant 3 : i32
      %mul3A_664 = arith.muli %mul3A_663, %scan3A_95 : i32
      %add3A_665 = arith.constant 1 : i32
      %add3A_666 = arith.addi %mul3A_664, %add3A_665 : i32
      %get3A_667 = arith.constant 0 : i32
      %get3A_668 = arith.index_cast %get3A_667 : i32 to index
      %get3A_669 = arith.index_cast %add3A_666 : i32 to index
      %get3A_670 = arith.constant 256 : index
      %get3A_671 = tpu.vector_load %arg6[%get3A_668, %get3A_669, %get3A_670] {strides = array<i32>} : memref<2x96x512xf32, #tpu.memory_space<vmem>>, vector<1x1x16xf32>,
      %get3A_672 = vector.shape_cast %get3A_671 : vector<1x1x16xf32> to vector<16xf32>
      %add3A_673 = arith.addf %get3A_662, %get3A_672 : vector<16xf32>
      %mul3A_674 = arith.constant 3 : i32
      %mul3A_675 = arith.muli %mul3A_674, %scan3A_95 : i32
      %add3A_676 = arith.constant 2 : i32
      %add3A_677 = arith.addi %mul3A_675, %add3A_676 : i32
      %get3A_678 = arith.constant 0 : i32
      %get3A_679 = arith.index_cast %get3A_678 : i32 to index
      %get3A_680 = arith.index_cast %add3A_677 : i32 to index
      %get3A_681 = arith.constant 256 : index
      %get3A_682 = tpu.vector_load %arg6[%get3A_679, %get3A_680, %get3A_681] {strides = array<i32>} : memref<2x96x512xf32, #tpu.memory_space<vmem>>, vector<1x1x16xf32>,
      %get3A_683 = vector.shape_cast %get3A_682 : vector<1x1x16xf32> to vector<16xf32>
      %add3A_684 = arith.addf %add3A_673, %get3A_683 : vector<16xf32>
      %swap3A_685 = arith.index_cast %scan3A_95 : i32 to index
      %swap3A_686 = arith.constant 256 : index
      %swap3A_687 = tpu.vector_load %arg7[%swap3A_685, %swap3A_686] {strides = array<i32>} : memref<32x512xf32, #tpu.memory_space<vmem>>, vector<1x16xf32>,
      %swap3A_688 = vector.shape_cast %swap3A_687 : vector<1x16xf32> to vector<16xf32>
      %swap3A_689 = vector.shape_cast %add3A_684 : vector<16xf32> to vector<1x16xf32>
      tpu.vector_store %arg7[%swap3A_685, %swap3A_686], %swap3A_689 {strides = array<i32>} : memref<32x512xf32, #tpu.memory_space<vmem>>, vector<1x16xf32>,
      %mul3A_690 = arith.constant 3 : i32
      %mul3A_691 = arith.muli %mul3A_690, %scan3A_95 : i32
      %get3A_692 = arith.constant 0 : i32
      %get3A_693 = arith.index_cast %get3A_692 : i32 to index
      %get3A_694 = arith.index_cast %mul3A_691 : i32 to index
      %get3A_695 = arith.constant 272 : index
      %get3A_696 = tpu.vector_load %arg6[%get3A_693, %get3A_694, %get3A_695] {strides = array<i32>} : memref<2x96x512xf32, #tpu.memory_space<vmem>>, vector<1x1x16xf32>,
      %get3A_697 = vector.shape_cast %get3A_696 : vector<1x1x16xf32> to vector<16xf32>
      %mul3A_698 = arith.constant 3 : i32
      %mul3A_699 = arith.muli %mul3A_698, %scan3A_95 : i32
      %add3A_700 = arith.constant 1 : i32
      %add3A_701 = arith.addi %mul3A_699, %add3A_700 : i32
      %get3A_702 = arith.constant 0 : i32
      %get3A_703 = arith.index_cast %get3A_702 : i32 to index
      %get3A_704 = arith.index_cast %add3A_701 : i32 to index
      %get3A_705 = arith.constant 272 : index
      %get3A_706 = tpu.vector_load %arg6[%get3A_703, %get3A_704, %get3A_705] {strides = array<i32>} : memref<2x96x512xf32, #tpu.memory_space<vmem>>, vector<1x1x16xf32>,
      %get3A_707 = vector.shape_cast %get3A_706 : vector<1x1x16xf32> to vector<16xf32>
      %add3A_708 = arith.addf %get3A_697, %get3A_707 : vector<16xf32>
      %mul3A_709 = arith.constant 3 : i32
      %mul3A_710 = arith.muli %mul3A_709, %scan3A_95 : i32
      %add3A_711 = arith.constant 2 : i32
      %add3A_712 = arith.addi %mul3A_710, %add3A_711 : i32
      %get3A_713 = arith.constant 0 : i32
      %get3A_714 = arith.index_cast %get3A_713 : i32 to index
      %get3A_715 = arith.index_cast %add3A_712 : i32 to index
      %get3A_716 = arith.constant 272 : index
      %get3A_717 = tpu.vector_load %arg6[%get3A_714, %get3A_715, %get3A_716] {strides = array<i32>} : memref<2x96x512xf32, #tpu.memory_space<vmem>>, vector<1x1x16xf32>,
      %get3A_718 = vector.shape_cast %get3A_717 : vector<1x1x16xf32> to vector<16xf32>
      %add3A_719 = arith.addf %add3A_708, %get3A_718 : vector<16xf32>
      %swap3A_720 = arith.index_cast %scan3A_95 : i32 to index
      %swap3A_721 = arith.constant 272 : index
      %swap3A_722 = tpu.vector_load %arg7[%swap3A_720, %swap3A_721] {strides = array<i32>} : memref<32x512xf32, #tpu.memory_space<vmem>>, vector<1x16xf32>,
      %swap3A_723 = vector.shape_cast %swap3A_722 : vector<1x16xf32> to vector<16xf32>
      %swap3A_724 = vector.shape_cast %add3A_719 : vector<16xf32> to vector<1x16xf32>
      tpu.vector_store %arg7[%swap3A_720, %swap3A_721], %swap3A_724 {strides = array<i32>} : memref<32x512xf32, #tpu.memory_space<vmem>>, vector<1x16xf32>,
      %mul3A_725 = arith.constant 3 : i32
      %mul3A_726 = arith.muli %mul3A_725, %scan3A_95 : i32
      %get3A_727 = arith.constant 0 : i32
      %get3A_728 = arith.index_cast %get3A_727 : i32 to index
      %get3A_729 = arith.index_cast %mul3A_726 : i32 to index
      %get3A_730 = arith.constant 288 : index
      %get3A_731 = tpu.vector_load %arg6[%get3A_728, %get3A_729, %get3A_730] {strides = array<i32>} : memref<2x96x512xf32, #tpu.memory_space<vmem>>, vector<1x1x16xf32>,
      %get3A_732 = vector.shape_cast %get3A_731 : vector<1x1x16xf32> to vector<16xf32>
      %mul3A_733 = arith.constant 3 : i32
      %mul3A_734 = arith.muli %mul3A_733, %scan3A_95 : i32
      %add3A_735 = arith.constant 1 : i32
      %add3A_736 = arith.addi %mul3A_734, %add3A_735 : i32
      %get3A_737 = arith.constant 0 : i32
      %get3A_738 = arith.index_cast %get3A_737 : i32 to index
      %get3A_739 = arith.index_cast %add3A_736 : i32 to index
      %get3A_740 = arith.constant 288 : index
      %get3A_741 = tpu.vector_load %arg6[%get3A_738, %get3A_739, %get3A_740] {strides = array<i32>} : memref<2x96x512xf32, #tpu.memory_space<vmem>>, vector<1x1x16xf32>,
      %get3A_742 = vector.shape_cast %get3A_741 : vector<1x1x16xf32> to vector<16xf32>
      %add3A_743 = arith.addf %get3A_732, %get3A_742 : vector<16xf32>
      %mul3A_744 = arith.constant 3 : i32
      %mul3A_745 = arith.muli %mul3A_744, %scan3A_95 : i32
      %add3A_746 = arith.constant 2 : i32
      %add3A_747 = arith.addi %mul3A_745, %add3A_746 : i32
      %get3A_748 = arith.constant 0 : i32
      %get3A_749 = arith.index_cast %get3A_748 : i32 to index
      %get3A_750 = arith.index_cast %add3A_747 : i32 to index
      %get3A_751 = arith.constant 288 : index
      %get3A_752 = tpu.vector_load %arg6[%get3A_749, %get3A_750, %get3A_751] {strides = array<i32>} : memref<2x96x512xf32, #tpu.memory_space<vmem>>, vector<1x1x16xf32>,
      %get3A_753 = vector.shape_cast %get3A_752 : vector<1x1x16xf32> to vector<16xf32>
      %add3A_754 = arith.addf %add3A_743, %get3A_753 : vector<16xf32>
      %swap3A_755 = arith.index_cast %scan3A_95 : i32 to index
      %swap3A_756 = arith.constant 288 : index
      %swap3A_757 = tpu.vector_load %arg7[%swap3A_755, %swap3A_756] {strides = array<i32>} : memref<32x512xf32, #tpu.memory_space<vmem>>, vector<1x16xf32>,
      %swap3A_758 = vector.shape_cast %swap3A_757 : vector<1x16xf32> to vector<16xf32>
      %swap3A_759 = vector.shape_cast %add3A_754 : vector<16xf32> to vector<1x16xf32>
      tpu.vector_store %arg7[%swap3A_755, %swap3A_756], %swap3A_759 {strides = array<i32>} : memref<32x512xf32, #tpu.memory_space<vmem>>, vector<1x16xf32>,
      %mul3A_760 = arith.constant 3 : i32
      %mul3A_761 = arith.muli %mul3A_760, %scan3A_95 : i32
      %get3A_762 = arith.constant 0 : i32
      %get3A_763 = arith.index_cast %get3A_762 : i32 to index
      %get3A_764 = arith.index_cast %mul3A_761 : i32 to index
      %get3A_765 = arith.constant 304 : index
      %get3A_766 = tpu.vector_load %arg6[%get3A_763, %get3A_764, %get3A_765] {strides = array<i32>} : memref<2x96x512xf32, #tpu.memory_space<vmem>>, vector<1x1x16xf32>,
      %get3A_767 = vector.shape_cast %get3A_766 : vector<1x1x16xf32> to vector<16xf32>
      %mul3A_768 = arith.constant 3 : i32
      %mul3A_769 = arith.muli %mul3A_768, %scan3A_95 : i32
      %add3A_770 = arith.constant 1 : i32
      %add3A_771 = arith.addi %mul3A_769, %add3A_770 : i32
      %get3A_772 = arith.constant 0 : i32
      %get3A_773 = arith.index_cast %get3A_772 : i32 to index
      %get3A_774 = arith.index_cast %add3A_771 : i32 to index
      %get3A_775 = arith.constant 304 : index
      %get3A_776 = tpu.vector_load %arg6[%get3A_773, %get3A_774, %get3A_775] {strides = array<i32>} : memref<2x96x512xf32, #tpu.memory_space<vmem>>, vector<1x1x16xf32>,
      %get3A_777 = vector.shape_cast %get3A_776 : vector<1x1x16xf32> to vector<16xf32>
      %add3A_778 = arith.addf %get3A_767, %get3A_777 : vector<16xf32>
      %mul3A_779 = arith.constant 3 : i32
      %mul3A_780 = arith.muli %mul3A_779, %scan3A_95 : i32
      %add3A_781 = arith.constant 2 : i32
      %add3A_782 = arith.addi %mul3A_780, %add3A_781 : i32
      %get3A_783 = arith.constant 0 : i32
      %get3A_784 = arith.index_cast %get3A_783 : i32 to index
      %get3A_785 = arith.index_cast %add3A_782 : i32 to index
      %get3A_786 = arith.constant 304 : index
      %get3A_787 = tpu.vector_load %arg6[%get3A_784, %get3A_785, %get3A_786] {strides = array<i32>} : memref<2x96x512xf32, #tpu.memory_space<vmem>>, vector<1x1x16xf32>,
      %get3A_788 = vector.shape_cast %get3A_787 : vector<1x1x16xf32> to vector<16xf32>
      %add3A_789 = arith.addf %add3A_778, %get3A_788 : vector<16xf32>
      %swap3A_790 = arith.index_cast %scan3A_95 : i32 to index
      %swap3A_791 = arith.constant 304 : index
      %swap3A_792 = tpu.vector_load %arg7[%swap3A_790, %swap3A_791] {strides = array<i32>} : memref<32x512xf32, #tpu.memory_space<vmem>>, vector<1x16xf32>,
      %swap3A_793 = vector.shape_cast %swap3A_792 : vector<1x16xf32> to vector<16xf32>
      %swap3A_794 = vector.shape_cast %add3A_789 : vector<16xf32> to vector<1x16xf32>
      tpu.vector_store %arg7[%swap3A_790, %swap3A_791], %swap3A_794 {strides = array<i32>} : memref<32x512xf32, #tpu.memory_space<vmem>>, vector<1x16xf32>,
      %mul3A_795 = arith.constant 3 : i32
      %mul3A_796 = arith.muli %mul3A_795, %scan3A_95 : i32
      %get3A_797 = arith.constant 0 : i32
      %get3A_798 = arith.index_cast %get3A_797 : i32 to index
      %get3A_799 = arith.index_cast %mul3A_796 : i32 to index
      %get3A_800 = arith.constant 320 : index
      %get3A_801 = tpu.vector_load %arg6[%get3A_798, %get3A_799, %get3A_800] {strides = array<i32>} : memref<2x96x512xf32, #tpu.memory_space<vmem>>, vector<1x1x16xf32>,
      %get3A_802 = vector.shape_cast %get3A_801 : vector<1x1x16xf32> to vector<16xf32>
      %mul3A_803 = arith.constant 3 : i32
      %mul3A_804 = arith.muli %mul3A_803, %scan3A_95 : i32
      %add3A_805 = arith.constant 1 : i32
      %add3A_806 = arith.addi %mul3A_804, %add3A_805 : i32
      %get3A_807 = arith.constant 0 : i32
      %get3A_808 = arith.index_cast %get3A_807 : i32 to index
      %get3A_809 = arith.index_cast %add3A_806 : i32 to index
      %get3A_810 = arith.constant 320 : index
      %get3A_811 = tpu.vector_load %arg6[%get3A_808, %get3A_809, %get3A_810] {strides = array<i32>} : memref<2x96x512xf32, #tpu.memory_space<vmem>>, vector<1x1x16xf32>,
      %get3A_812 = vector.shape_cast %get3A_811 : vector<1x1x16xf32> to vector<16xf32>
      %add3A_813 = arith.addf %get3A_802, %get3A_812 : vector<16xf32>
      %mul3A_814 = arith.constant 3 : i32
      %mul3A_815 = arith.muli %mul3A_814, %scan3A_95 : i32
      %add3A_816 = arith.constant 2 : i32
      %add3A_817 = arith.addi %mul3A_815, %add3A_816 : i32
      %get3A_818 = arith.constant 0 : i32
      %get3A_819 = arith.index_cast %get3A_818 : i32 to index
      %get3A_820 = arith.index_cast %add3A_817 : i32 to index
      %get3A_821 = arith.constant 320 : index
      %get3A_822 = tpu.vector_load %arg6[%get3A_819, %get3A_820, %get3A_821] {strides = array<i32>} : memref<2x96x512xf32, #tpu.memory_space<vmem>>, vector<1x1x16xf32>,
      %get3A_823 = vector.shape_cast %get3A_822 : vector<1x1x16xf32> to vector<16xf32>
      %add3A_824 = arith.addf %add3A_813, %get3A_823 : vector<16xf32>
      %swap3A_825 = arith.index_cast %scan3A_95 : i32 to index
      %swap3A_826 = arith.constant 320 : index
      %swap3A_827 = tpu.vector_load %arg7[%swap3A_825, %swap3A_826] {strides = array<i32>} : memref<32x512xf32, #tpu.memory_space<vmem>>, vector<1x16xf32>,
      %swap3A_828 = vector.shape_cast %swap3A_827 : vector<1x16xf32> to vector<16xf32>
      %swap3A_829 = vector.shape_cast %add3A_824 : vector<16xf32> to vector<1x16xf32>
      tpu.vector_store %arg7[%swap3A_825, %swap3A_826], %swap3A_829 {strides = array<i32>} : memref<32x512xf32, #tpu.memory_space<vmem>>, vector<1x16xf32>,
      %mul3A_830 = arith.constant 3 : i32
      %mul3A_831 = arith.muli %mul3A_830, %scan3A_95 : i32
      %get3A_832 = arith.constant 0 : i32
      %get3A_833 = arith.index_cast %get3A_832 : i32 to index
      %get3A_834 = arith.index_cast %mul3A_831 : i32 to index
      %get3A_835 = arith.constant 336 : index
      %get3A_836 = tpu.vector_load %arg6[%get3A_833, %get3A_834, %get3A_835] {strides = array<i32>} : memref<2x96x512xf32, #tpu.memory_space<vmem>>, vector<1x1x16xf32>,
      %get3A_837 = vector.shape_cast %get3A_836 : vector<1x1x16xf32> to vector<16xf32>
      %mul3A_838 = arith.constant 3 : i32
      %mul3A_839 = arith.muli %mul3A_838, %scan3A_95 : i32
      %add3A_840 = arith.constant 1 : i32
      %add3A_841 = arith.addi %mul3A_839, %add3A_840 : i32
      %get3A_842 = arith.constant 0 : i32
      %get3A_843 = arith.index_cast %get3A_842 : i32 to index
      %get3A_844 = arith.index_cast %add3A_841 : i32 to index
      %get3A_845 = arith.constant 336 : index
      %get3A_846 = tpu.vector_load %arg6[%get3A_843, %get3A_844, %get3A_845] {strides = array<i32>} : memref<2x96x512xf32, #tpu.memory_space<vmem>>, vector<1x1x16xf32>,
      %get3A_847 = vector.shape_cast %get3A_846 : vector<1x1x16xf32> to vector<16xf32>
      %add3A_848 = arith.addf %get3A_837, %get3A_847 : vector<16xf32>
      %mul3A_849 = arith.constant 3 : i32
      %mul3A_850 = arith.muli %mul3A_849, %scan3A_95 : i32
      %add3A_851 = arith.constant 2 : i32
      %add3A_852 = arith.addi %mul3A_850, %add3A_851 : i32
      %get3A_853 = arith.constant 0 : i32
      %get3A_854 = arith.index_cast %get3A_853 : i32 to index
      %get3A_855 = arith.index_cast %add3A_852 : i32 to index
      %get3A_856 = arith.constant 336 : index
      %get3A_857 = tpu.vector_load %arg6[%get3A_854, %get3A_855, %get3A_856] {strides = array<i32>} : memref<2x96x512xf32, #tpu.memory_space<vmem>>, vector<1x1x16xf32>,
      %get3A_858 = vector.shape_cast %get3A_857 : vector<1x1x16xf32> to vector<16xf32>
      %add3A_859 = arith.addf %add3A_848, %get3A_858 : vector<16xf32>
      %swap3A_860 = arith.index_cast %scan3A_95 : i32 to index
      %swap3A_861 = arith.constant 336 : index
      %swap3A_862 = tpu.vector_load %arg7[%swap3A_860, %swap3A_861] {strides = array<i32>} : memref<32x512xf32, #tpu.memory_space<vmem>>, vector<1x16xf32>,
      %swap3A_863 = vector.shape_cast %swap3A_862 : vector<1x16xf32> to vector<16xf32>
      %swap3A_864 = vector.shape_cast %add3A_859 : vector<16xf32> to vector<1x16xf32>
      tpu.vector_store %arg7[%swap3A_860, %swap3A_861], %swap3A_864 {strides = array<i32>} : memref<32x512xf32, #tpu.memory_space<vmem>>, vector<1x16xf32>,
      %mul3A_865 = arith.constant 3 : i32
      %mul3A_866 = arith.muli %mul3A_865, %scan3A_95 : i32
      %get3A_867 = arith.constant 0 : i32
      %get3A_868 = arith.index_cast %get3A_867 : i32 to index
      %get3A_869 = arith.index_cast %mul3A_866 : i32 to index
      %get3A_870 = arith.constant 352 : index
      %get3A_871 = tpu.vector_load %arg6[%get3A_868, %get3A_869, %get3A_870] {strides = array<i32>} : memref<2x96x512xf32, #tpu.memory_space<vmem>>, vector<1x1x16xf32>,
      %get3A_872 = vector.shape_cast %get3A_871 : vector<1x1x16xf32> to vector<16xf32>
      %mul3A_873 = arith.constant 3 : i32
      %mul3A_874 = arith.muli %mul3A_873, %scan3A_95 : i32
      %add3A_875 = arith.constant 1 : i32
      %add3A_876 = arith.addi %mul3A_874, %add3A_875 : i32
      %get3A_877 = arith.constant 0 : i32
      %get3A_878 = arith.index_cast %get3A_877 : i32 to index
      %get3A_879 = arith.index_cast %add3A_876 : i32 to index
      %get3A_880 = arith.constant 352 : index
      %get3A_881 = tpu.vector_load %arg6[%get3A_878, %get3A_879, %get3A_880] {strides = array<i32>} : memref<2x96x512xf32, #tpu.memory_space<vmem>>, vector<1x1x16xf32>,
      %get3A_882 = vector.shape_cast %get3A_881 : vector<1x1x16xf32> to vector<16xf32>
      %add3A_883 = arith.addf %get3A_872, %get3A_882 : vector<16xf32>
      %mul3A_884 = arith.constant 3 : i32
      %mul3A_885 = arith.muli %mul3A_884, %scan3A_95 : i32
      %add3A_886 = arith.constant 2 : i32
      %add3A_887 = arith.addi %mul3A_885, %add3A_886 : i32
      %get3A_888 = arith.constant 0 : i32
      %get3A_889 = arith.index_cast %get3A_888 : i32 to index
      %get3A_890 = arith.index_cast %add3A_887 : i32 to index
      %get3A_891 = arith.constant 352 : index
      %get3A_892 = tpu.vector_load %arg6[%get3A_889, %get3A_890, %get3A_891] {strides = array<i32>} : memref<2x96x512xf32, #tpu.memory_space<vmem>>, vector<1x1x16xf32>,
      %get3A_893 = vector.shape_cast %get3A_892 : vector<1x1x16xf32> to vector<16xf32>
      %add3A_894 = arith.addf %add3A_883, %get3A_893 : vector<16xf32>
      %swap3A_895 = arith.index_cast %scan3A_95 : i32 to index
      %swap3A_896 = arith.constant 352 : index
      %swap3A_897 = tpu.vector_load %arg7[%swap3A_895, %swap3A_896] {strides = array<i32>} : memref<32x512xf32, #tpu.memory_space<vmem>>, vector<1x16xf32>,
      %swap3A_898 = vector.shape_cast %swap3A_897 : vector<1x16xf32> to vector<16xf32>
      %swap3A_899 = vector.shape_cast %add3A_894 : vector<16xf32> to vector<1x16xf32>
      tpu.vector_store %arg7[%swap3A_895, %swap3A_896], %swap3A_899 {strides = array<i32>} : memref<32x512xf32, #tpu.memory_space<vmem>>, vector<1x16xf32>,
      %mul3A_900 = arith.constant 3 : i32
      %mul3A_901 = arith.muli %mul3A_900, %scan3A_95 : i32
      %get3A_902 = arith.constant 0 : i32
      %get3A_903 = arith.index_cast %get3A_902 : i32 to index
      %get3A_904 = arith.index_cast %mul3A_901 : i32 to index
      %get3A_905 = arith.constant 368 : index
      %get3A_906 = tpu.vector_load %arg6[%get3A_903, %get3A_904, %get3A_905] {strides = array<i32>} : memref<2x96x512xf32, #tpu.memory_space<vmem>>, vector<1x1x16xf32>,
      %get3A_907 = vector.shape_cast %get3A_906 : vector<1x1x16xf32> to vector<16xf32>
      %mul3A_908 = arith.constant 3 : i32
      %mul3A_909 = arith.muli %mul3A_908, %scan3A_95 : i32
      %add3A_910 = arith.constant 1 : i32
      %add3A_911 = arith.addi %mul3A_909, %add3A_910 : i32
      %get3A_912 = arith.constant 0 : i32
      %get3A_913 = arith.index_cast %get3A_912 : i32 to index
      %get3A_914 = arith.index_cast %add3A_911 : i32 to index
      %get3A_915 = arith.constant 368 : index
      %get3A_916 = tpu.vector_load %arg6[%get3A_913, %get3A_914, %get3A_915] {strides = array<i32>} : memref<2x96x512xf32, #tpu.memory_space<vmem>>, vector<1x1x16xf32>,
      %get3A_917 = vector.shape_cast %get3A_916 : vector<1x1x16xf32> to vector<16xf32>
      %add3A_918 = arith.addf %get3A_907, %get3A_917 : vector<16xf32>
      %mul3A_919 = arith.constant 3 : i32
      %mul3A_920 = arith.muli %mul3A_919, %scan3A_95 : i32
      %add3A_921 = arith.constant 2 : i32
      %add3A_922 = arith.addi %mul3A_920, %add3A_921 : i32
      %get3A_923 = arith.constant 0 : i32
      %get3A_924 = arith.index_cast %get3A_923 : i32 to index
      %get3A_925 = arith.index_cast %add3A_922 : i32 to index
      %get3A_926 = arith.constant 368 : index
      %get3A_927 = tpu.vector_load %arg6[%get3A_924, %get3A_925, %get3A_926] {strides = array<i32>} : memref<2x96x512xf32, #tpu.memory_space<vmem>>, vector<1x1x16xf32>,
      %get3A_928 = vector.shape_cast %get3A_927 : vector<1x1x16xf32> to vector<16xf32>
      %add3A_929 = arith.addf %add3A_918, %get3A_928 : vector<16xf32>
      %swap3A_930 = arith.index_cast %scan3A_95 : i32 to index
      %swap3A_931 = arith.constant 368 : index
      %swap3A_932 = tpu.vector_load %arg7[%swap3A_930, %swap3A_931] {strides = array<i32>} : memref<32x512xf32, #tpu.memory_space<vmem>>, vector<1x16xf32>,
      %swap3A_933 = vector.shape_cast %swap3A_932 : vector<1x16xf32> to vector<16xf32>
      %swap3A_934 = vector.shape_cast %add3A_929 : vector<16xf32> to vector<1x16xf32>
      tpu.vector_store %arg7[%swap3A_930, %swap3A_931], %swap3A_934 {strides = array<i32>} : memref<32x512xf32, #tpu.memory_space<vmem>>, vector<1x16xf32>,
      %mul3A_935 = arith.constant 3 : i32
      %mul3A_936 = arith.muli %mul3A_935, %scan3A_95 : i32
      %get3A_937 = arith.constant 0 : i32
      %get3A_938 = arith.index_cast %get3A_937 : i32 to index
      %get3A_939 = arith.index_cast %mul3A_936 : i32 to index
      %get3A_940 = arith.constant 384 : index
      %get3A_941 = tpu.vector_load %arg6[%get3A_938, %get3A_939, %get3A_940] {strides = array<i32>} : memref<2x96x512xf32, #tpu.memory_space<vmem>>, vector<1x1x16xf32>,
      %get3A_942 = vector.shape_cast %get3A_941 : vector<1x1x16xf32> to vector<16xf32>
      %mul3A_943 = arith.constant 3 : i32
      %mul3A_944 = arith.muli %mul3A_943, %scan3A_95 : i32
      %add3A_945 = arith.constant 1 : i32
      %add3A_946 = arith.addi %mul3A_944, %add3A_945 : i32
      %get3A_947 = arith.constant 0 : i32
      %get3A_948 = arith.index_cast %get3A_947 : i32 to index
      %get3A_949 = arith.index_cast %add3A_946 : i32 to index
      %get3A_950 = arith.constant 384 : index
      %get3A_951 = tpu.vector_load %arg6[%get3A_948, %get3A_949, %get3A_950] {strides = array<i32>} : memref<2x96x512xf32, #tpu.memory_space<vmem>>, vector<1x1x16xf32>,
      %get3A_952 = vector.shape_cast %get3A_951 : vector<1x1x16xf32> to vector<16xf32>
      %add3A_953 = arith.addf %get3A_942, %get3A_952 : vector<16xf32>
      %mul3A_954 = arith.constant 3 : i32
      %mul3A_955 = arith.muli %mul3A_954, %scan3A_95 : i32
      %add3A_956 = arith.constant 2 : i32
      %add3A_957 = arith.addi %mul3A_955, %add3A_956 : i32
      %get3A_958 = arith.constant 0 : i32
      %get3A_959 = arith.index_cast %get3A_958 : i32 to index
      %get3A_960 = arith.index_cast %add3A_957 : i32 to index
      %get3A_961 = arith.constant 384 : index
      %get3A_962 = tpu.vector_load %arg6[%get3A_959, %get3A_960, %get3A_961] {strides = array<i32>} : memref<2x96x512xf32, #tpu.memory_space<vmem>>, vector<1x1x16xf32>,
      %get3A_963 = vector.shape_cast %get3A_962 : vector<1x1x16xf32> to vector<16xf32>
      %add3A_964 = arith.addf %add3A_953, %get3A_963 : vector<16xf32>
      %swap3A_965 = arith.index_cast %scan3A_95 : i32 to index
      %swap3A_966 = arith.constant 384 : index
      %swap3A_967 = tpu.vector_load %arg7[%swap3A_965, %swap3A_966] {strides = array<i32>} : memref<32x512xf32, #tpu.memory_space<vmem>>, vector<1x16xf32>,
      %swap3A_968 = vector.shape_cast %swap3A_967 : vector<1x16xf32> to vector<16xf32>
      %swap3A_969 = vector.shape_cast %add3A_964 : vector<16xf32> to vector<1x16xf32>
      tpu.vector_store %arg7[%swap3A_965, %swap3A_966], %swap3A_969 {strides = array<i32>} : memref<32x512xf32, #tpu.memory_space<vmem>>, vector<1x16xf32>,
      %mul3A_970 = arith.constant 3 : i32
      %mul3A_971 = arith.muli %mul3A_970, %scan3A_95 : i32
      %get3A_972 = arith.constant 0 : i32
      %get3A_973 = arith.index_cast %get3A_972 : i32 to index
      %get3A_974 = arith.index_cast %mul3A_971 : i32 to index
      %get3A_975 = arith.constant 400 : index
      %get3A_976 = tpu.vector_load %arg6[%get3A_973, %get3A_974, %get3A_975] {strides = array<i32>} : memref<2x96x512xf32, #tpu.memory_space<vmem>>, vector<1x1x16xf32>,
      %get3A_977 = vector.shape_cast %get3A_976 : vector<1x1x16xf32> to vector<16xf32>
      %mul3A_978 = arith.constant 3 : i32
      %mul3A_979 = arith.muli %mul3A_978, %scan3A_95 : i32
      %add3A_980 = arith.constant 1 : i32
      %add3A_981 = arith.addi %mul3A_979, %add3A_980 : i32
      %get3A_982 = arith.constant 0 : i32
      %get3A_983 = arith.index_cast %get3A_982 : i32 to index
      %get3A_984 = arith.index_cast %add3A_981 : i32 to index
      %get3A_985 = arith.constant 400 : index
      %get3A_986 = tpu.vector_load %arg6[%get3A_983, %get3A_984, %get3A_985] {strides = array<i32>} : memref<2x96x512xf32, #tpu.memory_space<vmem>>, vector<1x1x16xf32>,
      %get3A_987 = vector.shape_cast %get3A_986 : vector<1x1x16xf32> to vector<16xf32>
      %add3A_988 = arith.addf %get3A_977, %get3A_987 : vector<16xf32>
      %mul3A_989 = arith.constant 3 : i32
      %mul3A_990 = arith.muli %mul3A_989, %scan3A_95 : i32
      %add3A_991 = arith.constant 2 : i32
      %add3A_992 = arith.addi %mul3A_990, %add3A_991 : i32
      %get3A_993 = arith.constant 0 : i32
      %get3A_994 = arith.index_cast %get3A_993 : i32 to index
      %get3A_995 = arith.index_cast %add3A_992 : i32 to index
      %get3A_996 = arith.constant 400 : index
      %get3A_997 = tpu.vector_load %arg6[%get3A_994, %get3A_995, %get3A_996] {strides = array<i32>} : memref<2x96x512xf32, #tpu.memory_space<vmem>>, vector<1x1x16xf32>,
      %get3A_998 = vector.shape_cast %get3A_997 : vector<1x1x16xf32> to vector<16xf32>
      %add3A_999 = arith.addf %add3A_988, %get3A_998 : vector<16xf32>
      %swap3A_1000 = arith.index_cast %scan3A_95 : i32 to index
      %swap3A_1001 = arith.constant 400 : index
      %swap3A_1002 = tpu.vector_load %arg7[%swap3A_1000, %swap3A_1001] {strides = array<i32>} : memref<32x512xf32, #tpu.memory_space<vmem>>, vector<1x16xf32>,
      %swap3A_1003 = vector.shape_cast %swap3A_1002 : vector<1x16xf32> to vector<16xf32>
      %swap3A_1004 = vector.shape_cast %add3A_999 : vector<16xf32> to vector<1x16xf32>
      tpu.vector_store %arg7[%swap3A_1000, %swap3A_1001], %swap3A_1004 {strides = array<i32>} : memref<32x512xf32, #tpu.memory_space<vmem>>, vector<1x16xf32>,
      %mul3A_1005 = arith.constant 3 : i32
      %mul3A_1006 = arith.muli %mul3A_1005, %scan3A_95 : i32
      %get3A_1007 = arith.constant 0 : i32
      %get3A_1008 = arith.index_cast %get3A_1007 : i32 to index
      %get3A_1009 = arith.index_cast %mul3A_1006 : i32 to index
      %get3A_1010 = arith.constant 416 : index
      %get3A_1011 = tpu.vector_load %arg6[%get3A_1008, %get3A_1009, %get3A_1010] {strides = array<i32>} : memref<2x96x512xf32, #tpu.memory_space<vmem>>, vector<1x1x16xf32>,
      %get3A_1012 = vector.shape_cast %get3A_1011 : vector<1x1x16xf32> to vector<16xf32>
      %mul3A_1013 = arith.constant 3 : i32
      %mul3A_1014 = arith.muli %mul3A_1013, %scan3A_95 : i32
      %add3A_1015 = arith.constant 1 : i32
      %add3A_1016 = arith.addi %mul3A_1014, %add3A_1015 : i32
      %get3A_1017 = arith.constant 0 : i32
      %get3A_1018 = arith.index_cast %get3A_1017 : i32 to index
      %get3A_1019 = arith.index_cast %add3A_1016 : i32 to index
      %get3A_1020 = arith.constant 416 : index
      %get3A_1021 = tpu.vector_load %arg6[%get3A_1018, %get3A_1019, %get3A_1020] {strides = array<i32>} : memref<2x96x512xf32, #tpu.memory_space<vmem>>, vector<1x1x16xf32>,
      %get3A_1022 = vector.shape_cast %get3A_1021 : vector<1x1x16xf32> to vector<16xf32>
      %add3A_1023 = arith.addf %get3A_1012, %get3A_1022 : vector<16xf32>
      %mul3A_1024 = arith.constant 3 : i32
      %mul3A_1025 = arith.muli %mul3A_1024, %scan3A_95 : i32
      %add3A_1026 = arith.constant 2 : i32
      %add3A_1027 = arith.addi %mul3A_1025, %add3A_1026 : i32
      %get3A_1028 = arith.constant 0 : i32
      %get3A_1029 = arith.index_cast %get3A_1028 : i32 to index
      %get3A_1030 = arith.index_cast %add3A_1027 : i32 to index
      %get3A_1031 = arith.constant 416 : index
      %get3A_1032 = tpu.vector_load %arg6[%get3A_1029, %get3A_1030, %get3A_1031] {strides = array<i32>} : memref<2x96x512xf32, #tpu.memory_space<vmem>>, vector<1x1x16xf32>,
      %get3A_1033 = vector.shape_cast %get3A_1032 : vector<1x1x16xf32> to vector<16xf32>
      %add3A_1034 = arith.addf %add3A_1023, %get3A_1033 : vector<16xf32>
      %swap3A_1035 = arith.index_cast %scan3A_95 : i32 to index
      %swap3A_1036 = arith.constant 416 : index
      %swap3A_1037 = tpu.vector_load %arg7[%swap3A_1035, %swap3A_1036] {strides = array<i32>} : memref<32x512xf32, #tpu.memory_space<vmem>>, vector<1x16xf32>,
      %swap3A_1038 = vector.shape_cast %swap3A_1037 : vector<1x16xf32> to vector<16xf32>
      %swap3A_1039 = vector.shape_cast %add3A_1034 : vector<16xf32> to vector<1x16xf32>
      tpu.vector_store %arg7[%swap3A_1035, %swap3A_1036], %swap3A_1039 {strides = array<i32>} : memref<32x512xf32, #tpu.memory_space<vmem>>, vector<1x16xf32>,
      %mul3A_1040 = arith.constant 3 : i32
      %mul3A_1041 = arith.muli %mul3A_1040, %scan3A_95 : i32
      %get3A_1042 = arith.constant 0 : i32
      %get3A_1043 = arith.index_cast %get3A_1042 : i32 to index
      %get3A_1044 = arith.index_cast %mul3A_1041 : i32 to index
      %get3A_1045 = arith.constant 432 : index
      %get3A_1046 = tpu.vector_load %arg6[%get3A_1043, %get3A_1044, %get3A_1045] {strides = array<i32>} : memref<2x96x512xf32, #tpu.memory_space<vmem>>, vector<1x1x16xf32>,
      %get3A_1047 = vector.shape_cast %get3A_1046 : vector<1x1x16xf32> to vector<16xf32>
      %mul3A_1048 = arith.constant 3 : i32
      %mul3A_1049 = arith.muli %mul3A_1048, %scan3A_95 : i32
      %add3A_1050 = arith.constant 1 : i32
      %add3A_1051 = arith.addi %mul3A_1049, %add3A_1050 : i32
      %get3A_1052 = arith.constant 0 : i32
      %get3A_1053 = arith.index_cast %get3A_1052 : i32 to index
      %get3A_1054 = arith.index_cast %add3A_1051 : i32 to index
      %get3A_1055 = arith.constant 432 : index
      %get3A_1056 = tpu.vector_load %arg6[%get3A_1053, %get3A_1054, %get3A_1055] {strides = array<i32>} : memref<2x96x512xf32, #tpu.memory_space<vmem>>, vector<1x1x16xf32>,
      %get3A_1057 = vector.shape_cast %get3A_1056 : vector<1x1x16xf32> to vector<16xf32>
      %add3A_1058 = arith.addf %get3A_1047, %get3A_1057 : vector<16xf32>
      %mul3A_1059 = arith.constant 3 : i32
      %mul3A_1060 = arith.muli %mul3A_1059, %scan3A_95 : i32
      %add3A_1061 = arith.constant 2 : i32
      %add3A_1062 = arith.addi %mul3A_1060, %add3A_1061 : i32
      %get3A_1063 = arith.constant 0 : i32
      %get3A_1064 = arith.index_cast %get3A_1063 : i32 to index
      %get3A_1065 = arith.index_cast %add3A_1062 : i32 to index
      %get3A_1066 = arith.constant 432 : index
      %get3A_1067 = tpu.vector_load %arg6[%get3A_1064, %get3A_1065, %get3A_1066] {strides = array<i32>} : memref<2x96x512xf32, #tpu.memory_space<vmem>>, vector<1x1x16xf32>,
      %get3A_1068 = vector.shape_cast %get3A_1067 : vector<1x1x16xf32> to vector<16xf32>
      %add3A_1069 = arith.addf %add3A_1058, %get3A_1068 : vector<16xf32>
      %swap3A_1070 = arith.index_cast %scan3A_95 : i32 to index
      %swap3A_1071 = arith.constant 432 : index
      %swap3A_1072 = tpu.vector_load %arg7[%swap3A_1070, %swap3A_1071] {strides = array<i32>} : memref<32x512xf32, #tpu.memory_space<vmem>>, vector<1x16xf32>,
      %swap3A_1073 = vector.shape_cast %swap3A_1072 : vector<1x16xf32> to vector<16xf32>
      %swap3A_1074 = vector.shape_cast %add3A_1069 : vector<16xf32> to vector<1x16xf32>
      tpu.vector_store %arg7[%swap3A_1070, %swap3A_1071], %swap3A_1074 {strides = array<i32>} : memref<32x512xf32, #tpu.memory_space<vmem>>, vector<1x16xf32>,
      %mul3A_1075 = arith.constant 3 : i32
      %mul3A_1076 = arith.muli %mul3A_1075, %scan3A_95 : i32
      %get3A_1077 = arith.constant 0 : i32
      %get3A_1078 = arith.index_cast %get3A_1077 : i32 to index
      %get3A_1079 = arith.index_cast %mul3A_1076 : i32 to index
      %get3A_1080 = arith.constant 448 : index
      %get3A_1081 = tpu.vector_load %arg6[%get3A_1078, %get3A_1079, %get3A_1080] {strides = array<i32>} : memref<2x96x512xf32, #tpu.memory_space<vmem>>, vector<1x1x16xf32>,
      %get3A_1082 = vector.shape_cast %get3A_1081 : vector<1x1x16xf32> to vector<16xf32>
      %mul3A_1083 = arith.constant 3 : i32
      %mul3A_1084 = arith.muli %mul3A_1083, %scan3A_95 : i32
      %add3A_1085 = arith.constant 1 : i32
      %add3A_1086 = arith.addi %mul3A_1084, %add3A_1085 : i32
      %get3A_1087 = arith.constant 0 : i32
      %get3A_1088 = arith.index_cast %get3A_1087 : i32 to index
      %get3A_1089 = arith.index_cast %add3A_1086 : i32 to index
      %get3A_1090 = arith.constant 448 : index
      %get3A_1091 = tpu.vector_load %arg6[%get3A_1088, %get3A_1089, %get3A_1090] {strides = array<i32>} : memref<2x96x512xf32, #tpu.memory_space<vmem>>, vector<1x1x16xf32>,
      %get3A_1092 = vector.shape_cast %get3A_1091 : vector<1x1x16xf32> to vector<16xf32>
      %add3A_1093 = arith.addf %get3A_1082, %get3A_1092 : vector<16xf32>
      %mul3A_1094 = arith.constant 3 : i32
      %mul3A_1095 = arith.muli %mul3A_1094, %scan3A_95 : i32
      %add3A_1096 = arith.constant 2 : i32
      %add3A_1097 = arith.addi %mul3A_1095, %add3A_1096 : i32
      %get3A_1098 = arith.constant 0 : i32
      %get3A_1099 = arith.index_cast %get3A_1098 : i32 to index
      %get3A_1100 = arith.index_cast %add3A_1097 : i32 to index
      %get3A_1101 = arith.constant 448 : index
      %get3A_1102 = tpu.vector_load %arg6[%get3A_1099, %get3A_1100, %get3A_1101] {strides = array<i32>} : memref<2x96x512xf32, #tpu.memory_space<vmem>>, vector<1x1x16xf32>,
      %get3A_1103 = vector.shape_cast %get3A_1102 : vector<1x1x16xf32> to vector<16xf32>
      %add3A_1104 = arith.addf %add3A_1093, %get3A_1103 : vector<16xf32>
      %swap3A_1105 = arith.index_cast %scan3A_95 : i32 to index
      %swap3A_1106 = arith.constant 448 : index
      %swap3A_1107 = tpu.vector_load %arg7[%swap3A_1105, %swap3A_1106] {strides = array<i32>} : memref<32x512xf32, #tpu.memory_space<vmem>>, vector<1x16xf32>,
      %swap3A_1108 = vector.shape_cast %swap3A_1107 : vector<1x16xf32> to vector<16xf32>
      %swap3A_1109 = vector.shape_cast %add3A_1104 : vector<16xf32> to vector<1x16xf32>
      tpu.vector_store %arg7[%swap3A_1105, %swap3A_1106], %swap3A_1109 {strides = array<i32>} : memref<32x512xf32, #tpu.memory_space<vmem>>, vector<1x16xf32>,
      %mul3A_1110 = arith.constant 3 : i32
      %mul3A_1111 = arith.muli %mul3A_1110, %scan3A_95 : i32
      %get3A_1112 = arith.constant 0 : i32
      %get3A_1113 = arith.index_cast %get3A_1112 : i32 to index
      %get3A_1114 = arith.index_cast %mul3A_1111 : i32 to index
      %get3A_1115 = arith.constant 464 : index
      %get3A_1116 = tpu.vector_load %arg6[%get3A_1113, %get3A_1114, %get3A_1115] {strides = array<i32>} : memref<2x96x512xf32, #tpu.memory_space<vmem>>, vector<1x1x16xf32>,
      %get3A_1117 = vector.shape_cast %get3A_1116 : vector<1x1x16xf32> to vector<16xf32>
      %mul3A_1118 = arith.constant 3 : i32
      %mul3A_1119 = arith.muli %mul3A_1118, %scan3A_95 : i32
      %add3A_1120 = arith.constant 1 : i32
      %add3A_1121 = arith.addi %mul3A_1119, %add3A_1120 : i32
      %get3A_1122 = arith.constant 0 : i32
      %get3A_1123 = arith.index_cast %get3A_1122 : i32 to index
      %get3A_1124 = arith.index_cast %add3A_1121 : i32 to index
      %get3A_1125 = arith.constant 464 : index
      %get3A_1126 = tpu.vector_load %arg6[%get3A_1123, %get3A_1124, %get3A_1125] {strides = array<i32>} : memref<2x96x512xf32, #tpu.memory_space<vmem>>, vector<1x1x16xf32>,
      %get3A_1127 = vector.shape_cast %get3A_1126 : vector<1x1x16xf32> to vector<16xf32>
      %add3A_1128 = arith.addf %get3A_1117, %get3A_1127 : vector<16xf32>
      %mul3A_1129 = arith.constant 3 : i32
      %mul3A_1130 = arith.muli %mul3A_1129, %scan3A_95 : i32
      %add3A_1131 = arith.constant 2 : i32
      %add3A_1132 = arith.addi %mul3A_1130, %add3A_1131 : i32
      %get3A_1133 = arith.constant 0 : i32
      %get3A_1134 = arith.index_cast %get3A_1133 : i32 to index
      %get3A_1135 = arith.index_cast %add3A_1132 : i32 to index
      %get3A_1136 = arith.constant 464 : index
      %get3A_1137 = tpu.vector_load %arg6[%get3A_1134, %get3A_1135, %get3A_1136] {strides = array<i32>} : memref<2x96x512xf32, #tpu.memory_space<vmem>>, vector<1x1x16xf32>,
      %get3A_1138 = vector.shape_cast %get3A_1137 : vector<1x1x16xf32> to vector<16xf32>
      %add3A_1139 = arith.addf %add3A_1128, %get3A_1138 : vector<16xf32>
      %swap3A_1140 = arith.index_cast %scan3A_95 : i32 to index
      %swap3A_1141 = arith.constant 464 : index
      %swap3A_1142 = tpu.vector_load %arg7[%swap3A_1140, %swap3A_1141] {strides = array<i32>} : memref<32x512xf32, #tpu.memory_space<vmem>>, vector<1x16xf32>,
      %swap3A_1143 = vector.shape_cast %swap3A_1142 : vector<1x16xf32> to vector<16xf32>
      %swap3A_1144 = vector.shape_cast %add3A_1139 : vector<16xf32> to vector<1x16xf32>
      tpu.vector_store %arg7[%swap3A_1140, %swap3A_1141], %swap3A_1144 {strides = array<i32>} : memref<32x512xf32, #tpu.memory_space<vmem>>, vector<1x16xf32>,
      %mul3A_1145 = arith.constant 3 : i32
      %mul3A_1146 = arith.muli %mul3A_1145, %scan3A_95 : i32
      %get3A_1147 = arith.constant 0 : i32
      %get3A_1148 = arith.index_cast %get3A_1147 : i32 to index
      %get3A_1149 = arith.index_cast %mul3A_1146 : i32 to index
      %get3A_1150 = arith.constant 480 : index
      %get3A_1151 = tpu.vector_load %arg6[%get3A_1148, %get3A_1149, %get3A_1150] {strides = array<i32>} : memref<2x96x512xf32, #tpu.memory_space<vmem>>, vector<1x1x16xf32>,
      %get3A_1152 = vector.shape_cast %get3A_1151 : vector<1x1x16xf32> to vector<16xf32>
      %mul3A_1153 = arith.constant 3 : i32
      %mul3A_1154 = arith.muli %mul3A_1153, %scan3A_95 : i32
      %add3A_1155 = arith.constant 1 : i32
      %add3A_1156 = arith.addi %mul3A_1154, %add3A_1155 : i32
      %get3A_1157 = arith.constant 0 : i32
      %get3A_1158 = arith.index_cast %get3A_1157 : i32 to index
      %get3A_1159 = arith.index_cast %add3A_1156 : i32 to index
      %get3A_1160 = arith.constant 480 : index
      %get3A_1161 = tpu.vector_load %arg6[%get3A_1158, %get3A_1159, %get3A_1160] {strides = array<i32>} : memref<2x96x512xf32, #tpu.memory_space<vmem>>, vector<1x1x16xf32>,
      %get3A_1162 = vector.shape_cast %get3A_1161 : vector<1x1x16xf32> to vector<16xf32>
      %add3A_1163 = arith.addf %get3A_1152, %get3A_1162 : vector<16xf32>
      %mul3A_1164 = arith.constant 3 : i32
      %mul3A_1165 = arith.muli %mul3A_1164, %scan3A_95 : i32
      %add3A_1166 = arith.constant 2 : i32
      %add3A_1167 = arith.addi %mul3A_1165, %add3A_1166 : i32
      %get3A_1168 = arith.constant 0 : i32
      %get3A_1169 = arith.index_cast %get3A_1168 : i32 to index
      %get3A_1170 = arith.index_cast %add3A_1167 : i32 to index
      %get3A_1171 = arith.constant 480 : index
      %get3A_1172 = tpu.vector_load %arg6[%get3A_1169, %get3A_1170, %get3A_1171] {strides = array<i32>} : memref<2x96x512xf32, #tpu.memory_space<vmem>>, vector<1x1x16xf32>,
      %get3A_1173 = vector.shape_cast %get3A_1172 : vector<1x1x16xf32> to vector<16xf32>
      %add3A_1174 = arith.addf %add3A_1163, %get3A_1173 : vector<16xf32>
      %swap3A_1175 = arith.index_cast %scan3A_95 : i32 to index
      %swap3A_1176 = arith.constant 480 : index
      %swap3A_1177 = tpu.vector_load %arg7[%swap3A_1175, %swap3A_1176] {strides = array<i32>} : memref<32x512xf32, #tpu.memory_space<vmem>>, vector<1x16xf32>,
      %swap3A_1178 = vector.shape_cast %swap3A_1177 : vector<1x16xf32> to vector<16xf32>
      %swap3A_1179 = vector.shape_cast %add3A_1174 : vector<16xf32> to vector<1x16xf32>
      tpu.vector_store %arg7[%swap3A_1175, %swap3A_1176], %swap3A_1179 {strides = array<i32>} : memref<32x512xf32, #tpu.memory_space<vmem>>, vector<1x16xf32>,
      %mul3A_1180 = arith.constant 3 : i32
      %mul3A_1181 = arith.muli %mul3A_1180, %scan3A_95 : i32
      %get3A_1182 = arith.constant 0 : i32
      %get3A_1183 = arith.index_cast %get3A_1182 : i32 to index
      %get3A_1184 = arith.index_cast %mul3A_1181 : i32 to index
      %get3A_1185 = arith.constant 496 : index
      %get3A_1186 = tpu.vector_load %arg6[%get3A_1183, %get3A_1184, %get3A_1185] {strides = array<i32>} : memref<2x96x512xf32, #tpu.memory_space<vmem>>, vector<1x1x16xf32>,
      %get3A_1187 = vector.shape_cast %get3A_1186 : vector<1x1x16xf32> to vector<16xf32>
      %mul3A_1188 = arith.constant 3 : i32
      %mul3A_1189 = arith.muli %mul3A_1188, %scan3A_95 : i32
      %add3A_1190 = arith.constant 1 : i32
      %add3A_1191 = arith.addi %mul3A_1189, %add3A_1190 : i32
      %get3A_1192 = arith.constant 0 : i32
      %get3A_1193 = arith.index_cast %get3A_1192 : i32 to index
      %get3A_1194 = arith.index_cast %add3A_1191 : i32 to index
      %get3A_1195 = arith.constant 496 : index
      %get3A_1196 = tpu.vector_load %arg6[%get3A_1193, %get3A_1194, %get3A_1195] {strides = array<i32>} : memref<2x96x512xf32, #tpu.memory_space<vmem>>, vector<1x1x16xf32>,
      %get3A_1197 = vector.shape_cast %get3A_1196 : vector<1x1x16xf32> to vector<16xf32>
      %add3A_1198 = arith.addf %get3A_1187, %get3A_1197 : vector<16xf32>
      %mul3A_1199 = arith.constant 3 : i32
      %mul3A_1200 = arith.muli %mul3A_1199, %scan3A_95 : i32
      %add3A_1201 = arith.constant 2 : i32
      %add3A_1202 = arith.addi %mul3A_1200, %add3A_1201 : i32
      %get3A_1203 = arith.constant 0 : i32
      %get3A_1204 = arith.index_cast %get3A_1203 : i32 to index
      %get3A_1205 = arith.index_cast %add3A_1202 : i32 to index
      %get3A_1206 = arith.constant 496 : index
      %get3A_1207 = tpu.vector_load %arg6[%get3A_1204, %get3A_1205, %get3A_1206] {strides = array<i32>} : memref<2x96x512xf32, #tpu.memory_space<vmem>>, vector<1x1x16xf32>,
      %get3A_1208 = vector.shape_cast %get3A_1207 : vector<1x1x16xf32> to vector<16xf32>
      %add3A_1209 = arith.addf %add3A_1198, %get3A_1208 : vector<16xf32>
      %swap3A_1210 = arith.index_cast %scan3A_95 : i32 to index
      %swap3A_1211 = arith.constant 496 : index
      %swap3A_1212 = tpu.vector_load %arg7[%swap3A_1210, %swap3A_1211] {strides = array<i32>} : memref<32x512xf32, #tpu.memory_space<vmem>>, vector<1x16xf32>,
      %swap3A_1213 = vector.shape_cast %swap3A_1212 : vector<1x16xf32> to vector<16xf32>
      %swap3A_1214 = vector.shape_cast %add3A_1209 : vector<16xf32> to vector<1x16xf32>
      tpu.vector_store %arg7[%swap3A_1210, %swap3A_1211], %swap3A_1214 {strides = array<i32>} : memref<32x512xf32, #tpu.memory_space<vmem>>, vector<1x16xf32>,
      %scan3A_1215 = arith.constant 0 : i32
      scf.yield %scan3A_1215 : i32
    }
    %scan3A_38 = arith.constant 32 : i32
    %mul3A_39 = arith.constant 96 : i32
    %mul3A_40 = arith.muli %add3A, %mul3A_39 : i32
    %add3A_41 = arith.constant 0 : i32
    %add3A_42 = arith.addi %mul3A_40, %add3A_41 : i32
    "tpu.region"() ({
      %run_scoped3A = tpu.sem_alloc : memref<!tpu.dma_semaphore, #tpu.memory_space<semaphore_mem>>
      %dma_start3A_95 = arith.constant 0 : i32
      %dma_start3A_96 = tpu.memref_slice %arg4[%add3A_42, %dma_start3A_95] : memref<3072x512xf32, #tpu.memory_space<hbm>> -> memref<32x512xf32, #tpu.memory_space<hbm>>
      %dma_start3A_97 = arith.constant 0 : i32
      %dma_start3A_98 = tpu.memref_slice %arg4[%add3A_42, %dma_start3A_97] : memref<3072x512xf32, #tpu.memory_space<hbm>> -> memref<32x512xf32, #tpu.memory_space<hbm>>
      tpu.enqueue_dma source(%arg7 : memref<32x512xf32, #tpu.memory_space<vmem>>) target(%dma_start3A_98 : memref<32x512xf32, #tpu.memory_space<hbm>>) target_semaphore(%run_scoped3A : memref<!tpu.dma_semaphore, #tpu.memory_space<semaphore_mem>>)
      %dma_wait3A_99 = arith.constant 0 : i32
      %dma_wait3A_100 = tpu.memref_slice %arg4[%add3A_42, %dma_wait3A_99] : memref<3072x512xf32, #tpu.memory_space<hbm>> -> memref<32x512xf32, #tpu.memory_space<hbm>>
      %dma_wait3A_101 = arith.constant 0 : i32
      %dma_wait3A_102 = tpu.memref_slice %arg4[%add3A_42, %dma_wait3A_101] : memref<3072x512xf32, #tpu.memory_space<hbm>> -> memref<32x512xf32, #tpu.memory_space<hbm>>
      tpu.wait_dma2 semaphore(%run_scoped3A : memref<!tpu.dma_semaphore, #tpu.memory_space<semaphore_mem>>) src(%arg7 : memref<32x512xf32, #tpu.memory_space<vmem>>) dst(%dma_wait3A_102 : memref<32x512xf32, #tpu.memory_space<hbm>>)
      tpu.yield
    }) : () -> ()
    %dma_start3A_43 = arith.constant 0 : i32
    %dma_start3A_44 = arith.constant 0 : i32
    %dma_start3A_45 = arith.constant 0 : i32
    %dma_start3A_46 = tpu.memref_slice %arg6[%dma_start3A_43, %dma_start3A_44, %dma_start3A_45] : memref<2x96x512xf32, #tpu.memory_space<vmem>> -> memref<1x96x512xf32, #tpu.memory_space<vmem>>
    %dma_start3A_47 = tpu.memref_squeeze %dma_start3A_46 : memref<1x96x512xf32, #tpu.memory_space<vmem>> -> memref<96x512xf32, #tpu.memory_space<vmem>>
    %dma_start3A_48 = arith.constant 192 : i32
    %dma_start3A_49 = tpu.memref_slice %arg5[%dma_start3A_48] : memref<288xi32, #tpu.memory_space<vmem>> -> memref<96xi32, #tpu.memory_space<vmem>>
    %dma_start3A_50 = arith.constant 0 : i32
    %dma_start3A_51 = arith.constant 0 : i32
    %dma_start3A_52 = tpu.memref_slice %arg2[%dma_start3A_50, %dma_start3A_51] : memref<24576x512xf32, #tpu.memory_space<hbm>> -> memref<24576x512xf32, #tpu.memory_space<hbm>>
    tpu.enqueue_indirect_dma source(%dma_start3A_52 : memref<24576x512xf32, #tpu.memory_space<hbm>>) target(%dma_start3A_47 : memref<96x512xf32, #tpu.memory_space<vmem>>) offsets(%dma_start3A_49 : memref<96xi32, #tpu.memory_space<vmem>>) semaphore(%arg8 : memref<!tpu.dma_semaphore, #tpu.memory_space<semaphore_mem>>)
    %dma_wait3A_53 = arith.constant 1 : i32
    %dma_wait3A_54 = arith.constant 0 : i32
    %dma_wait3A_55 = arith.constant 0 : i32
    %dma_wait3A_56 = tpu.memref_slice %arg6[%dma_wait3A_53, %dma_wait3A_54, %dma_wait3A_55] : memref<2x96x512xf32, #tpu.memory_space<vmem>> -> memref<1x96x512xf32, #tpu.memory_space<vmem>>
    %dma_wait3A_57 = tpu.memref_squeeze %dma_wait3A_56 : memref<1x96x512xf32, #tpu.memory_space<vmem>> -> memref<96x512xf32, #tpu.memory_space<vmem>>
    %dma_wait3A_58 = arith.constant 96 : i32
    %dma_wait3A_59 = tpu.memref_slice %arg5[%dma_wait3A_58] : memref<288xi32, #tpu.memory_space<vmem>> -> memref<96xi32, #tpu.memory_space<vmem>>
    %dma_wait3A_60 = arith.constant 0 : i32
    %dma_wait3A_61 = arith.constant 0 : i32
    %dma_wait3A_62 = tpu.memref_slice %arg2[%dma_wait3A_60, %dma_wait3A_61] : memref<24576x512xf32, #tpu.memory_space<hbm>> -> memref<24576x512xf32, #tpu.memory_space<hbm>>
    tpu.wait_indirect_dma semaphore(%arg9 : memref<!tpu.dma_semaphore, #tpu.memory_space<semaphore_mem>>) src(%dma_wait3A_62 : memref<24576x512xf32, #tpu.memory_space<hbm>>) dst(%dma_wait3A_57 : memref<96x512xf32, #tpu.memory_space<vmem>>)
    %scan3A_63 = arith.constant 0 : i32
    %scan3A_64 = arith.constant 0 : i32
    %scan3A_65 = arith.constant 32 : i32
    %scan3A_66 = arith.addi %scan3A_64, %scan3A_65 : i32
    %scan3A_67 = arith.constant 1 : i32
    %scan3A_68 = scf.for %scan3A_95 = %scan3A_64 to %scan3A_66 step %scan3A_67 iter_args(%scan3A_96 = %scan3A_63) -> (i32)  : i32 {
      %mul3A_97 = arith.constant 3 : i32
      %mul3A_98 = arith.muli %mul3A_97, %scan3A_95 : i32
      %get3A = arith.constant 1 : i32
      %get3A_99 = arith.index_cast %get3A : i32 to index
      %get3A_100 = arith.index_cast %mul3A_98 : i32 to index
      %get3A_101 = arith.constant 0 : index
      %get3A_102 = tpu.vector_load %arg6[%get3A_99, %get3A_100, %get3A_101] {strides = array<i32>} : memref<2x96x512xf32, #tpu.memory_space<vmem>>, vector<1x1x16xf32>,
      %get3A_103 = vector.shape_cast %get3A_102 : vector<1x1x16xf32> to vector<16xf32>
      %mul3A_104 = arith.constant 3 : i32
      %mul3A_105 = arith.muli %mul3A_104, %scan3A_95 : i32
      %add3A_106 = arith.constant 1 : i32
      %add3A_107 = arith.addi %mul3A_105, %add3A_106 : i32
      %get3A_108 = arith.constant 1 : i32
      %get3A_109 = arith.index_cast %get3A_108 : i32 to index
      %get3A_110 = arith.index_cast %add3A_107 : i32 to index
      %get3A_111 = arith.constant 0 : index
      %get3A_112 = tpu.vector_load %arg6[%get3A_109, %get3A_110, %get3A_111] {strides = array<i32>} : memref<2x96x512xf32, #tpu.memory_space<vmem>>, vector<1x1x16xf32>,
      %get3A_113 = vector.shape_cast %get3A_112 : vector<1x1x16xf32> to vector<16xf32>
      %add3A_114 = arith.addf %get3A_103, %get3A_113 : vector<16xf32>
      %mul3A_115 = arith.constant 3 : i32
      %mul3A_116 = arith.muli %mul3A_115, %scan3A_95 : i32
      %add3A_117 = arith.constant 2 : i32
      %add3A_118 = arith.addi %mul3A_116, %add3A_117 : i32
      %get3A_119 = arith.constant 1 : i32
      %get3A_120 = arith.index_cast %get3A_119 : i32 to index
      %get3A_121 = arith.index_cast %add3A_118 : i32 to index
      %get3A_122 = arith.constant 0 : index
      %get3A_123 = tpu.vector_load %arg6[%get3A_120, %get3A_121, %get3A_122] {strides = array<i32>} : memref<2x96x512xf32, #tpu.memory_space<vmem>>, vector<1x1x16xf32>,
      %get3A_124 = vector.shape_cast %get3A_123 : vector<1x1x16xf32> to vector<16xf32>
      %add3A_125 = arith.addf %add3A_114, %get3A_124 : vector<16xf32>
      %swap3A = arith.index_cast %scan3A_95 : i32 to index
      %swap3A_126 = arith.constant 0 : index
      %swap3A_127 = tpu.vector_load %arg7[%swap3A, %swap3A_126] {strides = array<i32>} : memref<32x512xf32, #tpu.memory_space<vmem>>, vector<1x16xf32>,
      %swap3A_128 = vector.shape_cast %swap3A_127 : vector<1x16xf32> to vector<16xf32>
      %swap3A_129 = vector.shape_cast %add3A_125 : vector<16xf32> to vector<1x16xf32>
      tpu.vector_store %arg7[%swap3A, %swap3A_126], %swap3A_129 {strides = array<i32>} : memref<32x512xf32, #tpu.memory_space<vmem>>, vector<1x16xf32>,
      %mul3A_130 = arith.constant 3 : i32
      %mul3A_131 = arith.muli %mul3A_130, %scan3A_95 : i32
      %get3A_132 = arith.constant 1 : i32
      %get3A_133 = arith.index_cast %get3A_132 : i32 to index
      %get3A_134 = arith.index_cast %mul3A_131 : i32 to index
      %get3A_135 = arith.constant 16 : index
      %get3A_136 = tpu.vector_load %arg6[%get3A_133, %get3A_134, %get3A_135] {strides = array<i32>} : memref<2x96x512xf32, #tpu.memory_space<vmem>>, vector<1x1x16xf32>,
      %get3A_137 = vector.shape_cast %get3A_136 : vector<1x1x16xf32> to vector<16xf32>
      %mul3A_138 = arith.constant 3 : i32
      %mul3A_139 = arith.muli %mul3A_138, %scan3A_95 : i32
      %add3A_140 = arith.constant 1 : i32
      %add3A_141 = arith.addi %mul3A_139, %add3A_140 : i32
      %get3A_142 = arith.constant 1 : i32
      %get3A_143 = arith.index_cast %get3A_142 : i32 to index
      %get3A_144 = arith.index_cast %add3A_141 : i32 to index
      %get3A_145 = arith.constant 16 : index
      %get3A_146 = tpu.vector_load %arg6[%get3A_143, %get3A_144, %get3A_145] {strides = array<i32>} : memref<2x96x512xf32, #tpu.memory_space<vmem>>, vector<1x1x16xf32>,
      %get3A_147 = vector.shape_cast %get3A_146 : vector<1x1x16xf32> to vector<16xf32>
      %add3A_148 = arith.addf %get3A_137, %get3A_147 : vector<16xf32>
      %mul3A_149 = arith.constant 3 : i32
      %mul3A_150 = arith.muli %mul3A_149, %scan3A_95 : i32
      %add3A_151 = arith.constant 2 : i32
      %add3A_152 = arith.addi %mul3A_150, %add3A_151 : i32
      %get3A_153 = arith.constant 1 : i32
      %get3A_154 = arith.index_cast %get3A_153 : i32 to index
      %get3A_155 = arith.index_cast %add3A_152 : i32 to index
      %get3A_156 = arith.constant 16 : index
      %get3A_157 = tpu.vector_load %arg6[%get3A_154, %get3A_155, %get3A_156] {strides = array<i32>} : memref<2x96x512xf32, #tpu.memory_space<vmem>>, vector<1x1x16xf32>,
      %get3A_158 = vector.shape_cast %get3A_157 : vector<1x1x16xf32> to vector<16xf32>
      %add3A_159 = arith.addf %add3A_148, %get3A_158 : vector<16xf32>
      %swap3A_160 = arith.index_cast %scan3A_95 : i32 to index
      %swap3A_161 = arith.constant 16 : index
      %swap3A_162 = tpu.vector_load %arg7[%swap3A_160, %swap3A_161] {strides = array<i32>} : memref<32x512xf32, #tpu.memory_space<vmem>>, vector<1x16xf32>,
      %swap3A_163 = vector.shape_cast %swap3A_162 : vector<1x16xf32> to vector<16xf32>
      %swap3A_164 = vector.shape_cast %add3A_159 : vector<16xf32> to vector<1x16xf32>
      tpu.vector_store %arg7[%swap3A_160, %swap3A_161], %swap3A_164 {strides = array<i32>} : memref<32x512xf32, #tpu.memory_space<vmem>>, vector<1x16xf32>,
      %mul3A_165 = arith.constant 3 : i32
      %mul3A_166 = arith.muli %mul3A_165, %scan3A_95 : i32
      %get3A_167 = arith.constant 1 : i32
      %get3A_168 = arith.index_cast %get3A_167 : i32 to index
      %get3A_169 = arith.index_cast %mul3A_166 : i32 to index
      %get3A_170 = arith.constant 32 : index
      %get3A_171 = tpu.vector_load %arg6[%get3A_168, %get3A_169, %get3A_170] {strides = array<i32>} : memref<2x96x512xf32, #tpu.memory_space<vmem>>, vector<1x1x16xf32>,
      %get3A_172 = vector.shape_cast %get3A_171 : vector<1x1x16xf32> to vector<16xf32>
      %mul3A_173 = arith.constant 3 : i32
      %mul3A_174 = arith.muli %mul3A_173, %scan3A_95 : i32
      %add3A_175 = arith.constant 1 : i32
      %add3A_176 = arith.addi %mul3A_174, %add3A_175 : i32
      %get3A_177 = arith.constant 1 : i32
      %get3A_178 = arith.index_cast %get3A_177 : i32 to index
      %get3A_179 = arith.index_cast %add3A_176 : i32 to index
      %get3A_180 = arith.constant 32 : index
      %get3A_181 = tpu.vector_load %arg6[%get3A_178, %get3A_179, %get3A_180] {strides = array<i32>} : memref<2x96x512xf32, #tpu.memory_space<vmem>>, vector<1x1x16xf32>,
      %get3A_182 = vector.shape_cast %get3A_181 : vector<1x1x16xf32> to vector<16xf32>
      %add3A_183 = arith.addf %get3A_172, %get3A_182 : vector<16xf32>
      %mul3A_184 = arith.constant 3 : i32
      %mul3A_185 = arith.muli %mul3A_184, %scan3A_95 : i32
      %add3A_186 = arith.constant 2 : i32
      %add3A_187 = arith.addi %mul3A_185, %add3A_186 : i32
      %get3A_188 = arith.constant 1 : i32
      %get3A_189 = arith.index_cast %get3A_188 : i32 to index
      %get3A_190 = arith.index_cast %add3A_187 : i32 to index
      %get3A_191 = arith.constant 32 : index
      %get3A_192 = tpu.vector_load %arg6[%get3A_189, %get3A_190, %get3A_191] {strides = array<i32>} : memref<2x96x512xf32, #tpu.memory_space<vmem>>, vector<1x1x16xf32>,
      %get3A_193 = vector.shape_cast %get3A_192 : vector<1x1x16xf32> to vector<16xf32>
      %add3A_194 = arith.addf %add3A_183, %get3A_193 : vector<16xf32>
      %swap3A_195 = arith.index_cast %scan3A_95 : i32 to index
      %swap3A_196 = arith.constant 32 : index
      %swap3A_197 = tpu.vector_load %arg7[%swap3A_195, %swap3A_196] {strides = array<i32>} : memref<32x512xf32, #tpu.memory_space<vmem>>, vector<1x16xf32>,
      %swap3A_198 = vector.shape_cast %swap3A_197 : vector<1x16xf32> to vector<16xf32>
      %swap3A_199 = vector.shape_cast %add3A_194 : vector<16xf32> to vector<1x16xf32>
      tpu.vector_store %arg7[%swap3A_195, %swap3A_196], %swap3A_199 {strides = array<i32>} : memref<32x512xf32, #tpu.memory_space<vmem>>, vector<1x16xf32>,
      %mul3A_200 = arith.constant 3 : i32
      %mul3A_201 = arith.muli %mul3A_200, %scan3A_95 : i32
      %get3A_202 = arith.constant 1 : i32
      %get3A_203 = arith.index_cast %get3A_202 : i32 to index
      %get3A_204 = arith.index_cast %mul3A_201 : i32 to index
      %get3A_205 = arith.constant 48 : index
      %get3A_206 = tpu.vector_load %arg6[%get3A_203, %get3A_204, %get3A_205] {strides = array<i32>} : memref<2x96x512xf32, #tpu.memory_space<vmem>>, vector<1x1x16xf32>,
      %get3A_207 = vector.shape_cast %get3A_206 : vector<1x1x16xf32> to vector<16xf32>
      %mul3A_208 = arith.constant 3 : i32
      %mul3A_209 = arith.muli %mul3A_208, %scan3A_95 : i32
      %add3A_210 = arith.constant 1 : i32
      %add3A_211 = arith.addi %mul3A_209, %add3A_210 : i32
      %get3A_212 = arith.constant 1 : i32
      %get3A_213 = arith.index_cast %get3A_212 : i32 to index
      %get3A_214 = arith.index_cast %add3A_211 : i32 to index
      %get3A_215 = arith.constant 48 : index
      %get3A_216 = tpu.vector_load %arg6[%get3A_213, %get3A_214, %get3A_215] {strides = array<i32>} : memref<2x96x512xf32, #tpu.memory_space<vmem>>, vector<1x1x16xf32>,
      %get3A_217 = vector.shape_cast %get3A_216 : vector<1x1x16xf32> to vector<16xf32>
      %add3A_218 = arith.addf %get3A_207, %get3A_217 : vector<16xf32>
      %mul3A_219 = arith.constant 3 : i32
      %mul3A_220 = arith.muli %mul3A_219, %scan3A_95 : i32
      %add3A_221 = arith.constant 2 : i32
      %add3A_222 = arith.addi %mul3A_220, %add3A_221 : i32
      %get3A_223 = arith.constant 1 : i32
      %get3A_224 = arith.index_cast %get3A_223 : i32 to index
      %get3A_225 = arith.index_cast %add3A_222 : i32 to index
      %get3A_226 = arith.constant 48 : index
      %get3A_227 = tpu.vector_load %arg6[%get3A_224, %get3A_225, %get3A_226] {strides = array<i32>} : memref<2x96x512xf32, #tpu.memory_space<vmem>>, vector<1x1x16xf32>,
      %get3A_228 = vector.shape_cast %get3A_227 : vector<1x1x16xf32> to vector<16xf32>
      %add3A_229 = arith.addf %add3A_218, %get3A_228 : vector<16xf32>
      %swap3A_230 = arith.index_cast %scan3A_95 : i32 to index
      %swap3A_231 = arith.constant 48 : index
      %swap3A_232 = tpu.vector_load %arg7[%swap3A_230, %swap3A_231] {strides = array<i32>} : memref<32x512xf32, #tpu.memory_space<vmem>>, vector<1x16xf32>,
      %swap3A_233 = vector.shape_cast %swap3A_232 : vector<1x16xf32> to vector<16xf32>
      %swap3A_234 = vector.shape_cast %add3A_229 : vector<16xf32> to vector<1x16xf32>
      tpu.vector_store %arg7[%swap3A_230, %swap3A_231], %swap3A_234 {strides = array<i32>} : memref<32x512xf32, #tpu.memory_space<vmem>>, vector<1x16xf32>,
      %mul3A_235 = arith.constant 3 : i32
      %mul3A_236 = arith.muli %mul3A_235, %scan3A_95 : i32
      %get3A_237 = arith.constant 1 : i32
      %get3A_238 = arith.index_cast %get3A_237 : i32 to index
      %get3A_239 = arith.index_cast %mul3A_236 : i32 to index
      %get3A_240 = arith.constant 64 : index
      %get3A_241 = tpu.vector_load %arg6[%get3A_238, %get3A_239, %get3A_240] {strides = array<i32>} : memref<2x96x512xf32, #tpu.memory_space<vmem>>, vector<1x1x16xf32>,
      %get3A_242 = vector.shape_cast %get3A_241 : vector<1x1x16xf32> to vector<16xf32>
      %mul3A_243 = arith.constant 3 : i32
      %mul3A_244 = arith.muli %mul3A_243, %scan3A_95 : i32
      %add3A_245 = arith.constant 1 : i32
      %add3A_246 = arith.addi %mul3A_244, %add3A_245 : i32
      %get3A_247 = arith.constant 1 : i32
      %get3A_248 = arith.index_cast %get3A_247 : i32 to index
      %get3A_249 = arith.index_cast %add3A_246 : i32 to index
      %get3A_250 = arith.constant 64 : index
      %get3A_251 = tpu.vector_load %arg6[%get3A_248, %get3A_249, %get3A_250] {strides = array<i32>} : memref<2x96x512xf32, #tpu.memory_space<vmem>>, vector<1x1x16xf32>,
      %get3A_252 = vector.shape_cast %get3A_251 : vector<1x1x16xf32> to vector<16xf32>
      %add3A_253 = arith.addf %get3A_242, %get3A_252 : vector<16xf32>
      %mul3A_254 = arith.constant 3 : i32
      %mul3A_255 = arith.muli %mul3A_254, %scan3A_95 : i32
      %add3A_256 = arith.constant 2 : i32
      %add3A_257 = arith.addi %mul3A_255, %add3A_256 : i32
      %get3A_258 = arith.constant 1 : i32
      %get3A_259 = arith.index_cast %get3A_258 : i32 to index
      %get3A_260 = arith.index_cast %add3A_257 : i32 to index
      %get3A_261 = arith.constant 64 : index
      %get3A_262 = tpu.vector_load %arg6[%get3A_259, %get3A_260, %get3A_261] {strides = array<i32>} : memref<2x96x512xf32, #tpu.memory_space<vmem>>, vector<1x1x16xf32>,
      %get3A_263 = vector.shape_cast %get3A_262 : vector<1x1x16xf32> to vector<16xf32>
      %add3A_264 = arith.addf %add3A_253, %get3A_263 : vector<16xf32>
      %swap3A_265 = arith.index_cast %scan3A_95 : i32 to index
      %swap3A_266 = arith.constant 64 : index
      %swap3A_267 = tpu.vector_load %arg7[%swap3A_265, %swap3A_266] {strides = array<i32>} : memref<32x512xf32, #tpu.memory_space<vmem>>, vector<1x16xf32>,
      %swap3A_268 = vector.shape_cast %swap3A_267 : vector<1x16xf32> to vector<16xf32>
      %swap3A_269 = vector.shape_cast %add3A_264 : vector<16xf32> to vector<1x16xf32>
      tpu.vector_store %arg7[%swap3A_265, %swap3A_266], %swap3A_269 {strides = array<i32>} : memref<32x512xf32, #tpu.memory_space<vmem>>, vector<1x16xf32>,
      %mul3A_270 = arith.constant 3 : i32
      %mul3A_271 = arith.muli %mul3A_270, %scan3A_95 : i32
      %get3A_272 = arith.constant 1 : i32
      %get3A_273 = arith.index_cast %get3A_272 : i32 to index
      %get3A_274 = arith.index_cast %mul3A_271 : i32 to index
      %get3A_275 = arith.constant 80 : index
      %get3A_276 = tpu.vector_load %arg6[%get3A_273, %get3A_274, %get3A_275] {strides = array<i32>} : memref<2x96x512xf32, #tpu.memory_space<vmem>>, vector<1x1x16xf32>,
      %get3A_277 = vector.shape_cast %get3A_276 : vector<1x1x16xf32> to vector<16xf32>
      %mul3A_278 = arith.constant 3 : i32
      %mul3A_279 = arith.muli %mul3A_278, %scan3A_95 : i32
      %add3A_280 = arith.constant 1 : i32
      %add3A_281 = arith.addi %mul3A_279, %add3A_280 : i32
      %get3A_282 = arith.constant 1 : i32
      %get3A_283 = arith.index_cast %get3A_282 : i32 to index
      %get3A_284 = arith.index_cast %add3A_281 : i32 to index
      %get3A_285 = arith.constant 80 : index
      %get3A_286 = tpu.vector_load %arg6[%get3A_283, %get3A_284, %get3A_285] {strides = array<i32>} : memref<2x96x512xf32, #tpu.memory_space<vmem>>, vector<1x1x16xf32>,
      %get3A_287 = vector.shape_cast %get3A_286 : vector<1x1x16xf32> to vector<16xf32>
      %add3A_288 = arith.addf %get3A_277, %get3A_287 : vector<16xf32>
      %mul3A_289 = arith.constant 3 : i32
      %mul3A_290 = arith.muli %mul3A_289, %scan3A_95 : i32
      %add3A_291 = arith.constant 2 : i32
      %add3A_292 = arith.addi %mul3A_290, %add3A_291 : i32
      %get3A_293 = arith.constant 1 : i32
      %get3A_294 = arith.index_cast %get3A_293 : i32 to index
      %get3A_295 = arith.index_cast %add3A_292 : i32 to index
      %get3A_296 = arith.constant 80 : index
      %get3A_297 = tpu.vector_load %arg6[%get3A_294, %get3A_295, %get3A_296] {strides = array<i32>} : memref<2x96x512xf32, #tpu.memory_space<vmem>>, vector<1x1x16xf32>,
      %get3A_298 = vector.shape_cast %get3A_297 : vector<1x1x16xf32> to vector<16xf32>
      %add3A_299 = arith.addf %add3A_288, %get3A_298 : vector<16xf32>
      %swap3A_300 = arith.index_cast %scan3A_95 : i32 to index
      %swap3A_301 = arith.constant 80 : index
      %swap3A_302 = tpu.vector_load %arg7[%swap3A_300, %swap3A_301] {strides = array<i32>} : memref<32x512xf32, #tpu.memory_space<vmem>>, vector<1x16xf32>,
      %swap3A_303 = vector.shape_cast %swap3A_302 : vector<1x16xf32> to vector<16xf32>
      %swap3A_304 = vector.shape_cast %add3A_299 : vector<16xf32> to vector<1x16xf32>
      tpu.vector_store %arg7[%swap3A_300, %swap3A_301], %swap3A_304 {strides = array<i32>} : memref<32x512xf32, #tpu.memory_space<vmem>>, vector<1x16xf32>,
      %mul3A_305 = arith.constant 3 : i32
      %mul3A_306 = arith.muli %mul3A_305, %scan3A_95 : i32
      %get3A_307 = arith.constant 1 : i32
      %get3A_308 = arith.index_cast %get3A_307 : i32 to index
      %get3A_309 = arith.index_cast %mul3A_306 : i32 to index
      %get3A_310 = arith.constant 96 : index
      %get3A_311 = tpu.vector_load %arg6[%get3A_308, %get3A_309, %get3A_310] {strides = array<i32>} : memref<2x96x512xf32, #tpu.memory_space<vmem>>, vector<1x1x16xf32>,
      %get3A_312 = vector.shape_cast %get3A_311 : vector<1x1x16xf32> to vector<16xf32>
      %mul3A_313 = arith.constant 3 : i32
      %mul3A_314 = arith.muli %mul3A_313, %scan3A_95 : i32
      %add3A_315 = arith.constant 1 : i32
      %add3A_316 = arith.addi %mul3A_314, %add3A_315 : i32
      %get3A_317 = arith.constant 1 : i32
      %get3A_318 = arith.index_cast %get3A_317 : i32 to index
      %get3A_319 = arith.index_cast %add3A_316 : i32 to index
      %get3A_320 = arith.constant 96 : index
      %get3A_321 = tpu.vector_load %arg6[%get3A_318, %get3A_319, %get3A_320] {strides = array<i32>} : memref<2x96x512xf32, #tpu.memory_space<vmem>>, vector<1x1x16xf32>,
      %get3A_322 = vector.shape_cast %get3A_321 : vector<1x1x16xf32> to vector<16xf32>
      %add3A_323 = arith.addf %get3A_312, %get3A_322 : vector<16xf32>
      %mul3A_324 = arith.constant 3 : i32
      %mul3A_325 = arith.muli %mul3A_324, %scan3A_95 : i32
      %add3A_326 = arith.constant 2 : i32
      %add3A_327 = arith.addi %mul3A_325, %add3A_326 : i32
      %get3A_328 = arith.constant 1 : i32
      %get3A_329 = arith.index_cast %get3A_328 : i32 to index
      %get3A_330 = arith.index_cast %add3A_327 : i32 to index
      %get3A_331 = arith.constant 96 : index
      %get3A_332 = tpu.vector_load %arg6[%get3A_329, %get3A_330, %get3A_331] {strides = array<i32>} : memref<2x96x512xf32, #tpu.memory_space<vmem>>, vector<1x1x16xf32>,
      %get3A_333 = vector.shape_cast %get3A_332 : vector<1x1x16xf32> to vector<16xf32>
      %add3A_334 = arith.addf %add3A_323, %get3A_333 : vector<16xf32>
      %swap3A_335 = arith.index_cast %scan3A_95 : i32 to index
      %swap3A_336 = arith.constant 96 : index
      %swap3A_337 = tpu.vector_load %arg7[%swap3A_335, %swap3A_336] {strides = array<i32>} : memref<32x512xf32, #tpu.memory_space<vmem>>, vector<1x16xf32>,
      %swap3A_338 = vector.shape_cast %swap3A_337 : vector<1x16xf32> to vector<16xf32>
      %swap3A_339 = vector.shape_cast %add3A_334 : vector<16xf32> to vector<1x16xf32>
      tpu.vector_store %arg7[%swap3A_335, %swap3A_336], %swap3A_339 {strides = array<i32>} : memref<32x512xf32, #tpu.memory_space<vmem>>, vector<1x16xf32>,
      %mul3A_340 = arith.constant 3 : i32
      %mul3A_341 = arith.muli %mul3A_340, %scan3A_95 : i32
      %get3A_342 = arith.constant 1 : i32
      %get3A_343 = arith.index_cast %get3A_342 : i32 to index
      %get3A_344 = arith.index_cast %mul3A_341 : i32 to index
      %get3A_345 = arith.constant 112 : index
      %get3A_346 = tpu.vector_load %arg6[%get3A_343, %get3A_344, %get3A_345] {strides = array<i32>} : memref<2x96x512xf32, #tpu.memory_space<vmem>>, vector<1x1x16xf32>,
      %get3A_347 = vector.shape_cast %get3A_346 : vector<1x1x16xf32> to vector<16xf32>
      %mul3A_348 = arith.constant 3 : i32
      %mul3A_349 = arith.muli %mul3A_348, %scan3A_95 : i32
      %add3A_350 = arith.constant 1 : i32
      %add3A_351 = arith.addi %mul3A_349, %add3A_350 : i32
      %get3A_352 = arith.constant 1 : i32
      %get3A_353 = arith.index_cast %get3A_352 : i32 to index
      %get3A_354 = arith.index_cast %add3A_351 : i32 to index
      %get3A_355 = arith.constant 112 : index
      %get3A_356 = tpu.vector_load %arg6[%get3A_353, %get3A_354, %get3A_355] {strides = array<i32>} : memref<2x96x512xf32, #tpu.memory_space<vmem>>, vector<1x1x16xf32>,
      %get3A_357 = vector.shape_cast %get3A_356 : vector<1x1x16xf32> to vector<16xf32>
      %add3A_358 = arith.addf %get3A_347, %get3A_357 : vector<16xf32>
      %mul3A_359 = arith.constant 3 : i32
      %mul3A_360 = arith.muli %mul3A_359, %scan3A_95 : i32
      %add3A_361 = arith.constant 2 : i32
      %add3A_362 = arith.addi %mul3A_360, %add3A_361 : i32
      %get3A_363 = arith.constant 1 : i32
      %get3A_364 = arith.index_cast %get3A_363 : i32 to index
      %get3A_365 = arith.index_cast %add3A_362 : i32 to index
      %get3A_366 = arith.constant 112 : index
      %get3A_367 = tpu.vector_load %arg6[%get3A_364, %get3A_365, %get3A_366] {strides = array<i32>} : memref<2x96x512xf32, #tpu.memory_space<vmem>>, vector<1x1x16xf32>,
      %get3A_368 = vector.shape_cast %get3A_367 : vector<1x1x16xf32> to vector<16xf32>
      %add3A_369 = arith.addf %add3A_358, %get3A_368 : vector<16xf32>
      %swap3A_370 = arith.index_cast %scan3A_95 : i32 to index
      %swap3A_371 = arith.constant 112 : index
      %swap3A_372 = tpu.vector_load %arg7[%swap3A_370, %swap3A_371] {strides = array<i32>} : memref<32x512xf32, #tpu.memory_space<vmem>>, vector<1x16xf32>,
      %swap3A_373 = vector.shape_cast %swap3A_372 : vector<1x16xf32> to vector<16xf32>
      %swap3A_374 = vector.shape_cast %add3A_369 : vector<16xf32> to vector<1x16xf32>
      tpu.vector_store %arg7[%swap3A_370, %swap3A_371], %swap3A_374 {strides = array<i32>} : memref<32x512xf32, #tpu.memory_space<vmem>>, vector<1x16xf32>,
      %mul3A_375 = arith.constant 3 : i32
      %mul3A_376 = arith.muli %mul3A_375, %scan3A_95 : i32
      %get3A_377 = arith.constant 1 : i32
      %get3A_378 = arith.index_cast %get3A_377 : i32 to index
      %get3A_379 = arith.index_cast %mul3A_376 : i32 to index
      %get3A_380 = arith.constant 128 : index
      %get3A_381 = tpu.vector_load %arg6[%get3A_378, %get3A_379, %get3A_380] {strides = array<i32>} : memref<2x96x512xf32, #tpu.memory_space<vmem>>, vector<1x1x16xf32>,
      %get3A_382 = vector.shape_cast %get3A_381 : vector<1x1x16xf32> to vector<16xf32>
      %mul3A_383 = arith.constant 3 : i32
      %mul3A_384 = arith.muli %mul3A_383, %scan3A_95 : i32
      %add3A_385 = arith.constant 1 : i32
      %add3A_386 = arith.addi %mul3A_384, %add3A_385 : i32
      %get3A_387 = arith.constant 1 : i32
      %get3A_388 = arith.index_cast %get3A_387 : i32 to index
      %get3A_389 = arith.index_cast %add3A_386 : i32 to index
      %get3A_390 = arith.constant 128 : index
      %get3A_391 = tpu.vector_load %arg6[%get3A_388, %get3A_389, %get3A_390] {strides = array<i32>} : memref<2x96x512xf32, #tpu.memory_space<vmem>>, vector<1x1x16xf32>,
      %get3A_392 = vector.shape_cast %get3A_391 : vector<1x1x16xf32> to vector<16xf32>
      %add3A_393 = arith.addf %get3A_382, %get3A_392 : vector<16xf32>
      %mul3A_394 = arith.constant 3 : i32
      %mul3A_395 = arith.muli %mul3A_394, %scan3A_95 : i32
      %add3A_396 = arith.constant 2 : i32
      %add3A_397 = arith.addi %mul3A_395, %add3A_396 : i32
      %get3A_398 = arith.constant 1 : i32
      %get3A_399 = arith.index_cast %get3A_398 : i32 to index
      %get3A_400 = arith.index_cast %add3A_397 : i32 to index
      %get3A_401 = arith.constant 128 : index
      %get3A_402 = tpu.vector_load %arg6[%get3A_399, %get3A_400, %get3A_401] {strides = array<i32>} : memref<2x96x512xf32, #tpu.memory_space<vmem>>, vector<1x1x16xf32>,
      %get3A_403 = vector.shape_cast %get3A_402 : vector<1x1x16xf32> to vector<16xf32>
      %add3A_404 = arith.addf %add3A_393, %get3A_403 : vector<16xf32>
      %swap3A_405 = arith.index_cast %scan3A_95 : i32 to index
      %swap3A_406 = arith.constant 128 : index
      %swap3A_407 = tpu.vector_load %arg7[%swap3A_405, %swap3A_406] {strides = array<i32>} : memref<32x512xf32, #tpu.memory_space<vmem>>, vector<1x16xf32>,
      %swap3A_408 = vector.shape_cast %swap3A_407 : vector<1x16xf32> to vector<16xf32>
      %swap3A_409 = vector.shape_cast %add3A_404 : vector<16xf32> to vector<1x16xf32>
      tpu.vector_store %arg7[%swap3A_405, %swap3A_406], %swap3A_409 {strides = array<i32>} : memref<32x512xf32, #tpu.memory_space<vmem>>, vector<1x16xf32>,
      %mul3A_410 = arith.constant 3 : i32
      %mul3A_411 = arith.muli %mul3A_410, %scan3A_95 : i32
      %get3A_412 = arith.constant 1 : i32
      %get3A_413 = arith.index_cast %get3A_412 : i32 to index
      %get3A_414 = arith.index_cast %mul3A_411 : i32 to index
      %get3A_415 = arith.constant 144 : index
      %get3A_416 = tpu.vector_load %arg6[%get3A_413, %get3A_414, %get3A_415] {strides = array<i32>} : memref<2x96x512xf32, #tpu.memory_space<vmem>>, vector<1x1x16xf32>,
      %get3A_417 = vector.shape_cast %get3A_416 : vector<1x1x16xf32> to vector<16xf32>
      %mul3A_418 = arith.constant 3 : i32
      %mul3A_419 = arith.muli %mul3A_418, %scan3A_95 : i32
      %add3A_420 = arith.constant 1 : i32
      %add3A_421 = arith.addi %mul3A_419, %add3A_420 : i32
      %get3A_422 = arith.constant 1 : i32
      %get3A_423 = arith.index_cast %get3A_422 : i32 to index
      %get3A_424 = arith.index_cast %add3A_421 : i32 to index
      %get3A_425 = arith.constant 144 : index
      %get3A_426 = tpu.vector_load %arg6[%get3A_423, %get3A_424, %get3A_425] {strides = array<i32>} : memref<2x96x512xf32, #tpu.memory_space<vmem>>, vector<1x1x16xf32>,
      %get3A_427 = vector.shape_cast %get3A_426 : vector<1x1x16xf32> to vector<16xf32>
      %add3A_428 = arith.addf %get3A_417, %get3A_427 : vector<16xf32>
      %mul3A_429 = arith.constant 3 : i32
      %mul3A_430 = arith.muli %mul3A_429, %scan3A_95 : i32
      %add3A_431 = arith.constant 2 : i32
      %add3A_432 = arith.addi %mul3A_430, %add3A_431 : i32
      %get3A_433 = arith.constant 1 : i32
      %get3A_434 = arith.index_cast %get3A_433 : i32 to index
      %get3A_435 = arith.index_cast %add3A_432 : i32 to index
      %get3A_436 = arith.constant 144 : index
      %get3A_437 = tpu.vector_load %arg6[%get3A_434, %get3A_435, %get3A_436] {strides = array<i32>} : memref<2x96x512xf32, #tpu.memory_space<vmem>>, vector<1x1x16xf32>,
      %get3A_438 = vector.shape_cast %get3A_437 : vector<1x1x16xf32> to vector<16xf32>
      %add3A_439 = arith.addf %add3A_428, %get3A_438 : vector<16xf32>
      %swap3A_440 = arith.index_cast %scan3A_95 : i32 to index
      %swap3A_441 = arith.constant 144 : index
      %swap3A_442 = tpu.vector_load %arg7[%swap3A_440, %swap3A_441] {strides = array<i32>} : memref<32x512xf32, #tpu.memory_space<vmem>>, vector<1x16xf32>,
      %swap3A_443 = vector.shape_cast %swap3A_442 : vector<1x16xf32> to vector<16xf32>
      %swap3A_444 = vector.shape_cast %add3A_439 : vector<16xf32> to vector<1x16xf32>
      tpu.vector_store %arg7[%swap3A_440, %swap3A_441], %swap3A_444 {strides = array<i32>} : memref<32x512xf32, #tpu.memory_space<vmem>>, vector<1x16xf32>,
      %mul3A_445 = arith.constant 3 : i32
      %mul3A_446 = arith.muli %mul3A_445, %scan3A_95 : i32
      %get3A_447 = arith.constant 1 : i32
      %get3A_448 = arith.index_cast %get3A_447 : i32 to index
      %get3A_449 = arith.index_cast %mul3A_446 : i32 to index
      %get3A_450 = arith.constant 160 : index
      %get3A_451 = tpu.vector_load %arg6[%get3A_448, %get3A_449, %get3A_450] {strides = array<i32>} : memref<2x96x512xf32, #tpu.memory_space<vmem>>, vector<1x1x16xf32>,
      %get3A_452 = vector.shape_cast %get3A_451 : vector<1x1x16xf32> to vector<16xf32>
      %mul3A_453 = arith.constant 3 : i32
      %mul3A_454 = arith.muli %mul3A_453, %scan3A_95 : i32
      %add3A_455 = arith.constant 1 : i32
      %add3A_456 = arith.addi %mul3A_454, %add3A_455 : i32
      %get3A_457 = arith.constant 1 : i32
      %get3A_458 = arith.index_cast %get3A_457 : i32 to index
      %get3A_459 = arith.index_cast %add3A_456 : i32 to index
      %get3A_460 = arith.constant 160 : index
      %get3A_461 = tpu.vector_load %arg6[%get3A_458, %get3A_459, %get3A_460] {strides = array<i32>} : memref<2x96x512xf32, #tpu.memory_space<vmem>>, vector<1x1x16xf32>,
      %get3A_462 = vector.shape_cast %get3A_461 : vector<1x1x16xf32> to vector<16xf32>
      %add3A_463 = arith.addf %get3A_452, %get3A_462 : vector<16xf32>
      %mul3A_464 = arith.constant 3 : i32
      %mul3A_465 = arith.muli %mul3A_464, %scan3A_95 : i32
      %add3A_466 = arith.constant 2 : i32
      %add3A_467 = arith.addi %mul3A_465, %add3A_466 : i32
      %get3A_468 = arith.constant 1 : i32
      %get3A_469 = arith.index_cast %get3A_468 : i32 to index
      %get3A_470 = arith.index_cast %add3A_467 : i32 to index
      %get3A_471 = arith.constant 160 : index
      %get3A_472 = tpu.vector_load %arg6[%get3A_469, %get3A_470, %get3A_471] {strides = array<i32>} : memref<2x96x512xf32, #tpu.memory_space<vmem>>, vector<1x1x16xf32>,
      %get3A_473 = vector.shape_cast %get3A_472 : vector<1x1x16xf32> to vector<16xf32>
      %add3A_474 = arith.addf %add3A_463, %get3A_473 : vector<16xf32>
      %swap3A_475 = arith.index_cast %scan3A_95 : i32 to index
      %swap3A_476 = arith.constant 160 : index
      %swap3A_477 = tpu.vector_load %arg7[%swap3A_475, %swap3A_476] {strides = array<i32>} : memref<32x512xf32, #tpu.memory_space<vmem>>, vector<1x16xf32>,
      %swap3A_478 = vector.shape_cast %swap3A_477 : vector<1x16xf32> to vector<16xf32>
      %swap3A_479 = vector.shape_cast %add3A_474 : vector<16xf32> to vector<1x16xf32>
      tpu.vector_store %arg7[%swap3A_475, %swap3A_476], %swap3A_479 {strides = array<i32>} : memref<32x512xf32, #tpu.memory_space<vmem>>, vector<1x16xf32>,
      %mul3A_480 = arith.constant 3 : i32
      %mul3A_481 = arith.muli %mul3A_480, %scan3A_95 : i32
      %get3A_482 = arith.constant 1 : i32
      %get3A_483 = arith.index_cast %get3A_482 : i32 to index
      %get3A_484 = arith.index_cast %mul3A_481 : i32 to index
      %get3A_485 = arith.constant 176 : index
      %get3A_486 = tpu.vector_load %arg6[%get3A_483, %get3A_484, %get3A_485] {strides = array<i32>} : memref<2x96x512xf32, #tpu.memory_space<vmem>>, vector<1x1x16xf32>,
      %get3A_487 = vector.shape_cast %get3A_486 : vector<1x1x16xf32> to vector<16xf32>
      %mul3A_488 = arith.constant 3 : i32
      %mul3A_489 = arith.muli %mul3A_488, %scan3A_95 : i32
      %add3A_490 = arith.constant 1 : i32
      %add3A_491 = arith.addi %mul3A_489, %add3A_490 : i32
      %get3A_492 = arith.constant 1 : i32
      %get3A_493 = arith.index_cast %get3A_492 : i32 to index
      %get3A_494 = arith.index_cast %add3A_491 : i32 to index
      %get3A_495 = arith.constant 176 : index
      %get3A_496 = tpu.vector_load %arg6[%get3A_493, %get3A_494, %get3A_495] {strides = array<i32>} : memref<2x96x512xf32, #tpu.memory_space<vmem>>, vector<1x1x16xf32>,
      %get3A_497 = vector.shape_cast %get3A_496 : vector<1x1x16xf32> to vector<16xf32>
      %add3A_498 = arith.addf %get3A_487, %get3A_497 : vector<16xf32>
      %mul3A_499 = arith.constant 3 : i32
      %mul3A_500 = arith.muli %mul3A_499, %scan3A_95 : i32
      %add3A_501 = arith.constant 2 : i32
      %add3A_502 = arith.addi %mul3A_500, %add3A_501 : i32
      %get3A_503 = arith.constant 1 : i32
      %get3A_504 = arith.index_cast %get3A_503 : i32 to index
      %get3A_505 = arith.index_cast %add3A_502 : i32 to index
      %get3A_506 = arith.constant 176 : index
      %get3A_507 = tpu.vector_load %arg6[%get3A_504, %get3A_505, %get3A_506] {strides = array<i32>} : memref<2x96x512xf32, #tpu.memory_space<vmem>>, vector<1x1x16xf32>,
      %get3A_508 = vector.shape_cast %get3A_507 : vector<1x1x16xf32> to vector<16xf32>
      %add3A_509 = arith.addf %add3A_498, %get3A_508 : vector<16xf32>
      %swap3A_510 = arith.index_cast %scan3A_95 : i32 to index
      %swap3A_511 = arith.constant 176 : index
      %swap3A_512 = tpu.vector_load %arg7[%swap3A_510, %swap3A_511] {strides = array<i32>} : memref<32x512xf32, #tpu.memory_space<vmem>>, vector<1x16xf32>,
      %swap3A_513 = vector.shape_cast %swap3A_512 : vector<1x16xf32> to vector<16xf32>
      %swap3A_514 = vector.shape_cast %add3A_509 : vector<16xf32> to vector<1x16xf32>
      tpu.vector_store %arg7[%swap3A_510, %swap3A_511], %swap3A_514 {strides = array<i32>} : memref<32x512xf32, #tpu.memory_space<vmem>>, vector<1x16xf32>,
      %mul3A_515 = arith.constant 3 : i32
      %mul3A_516 = arith.muli %mul3A_515, %scan3A_95 : i32
      %get3A_517 = arith.constant 1 : i32
      %get3A_518 = arith.index_cast %get3A_517 : i32 to index
      %get3A_519 = arith.index_cast %mul3A_516 : i32 to index
      %get3A_520 = arith.constant 192 : index
      %get3A_521 = tpu.vector_load %arg6[%get3A_518, %get3A_519, %get3A_520] {strides = array<i32>} : memref<2x96x512xf32, #tpu.memory_space<vmem>>, vector<1x1x16xf32>,
      %get3A_522 = vector.shape_cast %get3A_521 : vector<1x1x16xf32> to vector<16xf32>
      %mul3A_523 = arith.constant 3 : i32
      %mul3A_524 = arith.muli %mul3A_523, %scan3A_95 : i32
      %add3A_525 = arith.constant 1 : i32
      %add3A_526 = arith.addi %mul3A_524, %add3A_525 : i32
      %get3A_527 = arith.constant 1 : i32
      %get3A_528 = arith.index_cast %get3A_527 : i32 to index
      %get3A_529 = arith.index_cast %add3A_526 : i32 to index
      %get3A_530 = arith.constant 192 : index
      %get3A_531 = tpu.vector_load %arg6[%get3A_528, %get3A_529, %get3A_530] {strides = array<i32>} : memref<2x96x512xf32, #tpu.memory_space<vmem>>, vector<1x1x16xf32>,
      %get3A_532 = vector.shape_cast %get3A_531 : vector<1x1x16xf32> to vector<16xf32>
      %add3A_533 = arith.addf %get3A_522, %get3A_532 : vector<16xf32>
      %mul3A_534 = arith.constant 3 : i32
      %mul3A_535 = arith.muli %mul3A_534, %scan3A_95 : i32
      %add3A_536 = arith.constant 2 : i32
      %add3A_537 = arith.addi %mul3A_535, %add3A_536 : i32
      %get3A_538 = arith.constant 1 : i32
      %get3A_539 = arith.index_cast %get3A_538 : i32 to index
      %get3A_540 = arith.index_cast %add3A_537 : i32 to index
      %get3A_541 = arith.constant 192 : index
      %get3A_542 = tpu.vector_load %arg6[%get3A_539, %get3A_540, %get3A_541] {strides = array<i32>} : memref<2x96x512xf32, #tpu.memory_space<vmem>>, vector<1x1x16xf32>,
      %get3A_543 = vector.shape_cast %get3A_542 : vector<1x1x16xf32> to vector<16xf32>
      %add3A_544 = arith.addf %add3A_533, %get3A_543 : vector<16xf32>
      %swap3A_545 = arith.index_cast %scan3A_95 : i32 to index
      %swap3A_546 = arith.constant 192 : index
      %swap3A_547 = tpu.vector_load %arg7[%swap3A_545, %swap3A_546] {strides = array<i32>} : memref<32x512xf32, #tpu.memory_space<vmem>>, vector<1x16xf32>,
      %swap3A_548 = vector.shape_cast %swap3A_547 : vector<1x16xf32> to vector<16xf32>
      %swap3A_549 = vector.shape_cast %add3A_544 : vector<16xf32> to vector<1x16xf32>
      tpu.vector_store %arg7[%swap3A_545, %swap3A_546], %swap3A_549 {strides = array<i32>} : memref<32x512xf32, #tpu.memory_space<vmem>>, vector<1x16xf32>,
      %mul3A_550 = arith.constant 3 : i32
      %mul3A_551 = arith.muli %mul3A_550, %scan3A_95 : i32
      %get3A_552 = arith.constant 1 : i32
      %get3A_553 = arith.index_cast %get3A_552 : i32 to index
      %get3A_554 = arith.index_cast %mul3A_551 : i32 to index
      %get3A_555 = arith.constant 208 : index
      %get3A_556 = tpu.vector_load %arg6[%get3A_553, %get3A_554, %get3A_555] {strides = array<i32>} : memref<2x96x512xf32, #tpu.memory_space<vmem>>, vector<1x1x16xf32>,
      %get3A_557 = vector.shape_cast %get3A_556 : vector<1x1x16xf32> to vector<16xf32>
      %mul3A_558 = arith.constant 3 : i32
      %mul3A_559 = arith.muli %mul3A_558, %scan3A_95 : i32
      %add3A_560 = arith.constant 1 : i32
      %add3A_561 = arith.addi %mul3A_559, %add3A_560 : i32
      %get3A_562 = arith.constant 1 : i32
      %get3A_563 = arith.index_cast %get3A_562 : i32 to index
      %get3A_564 = arith.index_cast %add3A_561 : i32 to index
      %get3A_565 = arith.constant 208 : index
      %get3A_566 = tpu.vector_load %arg6[%get3A_563, %get3A_564, %get3A_565] {strides = array<i32>} : memref<2x96x512xf32, #tpu.memory_space<vmem>>, vector<1x1x16xf32>,
      %get3A_567 = vector.shape_cast %get3A_566 : vector<1x1x16xf32> to vector<16xf32>
      %add3A_568 = arith.addf %get3A_557, %get3A_567 : vector<16xf32>
      %mul3A_569 = arith.constant 3 : i32
      %mul3A_570 = arith.muli %mul3A_569, %scan3A_95 : i32
      %add3A_571 = arith.constant 2 : i32
      %add3A_572 = arith.addi %mul3A_570, %add3A_571 : i32
      %get3A_573 = arith.constant 1 : i32
      %get3A_574 = arith.index_cast %get3A_573 : i32 to index
      %get3A_575 = arith.index_cast %add3A_572 : i32 to index
      %get3A_576 = arith.constant 208 : index
      %get3A_577 = tpu.vector_load %arg6[%get3A_574, %get3A_575, %get3A_576] {strides = array<i32>} : memref<2x96x512xf32, #tpu.memory_space<vmem>>, vector<1x1x16xf32>,
      %get3A_578 = vector.shape_cast %get3A_577 : vector<1x1x16xf32> to vector<16xf32>
      %add3A_579 = arith.addf %add3A_568, %get3A_578 : vector<16xf32>
      %swap3A_580 = arith.index_cast %scan3A_95 : i32 to index
      %swap3A_581 = arith.constant 208 : index
      %swap3A_582 = tpu.vector_load %arg7[%swap3A_580, %swap3A_581] {strides = array<i32>} : memref<32x512xf32, #tpu.memory_space<vmem>>, vector<1x16xf32>,
      %swap3A_583 = vector.shape_cast %swap3A_582 : vector<1x16xf32> to vector<16xf32>
      %swap3A_584 = vector.shape_cast %add3A_579 : vector<16xf32> to vector<1x16xf32>
      tpu.vector_store %arg7[%swap3A_580, %swap3A_581], %swap3A_584 {strides = array<i32>} : memref<32x512xf32, #tpu.memory_space<vmem>>, vector<1x16xf32>,
      %mul3A_585 = arith.constant 3 : i32
      %mul3A_586 = arith.muli %mul3A_585, %scan3A_95 : i32
      %get3A_587 = arith.constant 1 : i32
      %get3A_588 = arith.index_cast %get3A_587 : i32 to index
      %get3A_589 = arith.index_cast %mul3A_586 : i32 to index
      %get3A_590 = arith.constant 224 : index
      %get3A_591 = tpu.vector_load %arg6[%get3A_588, %get3A_589, %get3A_590] {strides = array<i32>} : memref<2x96x512xf32, #tpu.memory_space<vmem>>, vector<1x1x16xf32>,
      %get3A_592 = vector.shape_cast %get3A_591 : vector<1x1x16xf32> to vector<16xf32>
      %mul3A_593 = arith.constant 3 : i32
      %mul3A_594 = arith.muli %mul3A_593, %scan3A_95 : i32
      %add3A_595 = arith.constant 1 : i32
      %add3A_596 = arith.addi %mul3A_594, %add3A_595 : i32
      %get3A_597 = arith.constant 1 : i32
      %get3A_598 = arith.index_cast %get3A_597 : i32 to index
      %get3A_599 = arith.index_cast %add3A_596 : i32 to index
      %get3A_600 = arith.constant 224 : index
      %get3A_601 = tpu.vector_load %arg6[%get3A_598, %get3A_599, %get3A_600] {strides = array<i32>} : memref<2x96x512xf32, #tpu.memory_space<vmem>>, vector<1x1x16xf32>,
      %get3A_602 = vector.shape_cast %get3A_601 : vector<1x1x16xf32> to vector<16xf32>
      %add3A_603 = arith.addf %get3A_592, %get3A_602 : vector<16xf32>
      %mul3A_604 = arith.constant 3 : i32
      %mul3A_605 = arith.muli %mul3A_604, %scan3A_95 : i32
      %add3A_606 = arith.constant 2 : i32
      %add3A_607 = arith.addi %mul3A_605, %add3A_606 : i32
      %get3A_608 = arith.constant 1 : i32
      %get3A_609 = arith.index_cast %get3A_608 : i32 to index
      %get3A_610 = arith.index_cast %add3A_607 : i32 to index
      %get3A_611 = arith.constant 224 : index
      %get3A_612 = tpu.vector_load %arg6[%get3A_609, %get3A_610, %get3A_611] {strides = array<i32>} : memref<2x96x512xf32, #tpu.memory_space<vmem>>, vector<1x1x16xf32>,
      %get3A_613 = vector.shape_cast %get3A_612 : vector<1x1x16xf32> to vector<16xf32>
      %add3A_614 = arith.addf %add3A_603, %get3A_613 : vector<16xf32>
      %swap3A_615 = arith.index_cast %scan3A_95 : i32 to index
      %swap3A_616 = arith.constant 224 : index
      %swap3A_617 = tpu.vector_load %arg7[%swap3A_615, %swap3A_616] {strides = array<i32>} : memref<32x512xf32, #tpu.memory_space<vmem>>, vector<1x16xf32>,
      %swap3A_618 = vector.shape_cast %swap3A_617 : vector<1x16xf32> to vector<16xf32>
      %swap3A_619 = vector.shape_cast %add3A_614 : vector<16xf32> to vector<1x16xf32>
      tpu.vector_store %arg7[%swap3A_615, %swap3A_616], %swap3A_619 {strides = array<i32>} : memref<32x512xf32, #tpu.memory_space<vmem>>, vector<1x16xf32>,
      %mul3A_620 = arith.constant 3 : i32
      %mul3A_621 = arith.muli %mul3A_620, %scan3A_95 : i32
      %get3A_622 = arith.constant 1 : i32
      %get3A_623 = arith.index_cast %get3A_622 : i32 to index
      %get3A_624 = arith.index_cast %mul3A_621 : i32 to index
      %get3A_625 = arith.constant 240 : index
      %get3A_626 = tpu.vector_load %arg6[%get3A_623, %get3A_624, %get3A_625] {strides = array<i32>} : memref<2x96x512xf32, #tpu.memory_space<vmem>>, vector<1x1x16xf32>,
      %get3A_627 = vector.shape_cast %get3A_626 : vector<1x1x16xf32> to vector<16xf32>
      %mul3A_628 = arith.constant 3 : i32
      %mul3A_629 = arith.muli %mul3A_628, %scan3A_95 : i32
      %add3A_630 = arith.constant 1 : i32
      %add3A_631 = arith.addi %mul3A_629, %add3A_630 : i32
      %get3A_632 = arith.constant 1 : i32
      %get3A_633 = arith.index_cast %get3A_632 : i32 to index
      %get3A_634 = arith.index_cast %add3A_631 : i32 to index
      %get3A_635 = arith.constant 240 : index
      %get3A_636 = tpu.vector_load %arg6[%get3A_633, %get3A_634, %get3A_635] {strides = array<i32>} : memref<2x96x512xf32, #tpu.memory_space<vmem>>, vector<1x1x16xf32>,
      %get3A_637 = vector.shape_cast %get3A_636 : vector<1x1x16xf32> to vector<16xf32>
      %add3A_638 = arith.addf %get3A_627, %get3A_637 : vector<16xf32>
      %mul3A_639 = arith.constant 3 : i32
      %mul3A_640 = arith.muli %mul3A_639, %scan3A_95 : i32
      %add3A_641 = arith.constant 2 : i32
      %add3A_642 = arith.addi %mul3A_640, %add3A_641 : i32
      %get3A_643 = arith.constant 1 : i32
      %get3A_644 = arith.index_cast %get3A_643 : i32 to index
      %get3A_645 = arith.index_cast %add3A_642 : i32 to index
      %get3A_646 = arith.constant 240 : index
      %get3A_647 = tpu.vector_load %arg6[%get3A_644, %get3A_645, %get3A_646] {strides = array<i32>} : memref<2x96x512xf32, #tpu.memory_space<vmem>>, vector<1x1x16xf32>,
      %get3A_648 = vector.shape_cast %get3A_647 : vector<1x1x16xf32> to vector<16xf32>
      %add3A_649 = arith.addf %add3A_638, %get3A_648 : vector<16xf32>
      %swap3A_650 = arith.index_cast %scan3A_95 : i32 to index
      %swap3A_651 = arith.constant 240 : index
      %swap3A_652 = tpu.vector_load %arg7[%swap3A_650, %swap3A_651] {strides = array<i32>} : memref<32x512xf32, #tpu.memory_space<vmem>>, vector<1x16xf32>,
      %swap3A_653 = vector.shape_cast %swap3A_652 : vector<1x16xf32> to vector<16xf32>
      %swap3A_654 = vector.shape_cast %add3A_649 : vector<16xf32> to vector<1x16xf32>
      tpu.vector_store %arg7[%swap3A_650, %swap3A_651], %swap3A_654 {strides = array<i32>} : memref<32x512xf32, #tpu.memory_space<vmem>>, vector<1x16xf32>,
      %mul3A_655 = arith.constant 3 : i32
      %mul3A_656 = arith.muli %mul3A_655, %scan3A_95 : i32
      %get3A_657 = arith.constant 1 : i32
      %get3A_658 = arith.index_cast %get3A_657 : i32 to index
      %get3A_659 = arith.index_cast %mul3A_656 : i32 to index
      %get3A_660 = arith.constant 256 : index
      %get3A_661 = tpu.vector_load %arg6[%get3A_658, %get3A_659, %get3A_660] {strides = array<i32>} : memref<2x96x512xf32, #tpu.memory_space<vmem>>, vector<1x1x16xf32>,
      %get3A_662 = vector.shape_cast %get3A_661 : vector<1x1x16xf32> to vector<16xf32>
      %mul3A_663 = arith.constant 3 : i32
      %mul3A_664 = arith.muli %mul3A_663, %scan3A_95 : i32
      %add3A_665 = arith.constant 1 : i32
      %add3A_666 = arith.addi %mul3A_664, %add3A_665 : i32
      %get3A_667 = arith.constant 1 : i32
      %get3A_668 = arith.index_cast %get3A_667 : i32 to index
      %get3A_669 = arith.index_cast %add3A_666 : i32 to index
      %get3A_670 = arith.constant 256 : index
      %get3A_671 = tpu.vector_load %arg6[%get3A_668, %get3A_669, %get3A_670] {strides = array<i32>} : memref<2x96x512xf32, #tpu.memory_space<vmem>>, vector<1x1x16xf32>,
      %get3A_672 = vector.shape_cast %get3A_671 : vector<1x1x16xf32> to vector<16xf32>
      %add3A_673 = arith.addf %get3A_662, %get3A_672 : vector<16xf32>
      %mul3A_674 = arith.constant 3 : i32
      %mul3A_675 = arith.muli %mul3A_674, %scan3A_95 : i32
      %add3A_676 = arith.constant 2 : i32
      %add3A_677 = arith.addi %mul3A_675, %add3A_676 : i32
      %get3A_678 = arith.constant 1 : i32
      %get3A_679 = arith.index_cast %get3A_678 : i32 to index
      %get3A_680 = arith.index_cast %add3A_677 : i32 to index
      %get3A_681 = arith.constant 256 : index
      %get3A_682 = tpu.vector_load %arg6[%get3A_679, %get3A_680, %get3A_681] {strides = array<i32>} : memref<2x96x512xf32, #tpu.memory_space<vmem>>, vector<1x1x16xf32>,
      %get3A_683 = vector.shape_cast %get3A_682 : vector<1x1x16xf32> to vector<16xf32>
      %add3A_684 = arith.addf %add3A_673, %get3A_683 : vector<16xf32>
      %swap3A_685 = arith.index_cast %scan3A_95 : i32 to index
      %swap3A_686 = arith.constant 256 : index
      %swap3A_687 = tpu.vector_load %arg7[%swap3A_685, %swap3A_686] {strides = array<i32>} : memref<32x512xf32, #tpu.memory_space<vmem>>, vector<1x16xf32>,
      %swap3A_688 = vector.shape_cast %swap3A_687 : vector<1x16xf32> to vector<16xf32>
      %swap3A_689 = vector.shape_cast %add3A_684 : vector<16xf32> to vector<1x16xf32>
      tpu.vector_store %arg7[%swap3A_685, %swap3A_686], %swap3A_689 {strides = array<i32>} : memref<32x512xf32, #tpu.memory_space<vmem>>, vector<1x16xf32>,
      %mul3A_690 = arith.constant 3 : i32
      %mul3A_691 = arith.muli %mul3A_690, %scan3A_95 : i32
      %get3A_692 = arith.constant 1 : i32
      %get3A_693 = arith.index_cast %get3A_692 : i32 to index
      %get3A_694 = arith.index_cast %mul3A_691 : i32 to index
      %get3A_695 = arith.constant 272 : index
      %get3A_696 = tpu.vector_load %arg6[%get3A_693, %get3A_694, %get3A_695] {strides = array<i32>} : memref<2x96x512xf32, #tpu.memory_space<vmem>>, vector<1x1x16xf32>,
      %get3A_697 = vector.shape_cast %get3A_696 : vector<1x1x16xf32> to vector<16xf32>
      %mul3A_698 = arith.constant 3 : i32
      %mul3A_699 = arith.muli %mul3A_698, %scan3A_95 : i32
      %add3A_700 = arith.constant 1 : i32
      %add3A_701 = arith.addi %mul3A_699, %add3A_700 : i32
      %get3A_702 = arith.constant 1 : i32
      %get3A_703 = arith.index_cast %get3A_702 : i32 to index
      %get3A_704 = arith.index_cast %add3A_701 : i32 to index
      %get3A_705 = arith.constant 272 : index
      %get3A_706 = tpu.vector_load %arg6[%get3A_703, %get3A_704, %get3A_705] {strides = array<i32>} : memref<2x96x512xf32, #tpu.memory_space<vmem>>, vector<1x1x16xf32>,
      %get3A_707 = vector.shape_cast %get3A_706 : vector<1x1x16xf32> to vector<16xf32>
      %add3A_708 = arith.addf %get3A_697, %get3A_707 : vector<16xf32>
      %mul3A_709 = arith.constant 3 : i32
      %mul3A_710 = arith.muli %mul3A_709, %scan3A_95 : i32
      %add3A_711 = arith.constant 2 : i32
      %add3A_712 = arith.addi %mul3A_710, %add3A_711 : i32
      %get3A_713 = arith.constant 1 : i32
      %get3A_714 = arith.index_cast %get3A_713 : i32 to index
      %get3A_715 = arith.index_cast %add3A_712 : i32 to index
      %get3A_716 = arith.constant 272 : index
      %get3A_717 = tpu.vector_load %arg6[%get3A_714, %get3A_715, %get3A_716] {strides = array<i32>} : memref<2x96x512xf32, #tpu.memory_space<vmem>>, vector<1x1x16xf32>,
      %get3A_718 = vector.shape_cast %get3A_717 : vector<1x1x16xf32> to vector<16xf32>
      %add3A_719 = arith.addf %add3A_708, %get3A_718 : vector<16xf32>
      %swap3A_720 = arith.index_cast %scan3A_95 : i32 to index
      %swap3A_721 = arith.constant 272 : index
      %swap3A_722 = tpu.vector_load %arg7[%swap3A_720, %swap3A_721] {strides = array<i32>} : memref<32x512xf32, #tpu.memory_space<vmem>>, vector<1x16xf32>,
      %swap3A_723 = vector.shape_cast %swap3A_722 : vector<1x16xf32> to vector<16xf32>
      %swap3A_724 = vector.shape_cast %add3A_719 : vector<16xf32> to vector<1x16xf32>
      tpu.vector_store %arg7[%swap3A_720, %swap3A_721], %swap3A_724 {strides = array<i32>} : memref<32x512xf32, #tpu.memory_space<vmem>>, vector<1x16xf32>,
      %mul3A_725 = arith.constant 3 : i32
      %mul3A_726 = arith.muli %mul3A_725, %scan3A_95 : i32
      %get3A_727 = arith.constant 1 : i32
      %get3A_728 = arith.index_cast %get3A_727 : i32 to index
      %get3A_729 = arith.index_cast %mul3A_726 : i32 to index
      %get3A_730 = arith.constant 288 : index
      %get3A_731 = tpu.vector_load %arg6[%get3A_728, %get3A_729, %get3A_730] {strides = array<i32>} : memref<2x96x512xf32, #tpu.memory_space<vmem>>, vector<1x1x16xf32>,
      %get3A_732 = vector.shape_cast %get3A_731 : vector<1x1x16xf32> to vector<16xf32>
      %mul3A_733 = arith.constant 3 : i32
      %mul3A_734 = arith.muli %mul3A_733, %scan3A_95 : i32
      %add3A_735 = arith.constant 1 : i32
      %add3A_736 = arith.addi %mul3A_734, %add3A_735 : i32
      %get3A_737 = arith.constant 1 : i32
      %get3A_738 = arith.index_cast %get3A_737 : i32 to index
      %get3A_739 = arith.index_cast %add3A_736 : i32 to index
      %get3A_740 = arith.constant 288 : index
      %get3A_741 = tpu.vector_load %arg6[%get3A_738, %get3A_739, %get3A_740] {strides = array<i32>} : memref<2x96x512xf32, #tpu.memory_space<vmem>>, vector<1x1x16xf32>,
      %get3A_742 = vector.shape_cast %get3A_741 : vector<1x1x16xf32> to vector<16xf32>
      %add3A_743 = arith.addf %get3A_732, %get3A_742 : vector<16xf32>
      %mul3A_744 = arith.constant 3 : i32
      %mul3A_745 = arith.muli %mul3A_744, %scan3A_95 : i32
      %add3A_746 = arith.constant 2 : i32
      %add3A_747 = arith.addi %mul3A_745, %add3A_746 : i32
      %get3A_748 = arith.constant 1 : i32
      %get3A_749 = arith.index_cast %get3A_748 : i32 to index
      %get3A_750 = arith.index_cast %add3A_747 : i32 to index
      %get3A_751 = arith.constant 288 : index
      %get3A_752 = tpu.vector_load %arg6[%get3A_749, %get3A_750, %get3A_751] {strides = array<i32>} : memref<2x96x512xf32, #tpu.memory_space<vmem>>, vector<1x1x16xf32>,
      %get3A_753 = vector.shape_cast %get3A_752 : vector<1x1x16xf32> to vector<16xf32>
      %add3A_754 = arith.addf %add3A_743, %get3A_753 : vector<16xf32>
      %swap3A_755 = arith.index_cast %scan3A_95 : i32 to index
      %swap3A_756 = arith.constant 288 : index
      %swap3A_757 = tpu.vector_load %arg7[%swap3A_755, %swap3A_756] {strides = array<i32>} : memref<32x512xf32, #tpu.memory_space<vmem>>, vector<1x16xf32>,
      %swap3A_758 = vector.shape_cast %swap3A_757 : vector<1x16xf32> to vector<16xf32>
      %swap3A_759 = vector.shape_cast %add3A_754 : vector<16xf32> to vector<1x16xf32>
      tpu.vector_store %arg7[%swap3A_755, %swap3A_756], %swap3A_759 {strides = array<i32>} : memref<32x512xf32, #tpu.memory_space<vmem>>, vector<1x16xf32>,
      %mul3A_760 = arith.constant 3 : i32
      %mul3A_761 = arith.muli %mul3A_760, %scan3A_95 : i32
      %get3A_762 = arith.constant 1 : i32
      %get3A_763 = arith.index_cast %get3A_762 : i32 to index
      %get3A_764 = arith.index_cast %mul3A_761 : i32 to index
      %get3A_765 = arith.constant 304 : index
      %get3A_766 = tpu.vector_load %arg6[%get3A_763, %get3A_764, %get3A_765] {strides = array<i32>} : memref<2x96x512xf32, #tpu.memory_space<vmem>>, vector<1x1x16xf32>,
      %get3A_767 = vector.shape_cast %get3A_766 : vector<1x1x16xf32> to vector<16xf32>
      %mul3A_768 = arith.constant 3 : i32
      %mul3A_769 = arith.muli %mul3A_768, %scan3A_95 : i32
      %add3A_770 = arith.constant 1 : i32
      %add3A_771 = arith.addi %mul3A_769, %add3A_770 : i32
      %get3A_772 = arith.constant 1 : i32
      %get3A_773 = arith.index_cast %get3A_772 : i32 to index
      %get3A_774 = arith.index_cast %add3A_771 : i32 to index
      %get3A_775 = arith.constant 304 : index
      %get3A_776 = tpu.vector_load %arg6[%get3A_773, %get3A_774, %get3A_775] {strides = array<i32>} : memref<2x96x512xf32, #tpu.memory_space<vmem>>, vector<1x1x16xf32>,
      %get3A_777 = vector.shape_cast %get3A_776 : vector<1x1x16xf32> to vector<16xf32>
      %add3A_778 = arith.addf %get3A_767, %get3A_777 : vector<16xf32>
      %mul3A_779 = arith.constant 3 : i32
      %mul3A_780 = arith.muli %mul3A_779, %scan3A_95 : i32
      %add3A_781 = arith.constant 2 : i32
      %add3A_782 = arith.addi %mul3A_780, %add3A_781 : i32
      %get3A_783 = arith.constant 1 : i32
      %get3A_784 = arith.index_cast %get3A_783 : i32 to index
      %get3A_785 = arith.index_cast %add3A_782 : i32 to index
      %get3A_786 = arith.constant 304 : index
      %get3A_787 = tpu.vector_load %arg6[%get3A_784, %get3A_785, %get3A_786] {strides = array<i32>} : memref<2x96x512xf32, #tpu.memory_space<vmem>>, vector<1x1x16xf32>,
      %get3A_788 = vector.shape_cast %get3A_787 : vector<1x1x16xf32> to vector<16xf32>
      %add3A_789 = arith.addf %add3A_778, %get3A_788 : vector<16xf32>
      %swap3A_790 = arith.index_cast %scan3A_95 : i32 to index
      %swap3A_791 = arith.constant 304 : index
      %swap3A_792 = tpu.vector_load %arg7[%swap3A_790, %swap3A_791] {strides = array<i32>} : memref<32x512xf32, #tpu.memory_space<vmem>>, vector<1x16xf32>,
      %swap3A_793 = vector.shape_cast %swap3A_792 : vector<1x16xf32> to vector<16xf32>
      %swap3A_794 = vector.shape_cast %add3A_789 : vector<16xf32> to vector<1x16xf32>
      tpu.vector_store %arg7[%swap3A_790, %swap3A_791], %swap3A_794 {strides = array<i32>} : memref<32x512xf32, #tpu.memory_space<vmem>>, vector<1x16xf32>,
      %mul3A_795 = arith.constant 3 : i32
      %mul3A_796 = arith.muli %mul3A_795, %scan3A_95 : i32
      %get3A_797 = arith.constant 1 : i32
      %get3A_798 = arith.index_cast %get3A_797 : i32 to index
      %get3A_799 = arith.index_cast %mul3A_796 : i32 to index
      %get3A_800 = arith.constant 320 : index
      %get3A_801 = tpu.vector_load %arg6[%get3A_798, %get3A_799, %get3A_800] {strides = array<i32>} : memref<2x96x512xf32, #tpu.memory_space<vmem>>, vector<1x1x16xf32>,
      %get3A_802 = vector.shape_cast %get3A_801 : vector<1x1x16xf32> to vector<16xf32>
      %mul3A_803 = arith.constant 3 : i32
      %mul3A_804 = arith.muli %mul3A_803, %scan3A_95 : i32
      %add3A_805 = arith.constant 1 : i32
      %add3A_806 = arith.addi %mul3A_804, %add3A_805 : i32
      %get3A_807 = arith.constant 1 : i32
      %get3A_808 = arith.index_cast %get3A_807 : i32 to index
      %get3A_809 = arith.index_cast %add3A_806 : i32 to index
      %get3A_810 = arith.constant 320 : index
      %get3A_811 = tpu.vector_load %arg6[%get3A_808, %get3A_809, %get3A_810] {strides = array<i32>} : memref<2x96x512xf32, #tpu.memory_space<vmem>>, vector<1x1x16xf32>,
      %get3A_812 = vector.shape_cast %get3A_811 : vector<1x1x16xf32> to vector<16xf32>
      %add3A_813 = arith.addf %get3A_802, %get3A_812 : vector<16xf32>
      %mul3A_814 = arith.constant 3 : i32
      %mul3A_815 = arith.muli %mul3A_814, %scan3A_95 : i32
      %add3A_816 = arith.constant 2 : i32
      %add3A_817 = arith.addi %mul3A_815, %add3A_816 : i32
      %get3A_818 = arith.constant 1 : i32
      %get3A_819 = arith.index_cast %get3A_818 : i32 to index
      %get3A_820 = arith.index_cast %add3A_817 : i32 to index
      %get3A_821 = arith.constant 320 : index
      %get3A_822 = tpu.vector_load %arg6[%get3A_819, %get3A_820, %get3A_821] {strides = array<i32>} : memref<2x96x512xf32, #tpu.memory_space<vmem>>, vector<1x1x16xf32>,
      %get3A_823 = vector.shape_cast %get3A_822 : vector<1x1x16xf32> to vector<16xf32>
      %add3A_824 = arith.addf %add3A_813, %get3A_823 : vector<16xf32>
      %swap3A_825 = arith.index_cast %scan3A_95 : i32 to index
      %swap3A_826 = arith.constant 320 : index
      %swap3A_827 = tpu.vector_load %arg7[%swap3A_825, %swap3A_826] {strides = array<i32>} : memref<32x512xf32, #tpu.memory_space<vmem>>, vector<1x16xf32>,
      %swap3A_828 = vector.shape_cast %swap3A_827 : vector<1x16xf32> to vector<16xf32>
      %swap3A_829 = vector.shape_cast %add3A_824 : vector<16xf32> to vector<1x16xf32>
      tpu.vector_store %arg7[%swap3A_825, %swap3A_826], %swap3A_829 {strides = array<i32>} : memref<32x512xf32, #tpu.memory_space<vmem>>, vector<1x16xf32>,
      %mul3A_830 = arith.constant 3 : i32
      %mul3A_831 = arith.muli %mul3A_830, %scan3A_95 : i32
      %get3A_832 = arith.constant 1 : i32
      %get3A_833 = arith.index_cast %get3A_832 : i32 to index
      %get3A_834 = arith.index_cast %mul3A_831 : i32 to index
      %get3A_835 = arith.constant 336 : index
      %get3A_836 = tpu.vector_load %arg6[%get3A_833, %get3A_834, %get3A_835] {strides = array<i32>} : memref<2x96x512xf32, #tpu.memory_space<vmem>>, vector<1x1x16xf32>,
      %get3A_837 = vector.shape_cast %get3A_836 : vector<1x1x16xf32> to vector<16xf32>
      %mul3A_838 = arith.constant 3 : i32
      %mul3A_839 = arith.muli %mul3A_838, %scan3A_95 : i32
      %add3A_840 = arith.constant 1 : i32
      %add3A_841 = arith.addi %mul3A_839, %add3A_840 : i32
      %get3A_842 = arith.constant 1 : i32
      %get3A_843 = arith.index_cast %get3A_842 : i32 to index
      %get3A_844 = arith.index_cast %add3A_841 : i32 to index
      %get3A_845 = arith.constant 336 : index
      %get3A_846 = tpu.vector_load %arg6[%get3A_843, %get3A_844, %get3A_845] {strides = array<i32>} : memref<2x96x512xf32, #tpu.memory_space<vmem>>, vector<1x1x16xf32>,
      %get3A_847 = vector.shape_cast %get3A_846 : vector<1x1x16xf32> to vector<16xf32>
      %add3A_848 = arith.addf %get3A_837, %get3A_847 : vector<16xf32>
      %mul3A_849 = arith.constant 3 : i32
      %mul3A_850 = arith.muli %mul3A_849, %scan3A_95 : i32
      %add3A_851 = arith.constant 2 : i32
      %add3A_852 = arith.addi %mul3A_850, %add3A_851 : i32
      %get3A_853 = arith.constant 1 : i32
      %get3A_854 = arith.index_cast %get3A_853 : i32 to index
      %get3A_855 = arith.index_cast %add3A_852 : i32 to index
      %get3A_856 = arith.constant 336 : index
      %get3A_857 = tpu.vector_load %arg6[%get3A_854, %get3A_855, %get3A_856] {strides = array<i32>} : memref<2x96x512xf32, #tpu.memory_space<vmem>>, vector<1x1x16xf32>,
      %get3A_858 = vector.shape_cast %get3A_857 : vector<1x1x16xf32> to vector<16xf32>
      %add3A_859 = arith.addf %add3A_848, %get3A_858 : vector<16xf32>
      %swap3A_860 = arith.index_cast %scan3A_95 : i32 to index
      %swap3A_861 = arith.constant 336 : index
      %swap3A_862 = tpu.vector_load %arg7[%swap3A_860, %swap3A_861] {strides = array<i32>} : memref<32x512xf32, #tpu.memory_space<vmem>>, vector<1x16xf32>,
      %swap3A_863 = vector.shape_cast %swap3A_862 : vector<1x16xf32> to vector<16xf32>
      %swap3A_864 = vector.shape_cast %add3A_859 : vector<16xf32> to vector<1x16xf32>
      tpu.vector_store %arg7[%swap3A_860, %swap3A_861], %swap3A_864 {strides = array<i32>} : memref<32x512xf32, #tpu.memory_space<vmem>>, vector<1x16xf32>,
      %mul3A_865 = arith.constant 3 : i32
      %mul3A_866 = arith.muli %mul3A_865, %scan3A_95 : i32
      %get3A_867 = arith.constant 1 : i32
      %get3A_868 = arith.index_cast %get3A_867 : i32 to index
      %get3A_869 = arith.index_cast %mul3A_866 : i32 to index
      %get3A_870 = arith.constant 352 : index
      %get3A_871 = tpu.vector_load %arg6[%get3A_868, %get3A_869, %get3A_870] {strides = array<i32>} : memref<2x96x512xf32, #tpu.memory_space<vmem>>, vector<1x1x16xf32>,
      %get3A_872 = vector.shape_cast %get3A_871 : vector<1x1x16xf32> to vector<16xf32>
      %mul3A_873 = arith.constant 3 : i32
      %mul3A_874 = arith.muli %mul3A_873, %scan3A_95 : i32
      %add3A_875 = arith.constant 1 : i32
      %add3A_876 = arith.addi %mul3A_874, %add3A_875 : i32
      %get3A_877 = arith.constant 1 : i32
      %get3A_878 = arith.index_cast %get3A_877 : i32 to index
      %get3A_879 = arith.index_cast %add3A_876 : i32 to index
      %get3A_880 = arith.constant 352 : index
      %get3A_881 = tpu.vector_load %arg6[%get3A_878, %get3A_879, %get3A_880] {strides = array<i32>} : memref<2x96x512xf32, #tpu.memory_space<vmem>>, vector<1x1x16xf32>,
      %get3A_882 = vector.shape_cast %get3A_881 : vector<1x1x16xf32> to vector<16xf32>
      %add3A_883 = arith.addf %get3A_872, %get3A_882 : vector<16xf32>
      %mul3A_884 = arith.constant 3 : i32
      %mul3A_885 = arith.muli %mul3A_884, %scan3A_95 : i32
      %add3A_886 = arith.constant 2 : i32
      %add3A_887 = arith.addi %mul3A_885, %add3A_886 : i32
      %get3A_888 = arith.constant 1 : i32
      %get3A_889 = arith.index_cast %get3A_888 : i32 to index
      %get3A_890 = arith.index_cast %add3A_887 : i32 to index
      %get3A_891 = arith.constant 352 : index
      %get3A_892 = tpu.vector_load %arg6[%get3A_889, %get3A_890, %get3A_891] {strides = array<i32>} : memref<2x96x512xf32, #tpu.memory_space<vmem>>, vector<1x1x16xf32>,
      %get3A_893 = vector.shape_cast %get3A_892 : vector<1x1x16xf32> to vector<16xf32>
      %add3A_894 = arith.addf %add3A_883, %get3A_893 : vector<16xf32>
      %swap3A_895 = arith.index_cast %scan3A_95 : i32 to index
      %swap3A_896 = arith.constant 352 : index
      %swap3A_897 = tpu.vector_load %arg7[%swap3A_895, %swap3A_896] {strides = array<i32>} : memref<32x512xf32, #tpu.memory_space<vmem>>, vector<1x16xf32>,
      %swap3A_898 = vector.shape_cast %swap3A_897 : vector<1x16xf32> to vector<16xf32>
      %swap3A_899 = vector.shape_cast %add3A_894 : vector<16xf32> to vector<1x16xf32>
      tpu.vector_store %arg7[%swap3A_895, %swap3A_896], %swap3A_899 {strides = array<i32>} : memref<32x512xf32, #tpu.memory_space<vmem>>, vector<1x16xf32>,
      %mul3A_900 = arith.constant 3 : i32
      %mul3A_901 = arith.muli %mul3A_900, %scan3A_95 : i32
      %get3A_902 = arith.constant 1 : i32
      %get3A_903 = arith.index_cast %get3A_902 : i32 to index
      %get3A_904 = arith.index_cast %mul3A_901 : i32 to index
      %get3A_905 = arith.constant 368 : index
      %get3A_906 = tpu.vector_load %arg6[%get3A_903, %get3A_904, %get3A_905] {strides = array<i32>} : memref<2x96x512xf32, #tpu.memory_space<vmem>>, vector<1x1x16xf32>,
      %get3A_907 = vector.shape_cast %get3A_906 : vector<1x1x16xf32> to vector<16xf32>
      %mul3A_908 = arith.constant 3 : i32
      %mul3A_909 = arith.muli %mul3A_908, %scan3A_95 : i32
      %add3A_910 = arith.constant 1 : i32
      %add3A_911 = arith.addi %mul3A_909, %add3A_910 : i32
      %get3A_912 = arith.constant 1 : i32
      %get3A_913 = arith.index_cast %get3A_912 : i32 to index
      %get3A_914 = arith.index_cast %add3A_911 : i32 to index
      %get3A_915 = arith.constant 368 : index
      %get3A_916 = tpu.vector_load %arg6[%get3A_913, %get3A_914, %get3A_915] {strides = array<i32>} : memref<2x96x512xf32, #tpu.memory_space<vmem>>, vector<1x1x16xf32>,
      %get3A_917 = vector.shape_cast %get3A_916 : vector<1x1x16xf32> to vector<16xf32>
      %add3A_918 = arith.addf %get3A_907, %get3A_917 : vector<16xf32>
      %mul3A_919 = arith.constant 3 : i32
      %mul3A_920 = arith.muli %mul3A_919, %scan3A_95 : i32
      %add3A_921 = arith.constant 2 : i32
      %add3A_922 = arith.addi %mul3A_920, %add3A_921 : i32
      %get3A_923 = arith.constant 1 : i32
      %get3A_924 = arith.index_cast %get3A_923 : i32 to index
      %get3A_925 = arith.index_cast %add3A_922 : i32 to index
      %get3A_926 = arith.constant 368 : index
      %get3A_927 = tpu.vector_load %arg6[%get3A_924, %get3A_925, %get3A_926] {strides = array<i32>} : memref<2x96x512xf32, #tpu.memory_space<vmem>>, vector<1x1x16xf32>,
      %get3A_928 = vector.shape_cast %get3A_927 : vector<1x1x16xf32> to vector<16xf32>
      %add3A_929 = arith.addf %add3A_918, %get3A_928 : vector<16xf32>
      %swap3A_930 = arith.index_cast %scan3A_95 : i32 to index
      %swap3A_931 = arith.constant 368 : index
      %swap3A_932 = tpu.vector_load %arg7[%swap3A_930, %swap3A_931] {strides = array<i32>} : memref<32x512xf32, #tpu.memory_space<vmem>>, vector<1x16xf32>,
      %swap3A_933 = vector.shape_cast %swap3A_932 : vector<1x16xf32> to vector<16xf32>
      %swap3A_934 = vector.shape_cast %add3A_929 : vector<16xf32> to vector<1x16xf32>
      tpu.vector_store %arg7[%swap3A_930, %swap3A_931], %swap3A_934 {strides = array<i32>} : memref<32x512xf32, #tpu.memory_space<vmem>>, vector<1x16xf32>,
      %mul3A_935 = arith.constant 3 : i32
      %mul3A_936 = arith.muli %mul3A_935, %scan3A_95 : i32
      %get3A_937 = arith.constant 1 : i32
      %get3A_938 = arith.index_cast %get3A_937 : i32 to index
      %get3A_939 = arith.index_cast %mul3A_936 : i32 to index
      %get3A_940 = arith.constant 384 : index
      %get3A_941 = tpu.vector_load %arg6[%get3A_938, %get3A_939, %get3A_940] {strides = array<i32>} : memref<2x96x512xf32, #tpu.memory_space<vmem>>, vector<1x1x16xf32>,
      %get3A_942 = vector.shape_cast %get3A_941 : vector<1x1x16xf32> to vector<16xf32>
      %mul3A_943 = arith.constant 3 : i32
      %mul3A_944 = arith.muli %mul3A_943, %scan3A_95 : i32
      %add3A_945 = arith.constant 1 : i32
      %add3A_946 = arith.addi %mul3A_944, %add3A_945 : i32
      %get3A_947 = arith.constant 1 : i32
      %get3A_948 = arith.index_cast %get3A_947 : i32 to index
      %get3A_949 = arith.index_cast %add3A_946 : i32 to index
      %get3A_950 = arith.constant 384 : index
      %get3A_951 = tpu.vector_load %arg6[%get3A_948, %get3A_949, %get3A_950] {strides = array<i32>} : memref<2x96x512xf32, #tpu.memory_space<vmem>>, vector<1x1x16xf32>,
      %get3A_952 = vector.shape_cast %get3A_951 : vector<1x1x16xf32> to vector<16xf32>
      %add3A_953 = arith.addf %get3A_942, %get3A_952 : vector<16xf32>
      %mul3A_954 = arith.constant 3 : i32
      %mul3A_955 = arith.muli %mul3A_954, %scan3A_95 : i32
      %add3A_956 = arith.constant 2 : i32
      %add3A_957 = arith.addi %mul3A_955, %add3A_956 : i32
      %get3A_958 = arith.constant 1 : i32
      %get3A_959 = arith.index_cast %get3A_958 : i32 to index
      %get3A_960 = arith.index_cast %add3A_957 : i32 to index
      %get3A_961 = arith.constant 384 : index
      %get3A_962 = tpu.vector_load %arg6[%get3A_959, %get3A_960, %get3A_961] {strides = array<i32>} : memref<2x96x512xf32, #tpu.memory_space<vmem>>, vector<1x1x16xf32>,
      %get3A_963 = vector.shape_cast %get3A_962 : vector<1x1x16xf32> to vector<16xf32>
      %add3A_964 = arith.addf %add3A_953, %get3A_963 : vector<16xf32>
      %swap3A_965 = arith.index_cast %scan3A_95 : i32 to index
      %swap3A_966 = arith.constant 384 : index
      %swap3A_967 = tpu.vector_load %arg7[%swap3A_965, %swap3A_966] {strides = array<i32>} : memref<32x512xf32, #tpu.memory_space<vmem>>, vector<1x16xf32>,
      %swap3A_968 = vector.shape_cast %swap3A_967 : vector<1x16xf32> to vector<16xf32>
      %swap3A_969 = vector.shape_cast %add3A_964 : vector<16xf32> to vector<1x16xf32>
      tpu.vector_store %arg7[%swap3A_965, %swap3A_966], %swap3A_969 {strides = array<i32>} : memref<32x512xf32, #tpu.memory_space<vmem>>, vector<1x16xf32>,
      %mul3A_970 = arith.constant 3 : i32
      %mul3A_971 = arith.muli %mul3A_970, %scan3A_95 : i32
      %get3A_972 = arith.constant 1 : i32
      %get3A_973 = arith.index_cast %get3A_972 : i32 to index
      %get3A_974 = arith.index_cast %mul3A_971 : i32 to index
      %get3A_975 = arith.constant 400 : index
      %get3A_976 = tpu.vector_load %arg6[%get3A_973, %get3A_974, %get3A_975] {strides = array<i32>} : memref<2x96x512xf32, #tpu.memory_space<vmem>>, vector<1x1x16xf32>,
      %get3A_977 = vector.shape_cast %get3A_976 : vector<1x1x16xf32> to vector<16xf32>
      %mul3A_978 = arith.constant 3 : i32
      %mul3A_979 = arith.muli %mul3A_978, %scan3A_95 : i32
      %add3A_980 = arith.constant 1 : i32
      %add3A_981 = arith.addi %mul3A_979, %add3A_980 : i32
      %get3A_982 = arith.constant 1 : i32
      %get3A_983 = arith.index_cast %get3A_982 : i32 to index
      %get3A_984 = arith.index_cast %add3A_981 : i32 to index
      %get3A_985 = arith.constant 400 : index
      %get3A_986 = tpu.vector_load %arg6[%get3A_983, %get3A_984, %get3A_985] {strides = array<i32>} : memref<2x96x512xf32, #tpu.memory_space<vmem>>, vector<1x1x16xf32>,
      %get3A_987 = vector.shape_cast %get3A_986 : vector<1x1x16xf32> to vector<16xf32>
      %add3A_988 = arith.addf %get3A_977, %get3A_987 : vector<16xf32>
      %mul3A_989 = arith.constant 3 : i32
      %mul3A_990 = arith.muli %mul3A_989, %scan3A_95 : i32
      %add3A_991 = arith.constant 2 : i32
      %add3A_992 = arith.addi %mul3A_990, %add3A_991 : i32
      %get3A_993 = arith.constant 1 : i32
      %get3A_994 = arith.index_cast %get3A_993 : i32 to index
      %get3A_995 = arith.index_cast %add3A_992 : i32 to index
      %get3A_996 = arith.constant 400 : index
      %get3A_997 = tpu.vector_load %arg6[%get3A_994, %get3A_995, %get3A_996] {strides = array<i32>} : memref<2x96x512xf32, #tpu.memory_space<vmem>>, vector<1x1x16xf32>,
      %get3A_998 = vector.shape_cast %get3A_997 : vector<1x1x16xf32> to vector<16xf32>
      %add3A_999 = arith.addf %add3A_988, %get3A_998 : vector<16xf32>
      %swap3A_1000 = arith.index_cast %scan3A_95 : i32 to index
      %swap3A_1001 = arith.constant 400 : index
      %swap3A_1002 = tpu.vector_load %arg7[%swap3A_1000, %swap3A_1001] {strides = array<i32>} : memref<32x512xf32, #tpu.memory_space<vmem>>, vector<1x16xf32>,
      %swap3A_1003 = vector.shape_cast %swap3A_1002 : vector<1x16xf32> to vector<16xf32>
      %swap3A_1004 = vector.shape_cast %add3A_999 : vector<16xf32> to vector<1x16xf32>
      tpu.vector_store %arg7[%swap3A_1000, %swap3A_1001], %swap3A_1004 {strides = array<i32>} : memref<32x512xf32, #tpu.memory_space<vmem>>, vector<1x16xf32>,
      %mul3A_1005 = arith.constant 3 : i32
      %mul3A_1006 = arith.muli %mul3A_1005, %scan3A_95 : i32
      %get3A_1007 = arith.constant 1 : i32
      %get3A_1008 = arith.index_cast %get3A_1007 : i32 to index
      %get3A_1009 = arith.index_cast %mul3A_1006 : i32 to index
      %get3A_1010 = arith.constant 416 : index
      %get3A_1011 = tpu.vector_load %arg6[%get3A_1008, %get3A_1009, %get3A_1010] {strides = array<i32>} : memref<2x96x512xf32, #tpu.memory_space<vmem>>, vector<1x1x16xf32>,
      %get3A_1012 = vector.shape_cast %get3A_1011 : vector<1x1x16xf32> to vector<16xf32>
      %mul3A_1013 = arith.constant 3 : i32
      %mul3A_1014 = arith.muli %mul3A_1013, %scan3A_95 : i32
      %add3A_1015 = arith.constant 1 : i32
      %add3A_1016 = arith.addi %mul3A_1014, %add3A_1015 : i32
      %get3A_1017 = arith.constant 1 : i32
      %get3A_1018 = arith.index_cast %get3A_1017 : i32 to index
      %get3A_1019 = arith.index_cast %add3A_1016 : i32 to index
      %get3A_1020 = arith.constant 416 : index
      %get3A_1021 = tpu.vector_load %arg6[%get3A_1018, %get3A_1019, %get3A_1020] {strides = array<i32>} : memref<2x96x512xf32, #tpu.memory_space<vmem>>, vector<1x1x16xf32>,
      %get3A_1022 = vector.shape_cast %get3A_1021 : vector<1x1x16xf32> to vector<16xf32>
      %add3A_1023 = arith.addf %get3A_1012, %get3A_1022 : vector<16xf32>
      %mul3A_1024 = arith.constant 3 : i32
      %mul3A_1025 = arith.muli %mul3A_1024, %scan3A_95 : i32
      %add3A_1026 = arith.constant 2 : i32
      %add3A_1027 = arith.addi %mul3A_1025, %add3A_1026 : i32
      %get3A_1028 = arith.constant 1 : i32
      %get3A_1029 = arith.index_cast %get3A_1028 : i32 to index
      %get3A_1030 = arith.index_cast %add3A_1027 : i32 to index
      %get3A_1031 = arith.constant 416 : index
      %get3A_1032 = tpu.vector_load %arg6[%get3A_1029, %get3A_1030, %get3A_1031] {strides = array<i32>} : memref<2x96x512xf32, #tpu.memory_space<vmem>>, vector<1x1x16xf32>,
      %get3A_1033 = vector.shape_cast %get3A_1032 : vector<1x1x16xf32> to vector<16xf32>
      %add3A_1034 = arith.addf %add3A_1023, %get3A_1033 : vector<16xf32>
      %swap3A_1035 = arith.index_cast %scan3A_95 : i32 to index
      %swap3A_1036 = arith.constant 416 : index
      %swap3A_1037 = tpu.vector_load %arg7[%swap3A_1035, %swap3A_1036] {strides = array<i32>} : memref<32x512xf32, #tpu.memory_space<vmem>>, vector<1x16xf32>,
      %swap3A_1038 = vector.shape_cast %swap3A_1037 : vector<1x16xf32> to vector<16xf32>
      %swap3A_1039 = vector.shape_cast %add3A_1034 : vector<16xf32> to vector<1x16xf32>
      tpu.vector_store %arg7[%swap3A_1035, %swap3A_1036], %swap3A_1039 {strides = array<i32>} : memref<32x512xf32, #tpu.memory_space<vmem>>, vector<1x16xf32>,
      %mul3A_1040 = arith.constant 3 : i32
      %mul3A_1041 = arith.muli %mul3A_1040, %scan3A_95 : i32
      %get3A_1042 = arith.constant 1 : i32
      %get3A_1043 = arith.index_cast %get3A_1042 : i32 to index
      %get3A_1044 = arith.index_cast %mul3A_1041 : i32 to index
      %get3A_1045 = arith.constant 432 : index
      %get3A_1046 = tpu.vector_load %arg6[%get3A_1043, %get3A_1044, %get3A_1045] {strides = array<i32>} : memref<2x96x512xf32, #tpu.memory_space<vmem>>, vector<1x1x16xf32>,
      %get3A_1047 = vector.shape_cast %get3A_1046 : vector<1x1x16xf32> to vector<16xf32>
      %mul3A_1048 = arith.constant 3 : i32
      %mul3A_1049 = arith.muli %mul3A_1048, %scan3A_95 : i32
      %add3A_1050 = arith.constant 1 : i32
      %add3A_1051 = arith.addi %mul3A_1049, %add3A_1050 : i32
      %get3A_1052 = arith.constant 1 : i32
      %get3A_1053 = arith.index_cast %get3A_1052 : i32 to index
      %get3A_1054 = arith.index_cast %add3A_1051 : i32 to index
      %get3A_1055 = arith.constant 432 : index
      %get3A_1056 = tpu.vector_load %arg6[%get3A_1053, %get3A_1054, %get3A_1055] {strides = array<i32>} : memref<2x96x512xf32, #tpu.memory_space<vmem>>, vector<1x1x16xf32>,
      %get3A_1057 = vector.shape_cast %get3A_1056 : vector<1x1x16xf32> to vector<16xf32>
      %add3A_1058 = arith.addf %get3A_1047, %get3A_1057 : vector<16xf32>
      %mul3A_1059 = arith.constant 3 : i32
      %mul3A_1060 = arith.muli %mul3A_1059, %scan3A_95 : i32
      %add3A_1061 = arith.constant 2 : i32
      %add3A_1062 = arith.addi %mul3A_1060, %add3A_1061 : i32
      %get3A_1063 = arith.constant 1 : i32
      %get3A_1064 = arith.index_cast %get3A_1063 : i32 to index
      %get3A_1065 = arith.index_cast %add3A_1062 : i32 to index
      %get3A_1066 = arith.constant 432 : index
      %get3A_1067 = tpu.vector_load %arg6[%get3A_1064, %get3A_1065, %get3A_1066] {strides = array<i32>} : memref<2x96x512xf32, #tpu.memory_space<vmem>>, vector<1x1x16xf32>,
      %get3A_1068 = vector.shape_cast %get3A_1067 : vector<1x1x16xf32> to vector<16xf32>
      %add3A_1069 = arith.addf %add3A_1058, %get3A_1068 : vector<16xf32>
      %swap3A_1070 = arith.index_cast %scan3A_95 : i32 to index
      %swap3A_1071 = arith.constant 432 : index
      %swap3A_1072 = tpu.vector_load %arg7[%swap3A_1070, %swap3A_1071] {strides = array<i32>} : memref<32x512xf32, #tpu.memory_space<vmem>>, vector<1x16xf32>,
      %swap3A_1073 = vector.shape_cast %swap3A_1072 : vector<1x16xf32> to vector<16xf32>
      %swap3A_1074 = vector.shape_cast %add3A_1069 : vector<16xf32> to vector<1x16xf32>
      tpu.vector_store %arg7[%swap3A_1070, %swap3A_1071], %swap3A_1074 {strides = array<i32>} : memref<32x512xf32, #tpu.memory_space<vmem>>, vector<1x16xf32>,
      %mul3A_1075 = arith.constant 3 : i32
      %mul3A_1076 = arith.muli %mul3A_1075, %scan3A_95 : i32
      %get3A_1077 = arith.constant 1 : i32
      %get3A_1078 = arith.index_cast %get3A_1077 : i32 to index
      %get3A_1079 = arith.index_cast %mul3A_1076 : i32 to index
      %get3A_1080 = arith.constant 448 : index
      %get3A_1081 = tpu.vector_load %arg6[%get3A_1078, %get3A_1079, %get3A_1080] {strides = array<i32>} : memref<2x96x512xf32, #tpu.memory_space<vmem>>, vector<1x1x16xf32>,
      %get3A_1082 = vector.shape_cast %get3A_1081 : vector<1x1x16xf32> to vector<16xf32>
      %mul3A_1083 = arith.constant 3 : i32
      %mul3A_1084 = arith.muli %mul3A_1083, %scan3A_95 : i32
      %add3A_1085 = arith.constant 1 : i32
      %add3A_1086 = arith.addi %mul3A_1084, %add3A_1085 : i32
      %get3A_1087 = arith.constant 1 : i32
      %get3A_1088 = arith.index_cast %get3A_1087 : i32 to index
      %get3A_1089 = arith.index_cast %add3A_1086 : i32 to index
      %get3A_1090 = arith.constant 448 : index
      %get3A_1091 = tpu.vector_load %arg6[%get3A_1088, %get3A_1089, %get3A_1090] {strides = array<i32>} : memref<2x96x512xf32, #tpu.memory_space<vmem>>, vector<1x1x16xf32>,
      %get3A_1092 = vector.shape_cast %get3A_1091 : vector<1x1x16xf32> to vector<16xf32>
      %add3A_1093 = arith.addf %get3A_1082, %get3A_1092 : vector<16xf32>
      %mul3A_1094 = arith.constant 3 : i32
      %mul3A_1095 = arith.muli %mul3A_1094, %scan3A_95 : i32
      %add3A_1096 = arith.constant 2 : i32
      %add3A_1097 = arith.addi %mul3A_1095, %add3A_1096 : i32
      %get3A_1098 = arith.constant 1 : i32
      %get3A_1099 = arith.index_cast %get3A_1098 : i32 to index
      %get3A_1100 = arith.index_cast %add3A_1097 : i32 to index
      %get3A_1101 = arith.constant 448 : index
      %get3A_1102 = tpu.vector_load %arg6[%get3A_1099, %get3A_1100, %get3A_1101] {strides = array<i32>} : memref<2x96x512xf32, #tpu.memory_space<vmem>>, vector<1x1x16xf32>,
      %get3A_1103 = vector.shape_cast %get3A_1102 : vector<1x1x16xf32> to vector<16xf32>
      %add3A_1104 = arith.addf %add3A_1093, %get3A_1103 : vector<16xf32>
      %swap3A_1105 = arith.index_cast %scan3A_95 : i32 to index
      %swap3A_1106 = arith.constant 448 : index
      %swap3A_1107 = tpu.vector_load %arg7[%swap3A_1105, %swap3A_1106] {strides = array<i32>} : memref<32x512xf32, #tpu.memory_space<vmem>>, vector<1x16xf32>,
      %swap3A_1108 = vector.shape_cast %swap3A_1107 : vector<1x16xf32> to vector<16xf32>
      %swap3A_1109 = vector.shape_cast %add3A_1104 : vector<16xf32> to vector<1x16xf32>
      tpu.vector_store %arg7[%swap3A_1105, %swap3A_1106], %swap3A_1109 {strides = array<i32>} : memref<32x512xf32, #tpu.memory_space<vmem>>, vector<1x16xf32>,
      %mul3A_1110 = arith.constant 3 : i32
      %mul3A_1111 = arith.muli %mul3A_1110, %scan3A_95 : i32
      %get3A_1112 = arith.constant 1 : i32
      %get3A_1113 = arith.index_cast %get3A_1112 : i32 to index
      %get3A_1114 = arith.index_cast %mul3A_1111 : i32 to index
      %get3A_1115 = arith.constant 464 : index
      %get3A_1116 = tpu.vector_load %arg6[%get3A_1113, %get3A_1114, %get3A_1115] {strides = array<i32>} : memref<2x96x512xf32, #tpu.memory_space<vmem>>, vector<1x1x16xf32>,
      %get3A_1117 = vector.shape_cast %get3A_1116 : vector<1x1x16xf32> to vector<16xf32>
      %mul3A_1118 = arith.constant 3 : i32
      %mul3A_1119 = arith.muli %mul3A_1118, %scan3A_95 : i32
      %add3A_1120 = arith.constant 1 : i32
      %add3A_1121 = arith.addi %mul3A_1119, %add3A_1120 : i32
      %get3A_1122 = arith.constant 1 : i32
      %get3A_1123 = arith.index_cast %get3A_1122 : i32 to index
      %get3A_1124 = arith.index_cast %add3A_1121 : i32 to index
      %get3A_1125 = arith.constant 464 : index
      %get3A_1126 = tpu.vector_load %arg6[%get3A_1123, %get3A_1124, %get3A_1125] {strides = array<i32>} : memref<2x96x512xf32, #tpu.memory_space<vmem>>, vector<1x1x16xf32>,
      %get3A_1127 = vector.shape_cast %get3A_1126 : vector<1x1x16xf32> to vector<16xf32>
      %add3A_1128 = arith.addf %get3A_1117, %get3A_1127 : vector<16xf32>
      %mul3A_1129 = arith.constant 3 : i32
      %mul3A_1130 = arith.muli %mul3A_1129, %scan3A_95 : i32
      %add3A_1131 = arith.constant 2 : i32
      %add3A_1132 = arith.addi %mul3A_1130, %add3A_1131 : i32
      %get3A_1133 = arith.constant 1 : i32
      %get3A_1134 = arith.index_cast %get3A_1133 : i32 to index
      %get3A_1135 = arith.index_cast %add3A_1132 : i32 to index
      %get3A_1136 = arith.constant 464 : index
      %get3A_1137 = tpu.vector_load %arg6[%get3A_1134, %get3A_1135, %get3A_1136] {strides = array<i32>} : memref<2x96x512xf32, #tpu.memory_space<vmem>>, vector<1x1x16xf32>,
      %get3A_1138 = vector.shape_cast %get3A_1137 : vector<1x1x16xf32> to vector<16xf32>
      %add3A_1139 = arith.addf %add3A_1128, %get3A_1138 : vector<16xf32>
      %swap3A_1140 = arith.index_cast %scan3A_95 : i32 to index
      %swap3A_1141 = arith.constant 464 : index
      %swap3A_1142 = tpu.vector_load %arg7[%swap3A_1140, %swap3A_1141] {strides = array<i32>} : memref<32x512xf32, #tpu.memory_space<vmem>>, vector<1x16xf32>,
      %swap3A_1143 = vector.shape_cast %swap3A_1142 : vector<1x16xf32> to vector<16xf32>
      %swap3A_1144 = vector.shape_cast %add3A_1139 : vector<16xf32> to vector<1x16xf32>
      tpu.vector_store %arg7[%swap3A_1140, %swap3A_1141], %swap3A_1144 {strides = array<i32>} : memref<32x512xf32, #tpu.memory_space<vmem>>, vector<1x16xf32>,
      %mul3A_1145 = arith.constant 3 : i32
      %mul3A_1146 = arith.muli %mul3A_1145, %scan3A_95 : i32
      %get3A_1147 = arith.constant 1 : i32
      %get3A_1148 = arith.index_cast %get3A_1147 : i32 to index
      %get3A_1149 = arith.index_cast %mul3A_1146 : i32 to index
      %get3A_1150 = arith.constant 480 : index
      %get3A_1151 = tpu.vector_load %arg6[%get3A_1148, %get3A_1149, %get3A_1150] {strides = array<i32>} : memref<2x96x512xf32, #tpu.memory_space<vmem>>, vector<1x1x16xf32>,
      %get3A_1152 = vector.shape_cast %get3A_1151 : vector<1x1x16xf32> to vector<16xf32>
      %mul3A_1153 = arith.constant 3 : i32
      %mul3A_1154 = arith.muli %mul3A_1153, %scan3A_95 : i32
      %add3A_1155 = arith.constant 1 : i32
      %add3A_1156 = arith.addi %mul3A_1154, %add3A_1155 : i32
      %get3A_1157 = arith.constant 1 : i32
      %get3A_1158 = arith.index_cast %get3A_1157 : i32 to index
      %get3A_1159 = arith.index_cast %add3A_1156 : i32 to index
      %get3A_1160 = arith.constant 480 : index
      %get3A_1161 = tpu.vector_load %arg6[%get3A_1158, %get3A_1159, %get3A_1160] {strides = array<i32>} : memref<2x96x512xf32, #tpu.memory_space<vmem>>, vector<1x1x16xf32>,
      %get3A_1162 = vector.shape_cast %get3A_1161 : vector<1x1x16xf32> to vector<16xf32>
      %add3A_1163 = arith.addf %get3A_1152, %get3A_1162 : vector<16xf32>
      %mul3A_1164 = arith.constant 3 : i32
      %mul3A_1165 = arith.muli %mul3A_1164, %scan3A_95 : i32
      %add3A_1166 = arith.constant 2 : i32
      %add3A_1167 = arith.addi %mul3A_1165, %add3A_1166 : i32
      %get3A_1168 = arith.constant 1 : i32
      %get3A_1169 = arith.index_cast %get3A_1168 : i32 to index
      %get3A_1170 = arith.index_cast %add3A_1167 : i32 to index
      %get3A_1171 = arith.constant 480 : index
      %get3A_1172 = tpu.vector_load %arg6[%get3A_1169, %get3A_1170, %get3A_1171] {strides = array<i32>} : memref<2x96x512xf32, #tpu.memory_space<vmem>>, vector<1x1x16xf32>,
      %get3A_1173 = vector.shape_cast %get3A_1172 : vector<1x1x16xf32> to vector<16xf32>
      %add3A_1174 = arith.addf %add3A_1163, %get3A_1173 : vector<16xf32>
      %swap3A_1175 = arith.index_cast %scan3A_95 : i32 to index
      %swap3A_1176 = arith.constant 480 : index
      %swap3A_1177 = tpu.vector_load %arg7[%swap3A_1175, %swap3A_1176] {strides = array<i32>} : memref<32x512xf32, #tpu.memory_space<vmem>>, vector<1x16xf32>,
      %swap3A_1178 = vector.shape_cast %swap3A_1177 : vector<1x16xf32> to vector<16xf32>
      %swap3A_1179 = vector.shape_cast %add3A_1174 : vector<16xf32> to vector<1x16xf32>
      tpu.vector_store %arg7[%swap3A_1175, %swap3A_1176], %swap3A_1179 {strides = array<i32>} : memref<32x512xf32, #tpu.memory_space<vmem>>, vector<1x16xf32>,
      %mul3A_1180 = arith.constant 3 : i32
      %mul3A_1181 = arith.muli %mul3A_1180, %scan3A_95 : i32
      %get3A_1182 = arith.constant 1 : i32
      %get3A_1183 = arith.index_cast %get3A_1182 : i32 to index
      %get3A_1184 = arith.index_cast %mul3A_1181 : i32 to index
      %get3A_1185 = arith.constant 496 : index
      %get3A_1186 = tpu.vector_load %arg6[%get3A_1183, %get3A_1184, %get3A_1185] {strides = array<i32>} : memref<2x96x512xf32, #tpu.memory_space<vmem>>, vector<1x1x16xf32>,
      %get3A_1187 = vector.shape_cast %get3A_1186 : vector<1x1x16xf32> to vector<16xf32>
      %mul3A_1188 = arith.constant 3 : i32
      %mul3A_1189 = arith.muli %mul3A_1188, %scan3A_95 : i32
      %add3A_1190 = arith.constant 1 : i32
      %add3A_1191 = arith.addi %mul3A_1189, %add3A_1190 : i32
      %get3A_1192 = arith.constant 1 : i32
      %get3A_1193 = arith.index_cast %get3A_1192 : i32 to index
      %get3A_1194 = arith.index_cast %add3A_1191 : i32 to index
      %get3A_1195 = arith.constant 496 : index
      %get3A_1196 = tpu.vector_load %arg6[%get3A_1193, %get3A_1194, %get3A_1195] {strides = array<i32>} : memref<2x96x512xf32, #tpu.memory_space<vmem>>, vector<1x1x16xf32>,
      %get3A_1197 = vector.shape_cast %get3A_1196 : vector<1x1x16xf32> to vector<16xf32>
      %add3A_1198 = arith.addf %get3A_1187, %get3A_1197 : vector<16xf32>
      %mul3A_1199 = arith.constant 3 : i32
      %mul3A_1200 = arith.muli %mul3A_1199, %scan3A_95 : i32
      %add3A_1201 = arith.constant 2 : i32
      %add3A_1202 = arith.addi %mul3A_1200, %add3A_1201 : i32
      %get3A_1203 = arith.constant 1 : i32
      %get3A_1204 = arith.index_cast %get3A_1203 : i32 to index
      %get3A_1205 = arith.index_cast %add3A_1202 : i32 to index
      %get3A_1206 = arith.constant 496 : index
      %get3A_1207 = tpu.vector_load %arg6[%get3A_1204, %get3A_1205, %get3A_1206] {strides = array<i32>} : memref<2x96x512xf32, #tpu.memory_space<vmem>>, vector<1x1x16xf32>,
      %get3A_1208 = vector.shape_cast %get3A_1207 : vector<1x1x16xf32> to vector<16xf32>
      %add3A_1209 = arith.addf %add3A_1198, %get3A_1208 : vector<16xf32>
      %swap3A_1210 = arith.index_cast %scan3A_95 : i32 to index
      %swap3A_1211 = arith.constant 496 : index
      %swap3A_1212 = tpu.vector_load %arg7[%swap3A_1210, %swap3A_1211] {strides = array<i32>} : memref<32x512xf32, #tpu.memory_space<vmem>>, vector<1x16xf32>,
      %swap3A_1213 = vector.shape_cast %swap3A_1212 : vector<1x16xf32> to vector<16xf32>
      %swap3A_1214 = vector.shape_cast %add3A_1209 : vector<16xf32> to vector<1x16xf32>
      tpu.vector_store %arg7[%swap3A_1210, %swap3A_1211], %swap3A_1214 {strides = array<i32>} : memref<32x512xf32, #tpu.memory_space<vmem>>, vector<1x16xf32>,
      %scan3A_1215 = arith.constant 0 : i32
      scf.yield %scan3A_1215 : i32
    }
    %scan3A_69 = arith.constant 32 : i32
    %mul3A_70 = arith.constant 96 : i32
    %mul3A_71 = arith.muli %add3A, %mul3A_70 : i32
    %add3A_72 = arith.constant 32 : i32
    %add3A_73 = arith.addi %mul3A_71, %add3A_72 : i32
    "tpu.region"() ({
      %run_scoped3A = tpu.sem_alloc : memref<!tpu.dma_semaphore, #tpu.memory_space<semaphore_mem>>
      %dma_start3A_95 = arith.constant 0 : i32
      %dma_start3A_96 = tpu.memref_slice %arg4[%add3A_73, %dma_start3A_95] : memref<3072x512xf32, #tpu.memory_space<hbm>> -> memref<32x512xf32, #tpu.memory_space<hbm>>
      %dma_start3A_97 = arith.constant 0 : i32
      %dma_start3A_98 = tpu.memref_slice %arg4[%add3A_73, %dma_start3A_97] : memref<3072x512xf32, #tpu.memory_space<hbm>> -> memref<32x512xf32, #tpu.memory_space<hbm>>
      tpu.enqueue_dma source(%arg7 : memref<32x512xf32, #tpu.memory_space<vmem>>) target(%dma_start3A_98 : memref<32x512xf32, #tpu.memory_space<hbm>>) target_semaphore(%run_scoped3A : memref<!tpu.dma_semaphore, #tpu.memory_space<semaphore_mem>>)
      %dma_wait3A_99 = arith.constant 0 : i32
      %dma_wait3A_100 = tpu.memref_slice %arg4[%add3A_73, %dma_wait3A_99] : memref<3072x512xf32, #tpu.memory_space<hbm>> -> memref<32x512xf32, #tpu.memory_space<hbm>>
      %dma_wait3A_101 = arith.constant 0 : i32
      %dma_wait3A_102 = tpu.memref_slice %arg4[%add3A_73, %dma_wait3A_101] : memref<3072x512xf32, #tpu.memory_space<hbm>> -> memref<32x512xf32, #tpu.memory_space<hbm>>
      tpu.wait_dma2 semaphore(%run_scoped3A : memref<!tpu.dma_semaphore, #tpu.memory_space<semaphore_mem>>) src(%arg7 : memref<32x512xf32, #tpu.memory_space<vmem>>) dst(%dma_wait3A_102 : memref<32x512xf32, #tpu.memory_space<hbm>>)
      tpu.yield
    }) : () -> ()
    %dma_wait3A_74 = arith.constant 0 : i32
    %dma_wait3A_75 = arith.constant 0 : i32
    %dma_wait3A_76 = arith.constant 0 : i32
    %dma_wait3A_77 = tpu.memref_slice %arg6[%dma_wait3A_74, %dma_wait3A_75, %dma_wait3A_76] : memref<2x96x512xf32, #tpu.memory_space<vmem>> -> memref<1x96x512xf32, #tpu.memory_space<vmem>>
    %dma_wait3A_78 = tpu.memref_squeeze %dma_wait3A_77 : memref<1x96x512xf32, #tpu.memory_space<vmem>> -> memref<96x512xf32, #tpu.memory_space<vmem>>
    %dma_wait3A_79 = arith.constant 192 : i32
    %dma_wait3A_80 = tpu.memref_slice %arg5[%dma_wait3A_79] : memref<288xi32, #tpu.memory_space<vmem>> -> memref<96xi32, #tpu.memory_space<vmem>>
    %dma_wait3A_81 = arith.constant 0 : i32
    %dma_wait3A_82 = arith.constant 0 : i32
    %dma_wait3A_83 = tpu.memref_slice %arg2[%dma_wait3A_81, %dma_wait3A_82] : memref<24576x512xf32, #tpu.memory_space<hbm>> -> memref<24576x512xf32, #tpu.memory_space<hbm>>
    tpu.wait_indirect_dma semaphore(%arg8 : memref<!tpu.dma_semaphore, #tpu.memory_space<semaphore_mem>>) src(%dma_wait3A_83 : memref<24576x512xf32, #tpu.memory_space<hbm>>) dst(%dma_wait3A_78 : memref<96x512xf32, #tpu.memory_space<vmem>>)
    %scan3A_84 = arith.constant 0 : i32
    %scan3A_85 = arith.constant 0 : i32
    %scan3A_86 = arith.constant 32 : i32
    %scan3A_87 = arith.addi %scan3A_85, %scan3A_86 : i32
    %scan3A_88 = arith.constant 1 : i32
    %scan3A_89 = scf.for %scan3A_95 = %scan3A_85 to %scan3A_87 step %scan3A_88 iter_args(%scan3A_96 = %scan3A_84) -> (i32)  : i32 {
      %mul3A_97 = arith.constant 3 : i32
      %mul3A_98 = arith.muli %mul3A_97, %scan3A_95 : i32
      %get3A = arith.constant 0 : i32
      %get3A_99 = arith.index_cast %get3A : i32 to index
      %get3A_100 = arith.index_cast %mul3A_98 : i32 to index
      %get3A_101 = arith.constant 0 : index
      %get3A_102 = tpu.vector_load %arg6[%get3A_99, %get3A_100, %get3A_101] {strides = array<i32>} : memref<2x96x512xf32, #tpu.memory_space<vmem>>, vector<1x1x16xf32>,
      %get3A_103 = vector.shape_cast %get3A_102 : vector<1x1x16xf32> to vector<16xf32>
      %mul3A_104 = arith.constant 3 : i32
      %mul3A_105 = arith.muli %mul3A_104, %scan3A_95 : i32
      %add3A_106 = arith.constant 1 : i32
      %add3A_107 = arith.addi %mul3A_105, %add3A_106 : i32
      %get3A_108 = arith.constant 0 : i32
      %get3A_109 = arith.index_cast %get3A_108 : i32 to index
      %get3A_110 = arith.index_cast %add3A_107 : i32 to index
      %get3A_111 = arith.constant 0 : index
      %get3A_112 = tpu.vector_load %arg6[%get3A_109, %get3A_110, %get3A_111] {strides = array<i32>} : memref<2x96x512xf32, #tpu.memory_space<vmem>>, vector<1x1x16xf32>,
      %get3A_113 = vector.shape_cast %get3A_112 : vector<1x1x16xf32> to vector<16xf32>
      %add3A_114 = arith.addf %get3A_103, %get3A_113 : vector<16xf32>
      %mul3A_115 = arith.constant 3 : i32
      %mul3A_116 = arith.muli %mul3A_115, %scan3A_95 : i32
      %add3A_117 = arith.constant 2 : i32
      %add3A_118 = arith.addi %mul3A_116, %add3A_117 : i32
      %get3A_119 = arith.constant 0 : i32
      %get3A_120 = arith.index_cast %get3A_119 : i32 to index
      %get3A_121 = arith.index_cast %add3A_118 : i32 to index
      %get3A_122 = arith.constant 0 : index
      %get3A_123 = tpu.vector_load %arg6[%get3A_120, %get3A_121, %get3A_122] {strides = array<i32>} : memref<2x96x512xf32, #tpu.memory_space<vmem>>, vector<1x1x16xf32>,
      %get3A_124 = vector.shape_cast %get3A_123 : vector<1x1x16xf32> to vector<16xf32>
      %add3A_125 = arith.addf %add3A_114, %get3A_124 : vector<16xf32>
      %swap3A = arith.index_cast %scan3A_95 : i32 to index
      %swap3A_126 = arith.constant 0 : index
      %swap3A_127 = tpu.vector_load %arg7[%swap3A, %swap3A_126] {strides = array<i32>} : memref<32x512xf32, #tpu.memory_space<vmem>>, vector<1x16xf32>,
      %swap3A_128 = vector.shape_cast %swap3A_127 : vector<1x16xf32> to vector<16xf32>
      %swap3A_129 = vector.shape_cast %add3A_125 : vector<16xf32> to vector<1x16xf32>
      tpu.vector_store %arg7[%swap3A, %swap3A_126], %swap3A_129 {strides = array<i32>} : memref<32x512xf32, #tpu.memory_space<vmem>>, vector<1x16xf32>,
      %mul3A_130 = arith.constant 3 : i32
      %mul3A_131 = arith.muli %mul3A_130, %scan3A_95 : i32
      %get3A_132 = arith.constant 0 : i32
      %get3A_133 = arith.index_cast %get3A_132 : i32 to index
      %get3A_134 = arith.index_cast %mul3A_131 : i32 to index
      %get3A_135 = arith.constant 16 : index
      %get3A_136 = tpu.vector_load %arg6[%get3A_133, %get3A_134, %get3A_135] {strides = array<i32>} : memref<2x96x512xf32, #tpu.memory_space<vmem>>, vector<1x1x16xf32>,
      %get3A_137 = vector.shape_cast %get3A_136 : vector<1x1x16xf32> to vector<16xf32>
      %mul3A_138 = arith.constant 3 : i32
      %mul3A_139 = arith.muli %mul3A_138, %scan3A_95 : i32
      %add3A_140 = arith.constant 1 : i32
      %add3A_141 = arith.addi %mul3A_139, %add3A_140 : i32
      %get3A_142 = arith.constant 0 : i32
      %get3A_143 = arith.index_cast %get3A_142 : i32 to index
      %get3A_144 = arith.index_cast %add3A_141 : i32 to index
      %get3A_145 = arith.constant 16 : index
      %get3A_146 = tpu.vector_load %arg6[%get3A_143, %get3A_144, %get3A_145] {strides = array<i32>} : memref<2x96x512xf32, #tpu.memory_space<vmem>>, vector<1x1x16xf32>,
      %get3A_147 = vector.shape_cast %get3A_146 : vector<1x1x16xf32> to vector<16xf32>
      %add3A_148 = arith.addf %get3A_137, %get3A_147 : vector<16xf32>
      %mul3A_149 = arith.constant 3 : i32
      %mul3A_150 = arith.muli %mul3A_149, %scan3A_95 : i32
      %add3A_151 = arith.constant 2 : i32
      %add3A_152 = arith.addi %mul3A_150, %add3A_151 : i32
      %get3A_153 = arith.constant 0 : i32
      %get3A_154 = arith.index_cast %get3A_153 : i32 to index
      %get3A_155 = arith.index_cast %add3A_152 : i32 to index
      %get3A_156 = arith.constant 16 : index
      %get3A_157 = tpu.vector_load %arg6[%get3A_154, %get3A_155, %get3A_156] {strides = array<i32>} : memref<2x96x512xf32, #tpu.memory_space<vmem>>, vector<1x1x16xf32>,
      %get3A_158 = vector.shape_cast %get3A_157 : vector<1x1x16xf32> to vector<16xf32>
      %add3A_159 = arith.addf %add3A_148, %get3A_158 : vector<16xf32>
      %swap3A_160 = arith.index_cast %scan3A_95 : i32 to index
      %swap3A_161 = arith.constant 16 : index
      %swap3A_162 = tpu.vector_load %arg7[%swap3A_160, %swap3A_161] {strides = array<i32>} : memref<32x512xf32, #tpu.memory_space<vmem>>, vector<1x16xf32>,
      %swap3A_163 = vector.shape_cast %swap3A_162 : vector<1x16xf32> to vector<16xf32>
      %swap3A_164 = vector.shape_cast %add3A_159 : vector<16xf32> to vector<1x16xf32>
      tpu.vector_store %arg7[%swap3A_160, %swap3A_161], %swap3A_164 {strides = array<i32>} : memref<32x512xf32, #tpu.memory_space<vmem>>, vector<1x16xf32>,
      %mul3A_165 = arith.constant 3 : i32
      %mul3A_166 = arith.muli %mul3A_165, %scan3A_95 : i32
      %get3A_167 = arith.constant 0 : i32
      %get3A_168 = arith.index_cast %get3A_167 : i32 to index
      %get3A_169 = arith.index_cast %mul3A_166 : i32 to index
      %get3A_170 = arith.constant 32 : index
      %get3A_171 = tpu.vector_load %arg6[%get3A_168, %get3A_169, %get3A_170] {strides = array<i32>} : memref<2x96x512xf32, #tpu.memory_space<vmem>>, vector<1x1x16xf32>,
      %get3A_172 = vector.shape_cast %get3A_171 : vector<1x1x16xf32> to vector<16xf32>
      %mul3A_173 = arith.constant 3 : i32
      %mul3A_174 = arith.muli %mul3A_173, %scan3A_95 : i32
      %add3A_175 = arith.constant 1 : i32
      %add3A_176 = arith.addi %mul3A_174, %add3A_175 : i32
      %get3A_177 = arith.constant 0 : i32
      %get3A_178 = arith.index_cast %get3A_177 : i32 to index
      %get3A_179 = arith.index_cast %add3A_176 : i32 to index
      %get3A_180 = arith.constant 32 : index
      %get3A_181 = tpu.vector_load %arg6[%get3A_178, %get3A_179, %get3A_180] {strides = array<i32>} : memref<2x96x512xf32, #tpu.memory_space<vmem>>, vector<1x1x16xf32>,
      %get3A_182 = vector.shape_cast %get3A_181 : vector<1x1x16xf32> to vector<16xf32>
      %add3A_183 = arith.addf %get3A_172, %get3A_182 : vector<16xf32>
      %mul3A_184 = arith.constant 3 : i32
      %mul3A_185 = arith.muli %mul3A_184, %scan3A_95 : i32
      %add3A_186 = arith.constant 2 : i32
      %add3A_187 = arith.addi %mul3A_185, %add3A_186 : i32
      %get3A_188 = arith.constant 0 : i32
      %get3A_189 = arith.index_cast %get3A_188 : i32 to index
      %get3A_190 = arith.index_cast %add3A_187 : i32 to index
      %get3A_191 = arith.constant 32 : index
      %get3A_192 = tpu.vector_load %arg6[%get3A_189, %get3A_190, %get3A_191] {strides = array<i32>} : memref<2x96x512xf32, #tpu.memory_space<vmem>>, vector<1x1x16xf32>,
      %get3A_193 = vector.shape_cast %get3A_192 : vector<1x1x16xf32> to vector<16xf32>
      %add3A_194 = arith.addf %add3A_183, %get3A_193 : vector<16xf32>
      %swap3A_195 = arith.index_cast %scan3A_95 : i32 to index
      %swap3A_196 = arith.constant 32 : index
      %swap3A_197 = tpu.vector_load %arg7[%swap3A_195, %swap3A_196] {strides = array<i32>} : memref<32x512xf32, #tpu.memory_space<vmem>>, vector<1x16xf32>,
      %swap3A_198 = vector.shape_cast %swap3A_197 : vector<1x16xf32> to vector<16xf32>
      %swap3A_199 = vector.shape_cast %add3A_194 : vector<16xf32> to vector<1x16xf32>
      tpu.vector_store %arg7[%swap3A_195, %swap3A_196], %swap3A_199 {strides = array<i32>} : memref<32x512xf32, #tpu.memory_space<vmem>>, vector<1x16xf32>,
      %mul3A_200 = arith.constant 3 : i32
      %mul3A_201 = arith.muli %mul3A_200, %scan3A_95 : i32
      %get3A_202 = arith.constant 0 : i32
      %get3A_203 = arith.index_cast %get3A_202 : i32 to index
      %get3A_204 = arith.index_cast %mul3A_201 : i32 to index
      %get3A_205 = arith.constant 48 : index
      %get3A_206 = tpu.vector_load %arg6[%get3A_203, %get3A_204, %get3A_205] {strides = array<i32>} : memref<2x96x512xf32, #tpu.memory_space<vmem>>, vector<1x1x16xf32>,
      %get3A_207 = vector.shape_cast %get3A_206 : vector<1x1x16xf32> to vector<16xf32>
      %mul3A_208 = arith.constant 3 : i32
      %mul3A_209 = arith.muli %mul3A_208, %scan3A_95 : i32
      %add3A_210 = arith.constant 1 : i32
      %add3A_211 = arith.addi %mul3A_209, %add3A_210 : i32
      %get3A_212 = arith.constant 0 : i32
      %get3A_213 = arith.index_cast %get3A_212 : i32 to index
      %get3A_214 = arith.index_cast %add3A_211 : i32 to index
      %get3A_215 = arith.constant 48 : index
      %get3A_216 = tpu.vector_load %arg6[%get3A_213, %get3A_214, %get3A_215] {strides = array<i32>} : memref<2x96x512xf32, #tpu.memory_space<vmem>>, vector<1x1x16xf32>,
      %get3A_217 = vector.shape_cast %get3A_216 : vector<1x1x16xf32> to vector<16xf32>
      %add3A_218 = arith.addf %get3A_207, %get3A_217 : vector<16xf32>
      %mul3A_219 = arith.constant 3 : i32
      %mul3A_220 = arith.muli %mul3A_219, %scan3A_95 : i32
      %add3A_221 = arith.constant 2 : i32
      %add3A_222 = arith.addi %mul3A_220, %add3A_221 : i32
      %get3A_223 = arith.constant 0 : i32
      %get3A_224 = arith.index_cast %get3A_223 : i32 to index
      %get3A_225 = arith.index_cast %add3A_222 : i32 to index
      %get3A_226 = arith.constant 48 : index
      %get3A_227 = tpu.vector_load %arg6[%get3A_224, %get3A_225, %get3A_226] {strides = array<i32>} : memref<2x96x512xf32, #tpu.memory_space<vmem>>, vector<1x1x16xf32>,
      %get3A_228 = vector.shape_cast %get3A_227 : vector<1x1x16xf32> to vector<16xf32>
      %add3A_229 = arith.addf %add3A_218, %get3A_228 : vector<16xf32>
      %swap3A_230 = arith.index_cast %scan3A_95 : i32 to index
      %swap3A_231 = arith.constant 48 : index
      %swap3A_232 = tpu.vector_load %arg7[%swap3A_230, %swap3A_231] {strides = array<i32>} : memref<32x512xf32, #tpu.memory_space<vmem>>, vector<1x16xf32>,
      %swap3A_233 = vector.shape_cast %swap3A_232 : vector<1x16xf32> to vector<16xf32>
      %swap3A_234 = vector.shape_cast %add3A_229 : vector<16xf32> to vector<1x16xf32>
      tpu.vector_store %arg7[%swap3A_230, %swap3A_231], %swap3A_234 {strides = array<i32>} : memref<32x512xf32, #tpu.memory_space<vmem>>, vector<1x16xf32>,
      %mul3A_235 = arith.constant 3 : i32
      %mul3A_236 = arith.muli %mul3A_235, %scan3A_95 : i32
      %get3A_237 = arith.constant 0 : i32
      %get3A_238 = arith.index_cast %get3A_237 : i32 to index
      %get3A_239 = arith.index_cast %mul3A_236 : i32 to index
      %get3A_240 = arith.constant 64 : index
      %get3A_241 = tpu.vector_load %arg6[%get3A_238, %get3A_239, %get3A_240] {strides = array<i32>} : memref<2x96x512xf32, #tpu.memory_space<vmem>>, vector<1x1x16xf32>,
      %get3A_242 = vector.shape_cast %get3A_241 : vector<1x1x16xf32> to vector<16xf32>
      %mul3A_243 = arith.constant 3 : i32
      %mul3A_244 = arith.muli %mul3A_243, %scan3A_95 : i32
      %add3A_245 = arith.constant 1 : i32
      %add3A_246 = arith.addi %mul3A_244, %add3A_245 : i32
      %get3A_247 = arith.constant 0 : i32
      %get3A_248 = arith.index_cast %get3A_247 : i32 to index
      %get3A_249 = arith.index_cast %add3A_246 : i32 to index
      %get3A_250 = arith.constant 64 : index
      %get3A_251 = tpu.vector_load %arg6[%get3A_248, %get3A_249, %get3A_250] {strides = array<i32>} : memref<2x96x512xf32, #tpu.memory_space<vmem>>, vector<1x1x16xf32>,
      %get3A_252 = vector.shape_cast %get3A_251 : vector<1x1x16xf32> to vector<16xf32>
      %add3A_253 = arith.addf %get3A_242, %get3A_252 : vector<16xf32>
      %mul3A_254 = arith.constant 3 : i32
      %mul3A_255 = arith.muli %mul3A_254, %scan3A_95 : i32
      %add3A_256 = arith.constant 2 : i32
      %add3A_257 = arith.addi %mul3A_255, %add3A_256 : i32
      %get3A_258 = arith.constant 0 : i32
      %get3A_259 = arith.index_cast %get3A_258 : i32 to index
      %get3A_260 = arith.index_cast %add3A_257 : i32 to index
      %get3A_261 = arith.constant 64 : index
      %get3A_262 = tpu.vector_load %arg6[%get3A_259, %get3A_260, %get3A_261] {strides = array<i32>} : memref<2x96x512xf32, #tpu.memory_space<vmem>>, vector<1x1x16xf32>,
      %get3A_263 = vector.shape_cast %get3A_262 : vector<1x1x16xf32> to vector<16xf32>
      %add3A_264 = arith.addf %add3A_253, %get3A_263 : vector<16xf32>
      %swap3A_265 = arith.index_cast %scan3A_95 : i32 to index
      %swap3A_266 = arith.constant 64 : index
      %swap3A_267 = tpu.vector_load %arg7[%swap3A_265, %swap3A_266] {strides = array<i32>} : memref<32x512xf32, #tpu.memory_space<vmem>>, vector<1x16xf32>,
      %swap3A_268 = vector.shape_cast %swap3A_267 : vector<1x16xf32> to vector<16xf32>
      %swap3A_269 = vector.shape_cast %add3A_264 : vector<16xf32> to vector<1x16xf32>
      tpu.vector_store %arg7[%swap3A_265, %swap3A_266], %swap3A_269 {strides = array<i32>} : memref<32x512xf32, #tpu.memory_space<vmem>>, vector<1x16xf32>,
      %mul3A_270 = arith.constant 3 : i32
      %mul3A_271 = arith.muli %mul3A_270, %scan3A_95 : i32
      %get3A_272 = arith.constant 0 : i32
      %get3A_273 = arith.index_cast %get3A_272 : i32 to index
      %get3A_274 = arith.index_cast %mul3A_271 : i32 to index
      %get3A_275 = arith.constant 80 : index
      %get3A_276 = tpu.vector_load %arg6[%get3A_273, %get3A_274, %get3A_275] {strides = array<i32>} : memref<2x96x512xf32, #tpu.memory_space<vmem>>, vector<1x1x16xf32>,
      %get3A_277 = vector.shape_cast %get3A_276 : vector<1x1x16xf32> to vector<16xf32>
      %mul3A_278 = arith.constant 3 : i32
      %mul3A_279 = arith.muli %mul3A_278, %scan3A_95 : i32
      %add3A_280 = arith.constant 1 : i32
      %add3A_281 = arith.addi %mul3A_279, %add3A_280 : i32
      %get3A_282 = arith.constant 0 : i32
      %get3A_283 = arith.index_cast %get3A_282 : i32 to index
      %get3A_284 = arith.index_cast %add3A_281 : i32 to index
      %get3A_285 = arith.constant 80 : index
      %get3A_286 = tpu.vector_load %arg6[%get3A_283, %get3A_284, %get3A_285] {strides = array<i32>} : memref<2x96x512xf32, #tpu.memory_space<vmem>>, vector<1x1x16xf32>,
      %get3A_287 = vector.shape_cast %get3A_286 : vector<1x1x16xf32> to vector<16xf32>
      %add3A_288 = arith.addf %get3A_277, %get3A_287 : vector<16xf32>
      %mul3A_289 = arith.constant 3 : i32
      %mul3A_290 = arith.muli %mul3A_289, %scan3A_95 : i32
      %add3A_291 = arith.constant 2 : i32
      %add3A_292 = arith.addi %mul3A_290, %add3A_291 : i32
      %get3A_293 = arith.constant 0 : i32
      %get3A_294 = arith.index_cast %get3A_293 : i32 to index
      %get3A_295 = arith.index_cast %add3A_292 : i32 to index
      %get3A_296 = arith.constant 80 : index
      %get3A_297 = tpu.vector_load %arg6[%get3A_294, %get3A_295, %get3A_296] {strides = array<i32>} : memref<2x96x512xf32, #tpu.memory_space<vmem>>, vector<1x1x16xf32>,
      %get3A_298 = vector.shape_cast %get3A_297 : vector<1x1x16xf32> to vector<16xf32>
      %add3A_299 = arith.addf %add3A_288, %get3A_298 : vector<16xf32>
      %swap3A_300 = arith.index_cast %scan3A_95 : i32 to index
      %swap3A_301 = arith.constant 80 : index
      %swap3A_302 = tpu.vector_load %arg7[%swap3A_300, %swap3A_301] {strides = array<i32>} : memref<32x512xf32, #tpu.memory_space<vmem>>, vector<1x16xf32>,
      %swap3A_303 = vector.shape_cast %swap3A_302 : vector<1x16xf32> to vector<16xf32>
      %swap3A_304 = vector.shape_cast %add3A_299 : vector<16xf32> to vector<1x16xf32>
      tpu.vector_store %arg7[%swap3A_300, %swap3A_301], %swap3A_304 {strides = array<i32>} : memref<32x512xf32, #tpu.memory_space<vmem>>, vector<1x16xf32>,
      %mul3A_305 = arith.constant 3 : i32
      %mul3A_306 = arith.muli %mul3A_305, %scan3A_95 : i32
      %get3A_307 = arith.constant 0 : i32
      %get3A_308 = arith.index_cast %get3A_307 : i32 to index
      %get3A_309 = arith.index_cast %mul3A_306 : i32 to index
      %get3A_310 = arith.constant 96 : index
      %get3A_311 = tpu.vector_load %arg6[%get3A_308, %get3A_309, %get3A_310] {strides = array<i32>} : memref<2x96x512xf32, #tpu.memory_space<vmem>>, vector<1x1x16xf32>,
      %get3A_312 = vector.shape_cast %get3A_311 : vector<1x1x16xf32> to vector<16xf32>
      %mul3A_313 = arith.constant 3 : i32
      %mul3A_314 = arith.muli %mul3A_313, %scan3A_95 : i32
      %add3A_315 = arith.constant 1 : i32
      %add3A_316 = arith.addi %mul3A_314, %add3A_315 : i32
      %get3A_317 = arith.constant 0 : i32
      %get3A_318 = arith.index_cast %get3A_317 : i32 to index
      %get3A_319 = arith.index_cast %add3A_316 : i32 to index
      %get3A_320 = arith.constant 96 : index
      %get3A_321 = tpu.vector_load %arg6[%get3A_318, %get3A_319, %get3A_320] {strides = array<i32>} : memref<2x96x512xf32, #tpu.memory_space<vmem>>, vector<1x1x16xf32>,
      %get3A_322 = vector.shape_cast %get3A_321 : vector<1x1x16xf32> to vector<16xf32>
      %add3A_323 = arith.addf %get3A_312, %get3A_322 : vector<16xf32>
      %mul3A_324 = arith.constant 3 : i32
      %mul3A_325 = arith.muli %mul3A_324, %scan3A_95 : i32
      %add3A_326 = arith.constant 2 : i32
      %add3A_327 = arith.addi %mul3A_325, %add3A_326 : i32
      %get3A_328 = arith.constant 0 : i32
      %get3A_329 = arith.index_cast %get3A_328 : i32 to index
      %get3A_330 = arith.index_cast %add3A_327 : i32 to index
      %get3A_331 = arith.constant 96 : index
      %get3A_332 = tpu.vector_load %arg6[%get3A_329, %get3A_330, %get3A_331] {strides = array<i32>} : memref<2x96x512xf32, #tpu.memory_space<vmem>>, vector<1x1x16xf32>,
      %get3A_333 = vector.shape_cast %get3A_332 : vector<1x1x16xf32> to vector<16xf32>
      %add3A_334 = arith.addf %add3A_323, %get3A_333 : vector<16xf32>
      %swap3A_335 = arith.index_cast %scan3A_95 : i32 to index
      %swap3A_336 = arith.constant 96 : index
      %swap3A_337 = tpu.vector_load %arg7[%swap3A_335, %swap3A_336] {strides = array<i32>} : memref<32x512xf32, #tpu.memory_space<vmem>>, vector<1x16xf32>,
      %swap3A_338 = vector.shape_cast %swap3A_337 : vector<1x16xf32> to vector<16xf32>
      %swap3A_339 = vector.shape_cast %add3A_334 : vector<16xf32> to vector<1x16xf32>
      tpu.vector_store %arg7[%swap3A_335, %swap3A_336], %swap3A_339 {strides = array<i32>} : memref<32x512xf32, #tpu.memory_space<vmem>>, vector<1x16xf32>,
      %mul3A_340 = arith.constant 3 : i32
      %mul3A_341 = arith.muli %mul3A_340, %scan3A_95 : i32
      %get3A_342 = arith.constant 0 : i32
      %get3A_343 = arith.index_cast %get3A_342 : i32 to index
      %get3A_344 = arith.index_cast %mul3A_341 : i32 to index
      %get3A_345 = arith.constant 112 : index
      %get3A_346 = tpu.vector_load %arg6[%get3A_343, %get3A_344, %get3A_345] {strides = array<i32>} : memref<2x96x512xf32, #tpu.memory_space<vmem>>, vector<1x1x16xf32>,
      %get3A_347 = vector.shape_cast %get3A_346 : vector<1x1x16xf32> to vector<16xf32>
      %mul3A_348 = arith.constant 3 : i32
      %mul3A_349 = arith.muli %mul3A_348, %scan3A_95 : i32
      %add3A_350 = arith.constant 1 : i32
      %add3A_351 = arith.addi %mul3A_349, %add3A_350 : i32
      %get3A_352 = arith.constant 0 : i32
      %get3A_353 = arith.index_cast %get3A_352 : i32 to index
      %get3A_354 = arith.index_cast %add3A_351 : i32 to index
      %get3A_355 = arith.constant 112 : index
      %get3A_356 = tpu.vector_load %arg6[%get3A_353, %get3A_354, %get3A_355] {strides = array<i32>} : memref<2x96x512xf32, #tpu.memory_space<vmem>>, vector<1x1x16xf32>,
      %get3A_357 = vector.shape_cast %get3A_356 : vector<1x1x16xf32> to vector<16xf32>
      %add3A_358 = arith.addf %get3A_347, %get3A_357 : vector<16xf32>
      %mul3A_359 = arith.constant 3 : i32
      %mul3A_360 = arith.muli %mul3A_359, %scan3A_95 : i32
      %add3A_361 = arith.constant 2 : i32
      %add3A_362 = arith.addi %mul3A_360, %add3A_361 : i32
      %get3A_363 = arith.constant 0 : i32
      %get3A_364 = arith.index_cast %get3A_363 : i32 to index
      %get3A_365 = arith.index_cast %add3A_362 : i32 to index
      %get3A_366 = arith.constant 112 : index
      %get3A_367 = tpu.vector_load %arg6[%get3A_364, %get3A_365, %get3A_366] {strides = array<i32>} : memref<2x96x512xf32, #tpu.memory_space<vmem>>, vector<1x1x16xf32>,
      %get3A_368 = vector.shape_cast %get3A_367 : vector<1x1x16xf32> to vector<16xf32>
      %add3A_369 = arith.addf %add3A_358, %get3A_368 : vector<16xf32>
      %swap3A_370 = arith.index_cast %scan3A_95 : i32 to index
      %swap3A_371 = arith.constant 112 : index
      %swap3A_372 = tpu.vector_load %arg7[%swap3A_370, %swap3A_371] {strides = array<i32>} : memref<32x512xf32, #tpu.memory_space<vmem>>, vector<1x16xf32>,
      %swap3A_373 = vector.shape_cast %swap3A_372 : vector<1x16xf32> to vector<16xf32>
      %swap3A_374 = vector.shape_cast %add3A_369 : vector<16xf32> to vector<1x16xf32>
      tpu.vector_store %arg7[%swap3A_370, %swap3A_371], %swap3A_374 {strides = array<i32>} : memref<32x512xf32, #tpu.memory_space<vmem>>, vector<1x16xf32>,
      %mul3A_375 = arith.constant 3 : i32
      %mul3A_376 = arith.muli %mul3A_375, %scan3A_95 : i32
      %get3A_377 = arith.constant 0 : i32
      %get3A_378 = arith.index_cast %get3A_377 : i32 to index
      %get3A_379 = arith.index_cast %mul3A_376 : i32 to index
      %get3A_380 = arith.constant 128 : index
      %get3A_381 = tpu.vector_load %arg6[%get3A_378, %get3A_379, %get3A_380] {strides = array<i32>} : memref<2x96x512xf32, #tpu.memory_space<vmem>>, vector<1x1x16xf32>,
      %get3A_382 = vector.shape_cast %get3A_381 : vector<1x1x16xf32> to vector<16xf32>
      %mul3A_383 = arith.constant 3 : i32
      %mul3A_384 = arith.muli %mul3A_383, %scan3A_95 : i32
      %add3A_385 = arith.constant 1 : i32
      %add3A_386 = arith.addi %mul3A_384, %add3A_385 : i32
      %get3A_387 = arith.constant 0 : i32
      %get3A_388 = arith.index_cast %get3A_387 : i32 to index
      %get3A_389 = arith.index_cast %add3A_386 : i32 to index
      %get3A_390 = arith.constant 128 : index
      %get3A_391 = tpu.vector_load %arg6[%get3A_388, %get3A_389, %get3A_390] {strides = array<i32>} : memref<2x96x512xf32, #tpu.memory_space<vmem>>, vector<1x1x16xf32>,
      %get3A_392 = vector.shape_cast %get3A_391 : vector<1x1x16xf32> to vector<16xf32>
      %add3A_393 = arith.addf %get3A_382, %get3A_392 : vector<16xf32>
      %mul3A_394 = arith.constant 3 : i32
      %mul3A_395 = arith.muli %mul3A_394, %scan3A_95 : i32
      %add3A_396 = arith.constant 2 : i32
      %add3A_397 = arith.addi %mul3A_395, %add3A_396 : i32
      %get3A_398 = arith.constant 0 : i32
      %get3A_399 = arith.index_cast %get3A_398 : i32 to index
      %get3A_400 = arith.index_cast %add3A_397 : i32 to index
      %get3A_401 = arith.constant 128 : index
      %get3A_402 = tpu.vector_load %arg6[%get3A_399, %get3A_400, %get3A_401] {strides = array<i32>} : memref<2x96x512xf32, #tpu.memory_space<vmem>>, vector<1x1x16xf32>,
      %get3A_403 = vector.shape_cast %get3A_402 : vector<1x1x16xf32> to vector<16xf32>
      %add3A_404 = arith.addf %add3A_393, %get3A_403 : vector<16xf32>
      %swap3A_405 = arith.index_cast %scan3A_95 : i32 to index
      %swap3A_406 = arith.constant 128 : index
      %swap3A_407 = tpu.vector_load %arg7[%swap3A_405, %swap3A_406] {strides = array<i32>} : memref<32x512xf32, #tpu.memory_space<vmem>>, vector<1x16xf32>,
      %swap3A_408 = vector.shape_cast %swap3A_407 : vector<1x16xf32> to vector<16xf32>
      %swap3A_409 = vector.shape_cast %add3A_404 : vector<16xf32> to vector<1x16xf32>
      tpu.vector_store %arg7[%swap3A_405, %swap3A_406], %swap3A_409 {strides = array<i32>} : memref<32x512xf32, #tpu.memory_space<vmem>>, vector<1x16xf32>,
      %mul3A_410 = arith.constant 3 : i32
      %mul3A_411 = arith.muli %mul3A_410, %scan3A_95 : i32
      %get3A_412 = arith.constant 0 : i32
      %get3A_413 = arith.index_cast %get3A_412 : i32 to index
      %get3A_414 = arith.index_cast %mul3A_411 : i32 to index
      %get3A_415 = arith.constant 144 : index
      %get3A_416 = tpu.vector_load %arg6[%get3A_413, %get3A_414, %get3A_415] {strides = array<i32>} : memref<2x96x512xf32, #tpu.memory_space<vmem>>, vector<1x1x16xf32>,
      %get3A_417 = vector.shape_cast %get3A_416 : vector<1x1x16xf32> to vector<16xf32>
      %mul3A_418 = arith.constant 3 : i32
      %mul3A_419 = arith.muli %mul3A_418, %scan3A_95 : i32
      %add3A_420 = arith.constant 1 : i32
      %add3A_421 = arith.addi %mul3A_419, %add3A_420 : i32
      %get3A_422 = arith.constant 0 : i32
      %get3A_423 = arith.index_cast %get3A_422 : i32 to index
      %get3A_424 = arith.index_cast %add3A_421 : i32 to index
      %get3A_425 = arith.constant 144 : index
      %get3A_426 = tpu.vector_load %arg6[%get3A_423, %get3A_424, %get3A_425] {strides = array<i32>} : memref<2x96x512xf32, #tpu.memory_space<vmem>>, vector<1x1x16xf32>,
      %get3A_427 = vector.shape_cast %get3A_426 : vector<1x1x16xf32> to vector<16xf32>
      %add3A_428 = arith.addf %get3A_417, %get3A_427 : vector<16xf32>
      %mul3A_429 = arith.constant 3 : i32
      %mul3A_430 = arith.muli %mul3A_429, %scan3A_95 : i32
      %add3A_431 = arith.constant 2 : i32
      %add3A_432 = arith.addi %mul3A_430, %add3A_431 : i32
      %get3A_433 = arith.constant 0 : i32
      %get3A_434 = arith.index_cast %get3A_433 : i32 to index
      %get3A_435 = arith.index_cast %add3A_432 : i32 to index
      %get3A_436 = arith.constant 144 : index
      %get3A_437 = tpu.vector_load %arg6[%get3A_434, %get3A_435, %get3A_436] {strides = array<i32>} : memref<2x96x512xf32, #tpu.memory_space<vmem>>, vector<1x1x16xf32>,
      %get3A_438 = vector.shape_cast %get3A_437 : vector<1x1x16xf32> to vector<16xf32>
      %add3A_439 = arith.addf %add3A_428, %get3A_438 : vector<16xf32>
      %swap3A_440 = arith.index_cast %scan3A_95 : i32 to index
      %swap3A_441 = arith.constant 144 : index
      %swap3A_442 = tpu.vector_load %arg7[%swap3A_440, %swap3A_441] {strides = array<i32>} : memref<32x512xf32, #tpu.memory_space<vmem>>, vector<1x16xf32>,
      %swap3A_443 = vector.shape_cast %swap3A_442 : vector<1x16xf32> to vector<16xf32>
      %swap3A_444 = vector.shape_cast %add3A_439 : vector<16xf32> to vector<1x16xf32>
      tpu.vector_store %arg7[%swap3A_440, %swap3A_441], %swap3A_444 {strides = array<i32>} : memref<32x512xf32, #tpu.memory_space<vmem>>, vector<1x16xf32>,
      %mul3A_445 = arith.constant 3 : i32
      %mul3A_446 = arith.muli %mul3A_445, %scan3A_95 : i32
      %get3A_447 = arith.constant 0 : i32
      %get3A_448 = arith.index_cast %get3A_447 : i32 to index
      %get3A_449 = arith.index_cast %mul3A_446 : i32 to index
      %get3A_450 = arith.constant 160 : index
      %get3A_451 = tpu.vector_load %arg6[%get3A_448, %get3A_449, %get3A_450] {strides = array<i32>} : memref<2x96x512xf32, #tpu.memory_space<vmem>>, vector<1x1x16xf32>,
      %get3A_452 = vector.shape_cast %get3A_451 : vector<1x1x16xf32> to vector<16xf32>
      %mul3A_453 = arith.constant 3 : i32
      %mul3A_454 = arith.muli %mul3A_453, %scan3A_95 : i32
      %add3A_455 = arith.constant 1 : i32
      %add3A_456 = arith.addi %mul3A_454, %add3A_455 : i32
      %get3A_457 = arith.constant 0 : i32
      %get3A_458 = arith.index_cast %get3A_457 : i32 to index
      %get3A_459 = arith.index_cast %add3A_456 : i32 to index
      %get3A_460 = arith.constant 160 : index
      %get3A_461 = tpu.vector_load %arg6[%get3A_458, %get3A_459, %get3A_460] {strides = array<i32>} : memref<2x96x512xf32, #tpu.memory_space<vmem>>, vector<1x1x16xf32>,
      %get3A_462 = vector.shape_cast %get3A_461 : vector<1x1x16xf32> to vector<16xf32>
      %add3A_463 = arith.addf %get3A_452, %get3A_462 : vector<16xf32>
      %mul3A_464 = arith.constant 3 : i32
      %mul3A_465 = arith.muli %mul3A_464, %scan3A_95 : i32
      %add3A_466 = arith.constant 2 : i32
      %add3A_467 = arith.addi %mul3A_465, %add3A_466 : i32
      %get3A_468 = arith.constant 0 : i32
      %get3A_469 = arith.index_cast %get3A_468 : i32 to index
      %get3A_470 = arith.index_cast %add3A_467 : i32 to index
      %get3A_471 = arith.constant 160 : index
      %get3A_472 = tpu.vector_load %arg6[%get3A_469, %get3A_470, %get3A_471] {strides = array<i32>} : memref<2x96x512xf32, #tpu.memory_space<vmem>>, vector<1x1x16xf32>,
      %get3A_473 = vector.shape_cast %get3A_472 : vector<1x1x16xf32> to vector<16xf32>
      %add3A_474 = arith.addf %add3A_463, %get3A_473 : vector<16xf32>
      %swap3A_475 = arith.index_cast %scan3A_95 : i32 to index
      %swap3A_476 = arith.constant 160 : index
      %swap3A_477 = tpu.vector_load %arg7[%swap3A_475, %swap3A_476] {strides = array<i32>} : memref<32x512xf32, #tpu.memory_space<vmem>>, vector<1x16xf32>,
      %swap3A_478 = vector.shape_cast %swap3A_477 : vector<1x16xf32> to vector<16xf32>
      %swap3A_479 = vector.shape_cast %add3A_474 : vector<16xf32> to vector<1x16xf32>
      tpu.vector_store %arg7[%swap3A_475, %swap3A_476], %swap3A_479 {strides = array<i32>} : memref<32x512xf32, #tpu.memory_space<vmem>>, vector<1x16xf32>,
      %mul3A_480 = arith.constant 3 : i32
      %mul3A_481 = arith.muli %mul3A_480, %scan3A_95 : i32
      %get3A_482 = arith.constant 0 : i32
      %get3A_483 = arith.index_cast %get3A_482 : i32 to index
      %get3A_484 = arith.index_cast %mul3A_481 : i32 to index
      %get3A_485 = arith.constant 176 : index
      %get3A_486 = tpu.vector_load %arg6[%get3A_483, %get3A_484, %get3A_485] {strides = array<i32>} : memref<2x96x512xf32, #tpu.memory_space<vmem>>, vector<1x1x16xf32>,
      %get3A_487 = vector.shape_cast %get3A_486 : vector<1x1x16xf32> to vector<16xf32>
      %mul3A_488 = arith.constant 3 : i32
      %mul3A_489 = arith.muli %mul3A_488, %scan3A_95 : i32
      %add3A_490 = arith.constant 1 : i32
      %add3A_491 = arith.addi %mul3A_489, %add3A_490 : i32
      %get3A_492 = arith.constant 0 : i32
      %get3A_493 = arith.index_cast %get3A_492 : i32 to index
      %get3A_494 = arith.index_cast %add3A_491 : i32 to index
      %get3A_495 = arith.constant 176 : index
      %get3A_496 = tpu.vector_load %arg6[%get3A_493, %get3A_494, %get3A_495] {strides = array<i32>} : memref<2x96x512xf32, #tpu.memory_space<vmem>>, vector<1x1x16xf32>,
      %get3A_497 = vector.shape_cast %get3A_496 : vector<1x1x16xf32> to vector<16xf32>
      %add3A_498 = arith.addf %get3A_487, %get3A_497 : vector<16xf32>
      %mul3A_499 = arith.constant 3 : i32
      %mul3A_500 = arith.muli %mul3A_499, %scan3A_95 : i32
      %add3A_501 = arith.constant 2 : i32
      %add3A_502 = arith.addi %mul3A_500, %add3A_501 : i32
      %get3A_503 = arith.constant 0 : i32
      %get3A_504 = arith.index_cast %get3A_503 : i32 to index
      %get3A_505 = arith.index_cast %add3A_502 : i32 to index
      %get3A_506 = arith.constant 176 : index
      %get3A_507 = tpu.vector_load %arg6[%get3A_504, %get3A_505, %get3A_506] {strides = array<i32>} : memref<2x96x512xf32, #tpu.memory_space<vmem>>, vector<1x1x16xf32>,
      %get3A_508 = vector.shape_cast %get3A_507 : vector<1x1x16xf32> to vector<16xf32>
      %add3A_509 = arith.addf %add3A_498, %get3A_508 : vector<16xf32>
      %swap3A_510 = arith.index_cast %scan3A_95 : i32 to index
      %swap3A_511 = arith.constant 176 : index
      %swap3A_512 = tpu.vector_load %arg7[%swap3A_510, %swap3A_511] {strides = array<i32>} : memref<32x512xf32, #tpu.memory_space<vmem>>, vector<1x16xf32>,
      %swap3A_513 = vector.shape_cast %swap3A_512 : vector<1x16xf32> to vector<16xf32>
      %swap3A_514 = vector.shape_cast %add3A_509 : vector<16xf32> to vector<1x16xf32>
      tpu.vector_store %arg7[%swap3A_510, %swap3A_511], %swap3A_514 {strides = array<i32>} : memref<32x512xf32, #tpu.memory_space<vmem>>, vector<1x16xf32>,
      %mul3A_515 = arith.constant 3 : i32
      %mul3A_516 = arith.muli %mul3A_515, %scan3A_95 : i32
      %get3A_517 = arith.constant 0 : i32
      %get3A_518 = arith.index_cast %get3A_517 : i32 to index
      %get3A_519 = arith.index_cast %mul3A_516 : i32 to index
      %get3A_520 = arith.constant 192 : index
      %get3A_521 = tpu.vector_load %arg6[%get3A_518, %get3A_519, %get3A_520] {strides = array<i32>} : memref<2x96x512xf32, #tpu.memory_space<vmem>>, vector<1x1x16xf32>,
      %get3A_522 = vector.shape_cast %get3A_521 : vector<1x1x16xf32> to vector<16xf32>
      %mul3A_523 = arith.constant 3 : i32
      %mul3A_524 = arith.muli %mul3A_523, %scan3A_95 : i32
      %add3A_525 = arith.constant 1 : i32
      %add3A_526 = arith.addi %mul3A_524, %add3A_525 : i32
      %get3A_527 = arith.constant 0 : i32
      %get3A_528 = arith.index_cast %get3A_527 : i32 to index
      %get3A_529 = arith.index_cast %add3A_526 : i32 to index
      %get3A_530 = arith.constant 192 : index
      %get3A_531 = tpu.vector_load %arg6[%get3A_528, %get3A_529, %get3A_530] {strides = array<i32>} : memref<2x96x512xf32, #tpu.memory_space<vmem>>, vector<1x1x16xf32>,
      %get3A_532 = vector.shape_cast %get3A_531 : vector<1x1x16xf32> to vector<16xf32>
      %add3A_533 = arith.addf %get3A_522, %get3A_532 : vector<16xf32>
      %mul3A_534 = arith.constant 3 : i32
      %mul3A_535 = arith.muli %mul3A_534, %scan3A_95 : i32
      %add3A_536 = arith.constant 2 : i32
      %add3A_537 = arith.addi %mul3A_535, %add3A_536 : i32
      %get3A_538 = arith.constant 0 : i32
      %get3A_539 = arith.index_cast %get3A_538 : i32 to index
      %get3A_540 = arith.index_cast %add3A_537 : i32 to index
      %get3A_541 = arith.constant 192 : index
      %get3A_542 = tpu.vector_load %arg6[%get3A_539, %get3A_540, %get3A_541] {strides = array<i32>} : memref<2x96x512xf32, #tpu.memory_space<vmem>>, vector<1x1x16xf32>,
      %get3A_543 = vector.shape_cast %get3A_542 : vector<1x1x16xf32> to vector<16xf32>
      %add3A_544 = arith.addf %add3A_533, %get3A_543 : vector<16xf32>
      %swap3A_545 = arith.index_cast %scan3A_95 : i32 to index
      %swap3A_546 = arith.constant 192 : index
      %swap3A_547 = tpu.vector_load %arg7[%swap3A_545, %swap3A_546] {strides = array<i32>} : memref<32x512xf32, #tpu.memory_space<vmem>>, vector<1x16xf32>,
      %swap3A_548 = vector.shape_cast %swap3A_547 : vector<1x16xf32> to vector<16xf32>
      %swap3A_549 = vector.shape_cast %add3A_544 : vector<16xf32> to vector<1x16xf32>
      tpu.vector_store %arg7[%swap3A_545, %swap3A_546], %swap3A_549 {strides = array<i32>} : memref<32x512xf32, #tpu.memory_space<vmem>>, vector<1x16xf32>,
      %mul3A_550 = arith.constant 3 : i32
      %mul3A_551 = arith.muli %mul3A_550, %scan3A_95 : i32
      %get3A_552 = arith.constant 0 : i32
      %get3A_553 = arith.index_cast %get3A_552 : i32 to index
      %get3A_554 = arith.index_cast %mul3A_551 : i32 to index
      %get3A_555 = arith.constant 208 : index
      %get3A_556 = tpu.vector_load %arg6[%get3A_553, %get3A_554, %get3A_555] {strides = array<i32>} : memref<2x96x512xf32, #tpu.memory_space<vmem>>, vector<1x1x16xf32>,
      %get3A_557 = vector.shape_cast %get3A_556 : vector<1x1x16xf32> to vector<16xf32>
      %mul3A_558 = arith.constant 3 : i32
      %mul3A_559 = arith.muli %mul3A_558, %scan3A_95 : i32
      %add3A_560 = arith.constant 1 : i32
      %add3A_561 = arith.addi %mul3A_559, %add3A_560 : i32
      %get3A_562 = arith.constant 0 : i32
      %get3A_563 = arith.index_cast %get3A_562 : i32 to index
      %get3A_564 = arith.index_cast %add3A_561 : i32 to index
      %get3A_565 = arith.constant 208 : index
      %get3A_566 = tpu.vector_load %arg6[%get3A_563, %get3A_564, %get3A_565] {strides = array<i32>} : memref<2x96x512xf32, #tpu.memory_space<vmem>>, vector<1x1x16xf32>,
      %get3A_567 = vector.shape_cast %get3A_566 : vector<1x1x16xf32> to vector<16xf32>
      %add3A_568 = arith.addf %get3A_557, %get3A_567 : vector<16xf32>
      %mul3A_569 = arith.constant 3 : i32
      %mul3A_570 = arith.muli %mul3A_569, %scan3A_95 : i32
      %add3A_571 = arith.constant 2 : i32
      %add3A_572 = arith.addi %mul3A_570, %add3A_571 : i32
      %get3A_573 = arith.constant 0 : i32
      %get3A_574 = arith.index_cast %get3A_573 : i32 to index
      %get3A_575 = arith.index_cast %add3A_572 : i32 to index
      %get3A_576 = arith.constant 208 : index
      %get3A_577 = tpu.vector_load %arg6[%get3A_574, %get3A_575, %get3A_576] {strides = array<i32>} : memref<2x96x512xf32, #tpu.memory_space<vmem>>, vector<1x1x16xf32>,
      %get3A_578 = vector.shape_cast %get3A_577 : vector<1x1x16xf32> to vector<16xf32>
      %add3A_579 = arith.addf %add3A_568, %get3A_578 : vector<16xf32>
      %swap3A_580 = arith.index_cast %scan3A_95 : i32 to index
      %swap3A_581 = arith.constant 208 : index
      %swap3A_582 = tpu.vector_load %arg7[%swap3A_580, %swap3A_581] {strides = array<i32>} : memref<32x512xf32, #tpu.memory_space<vmem>>, vector<1x16xf32>,
      %swap3A_583 = vector.shape_cast %swap3A_582 : vector<1x16xf32> to vector<16xf32>
      %swap3A_584 = vector.shape_cast %add3A_579 : vector<16xf32> to vector<1x16xf32>
      tpu.vector_store %arg7[%swap3A_580, %swap3A_581], %swap3A_584 {strides = array<i32>} : memref<32x512xf32, #tpu.memory_space<vmem>>, vector<1x16xf32>,
      %mul3A_585 = arith.constant 3 : i32
      %mul3A_586 = arith.muli %mul3A_585, %scan3A_95 : i32
      %get3A_587 = arith.constant 0 : i32
      %get3A_588 = arith.index_cast %get3A_587 : i32 to index
      %get3A_589 = arith.index_cast %mul3A_586 : i32 to index
      %get3A_590 = arith.constant 224 : index
      %get3A_591 = tpu.vector_load %arg6[%get3A_588, %get3A_589, %get3A_590] {strides = array<i32>} : memref<2x96x512xf32, #tpu.memory_space<vmem>>, vector<1x1x16xf32>,
      %get3A_592 = vector.shape_cast %get3A_591 : vector<1x1x16xf32> to vector<16xf32>
      %mul3A_593 = arith.constant 3 : i32
      %mul3A_594 = arith.muli %mul3A_593, %scan3A_95 : i32
      %add3A_595 = arith.constant 1 : i32
      %add3A_596 = arith.addi %mul3A_594, %add3A_595 : i32
      %get3A_597 = arith.constant 0 : i32
      %get3A_598 = arith.index_cast %get3A_597 : i32 to index
      %get3A_599 = arith.index_cast %add3A_596 : i32 to index
      %get3A_600 = arith.constant 224 : index
      %get3A_601 = tpu.vector_load %arg6[%get3A_598, %get3A_599, %get3A_600] {strides = array<i32>} : memref<2x96x512xf32, #tpu.memory_space<vmem>>, vector<1x1x16xf32>,
      %get3A_602 = vector.shape_cast %get3A_601 : vector<1x1x16xf32> to vector<16xf32>
      %add3A_603 = arith.addf %get3A_592, %get3A_602 : vector<16xf32>
      %mul3A_604 = arith.constant 3 : i32
      %mul3A_605 = arith.muli %mul3A_604, %scan3A_95 : i32
      %add3A_606 = arith.constant 2 : i32
      %add3A_607 = arith.addi %mul3A_605, %add3A_606 : i32
      %get3A_608 = arith.constant 0 : i32
      %get3A_609 = arith.index_cast %get3A_608 : i32 to index
      %get3A_610 = arith.index_cast %add3A_607 : i32 to index
      %get3A_611 = arith.constant 224 : index
      %get3A_612 = tpu.vector_load %arg6[%get3A_609, %get3A_610, %get3A_611] {strides = array<i32>} : memref<2x96x512xf32, #tpu.memory_space<vmem>>, vector<1x1x16xf32>,
      %get3A_613 = vector.shape_cast %get3A_612 : vector<1x1x16xf32> to vector<16xf32>
      %add3A_614 = arith.addf %add3A_603, %get3A_613 : vector<16xf32>
      %swap3A_615 = arith.index_cast %scan3A_95 : i32 to index
      %swap3A_616 = arith.constant 224 : index
      %swap3A_617 = tpu.vector_load %arg7[%swap3A_615, %swap3A_616] {strides = array<i32>} : memref<32x512xf32, #tpu.memory_space<vmem>>, vector<1x16xf32>,
      %swap3A_618 = vector.shape_cast %swap3A_617 : vector<1x16xf32> to vector<16xf32>
      %swap3A_619 = vector.shape_cast %add3A_614 : vector<16xf32> to vector<1x16xf32>
      tpu.vector_store %arg7[%swap3A_615, %swap3A_616], %swap3A_619 {strides = array<i32>} : memref<32x512xf32, #tpu.memory_space<vmem>>, vector<1x16xf32>,
      %mul3A_620 = arith.constant 3 : i32
      %mul3A_621 = arith.muli %mul3A_620, %scan3A_95 : i32
      %get3A_622 = arith.constant 0 : i32
      %get3A_623 = arith.index_cast %get3A_622 : i32 to index
      %get3A_624 = arith.index_cast %mul3A_621 : i32 to index
      %get3A_625 = arith.constant 240 : index
      %get3A_626 = tpu.vector_load %arg6[%get3A_623, %get3A_624, %get3A_625] {strides = array<i32>} : memref<2x96x512xf32, #tpu.memory_space<vmem>>, vector<1x1x16xf32>,
      %get3A_627 = vector.shape_cast %get3A_626 : vector<1x1x16xf32> to vector<16xf32>
      %mul3A_628 = arith.constant 3 : i32
      %mul3A_629 = arith.muli %mul3A_628, %scan3A_95 : i32
      %add3A_630 = arith.constant 1 : i32
      %add3A_631 = arith.addi %mul3A_629, %add3A_630 : i32
      %get3A_632 = arith.constant 0 : i32
      %get3A_633 = arith.index_cast %get3A_632 : i32 to index
      %get3A_634 = arith.index_cast %add3A_631 : i32 to index
      %get3A_635 = arith.constant 240 : index
      %get3A_636 = tpu.vector_load %arg6[%get3A_633, %get3A_634, %get3A_635] {strides = array<i32>} : memref<2x96x512xf32, #tpu.memory_space<vmem>>, vector<1x1x16xf32>,
      %get3A_637 = vector.shape_cast %get3A_636 : vector<1x1x16xf32> to vector<16xf32>
      %add3A_638 = arith.addf %get3A_627, %get3A_637 : vector<16xf32>
      %mul3A_639 = arith.constant 3 : i32
      %mul3A_640 = arith.muli %mul3A_639, %scan3A_95 : i32
      %add3A_641 = arith.constant 2 : i32
      %add3A_642 = arith.addi %mul3A_640, %add3A_641 : i32
      %get3A_643 = arith.constant 0 : i32
      %get3A_644 = arith.index_cast %get3A_643 : i32 to index
      %get3A_645 = arith.index_cast %add3A_642 : i32 to index
      %get3A_646 = arith.constant 240 : index
      %get3A_647 = tpu.vector_load %arg6[%get3A_644, %get3A_645, %get3A_646] {strides = array<i32>} : memref<2x96x512xf32, #tpu.memory_space<vmem>>, vector<1x1x16xf32>,
      %get3A_648 = vector.shape_cast %get3A_647 : vector<1x1x16xf32> to vector<16xf32>
      %add3A_649 = arith.addf %add3A_638, %get3A_648 : vector<16xf32>
      %swap3A_650 = arith.index_cast %scan3A_95 : i32 to index
      %swap3A_651 = arith.constant 240 : index
      %swap3A_652 = tpu.vector_load %arg7[%swap3A_650, %swap3A_651] {strides = array<i32>} : memref<32x512xf32, #tpu.memory_space<vmem>>, vector<1x16xf32>,
      %swap3A_653 = vector.shape_cast %swap3A_652 : vector<1x16xf32> to vector<16xf32>
      %swap3A_654 = vector.shape_cast %add3A_649 : vector<16xf32> to vector<1x16xf32>
      tpu.vector_store %arg7[%swap3A_650, %swap3A_651], %swap3A_654 {strides = array<i32>} : memref<32x512xf32, #tpu.memory_space<vmem>>, vector<1x16xf32>,
      %mul3A_655 = arith.constant 3 : i32
      %mul3A_656 = arith.muli %mul3A_655, %scan3A_95 : i32
      %get3A_657 = arith.constant 0 : i32
      %get3A_658 = arith.index_cast %get3A_657 : i32 to index
      %get3A_659 = arith.index_cast %mul3A_656 : i32 to index
      %get3A_660 = arith.constant 256 : index
      %get3A_661 = tpu.vector_load %arg6[%get3A_658, %get3A_659, %get3A_660] {strides = array<i32>} : memref<2x96x512xf32, #tpu.memory_space<vmem>>, vector<1x1x16xf32>,
      %get3A_662 = vector.shape_cast %get3A_661 : vector<1x1x16xf32> to vector<16xf32>
      %mul3A_663 = arith.constant 3 : i32
      %mul3A_664 = arith.muli %mul3A_663, %scan3A_95 : i32
      %add3A_665 = arith.constant 1 : i32
      %add3A_666 = arith.addi %mul3A_664, %add3A_665 : i32
      %get3A_667 = arith.constant 0 : i32
      %get3A_668 = arith.index_cast %get3A_667 : i32 to index
      %get3A_669 = arith.index_cast %add3A_666 : i32 to index
      %get3A_670 = arith.constant 256 : index
      %get3A_671 = tpu.vector_load %arg6[%get3A_668, %get3A_669, %get3A_670] {strides = array<i32>} : memref<2x96x512xf32, #tpu.memory_space<vmem>>, vector<1x1x16xf32>,
      %get3A_672 = vector.shape_cast %get3A_671 : vector<1x1x16xf32> to vector<16xf32>
      %add3A_673 = arith.addf %get3A_662, %get3A_672 : vector<16xf32>
      %mul3A_674 = arith.constant 3 : i32
      %mul3A_675 = arith.muli %mul3A_674, %scan3A_95 : i32
      %add3A_676 = arith.constant 2 : i32
      %add3A_677 = arith.addi %mul3A_675, %add3A_676 : i32
      %get3A_678 = arith.constant 0 : i32
      %get3A_679 = arith.index_cast %get3A_678 : i32 to index
      %get3A_680 = arith.index_cast %add3A_677 : i32 to index
      %get3A_681 = arith.constant 256 : index
      %get3A_682 = tpu.vector_load %arg6[%get3A_679, %get3A_680, %get3A_681] {strides = array<i32>} : memref<2x96x512xf32, #tpu.memory_space<vmem>>, vector<1x1x16xf32>,
      %get3A_683 = vector.shape_cast %get3A_682 : vector<1x1x16xf32> to vector<16xf32>
      %add3A_684 = arith.addf %add3A_673, %get3A_683 : vector<16xf32>
      %swap3A_685 = arith.index_cast %scan3A_95 : i32 to index
      %swap3A_686 = arith.constant 256 : index
      %swap3A_687 = tpu.vector_load %arg7[%swap3A_685, %swap3A_686] {strides = array<i32>} : memref<32x512xf32, #tpu.memory_space<vmem>>, vector<1x16xf32>,
      %swap3A_688 = vector.shape_cast %swap3A_687 : vector<1x16xf32> to vector<16xf32>
      %swap3A_689 = vector.shape_cast %add3A_684 : vector<16xf32> to vector<1x16xf32>
      tpu.vector_store %arg7[%swap3A_685, %swap3A_686], %swap3A_689 {strides = array<i32>} : memref<32x512xf32, #tpu.memory_space<vmem>>, vector<1x16xf32>,
      %mul3A_690 = arith.constant 3 : i32
      %mul3A_691 = arith.muli %mul3A_690, %scan3A_95 : i32
      %get3A_692 = arith.constant 0 : i32
      %get3A_693 = arith.index_cast %get3A_692 : i32 to index
      %get3A_694 = arith.index_cast %mul3A_691 : i32 to index
      %get3A_695 = arith.constant 272 : index
      %get3A_696 = tpu.vector_load %arg6[%get3A_693, %get3A_694, %get3A_695] {strides = array<i32>} : memref<2x96x512xf32, #tpu.memory_space<vmem>>, vector<1x1x16xf32>,
      %get3A_697 = vector.shape_cast %get3A_696 : vector<1x1x16xf32> to vector<16xf32>
      %mul3A_698 = arith.constant 3 : i32
      %mul3A_699 = arith.muli %mul3A_698, %scan3A_95 : i32
      %add3A_700 = arith.constant 1 : i32
      %add3A_701 = arith.addi %mul3A_699, %add3A_700 : i32
      %get3A_702 = arith.constant 0 : i32
      %get3A_703 = arith.index_cast %get3A_702 : i32 to index
      %get3A_704 = arith.index_cast %add3A_701 : i32 to index
      %get3A_705 = arith.constant 272 : index
      %get3A_706 = tpu.vector_load %arg6[%get3A_703, %get3A_704, %get3A_705] {strides = array<i32>} : memref<2x96x512xf32, #tpu.memory_space<vmem>>, vector<1x1x16xf32>,
      %get3A_707 = vector.shape_cast %get3A_706 : vector<1x1x16xf32> to vector<16xf32>
      %add3A_708 = arith.addf %get3A_697, %get3A_707 : vector<16xf32>
      %mul3A_709 = arith.constant 3 : i32
      %mul3A_710 = arith.muli %mul3A_709, %scan3A_95 : i32
      %add3A_711 = arith.constant 2 : i32
      %add3A_712 = arith.addi %mul3A_710, %add3A_711 : i32
      %get3A_713 = arith.constant 0 : i32
      %get3A_714 = arith.index_cast %get3A_713 : i32 to index
      %get3A_715 = arith.index_cast %add3A_712 : i32 to index
      %get3A_716 = arith.constant 272 : index
      %get3A_717 = tpu.vector_load %arg6[%get3A_714, %get3A_715, %get3A_716] {strides = array<i32>} : memref<2x96x512xf32, #tpu.memory_space<vmem>>, vector<1x1x16xf32>,
      %get3A_718 = vector.shape_cast %get3A_717 : vector<1x1x16xf32> to vector<16xf32>
      %add3A_719 = arith.addf %add3A_708, %get3A_718 : vector<16xf32>
      %swap3A_720 = arith.index_cast %scan3A_95 : i32 to index
      %swap3A_721 = arith.constant 272 : index
      %swap3A_722 = tpu.vector_load %arg7[%swap3A_720, %swap3A_721] {strides = array<i32>} : memref<32x512xf32, #tpu.memory_space<vmem>>, vector<1x16xf32>,
      %swap3A_723 = vector.shape_cast %swap3A_722 : vector<1x16xf32> to vector<16xf32>
      %swap3A_724 = vector.shape_cast %add3A_719 : vector<16xf32> to vector<1x16xf32>
      tpu.vector_store %arg7[%swap3A_720, %swap3A_721], %swap3A_724 {strides = array<i32>} : memref<32x512xf32, #tpu.memory_space<vmem>>, vector<1x16xf32>,
      %mul3A_725 = arith.constant 3 : i32
      %mul3A_726 = arith.muli %mul3A_725, %scan3A_95 : i32
      %get3A_727 = arith.constant 0 : i32
      %get3A_728 = arith.index_cast %get3A_727 : i32 to index
      %get3A_729 = arith.index_cast %mul3A_726 : i32 to index
      %get3A_730 = arith.constant 288 : index
      %get3A_731 = tpu.vector_load %arg6[%get3A_728, %get3A_729, %get3A_730] {strides = array<i32>} : memref<2x96x512xf32, #tpu.memory_space<vmem>>, vector<1x1x16xf32>,
      %get3A_732 = vector.shape_cast %get3A_731 : vector<1x1x16xf32> to vector<16xf32>
      %mul3A_733 = arith.constant 3 : i32
      %mul3A_734 = arith.muli %mul3A_733, %scan3A_95 : i32
      %add3A_735 = arith.constant 1 : i32
      %add3A_736 = arith.addi %mul3A_734, %add3A_735 : i32
      %get3A_737 = arith.constant 0 : i32
      %get3A_738 = arith.index_cast %get3A_737 : i32 to index
      %get3A_739 = arith.index_cast %add3A_736 : i32 to index
      %get3A_740 = arith.constant 288 : index
      %get3A_741 = tpu.vector_load %arg6[%get3A_738, %get3A_739, %get3A_740] {strides = array<i32>} : memref<2x96x512xf32, #tpu.memory_space<vmem>>, vector<1x1x16xf32>,
      %get3A_742 = vector.shape_cast %get3A_741 : vector<1x1x16xf32> to vector<16xf32>
      %add3A_743 = arith.addf %get3A_732, %get3A_742 : vector<16xf32>
      %mul3A_744 = arith.constant 3 : i32
      %mul3A_745 = arith.muli %mul3A_744, %scan3A_95 : i32
      %add3A_746 = arith.constant 2 : i32
      %add3A_747 = arith.addi %mul3A_745, %add3A_746 : i32
      %get3A_748 = arith.constant 0 : i32
      %get3A_749 = arith.index_cast %get3A_748 : i32 to index
      %get3A_750 = arith.index_cast %add3A_747 : i32 to index
      %get3A_751 = arith.constant 288 : index
      %get3A_752 = tpu.vector_load %arg6[%get3A_749, %get3A_750, %get3A_751] {strides = array<i32>} : memref<2x96x512xf32, #tpu.memory_space<vmem>>, vector<1x1x16xf32>,
      %get3A_753 = vector.shape_cast %get3A_752 : vector<1x1x16xf32> to vector<16xf32>
      %add3A_754 = arith.addf %add3A_743, %get3A_753 : vector<16xf32>
      %swap3A_755 = arith.index_cast %scan3A_95 : i32 to index
      %swap3A_756 = arith.constant 288 : index
      %swap3A_757 = tpu.vector_load %arg7[%swap3A_755, %swap3A_756] {strides = array<i32>} : memref<32x512xf32, #tpu.memory_space<vmem>>, vector<1x16xf32>,
      %swap3A_758 = vector.shape_cast %swap3A_757 : vector<1x16xf32> to vector<16xf32>
      %swap3A_759 = vector.shape_cast %add3A_754 : vector<16xf32> to vector<1x16xf32>
      tpu.vector_store %arg7[%swap3A_755, %swap3A_756], %swap3A_759 {strides = array<i32>} : memref<32x512xf32, #tpu.memory_space<vmem>>, vector<1x16xf32>,
      %mul3A_760 = arith.constant 3 : i32
      %mul3A_761 = arith.muli %mul3A_760, %scan3A_95 : i32
      %get3A_762 = arith.constant 0 : i32
      %get3A_763 = arith.index_cast %get3A_762 : i32 to index
      %get3A_764 = arith.index_cast %mul3A_761 : i32 to index
      %get3A_765 = arith.constant 304 : index
      %get3A_766 = tpu.vector_load %arg6[%get3A_763, %get3A_764, %get3A_765] {strides = array<i32>} : memref<2x96x512xf32, #tpu.memory_space<vmem>>, vector<1x1x16xf32>,
      %get3A_767 = vector.shape_cast %get3A_766 : vector<1x1x16xf32> to vector<16xf32>
      %mul3A_768 = arith.constant 3 : i32
      %mul3A_769 = arith.muli %mul3A_768, %scan3A_95 : i32
      %add3A_770 = arith.constant 1 : i32
      %add3A_771 = arith.addi %mul3A_769, %add3A_770 : i32
      %get3A_772 = arith.constant 0 : i32
      %get3A_773 = arith.index_cast %get3A_772 : i32 to index
      %get3A_774 = arith.index_cast %add3A_771 : i32 to index
      %get3A_775 = arith.constant 304 : index
      %get3A_776 = tpu.vector_load %arg6[%get3A_773, %get3A_774, %get3A_775] {strides = array<i32>} : memref<2x96x512xf32, #tpu.memory_space<vmem>>, vector<1x1x16xf32>,
      %get3A_777 = vector.shape_cast %get3A_776 : vector<1x1x16xf32> to vector<16xf32>
      %add3A_778 = arith.addf %get3A_767, %get3A_777 : vector<16xf32>
      %mul3A_779 = arith.constant 3 : i32
      %mul3A_780 = arith.muli %mul3A_779, %scan3A_95 : i32
      %add3A_781 = arith.constant 2 : i32
      %add3A_782 = arith.addi %mul3A_780, %add3A_781 : i32
      %get3A_783 = arith.constant 0 : i32
      %get3A_784 = arith.index_cast %get3A_783 : i32 to index
      %get3A_785 = arith.index_cast %add3A_782 : i32 to index
      %get3A_786 = arith.constant 304 : index
      %get3A_787 = tpu.vector_load %arg6[%get3A_784, %get3A_785, %get3A_786] {strides = array<i32>} : memref<2x96x512xf32, #tpu.memory_space<vmem>>, vector<1x1x16xf32>,
      %get3A_788 = vector.shape_cast %get3A_787 : vector<1x1x16xf32> to vector<16xf32>
      %add3A_789 = arith.addf %add3A_778, %get3A_788 : vector<16xf32>
      %swap3A_790 = arith.index_cast %scan3A_95 : i32 to index
      %swap3A_791 = arith.constant 304 : index
      %swap3A_792 = tpu.vector_load %arg7[%swap3A_790, %swap3A_791] {strides = array<i32>} : memref<32x512xf32, #tpu.memory_space<vmem>>, vector<1x16xf32>,
      %swap3A_793 = vector.shape_cast %swap3A_792 : vector<1x16xf32> to vector<16xf32>
      %swap3A_794 = vector.shape_cast %add3A_789 : vector<16xf32> to vector<1x16xf32>
      tpu.vector_store %arg7[%swap3A_790, %swap3A_791], %swap3A_794 {strides = array<i32>} : memref<32x512xf32, #tpu.memory_space<vmem>>, vector<1x16xf32>,
      %mul3A_795 = arith.constant 3 : i32
      %mul3A_796 = arith.muli %mul3A_795, %scan3A_95 : i32
      %get3A_797 = arith.constant 0 : i32
      %get3A_798 = arith.index_cast %get3A_797 : i32 to index
      %get3A_799 = arith.index_cast %mul3A_796 : i32 to index
      %get3A_800 = arith.constant 320 : index
      %get3A_801 = tpu.vector_load %arg6[%get3A_798, %get3A_799, %get3A_800] {strides = array<i32>} : memref<2x96x512xf32, #tpu.memory_space<vmem>>, vector<1x1x16xf32>,
      %get3A_802 = vector.shape_cast %get3A_801 : vector<1x1x16xf32> to vector<16xf32>
      %mul3A_803 = arith.constant 3 : i32
      %mul3A_804 = arith.muli %mul3A_803, %scan3A_95 : i32
      %add3A_805 = arith.constant 1 : i32
      %add3A_806 = arith.addi %mul3A_804, %add3A_805 : i32
      %get3A_807 = arith.constant 0 : i32
      %get3A_808 = arith.index_cast %get3A_807 : i32 to index
      %get3A_809 = arith.index_cast %add3A_806 : i32 to index
      %get3A_810 = arith.constant 320 : index
      %get3A_811 = tpu.vector_load %arg6[%get3A_808, %get3A_809, %get3A_810] {strides = array<i32>} : memref<2x96x512xf32, #tpu.memory_space<vmem>>, vector<1x1x16xf32>,
      %get3A_812 = vector.shape_cast %get3A_811 : vector<1x1x16xf32> to vector<16xf32>
      %add3A_813 = arith.addf %get3A_802, %get3A_812 : vector<16xf32>
      %mul3A_814 = arith.constant 3 : i32
      %mul3A_815 = arith.muli %mul3A_814, %scan3A_95 : i32
      %add3A_816 = arith.constant 2 : i32
      %add3A_817 = arith.addi %mul3A_815, %add3A_816 : i32
      %get3A_818 = arith.constant 0 : i32
      %get3A_819 = arith.index_cast %get3A_818 : i32 to index
      %get3A_820 = arith.index_cast %add3A_817 : i32 to index
      %get3A_821 = arith.constant 320 : index
      %get3A_822 = tpu.vector_load %arg6[%get3A_819, %get3A_820, %get3A_821] {strides = array<i32>} : memref<2x96x512xf32, #tpu.memory_space<vmem>>, vector<1x1x16xf32>,
      %get3A_823 = vector.shape_cast %get3A_822 : vector<1x1x16xf32> to vector<16xf32>
      %add3A_824 = arith.addf %add3A_813, %get3A_823 : vector<16xf32>
      %swap3A_825 = arith.index_cast %scan3A_95 : i32 to index
      %swap3A_826 = arith.constant 320 : index
      %swap3A_827 = tpu.vector_load %arg7[%swap3A_825, %swap3A_826] {strides = array<i32>} : memref<32x512xf32, #tpu.memory_space<vmem>>, vector<1x16xf32>,
      %swap3A_828 = vector.shape_cast %swap3A_827 : vector<1x16xf32> to vector<16xf32>
      %swap3A_829 = vector.shape_cast %add3A_824 : vector<16xf32> to vector<1x16xf32>
      tpu.vector_store %arg7[%swap3A_825, %swap3A_826], %swap3A_829 {strides = array<i32>} : memref<32x512xf32, #tpu.memory_space<vmem>>, vector<1x16xf32>,
      %mul3A_830 = arith.constant 3 : i32
      %mul3A_831 = arith.muli %mul3A_830, %scan3A_95 : i32
      %get3A_832 = arith.constant 0 : i32
      %get3A_833 = arith.index_cast %get3A_832 : i32 to index
      %get3A_834 = arith.index_cast %mul3A_831 : i32 to index
      %get3A_835 = arith.constant 336 : index
      %get3A_836 = tpu.vector_load %arg6[%get3A_833, %get3A_834, %get3A_835] {strides = array<i32>} : memref<2x96x512xf32, #tpu.memory_space<vmem>>, vector<1x1x16xf32>,
      %get3A_837 = vector.shape_cast %get3A_836 : vector<1x1x16xf32> to vector<16xf32>
      %mul3A_838 = arith.constant 3 : i32
      %mul3A_839 = arith.muli %mul3A_838, %scan3A_95 : i32
      %add3A_840 = arith.constant 1 : i32
      %add3A_841 = arith.addi %mul3A_839, %add3A_840 : i32
      %get3A_842 = arith.constant 0 : i32
      %get3A_843 = arith.index_cast %get3A_842 : i32 to index
      %get3A_844 = arith.index_cast %add3A_841 : i32 to index
      %get3A_845 = arith.constant 336 : index
      %get3A_846 = tpu.vector_load %arg6[%get3A_843, %get3A_844, %get3A_845] {strides = array<i32>} : memref<2x96x512xf32, #tpu.memory_space<vmem>>, vector<1x1x16xf32>,
      %get3A_847 = vector.shape_cast %get3A_846 : vector<1x1x16xf32> to vector<16xf32>
      %add3A_848 = arith.addf %get3A_837, %get3A_847 : vector<16xf32>
      %mul3A_849 = arith.constant 3 : i32
      %mul3A_850 = arith.muli %mul3A_849, %scan3A_95 : i32
      %add3A_851 = arith.constant 2 : i32
      %add3A_852 = arith.addi %mul3A_850, %add3A_851 : i32
      %get3A_853 = arith.constant 0 : i32
      %get3A_854 = arith.index_cast %get3A_853 : i32 to index
      %get3A_855 = arith.index_cast %add3A_852 : i32 to index
      %get3A_856 = arith.constant 336 : index
      %get3A_857 = tpu.vector_load %arg6[%get3A_854, %get3A_855, %get3A_856] {strides = array<i32>} : memref<2x96x512xf32, #tpu.memory_space<vmem>>, vector<1x1x16xf32>,
      %get3A_858 = vector.shape_cast %get3A_857 : vector<1x1x16xf32> to vector<16xf32>
      %add3A_859 = arith.addf %add3A_848, %get3A_858 : vector<16xf32>
      %swap3A_860 = arith.index_cast %scan3A_95 : i32 to index
      %swap3A_861 = arith.constant 336 : index
      %swap3A_862 = tpu.vector_load %arg7[%swap3A_860, %swap3A_861] {strides = array<i32>} : memref<32x512xf32, #tpu.memory_space<vmem>>, vector<1x16xf32>,
      %swap3A_863 = vector.shape_cast %swap3A_862 : vector<1x16xf32> to vector<16xf32>
      %swap3A_864 = vector.shape_cast %add3A_859 : vector<16xf32> to vector<1x16xf32>
      tpu.vector_store %arg7[%swap3A_860, %swap3A_861], %swap3A_864 {strides = array<i32>} : memref<32x512xf32, #tpu.memory_space<vmem>>, vector<1x16xf32>,
      %mul3A_865 = arith.constant 3 : i32
      %mul3A_866 = arith.muli %mul3A_865, %scan3A_95 : i32
      %get3A_867 = arith.constant 0 : i32
      %get3A_868 = arith.index_cast %get3A_867 : i32 to index
      %get3A_869 = arith.index_cast %mul3A_866 : i32 to index
      %get3A_870 = arith.constant 352 : index
      %get3A_871 = tpu.vector_load %arg6[%get3A_868, %get3A_869, %get3A_870] {strides = array<i32>} : memref<2x96x512xf32, #tpu.memory_space<vmem>>, vector<1x1x16xf32>,
      %get3A_872 = vector.shape_cast %get3A_871 : vector<1x1x16xf32> to vector<16xf32>
      %mul3A_873 = arith.constant 3 : i32
      %mul3A_874 = arith.muli %mul3A_873, %scan3A_95 : i32
      %add3A_875 = arith.constant 1 : i32
      %add3A_876 = arith.addi %mul3A_874, %add3A_875 : i32
      %get3A_877 = arith.constant 0 : i32
      %get3A_878 = arith.index_cast %get3A_877 : i32 to index
      %get3A_879 = arith.index_cast %add3A_876 : i32 to index
      %get3A_880 = arith.constant 352 : index
      %get3A_881 = tpu.vector_load %arg6[%get3A_878, %get3A_879, %get3A_880] {strides = array<i32>} : memref<2x96x512xf32, #tpu.memory_space<vmem>>, vector<1x1x16xf32>,
      %get3A_882 = vector.shape_cast %get3A_881 : vector<1x1x16xf32> to vector<16xf32>
      %add3A_883 = arith.addf %get3A_872, %get3A_882 : vector<16xf32>
      %mul3A_884 = arith.constant 3 : i32
      %mul3A_885 = arith.muli %mul3A_884, %scan3A_95 : i32
      %add3A_886 = arith.constant 2 : i32
      %add3A_887 = arith.addi %mul3A_885, %add3A_886 : i32
      %get3A_888 = arith.constant 0 : i32
      %get3A_889 = arith.index_cast %get3A_888 : i32 to index
      %get3A_890 = arith.index_cast %add3A_887 : i32 to index
      %get3A_891 = arith.constant 352 : index
      %get3A_892 = tpu.vector_load %arg6[%get3A_889, %get3A_890, %get3A_891] {strides = array<i32>} : memref<2x96x512xf32, #tpu.memory_space<vmem>>, vector<1x1x16xf32>,
      %get3A_893 = vector.shape_cast %get3A_892 : vector<1x1x16xf32> to vector<16xf32>
      %add3A_894 = arith.addf %add3A_883, %get3A_893 : vector<16xf32>
      %swap3A_895 = arith.index_cast %scan3A_95 : i32 to index
      %swap3A_896 = arith.constant 352 : index
      %swap3A_897 = tpu.vector_load %arg7[%swap3A_895, %swap3A_896] {strides = array<i32>} : memref<32x512xf32, #tpu.memory_space<vmem>>, vector<1x16xf32>,
      %swap3A_898 = vector.shape_cast %swap3A_897 : vector<1x16xf32> to vector<16xf32>
      %swap3A_899 = vector.shape_cast %add3A_894 : vector<16xf32> to vector<1x16xf32>
      tpu.vector_store %arg7[%swap3A_895, %swap3A_896], %swap3A_899 {strides = array<i32>} : memref<32x512xf32, #tpu.memory_space<vmem>>, vector<1x16xf32>,
      %mul3A_900 = arith.constant 3 : i32
      %mul3A_901 = arith.muli %mul3A_900, %scan3A_95 : i32
      %get3A_902 = arith.constant 0 : i32
      %get3A_903 = arith.index_cast %get3A_902 : i32 to index
      %get3A_904 = arith.index_cast %mul3A_901 : i32 to index
      %get3A_905 = arith.constant 368 : index
      %get3A_906 = tpu.vector_load %arg6[%get3A_903, %get3A_904, %get3A_905] {strides = array<i32>} : memref<2x96x512xf32, #tpu.memory_space<vmem>>, vector<1x1x16xf32>,
      %get3A_907 = vector.shape_cast %get3A_906 : vector<1x1x16xf32> to vector<16xf32>
      %mul3A_908 = arith.constant 3 : i32
      %mul3A_909 = arith.muli %mul3A_908, %scan3A_95 : i32
      %add3A_910 = arith.constant 1 : i32
      %add3A_911 = arith.addi %mul3A_909, %add3A_910 : i32
      %get3A_912 = arith.constant 0 : i32
      %get3A_913 = arith.index_cast %get3A_912 : i32 to index
      %get3A_914 = arith.index_cast %add3A_911 : i32 to index
      %get3A_915 = arith.constant 368 : index
      %get3A_916 = tpu.vector_load %arg6[%get3A_913, %get3A_914, %get3A_915] {strides = array<i32>} : memref<2x96x512xf32, #tpu.memory_space<vmem>>, vector<1x1x16xf32>,
      %get3A_917 = vector.shape_cast %get3A_916 : vector<1x1x16xf32> to vector<16xf32>
      %add3A_918 = arith.addf %get3A_907, %get3A_917 : vector<16xf32>
      %mul3A_919 = arith.constant 3 : i32
      %mul3A_920 = arith.muli %mul3A_919, %scan3A_95 : i32
      %add3A_921 = arith.constant 2 : i32
      %add3A_922 = arith.addi %mul3A_920, %add3A_921 : i32
      %get3A_923 = arith.constant 0 : i32
      %get3A_924 = arith.index_cast %get3A_923 : i32 to index
      %get3A_925 = arith.index_cast %add3A_922 : i32 to index
      %get3A_926 = arith.constant 368 : index
      %get3A_927 = tpu.vector_load %arg6[%get3A_924, %get3A_925, %get3A_926] {strides = array<i32>} : memref<2x96x512xf32, #tpu.memory_space<vmem>>, vector<1x1x16xf32>,
      %get3A_928 = vector.shape_cast %get3A_927 : vector<1x1x16xf32> to vector<16xf32>
      %add3A_929 = arith.addf %add3A_918, %get3A_928 : vector<16xf32>
      %swap3A_930 = arith.index_cast %scan3A_95 : i32 to index
      %swap3A_931 = arith.constant 368 : index
      %swap3A_932 = tpu.vector_load %arg7[%swap3A_930, %swap3A_931] {strides = array<i32>} : memref<32x512xf32, #tpu.memory_space<vmem>>, vector<1x16xf32>,
      %swap3A_933 = vector.shape_cast %swap3A_932 : vector<1x16xf32> to vector<16xf32>
      %swap3A_934 = vector.shape_cast %add3A_929 : vector<16xf32> to vector<1x16xf32>
      tpu.vector_store %arg7[%swap3A_930, %swap3A_931], %swap3A_934 {strides = array<i32>} : memref<32x512xf32, #tpu.memory_space<vmem>>, vector<1x16xf32>,
      %mul3A_935 = arith.constant 3 : i32
      %mul3A_936 = arith.muli %mul3A_935, %scan3A_95 : i32
      %get3A_937 = arith.constant 0 : i32
      %get3A_938 = arith.index_cast %get3A_937 : i32 to index
      %get3A_939 = arith.index_cast %mul3A_936 : i32 to index
      %get3A_940 = arith.constant 384 : index
      %get3A_941 = tpu.vector_load %arg6[%get3A_938, %get3A_939, %get3A_940] {strides = array<i32>} : memref<2x96x512xf32, #tpu.memory_space<vmem>>, vector<1x1x16xf32>,
      %get3A_942 = vector.shape_cast %get3A_941 : vector<1x1x16xf32> to vector<16xf32>
      %mul3A_943 = arith.constant 3 : i32
      %mul3A_944 = arith.muli %mul3A_943, %scan3A_95 : i32
      %add3A_945 = arith.constant 1 : i32
      %add3A_946 = arith.addi %mul3A_944, %add3A_945 : i32
      %get3A_947 = arith.constant 0 : i32
      %get3A_948 = arith.index_cast %get3A_947 : i32 to index
      %get3A_949 = arith.index_cast %add3A_946 : i32 to index
      %get3A_950 = arith.constant 384 : index
      %get3A_951 = tpu.vector_load %arg6[%get3A_948, %get3A_949, %get3A_950] {strides = array<i32>} : memref<2x96x512xf32, #tpu.memory_space<vmem>>, vector<1x1x16xf32>,
      %get3A_952 = vector.shape_cast %get3A_951 : vector<1x1x16xf32> to vector<16xf32>
      %add3A_953 = arith.addf %get3A_942, %get3A_952 : vector<16xf32>
      %mul3A_954 = arith.constant 3 : i32
      %mul3A_955 = arith.muli %mul3A_954, %scan3A_95 : i32
      %add3A_956 = arith.constant 2 : i32
      %add3A_957 = arith.addi %mul3A_955, %add3A_956 : i32
      %get3A_958 = arith.constant 0 : i32
      %get3A_959 = arith.index_cast %get3A_958 : i32 to index
      %get3A_960 = arith.index_cast %add3A_957 : i32 to index
      %get3A_961 = arith.constant 384 : index
      %get3A_962 = tpu.vector_load %arg6[%get3A_959, %get3A_960, %get3A_961] {strides = array<i32>} : memref<2x96x512xf32, #tpu.memory_space<vmem>>, vector<1x1x16xf32>,
      %get3A_963 = vector.shape_cast %get3A_962 : vector<1x1x16xf32> to vector<16xf32>
      %add3A_964 = arith.addf %add3A_953, %get3A_963 : vector<16xf32>
      %swap3A_965 = arith.index_cast %scan3A_95 : i32 to index
      %swap3A_966 = arith.constant 384 : index
      %swap3A_967 = tpu.vector_load %arg7[%swap3A_965, %swap3A_966] {strides = array<i32>} : memref<32x512xf32, #tpu.memory_space<vmem>>, vector<1x16xf32>,
      %swap3A_968 = vector.shape_cast %swap3A_967 : vector<1x16xf32> to vector<16xf32>
      %swap3A_969 = vector.shape_cast %add3A_964 : vector<16xf32> to vector<1x16xf32>
      tpu.vector_store %arg7[%swap3A_965, %swap3A_966], %swap3A_969 {strides = array<i32>} : memref<32x512xf32, #tpu.memory_space<vmem>>, vector<1x16xf32>,
      %mul3A_970 = arith.constant 3 : i32
      %mul3A_971 = arith.muli %mul3A_970, %scan3A_95 : i32
      %get3A_972 = arith.constant 0 : i32
      %get3A_973 = arith.index_cast %get3A_972 : i32 to index
      %get3A_974 = arith.index_cast %mul3A_971 : i32 to index
      %get3A_975 = arith.constant 400 : index
      %get3A_976 = tpu.vector_load %arg6[%get3A_973, %get3A_974, %get3A_975] {strides = array<i32>} : memref<2x96x512xf32, #tpu.memory_space<vmem>>, vector<1x1x16xf32>,
      %get3A_977 = vector.shape_cast %get3A_976 : vector<1x1x16xf32> to vector<16xf32>
      %mul3A_978 = arith.constant 3 : i32
      %mul3A_979 = arith.muli %mul3A_978, %scan3A_95 : i32
      %add3A_980 = arith.constant 1 : i32
      %add3A_981 = arith.addi %mul3A_979, %add3A_980 : i32
      %get3A_982 = arith.constant 0 : i32
      %get3A_983 = arith.index_cast %get3A_982 : i32 to index
      %get3A_984 = arith.index_cast %add3A_981 : i32 to index
      %get3A_985 = arith.constant 400 : index
      %get3A_986 = tpu.vector_load %arg6[%get3A_983, %get3A_984, %get3A_985] {strides = array<i32>} : memref<2x96x512xf32, #tpu.memory_space<vmem>>, vector<1x1x16xf32>,
      %get3A_987 = vector.shape_cast %get3A_986 : vector<1x1x16xf32> to vector<16xf32>
      %add3A_988 = arith.addf %get3A_977, %get3A_987 : vector<16xf32>
      %mul3A_989 = arith.constant 3 : i32
      %mul3A_990 = arith.muli %mul3A_989, %scan3A_95 : i32
      %add3A_991 = arith.constant 2 : i32
      %add3A_992 = arith.addi %mul3A_990, %add3A_991 : i32
      %get3A_993 = arith.constant 0 : i32
      %get3A_994 = arith.index_cast %get3A_993 : i32 to index
      %get3A_995 = arith.index_cast %add3A_992 : i32 to index
      %get3A_996 = arith.constant 400 : index
      %get3A_997 = tpu.vector_load %arg6[%get3A_994, %get3A_995, %get3A_996] {strides = array<i32>} : memref<2x96x512xf32, #tpu.memory_space<vmem>>, vector<1x1x16xf32>,
      %get3A_998 = vector.shape_cast %get3A_997 : vector<1x1x16xf32> to vector<16xf32>
      %add3A_999 = arith.addf %add3A_988, %get3A_998 : vector<16xf32>
      %swap3A_1000 = arith.index_cast %scan3A_95 : i32 to index
      %swap3A_1001 = arith.constant 400 : index
      %swap3A_1002 = tpu.vector_load %arg7[%swap3A_1000, %swap3A_1001] {strides = array<i32>} : memref<32x512xf32, #tpu.memory_space<vmem>>, vector<1x16xf32>,
      %swap3A_1003 = vector.shape_cast %swap3A_1002 : vector<1x16xf32> to vector<16xf32>
      %swap3A_1004 = vector.shape_cast %add3A_999 : vector<16xf32> to vector<1x16xf32>
      tpu.vector_store %arg7[%swap3A_1000, %swap3A_1001], %swap3A_1004 {strides = array<i32>} : memref<32x512xf32, #tpu.memory_space<vmem>>, vector<1x16xf32>,
      %mul3A_1005 = arith.constant 3 : i32
      %mul3A_1006 = arith.muli %mul3A_1005, %scan3A_95 : i32
      %get3A_1007 = arith.constant 0 : i32
      %get3A_1008 = arith.index_cast %get3A_1007 : i32 to index
      %get3A_1009 = arith.index_cast %mul3A_1006 : i32 to index
      %get3A_1010 = arith.constant 416 : index
      %get3A_1011 = tpu.vector_load %arg6[%get3A_1008, %get3A_1009, %get3A_1010] {strides = array<i32>} : memref<2x96x512xf32, #tpu.memory_space<vmem>>, vector<1x1x16xf32>,
      %get3A_1012 = vector.shape_cast %get3A_1011 : vector<1x1x16xf32> to vector<16xf32>
      %mul3A_1013 = arith.constant 3 : i32
      %mul3A_1014 = arith.muli %mul3A_1013, %scan3A_95 : i32
      %add3A_1015 = arith.constant 1 : i32
      %add3A_1016 = arith.addi %mul3A_1014, %add3A_1015 : i32
      %get3A_1017 = arith.constant 0 : i32
      %get3A_1018 = arith.index_cast %get3A_1017 : i32 to index
      %get3A_1019 = arith.index_cast %add3A_1016 : i32 to index
      %get3A_1020 = arith.constant 416 : index
      %get3A_1021 = tpu.vector_load %arg6[%get3A_1018, %get3A_1019, %get3A_1020] {strides = array<i32>} : memref<2x96x512xf32, #tpu.memory_space<vmem>>, vector<1x1x16xf32>,
      %get3A_1022 = vector.shape_cast %get3A_1021 : vector<1x1x16xf32> to vector<16xf32>
      %add3A_1023 = arith.addf %get3A_1012, %get3A_1022 : vector<16xf32>
      %mul3A_1024 = arith.constant 3 : i32
      %mul3A_1025 = arith.muli %mul3A_1024, %scan3A_95 : i32
      %add3A_1026 = arith.constant 2 : i32
      %add3A_1027 = arith.addi %mul3A_1025, %add3A_1026 : i32
      %get3A_1028 = arith.constant 0 : i32
      %get3A_1029 = arith.index_cast %get3A_1028 : i32 to index
      %get3A_1030 = arith.index_cast %add3A_1027 : i32 to index
      %get3A_1031 = arith.constant 416 : index
      %get3A_1032 = tpu.vector_load %arg6[%get3A_1029, %get3A_1030, %get3A_1031] {strides = array<i32>} : memref<2x96x512xf32, #tpu.memory_space<vmem>>, vector<1x1x16xf32>,
      %get3A_1033 = vector.shape_cast %get3A_1032 : vector<1x1x16xf32> to vector<16xf32>
      %add3A_1034 = arith.addf %add3A_1023, %get3A_1033 : vector<16xf32>
      %swap3A_1035 = arith.index_cast %scan3A_95 : i32 to index
      %swap3A_1036 = arith.constant 416 : index
      %swap3A_1037 = tpu.vector_load %arg7[%swap3A_1035, %swap3A_1036] {strides = array<i32>} : memref<32x512xf32, #tpu.memory_space<vmem>>, vector<1x16xf32>,
      %swap3A_1038 = vector.shape_cast %swap3A_1037 : vector<1x16xf32> to vector<16xf32>
      %swap3A_1039 = vector.shape_cast %add3A_1034 : vector<16xf32> to vector<1x16xf32>
      tpu.vector_store %arg7[%swap3A_1035, %swap3A_1036], %swap3A_1039 {strides = array<i32>} : memref<32x512xf32, #tpu.memory_space<vmem>>, vector<1x16xf32>,
      %mul3A_1040 = arith.constant 3 : i32
      %mul3A_1041 = arith.muli %mul3A_1040, %scan3A_95 : i32
      %get3A_1042 = arith.constant 0 : i32
      %get3A_1043 = arith.index_cast %get3A_1042 : i32 to index
      %get3A_1044 = arith.index_cast %mul3A_1041 : i32 to index
      %get3A_1045 = arith.constant 432 : index
      %get3A_1046 = tpu.vector_load %arg6[%get3A_1043, %get3A_1044, %get3A_1045] {strides = array<i32>} : memref<2x96x512xf32, #tpu.memory_space<vmem>>, vector<1x1x16xf32>,
      %get3A_1047 = vector.shape_cast %get3A_1046 : vector<1x1x16xf32> to vector<16xf32>
      %mul3A_1048 = arith.constant 3 : i32
      %mul3A_1049 = arith.muli %mul3A_1048, %scan3A_95 : i32
      %add3A_1050 = arith.constant 1 : i32
      %add3A_1051 = arith.addi %mul3A_1049, %add3A_1050 : i32
      %get3A_1052 = arith.constant 0 : i32
      %get3A_1053 = arith.index_cast %get3A_1052 : i32 to index
      %get3A_1054 = arith.index_cast %add3A_1051 : i32 to index
      %get3A_1055 = arith.constant 432 : index
      %get3A_1056 = tpu.vector_load %arg6[%get3A_1053, %get3A_1054, %get3A_1055] {strides = array<i32>} : memref<2x96x512xf32, #tpu.memory_space<vmem>>, vector<1x1x16xf32>,
      %get3A_1057 = vector.shape_cast %get3A_1056 : vector<1x1x16xf32> to vector<16xf32>
      %add3A_1058 = arith.addf %get3A_1047, %get3A_1057 : vector<16xf32>
      %mul3A_1059 = arith.constant 3 : i32
      %mul3A_1060 = arith.muli %mul3A_1059, %scan3A_95 : i32
      %add3A_1061 = arith.constant 2 : i32
      %add3A_1062 = arith.addi %mul3A_1060, %add3A_1061 : i32
      %get3A_1063 = arith.constant 0 : i32
      %get3A_1064 = arith.index_cast %get3A_1063 : i32 to index
      %get3A_1065 = arith.index_cast %add3A_1062 : i32 to index
      %get3A_1066 = arith.constant 432 : index
      %get3A_1067 = tpu.vector_load %arg6[%get3A_1064, %get3A_1065, %get3A_1066] {strides = array<i32>} : memref<2x96x512xf32, #tpu.memory_space<vmem>>, vector<1x1x16xf32>,
      %get3A_1068 = vector.shape_cast %get3A_1067 : vector<1x1x16xf32> to vector<16xf32>
      %add3A_1069 = arith.addf %add3A_1058, %get3A_1068 : vector<16xf32>
      %swap3A_1070 = arith.index_cast %scan3A_95 : i32 to index
      %swap3A_1071 = arith.constant 432 : index
      %swap3A_1072 = tpu.vector_load %arg7[%swap3A_1070, %swap3A_1071] {strides = array<i32>} : memref<32x512xf32, #tpu.memory_space<vmem>>, vector<1x16xf32>,
      %swap3A_1073 = vector.shape_cast %swap3A_1072 : vector<1x16xf32> to vector<16xf32>
      %swap3A_1074 = vector.shape_cast %add3A_1069 : vector<16xf32> to vector<1x16xf32>
      tpu.vector_store %arg7[%swap3A_1070, %swap3A_1071], %swap3A_1074 {strides = array<i32>} : memref<32x512xf32, #tpu.memory_space<vmem>>, vector<1x16xf32>,
      %mul3A_1075 = arith.constant 3 : i32
      %mul3A_1076 = arith.muli %mul3A_1075, %scan3A_95 : i32
      %get3A_1077 = arith.constant 0 : i32
      %get3A_1078 = arith.index_cast %get3A_1077 : i32 to index
      %get3A_1079 = arith.index_cast %mul3A_1076 : i32 to index
      %get3A_1080 = arith.constant 448 : index
      %get3A_1081 = tpu.vector_load %arg6[%get3A_1078, %get3A_1079, %get3A_1080] {strides = array<i32>} : memref<2x96x512xf32, #tpu.memory_space<vmem>>, vector<1x1x16xf32>,
      %get3A_1082 = vector.shape_cast %get3A_1081 : vector<1x1x16xf32> to vector<16xf32>
      %mul3A_1083 = arith.constant 3 : i32
      %mul3A_1084 = arith.muli %mul3A_1083, %scan3A_95 : i32
      %add3A_1085 = arith.constant 1 : i32
      %add3A_1086 = arith.addi %mul3A_1084, %add3A_1085 : i32
      %get3A_1087 = arith.constant 0 : i32
      %get3A_1088 = arith.index_cast %get3A_1087 : i32 to index
      %get3A_1089 = arith.index_cast %add3A_1086 : i32 to index
      %get3A_1090 = arith.constant 448 : index
      %get3A_1091 = tpu.vector_load %arg6[%get3A_1088, %get3A_1089, %get3A_1090] {strides = array<i32>} : memref<2x96x512xf32, #tpu.memory_space<vmem>>, vector<1x1x16xf32>,
      %get3A_1092 = vector.shape_cast %get3A_1091 : vector<1x1x16xf32> to vector<16xf32>
      %add3A_1093 = arith.addf %get3A_1082, %get3A_1092 : vector<16xf32>
      %mul3A_1094 = arith.constant 3 : i32
      %mul3A_1095 = arith.muli %mul3A_1094, %scan3A_95 : i32
      %add3A_1096 = arith.constant 2 : i32
      %add3A_1097 = arith.addi %mul3A_1095, %add3A_1096 : i32
      %get3A_1098 = arith.constant 0 : i32
      %get3A_1099 = arith.index_cast %get3A_1098 : i32 to index
      %get3A_1100 = arith.index_cast %add3A_1097 : i32 to index
      %get3A_1101 = arith.constant 448 : index
      %get3A_1102 = tpu.vector_load %arg6[%get3A_1099, %get3A_1100, %get3A_1101] {strides = array<i32>} : memref<2x96x512xf32, #tpu.memory_space<vmem>>, vector<1x1x16xf32>,
      %get3A_1103 = vector.shape_cast %get3A_1102 : vector<1x1x16xf32> to vector<16xf32>
      %add3A_1104 = arith.addf %add3A_1093, %get3A_1103 : vector<16xf32>
      %swap3A_1105 = arith.index_cast %scan3A_95 : i32 to index
      %swap3A_1106 = arith.constant 448 : index
      %swap3A_1107 = tpu.vector_load %arg7[%swap3A_1105, %swap3A_1106] {strides = array<i32>} : memref<32x512xf32, #tpu.memory_space<vmem>>, vector<1x16xf32>,
      %swap3A_1108 = vector.shape_cast %swap3A_1107 : vector<1x16xf32> to vector<16xf32>
      %swap3A_1109 = vector.shape_cast %add3A_1104 : vector<16xf32> to vector<1x16xf32>
      tpu.vector_store %arg7[%swap3A_1105, %swap3A_1106], %swap3A_1109 {strides = array<i32>} : memref<32x512xf32, #tpu.memory_space<vmem>>, vector<1x16xf32>,
      %mul3A_1110 = arith.constant 3 : i32
      %mul3A_1111 = arith.muli %mul3A_1110, %scan3A_95 : i32
      %get3A_1112 = arith.constant 0 : i32
      %get3A_1113 = arith.index_cast %get3A_1112 : i32 to index
      %get3A_1114 = arith.index_cast %mul3A_1111 : i32 to index
      %get3A_1115 = arith.constant 464 : index
      %get3A_1116 = tpu.vector_load %arg6[%get3A_1113, %get3A_1114, %get3A_1115] {strides = array<i32>} : memref<2x96x512xf32, #tpu.memory_space<vmem>>, vector<1x1x16xf32>,
      %get3A_1117 = vector.shape_cast %get3A_1116 : vector<1x1x16xf32> to vector<16xf32>
      %mul3A_1118 = arith.constant 3 : i32
      %mul3A_1119 = arith.muli %mul3A_1118, %scan3A_95 : i32
      %add3A_1120 = arith.constant 1 : i32
      %add3A_1121 = arith.addi %mul3A_1119, %add3A_1120 : i32
      %get3A_1122 = arith.constant 0 : i32
      %get3A_1123 = arith.index_cast %get3A_1122 : i32 to index
      %get3A_1124 = arith.index_cast %add3A_1121 : i32 to index
      %get3A_1125 = arith.constant 464 : index
      %get3A_1126 = tpu.vector_load %arg6[%get3A_1123, %get3A_1124, %get3A_1125] {strides = array<i32>} : memref<2x96x512xf32, #tpu.memory_space<vmem>>, vector<1x1x16xf32>,
      %get3A_1127 = vector.shape_cast %get3A_1126 : vector<1x1x16xf32> to vector<16xf32>
      %add3A_1128 = arith.addf %get3A_1117, %get3A_1127 : vector<16xf32>
      %mul3A_1129 = arith.constant 3 : i32
      %mul3A_1130 = arith.muli %mul3A_1129, %scan3A_95 : i32
      %add3A_1131 = arith.constant 2 : i32
      %add3A_1132 = arith.addi %mul3A_1130, %add3A_1131 : i32
      %get3A_1133 = arith.constant 0 : i32
      %get3A_1134 = arith.index_cast %get3A_1133 : i32 to index
      %get3A_1135 = arith.index_cast %add3A_1132 : i32 to index
      %get3A_1136 = arith.constant 464 : index
      %get3A_1137 = tpu.vector_load %arg6[%get3A_1134, %get3A_1135, %get3A_1136] {strides = array<i32>} : memref<2x96x512xf32, #tpu.memory_space<vmem>>, vector<1x1x16xf32>,
      %get3A_1138 = vector.shape_cast %get3A_1137 : vector<1x1x16xf32> to vector<16xf32>
      %add3A_1139 = arith.addf %add3A_1128, %get3A_1138 : vector<16xf32>
      %swap3A_1140 = arith.index_cast %scan3A_95 : i32 to index
      %swap3A_1141 = arith.constant 464 : index
      %swap3A_1142 = tpu.vector_load %arg7[%swap3A_1140, %swap3A_1141] {strides = array<i32>} : memref<32x512xf32, #tpu.memory_space<vmem>>, vector<1x16xf32>,
      %swap3A_1143 = vector.shape_cast %swap3A_1142 : vector<1x16xf32> to vector<16xf32>
      %swap3A_1144 = vector.shape_cast %add3A_1139 : vector<16xf32> to vector<1x16xf32>
      tpu.vector_store %arg7[%swap3A_1140, %swap3A_1141], %swap3A_1144 {strides = array<i32>} : memref<32x512xf32, #tpu.memory_space<vmem>>, vector<1x16xf32>,
      %mul3A_1145 = arith.constant 3 : i32
      %mul3A_1146 = arith.muli %mul3A_1145, %scan3A_95 : i32
      %get3A_1147 = arith.constant 0 : i32
      %get3A_1148 = arith.index_cast %get3A_1147 : i32 to index
      %get3A_1149 = arith.index_cast %mul3A_1146 : i32 to index
      %get3A_1150 = arith.constant 480 : index
      %get3A_1151 = tpu.vector_load %arg6[%get3A_1148, %get3A_1149, %get3A_1150] {strides = array<i32>} : memref<2x96x512xf32, #tpu.memory_space<vmem>>, vector<1x1x16xf32>,
      %get3A_1152 = vector.shape_cast %get3A_1151 : vector<1x1x16xf32> to vector<16xf32>
      %mul3A_1153 = arith.constant 3 : i32
      %mul3A_1154 = arith.muli %mul3A_1153, %scan3A_95 : i32
      %add3A_1155 = arith.constant 1 : i32
      %add3A_1156 = arith.addi %mul3A_1154, %add3A_1155 : i32
      %get3A_1157 = arith.constant 0 : i32
      %get3A_1158 = arith.index_cast %get3A_1157 : i32 to index
      %get3A_1159 = arith.index_cast %add3A_1156 : i32 to index
      %get3A_1160 = arith.constant 480 : index
      %get3A_1161 = tpu.vector_load %arg6[%get3A_1158, %get3A_1159, %get3A_1160] {strides = array<i32>} : memref<2x96x512xf32, #tpu.memory_space<vmem>>, vector<1x1x16xf32>,
      %get3A_1162 = vector.shape_cast %get3A_1161 : vector<1x1x16xf32> to vector<16xf32>
      %add3A_1163 = arith.addf %get3A_1152, %get3A_1162 : vector<16xf32>
      %mul3A_1164 = arith.constant 3 : i32
      %mul3A_1165 = arith.muli %mul3A_1164, %scan3A_95 : i32
      %add3A_1166 = arith.constant 2 : i32
      %add3A_1167 = arith.addi %mul3A_1165, %add3A_1166 : i32
      %get3A_1168 = arith.constant 0 : i32
      %get3A_1169 = arith.index_cast %get3A_1168 : i32 to index
      %get3A_1170 = arith.index_cast %add3A_1167 : i32 to index
      %get3A_1171 = arith.constant 480 : index
      %get3A_1172 = tpu.vector_load %arg6[%get3A_1169, %get3A_1170, %get3A_1171] {strides = array<i32>} : memref<2x96x512xf32, #tpu.memory_space<vmem>>, vector<1x1x16xf32>,
      %get3A_1173 = vector.shape_cast %get3A_1172 : vector<1x1x16xf32> to vector<16xf32>
      %add3A_1174 = arith.addf %add3A_1163, %get3A_1173 : vector<16xf32>
      %swap3A_1175 = arith.index_cast %scan3A_95 : i32 to index
      %swap3A_1176 = arith.constant 480 : index
      %swap3A_1177 = tpu.vector_load %arg7[%swap3A_1175, %swap3A_1176] {strides = array<i32>} : memref<32x512xf32, #tpu.memory_space<vmem>>, vector<1x16xf32>,
      %swap3A_1178 = vector.shape_cast %swap3A_1177 : vector<1x16xf32> to vector<16xf32>
      %swap3A_1179 = vector.shape_cast %add3A_1174 : vector<16xf32> to vector<1x16xf32>
      tpu.vector_store %arg7[%swap3A_1175, %swap3A_1176], %swap3A_1179 {strides = array<i32>} : memref<32x512xf32, #tpu.memory_space<vmem>>, vector<1x16xf32>,
      %mul3A_1180 = arith.constant 3 : i32
      %mul3A_1181 = arith.muli %mul3A_1180, %scan3A_95 : i32
      %get3A_1182 = arith.constant 0 : i32
      %get3A_1183 = arith.index_cast %get3A_1182 : i32 to index
      %get3A_1184 = arith.index_cast %mul3A_1181 : i32 to index
      %get3A_1185 = arith.constant 496 : index
      %get3A_1186 = tpu.vector_load %arg6[%get3A_1183, %get3A_1184, %get3A_1185] {strides = array<i32>} : memref<2x96x512xf32, #tpu.memory_space<vmem>>, vector<1x1x16xf32>,
      %get3A_1187 = vector.shape_cast %get3A_1186 : vector<1x1x16xf32> to vector<16xf32>
      %mul3A_1188 = arith.constant 3 : i32
      %mul3A_1189 = arith.muli %mul3A_1188, %scan3A_95 : i32
      %add3A_1190 = arith.constant 1 : i32
      %add3A_1191 = arith.addi %mul3A_1189, %add3A_1190 : i32
      %get3A_1192 = arith.constant 0 : i32
      %get3A_1193 = arith.index_cast %get3A_1192 : i32 to index
      %get3A_1194 = arith.index_cast %add3A_1191 : i32 to index
      %get3A_1195 = arith.constant 496 : index
      %get3A_1196 = tpu.vector_load %arg6[%get3A_1193, %get3A_1194, %get3A_1195] {strides = array<i32>} : memref<2x96x512xf32, #tpu.memory_space<vmem>>, vector<1x1x16xf32>,
      %get3A_1197 = vector.shape_cast %get3A_1196 : vector<1x1x16xf32> to vector<16xf32>
      %add3A_1198 = arith.addf %get3A_1187, %get3A_1197 : vector<16xf32>
      %mul3A_1199 = arith.constant 3 : i32
      %mul3A_1200 = arith.muli %mul3A_1199, %scan3A_95 : i32
      %add3A_1201 = arith.constant 2 : i32
      %add3A_1202 = arith.addi %mul3A_1200, %add3A_1201 : i32
      %get3A_1203 = arith.constant 0 : i32
      %get3A_1204 = arith.index_cast %get3A_1203 : i32 to index
      %get3A_1205 = arith.index_cast %add3A_1202 : i32 to index
      %get3A_1206 = arith.constant 496 : index
      %get3A_1207 = tpu.vector_load %arg6[%get3A_1204, %get3A_1205, %get3A_1206] {strides = array<i32>} : memref<2x96x512xf32, #tpu.memory_space<vmem>>, vector<1x1x16xf32>,
      %get3A_1208 = vector.shape_cast %get3A_1207 : vector<1x1x16xf32> to vector<16xf32>
      %add3A_1209 = arith.addf %add3A_1198, %get3A_1208 : vector<16xf32>
      %swap3A_1210 = arith.index_cast %scan3A_95 : i32 to index
      %swap3A_1211 = arith.constant 496 : index
      %swap3A_1212 = tpu.vector_load %arg7[%swap3A_1210, %swap3A_1211] {strides = array<i32>} : memref<32x512xf32, #tpu.memory_space<vmem>>, vector<1x16xf32>,
      %swap3A_1213 = vector.shape_cast %swap3A_1212 : vector<1x16xf32> to vector<16xf32>
      %swap3A_1214 = vector.shape_cast %add3A_1209 : vector<16xf32> to vector<1x16xf32>
      tpu.vector_store %arg7[%swap3A_1210, %swap3A_1211], %swap3A_1214 {strides = array<i32>} : memref<32x512xf32, #tpu.memory_space<vmem>>, vector<1x16xf32>,
      %scan3A_1215 = arith.constant 0 : i32
      scf.yield %scan3A_1215 : i32
    }
    %scan3A_90 = arith.constant 32 : i32
    %mul3A_91 = arith.constant 96 : i32
    %mul3A_92 = arith.muli %add3A, %mul3A_91 : i32
    %add3A_93 = arith.constant 64 : i32
    %add3A_94 = arith.addi %mul3A_92, %add3A_93 : i32
    "tpu.region"() ({
      %run_scoped3A = tpu.sem_alloc : memref<!tpu.dma_semaphore, #tpu.memory_space<semaphore_mem>>
      %dma_start3A_95 = arith.constant 0 : i32
      %dma_start3A_96 = tpu.memref_slice %arg4[%add3A_94, %dma_start3A_95] : memref<3072x512xf32, #tpu.memory_space<hbm>> -> memref<32x512xf32, #tpu.memory_space<hbm>>
      %dma_start3A_97 = arith.constant 0 : i32
      %dma_start3A_98 = tpu.memref_slice %arg4[%add3A_94, %dma_start3A_97] : memref<3072x512xf32, #tpu.memory_space<hbm>> -> memref<32x512xf32, #tpu.memory_space<hbm>>
      tpu.enqueue_dma source(%arg7 : memref<32x512xf32, #tpu.memory_space<vmem>>) target(%dma_start3A_98 : memref<32x512xf32, #tpu.memory_space<hbm>>) target_semaphore(%run_scoped3A : memref<!tpu.dma_semaphore, #tpu.memory_space<semaphore_mem>>)
      %dma_wait3A_99 = arith.constant 0 : i32
      %dma_wait3A_100 = tpu.memref_slice %arg4[%add3A_94, %dma_wait3A_99] : memref<3072x512xf32, #tpu.memory_space<hbm>> -> memref<32x512xf32, #tpu.memory_space<hbm>>
      %dma_wait3A_101 = arith.constant 0 : i32
      %dma_wait3A_102 = tpu.memref_slice %arg4[%add3A_94, %dma_wait3A_101] : memref<3072x512xf32, #tpu.memory_space<hbm>> -> memref<32x512xf32, #tpu.memory_space<hbm>>
      tpu.wait_dma2 semaphore(%run_scoped3A : memref<!tpu.dma_semaphore, #tpu.memory_space<semaphore_mem>>) src(%arg7 : memref<32x512xf32, #tpu.memory_space<vmem>>) dst(%dma_wait3A_102 : memref<32x512xf32, #tpu.memory_space<hbm>>)
      tpu.yield
    }) : () -> ()
    return
  }
}

module attributes {stable_mosaic.version = 14 : i64} {
  func.func @_tc_pair_kernel(%arg0: i32, %arg1: memref<1x1x1024xi32, #tpu.memory_space<vmem>>, %arg2: memref<1x1x1024xi32, #tpu.memory_space<vmem>>, %arg3: memref<1x512x768xf32, #tpu.memory_space<vmem>>, %arg4: memref<1x12x64x512xf32, #tpu.memory_space<vmem>>, %arg5: memref<1x1024x768xf32, #tpu.memory_space<vmem>>) attributes {dimension_semantics = [#tpu.dimension_semantics<arbitrary>], iteration_bounds = array<i64: 4>, scalar_prefetch = 0 : i64, scratch_operands = 0 : i64, tpu.core_type = #tpu.core_type<tc>, window_params = [{transform_indices = @transform_0, window_bounds = array<i64: 1, 1, 1024>}, {transform_indices = @transform_1, window_bounds = array<i64: 1, 1, 1024>}, {transform_indices = @transform_2, window_bounds = array<i64: 1, 512, 768>}, {transform_indices = @transform_3, window_bounds = array<i64: 1, 12, 64, 512>}, {transform_indices = @transform_4, window_bounds = array<i64: 1, 1024, 768>}]} {
    %get3A = arith.constant 0 : index
    %get3A_0 = arith.constant 0 : index
    %get3A_1 = arith.constant 0 : index
    %get3A_2 = vector.load %arg1[%get3A, %get3A_0, %get3A_1] : memref<1x1x1024xi32, #tpu.memory_space<vmem>>, vector<1x1x1024xi32>
    %get3A_3 = vector.shape_cast %get3A_2 : vector<1x1x1024xi32> to vector<1024xi32>
    %get3A_4 = arith.constant 0 : index
    %get3A_5 = arith.constant 0 : index
    %get3A_6 = arith.constant 0 : index
    %get3A_7 = vector.load %arg2[%get3A_4, %get3A_5, %get3A_6] : memref<1x1x1024xi32, #tpu.memory_space<vmem>>, vector<1x1x1024xi32>
    %get3A_8 = vector.shape_cast %get3A_7 : vector<1x1x1024xi32> to vector<1024xi32>
    %iota3A = tpu.iota {dimensions = array<i32: 1>} : vector<1024x64xi32>
    %broadcast_in_dim3A = vector.shape_cast %get3A_3 : vector<1024xi32> to vector<1024x1xi32>
    %eq3A = vector.broadcast %broadcast_in_dim3A : vector<1024x1xi32> to vector<1024x64xi32>
    %eq3A_9 = arith.cmpi eq, %eq3A, %iota3A : vector<1024x64xi32>
    %convert_element_type3A = arith.extui %eq3A_9 : vector<1024x64xi1> to vector<1024x64xi32>
    %convert_element_type3A_10 = arith.sitofp %convert_element_type3A : vector<1024x64xi32> to vector<1024x64xf32>
    %convert_element_type3A_11 = arith.truncf %convert_element_type3A_10 : vector<1024x64xf32> to vector<1024x64xbf16>
    %broadcast_in_dim3A_12 = vector.shape_cast %get3A_8 : vector<1024xi32> to vector<1024x1xi32>
    %eq3A_13 = vector.broadcast %broadcast_in_dim3A_12 : vector<1024x1xi32> to vector<1024x64xi32>
    %eq3A_14 = arith.cmpi eq, %eq3A_13, %iota3A : vector<1024x64xi32>
    %convert_element_type3A_15 = arith.extui %eq3A_14 : vector<1024x64xi1> to vector<1024x64xi32>
    %convert_element_type3A_16 = arith.sitofp %convert_element_type3A_15 : vector<1024x64xi32> to vector<1024x64xf32>
    %convert_element_type3A_17 = arith.truncf %convert_element_type3A_16 : vector<1024x64xf32> to vector<1024x64xbf16>
    %get3A_18 = arith.constant 0 : index
    %get3A_19 = arith.constant 0 : index
    %get3A_20 = arith.constant 0 : index
    %get3A_21 = arith.constant 0 : index
    %get3A_22 = vector.load %arg4[%get3A_18, %get3A_19, %get3A_20, %get3A_21] : memref<1x12x64x512xf32, #tpu.memory_space<vmem>>, vector<1x1x64x512xf32>
    %get3A_23 = vector.shape_cast %get3A_22 : vector<1x1x64x512xf32> to vector<64x512xf32>
    %mul3A = arith.constant 0.333333343 : f32
    %mul3A_24 = vector.broadcast %mul3A : f32 to vector<64x512xf32>
    %mul3A_25 = arith.mulf %get3A_23, %mul3A_24 : vector<64x512xf32>
    %convert_element_type3A_26 = arith.truncf %mul3A_25 : vector<64x512xf32> to vector<64x512xbf16>
    %get3A_27 = arith.constant 0 : index
    %get3A_28 = arith.constant 1 : index
    %get3A_29 = arith.constant 0 : index
    %get3A_30 = arith.constant 0 : index
    %get3A_31 = vector.load %arg4[%get3A_27, %get3A_28, %get3A_29, %get3A_30] : memref<1x12x64x512xf32, #tpu.memory_space<vmem>>, vector<1x1x64x512xf32>
    %get3A_32 = vector.shape_cast %get3A_31 : vector<1x1x64x512xf32> to vector<64x512xf32>
    %mul3A_33 = arith.constant 0.333333343 : f32
    %mul3A_34 = vector.broadcast %mul3A_33 : f32 to vector<64x512xf32>
    %mul3A_35 = arith.mulf %get3A_32, %mul3A_34 : vector<64x512xf32>
    %convert_element_type3A_36 = arith.truncf %mul3A_35 : vector<64x512xf32> to vector<64x512xbf16>
    %get3A_37 = arith.constant 0 : index
    %get3A_38 = arith.constant 2 : index
    %get3A_39 = arith.constant 0 : index
    %get3A_40 = arith.constant 0 : index
    %get3A_41 = vector.load %arg4[%get3A_37, %get3A_38, %get3A_39, %get3A_40] : memref<1x12x64x512xf32, #tpu.memory_space<vmem>>, vector<1x1x64x512xf32>
    %get3A_42 = vector.shape_cast %get3A_41 : vector<1x1x64x512xf32> to vector<64x512xf32>
    %mul3A_43 = arith.constant 0.333333343 : f32
    %mul3A_44 = vector.broadcast %mul3A_43 : f32 to vector<64x512xf32>
    %mul3A_45 = arith.mulf %get3A_42, %mul3A_44 : vector<64x512xf32>
    %convert_element_type3A_46 = arith.truncf %mul3A_45 : vector<64x512xf32> to vector<64x512xbf16>
    %get3A_47 = arith.constant 0 : index
    %get3A_48 = arith.constant 3 : index
    %get3A_49 = arith.constant 0 : index
    %get3A_50 = arith.constant 0 : index
    %get3A_51 = vector.load %arg4[%get3A_47, %get3A_48, %get3A_49, %get3A_50] : memref<1x12x64x512xf32, #tpu.memory_space<vmem>>, vector<1x1x64x512xf32>
    %get3A_52 = vector.shape_cast %get3A_51 : vector<1x1x64x512xf32> to vector<64x512xf32>
    %mul3A_53 = arith.constant 0.333333343 : f32
    %mul3A_54 = vector.broadcast %mul3A_53 : f32 to vector<64x512xf32>
    %mul3A_55 = arith.mulf %get3A_52, %mul3A_54 : vector<64x512xf32>
    %convert_element_type3A_56 = arith.truncf %mul3A_55 : vector<64x512xf32> to vector<64x512xbf16>
    %get3A_57 = arith.constant 0 : index
    %get3A_58 = arith.constant 4 : index
    %get3A_59 = arith.constant 0 : index
    %get3A_60 = arith.constant 0 : index
    %get3A_61 = vector.load %arg4[%get3A_57, %get3A_58, %get3A_59, %get3A_60] : memref<1x12x64x512xf32, #tpu.memory_space<vmem>>, vector<1x1x64x512xf32>
    %get3A_62 = vector.shape_cast %get3A_61 : vector<1x1x64x512xf32> to vector<64x512xf32>
    %mul3A_63 = arith.constant 0.333333343 : f32
    %mul3A_64 = vector.broadcast %mul3A_63 : f32 to vector<64x512xf32>
    %mul3A_65 = arith.mulf %get3A_62, %mul3A_64 : vector<64x512xf32>
    %convert_element_type3A_66 = arith.truncf %mul3A_65 : vector<64x512xf32> to vector<64x512xbf16>
    %get3A_67 = arith.constant 0 : index
    %get3A_68 = arith.constant 5 : index
    %get3A_69 = arith.constant 0 : index
    %get3A_70 = arith.constant 0 : index
    %get3A_71 = vector.load %arg4[%get3A_67, %get3A_68, %get3A_69, %get3A_70] : memref<1x12x64x512xf32, #tpu.memory_space<vmem>>, vector<1x1x64x512xf32>
    %get3A_72 = vector.shape_cast %get3A_71 : vector<1x1x64x512xf32> to vector<64x512xf32>
    %mul3A_73 = arith.constant 0.333333343 : f32
    %mul3A_74 = vector.broadcast %mul3A_73 : f32 to vector<64x512xf32>
    %mul3A_75 = arith.mulf %get3A_72, %mul3A_74 : vector<64x512xf32>
    %convert_element_type3A_76 = arith.truncf %mul3A_75 : vector<64x512xf32> to vector<64x512xbf16>
    %get3A_77 = arith.constant 0 : index
    %get3A_78 = arith.constant 6 : index
    %get3A_79 = arith.constant 0 : index
    %get3A_80 = arith.constant 0 : index
    %get3A_81 = vector.load %arg4[%get3A_77, %get3A_78, %get3A_79, %get3A_80] : memref<1x12x64x512xf32, #tpu.memory_space<vmem>>, vector<1x1x64x512xf32>
    %get3A_82 = vector.shape_cast %get3A_81 : vector<1x1x64x512xf32> to vector<64x512xf32>
    %mul3A_83 = arith.constant 0.333333343 : f32
    %mul3A_84 = vector.broadcast %mul3A_83 : f32 to vector<64x512xf32>
    %mul3A_85 = arith.mulf %get3A_82, %mul3A_84 : vector<64x512xf32>
    %convert_element_type3A_86 = arith.truncf %mul3A_85 : vector<64x512xf32> to vector<64x512xbf16>
    %get3A_87 = arith.constant 0 : index
    %get3A_88 = arith.constant 7 : index
    %get3A_89 = arith.constant 0 : index
    %get3A_90 = arith.constant 0 : index
    %get3A_91 = vector.load %arg4[%get3A_87, %get3A_88, %get3A_89, %get3A_90] : memref<1x12x64x512xf32, #tpu.memory_space<vmem>>, vector<1x1x64x512xf32>
    %get3A_92 = vector.shape_cast %get3A_91 : vector<1x1x64x512xf32> to vector<64x512xf32>
    %mul3A_93 = arith.constant 0.333333343 : f32
    %mul3A_94 = vector.broadcast %mul3A_93 : f32 to vector<64x512xf32>
    %mul3A_95 = arith.mulf %get3A_92, %mul3A_94 : vector<64x512xf32>
    %convert_element_type3A_96 = arith.truncf %mul3A_95 : vector<64x512xf32> to vector<64x512xbf16>
    %get3A_97 = arith.constant 0 : index
    %get3A_98 = arith.constant 8 : index
    %get3A_99 = arith.constant 0 : index
    %get3A_100 = arith.constant 0 : index
    %get3A_101 = vector.load %arg4[%get3A_97, %get3A_98, %get3A_99, %get3A_100] : memref<1x12x64x512xf32, #tpu.memory_space<vmem>>, vector<1x1x64x512xf32>
    %get3A_102 = vector.shape_cast %get3A_101 : vector<1x1x64x512xf32> to vector<64x512xf32>
    %mul3A_103 = arith.constant 0.333333343 : f32
    %mul3A_104 = vector.broadcast %mul3A_103 : f32 to vector<64x512xf32>
    %mul3A_105 = arith.mulf %get3A_102, %mul3A_104 : vector<64x512xf32>
    %convert_element_type3A_106 = arith.truncf %mul3A_105 : vector<64x512xf32> to vector<64x512xbf16>
    %get3A_107 = arith.constant 0 : index
    %get3A_108 = arith.constant 9 : index
    %get3A_109 = arith.constant 0 : index
    %get3A_110 = arith.constant 0 : index
    %get3A_111 = vector.load %arg4[%get3A_107, %get3A_108, %get3A_109, %get3A_110] : memref<1x12x64x512xf32, #tpu.memory_space<vmem>>, vector<1x1x64x512xf32>
    %get3A_112 = vector.shape_cast %get3A_111 : vector<1x1x64x512xf32> to vector<64x512xf32>
    %mul3A_113 = arith.constant 0.333333343 : f32
    %mul3A_114 = vector.broadcast %mul3A_113 : f32 to vector<64x512xf32>
    %mul3A_115 = arith.mulf %get3A_112, %mul3A_114 : vector<64x512xf32>
    %convert_element_type3A_116 = arith.truncf %mul3A_115 : vector<64x512xf32> to vector<64x512xbf16>
    %get3A_117 = arith.constant 0 : index
    %get3A_118 = arith.constant 10 : index
    %get3A_119 = arith.constant 0 : index
    %get3A_120 = arith.constant 0 : index
    %get3A_121 = vector.load %arg4[%get3A_117, %get3A_118, %get3A_119, %get3A_120] : memref<1x12x64x512xf32, #tpu.memory_space<vmem>>, vector<1x1x64x512xf32>
    %get3A_122 = vector.shape_cast %get3A_121 : vector<1x1x64x512xf32> to vector<64x512xf32>
    %mul3A_123 = arith.constant 0.333333343 : f32
    %mul3A_124 = vector.broadcast %mul3A_123 : f32 to vector<64x512xf32>
    %mul3A_125 = arith.mulf %get3A_122, %mul3A_124 : vector<64x512xf32>
    %convert_element_type3A_126 = arith.truncf %mul3A_125 : vector<64x512xf32> to vector<64x512xbf16>
    %get3A_127 = arith.constant 0 : index
    %get3A_128 = arith.constant 11 : index
    %get3A_129 = arith.constant 0 : index
    %get3A_130 = arith.constant 0 : index
    %get3A_131 = vector.load %arg4[%get3A_127, %get3A_128, %get3A_129, %get3A_130] : memref<1x12x64x512xf32, #tpu.memory_space<vmem>>, vector<1x1x64x512xf32>
    %get3A_132 = vector.shape_cast %get3A_131 : vector<1x1x64x512xf32> to vector<64x512xf32>
    %mul3A_133 = arith.constant 0.333333343 : f32
    %mul3A_134 = vector.broadcast %mul3A_133 : f32 to vector<64x512xf32>
    %mul3A_135 = arith.mulf %get3A_132, %mul3A_134 : vector<64x512xf32>
    %convert_element_type3A_136 = arith.truncf %mul3A_135 : vector<64x512xf32> to vector<64x512xbf16>
    %concatenate3A = tpu.concatenate %convert_element_type3A_26, %convert_element_type3A_36, %convert_element_type3A_46, %convert_element_type3A_56, %convert_element_type3A_66, %convert_element_type3A_76, %convert_element_type3A_86, %convert_element_type3A_96, %convert_element_type3A_106, %convert_element_type3A_116, %convert_element_type3A_126, %convert_element_type3A_136 in 1 : vector<64x512xbf16>, vector<64x512xbf16>, vector<64x512xbf16>, vector<64x512xbf16>, vector<64x512xbf16>, vector<64x512xbf16>, vector<64x512xbf16>, vector<64x512xbf16>, vector<64x512xbf16>, vector<64x512xbf16>, vector<64x512xbf16>, vector<64x512xbf16> -> vector<64x6144xbf16>
    %broadcast_in_dim3A_137 = arith.constant 0.000000e+00 : f32
    %broadcast_in_dim3A_138 = vector.broadcast %broadcast_in_dim3A_137 : f32 to vector<1024x512xf32>
    %slice3A = vector.extract_strided_slice %concatenate3A {offsets = [0, 0], sizes = [64, 2048], strides = [1, 1]} : vector<64x6144xbf16> to vector<64x2048xbf16>
    %dot_general3A = arith.constant dense<0.000000e+00> : vector<1024x2048xf32>
    %dot_general3A_139 = tpu.matmul %convert_element_type3A_11, %slice3A, %dot_general3A {dimension_numbers = #tpu.dot_dimension_numbers<[1], [0], [0], [1], [0, 0, 1, 1], [], []>, transpose_lhs_hint = false} : vector<1024x64xbf16>, vector<64x2048xbf16>, vector<1024x2048xf32> -> vector<1024x2048xf32>
    %dot_general3A_140 = arith.constant dense<0.000000e+00> : vector<1024x2048xf32>
    %dot_general3A_141 = tpu.matmul %convert_element_type3A_17, %slice3A, %dot_general3A_140 {dimension_numbers = #tpu.dot_dimension_numbers<[1], [0], [0], [1], [0, 0, 1, 1], [], []>, transpose_lhs_hint = false} : vector<1024x64xbf16>, vector<64x2048xbf16>, vector<1024x2048xf32> -> vector<1024x2048xf32>
    %mul3A_142 = arith.mulf %dot_general3A_139, %dot_general3A_141 : vector<1024x2048xf32>
    %slice3A_143 = vector.extract_strided_slice %mul3A_142 {offsets = [0, 0], sizes = [1024, 512], strides = [1, 1]} : vector<1024x2048xf32> to vector<1024x512xf32>
    %add3A = arith.addf %broadcast_in_dim3A_138, %slice3A_143 : vector<1024x512xf32>
    %slice3A_144 = vector.extract_strided_slice %mul3A_142 {offsets = [0, 512], sizes = [1024, 512], strides = [1, 1]} : vector<1024x2048xf32> to vector<1024x512xf32>
    %add3A_145 = arith.addf %add3A, %slice3A_144 : vector<1024x512xf32>
    %slice3A_146 = vector.extract_strided_slice %mul3A_142 {offsets = [0, 1024], sizes = [1024, 512], strides = [1, 1]} : vector<1024x2048xf32> to vector<1024x512xf32>
    %add3A_147 = arith.addf %add3A_145, %slice3A_146 : vector<1024x512xf32>
    %slice3A_148 = vector.extract_strided_slice %mul3A_142 {offsets = [0, 1536], sizes = [1024, 512], strides = [1, 1]} : vector<1024x2048xf32> to vector<1024x512xf32>
    %add3A_149 = arith.addf %add3A_147, %slice3A_148 : vector<1024x512xf32>
    %slice3A_150 = vector.extract_strided_slice %concatenate3A {offsets = [0, 2048], sizes = [64, 2048], strides = [1, 1]} : vector<64x6144xbf16> to vector<64x2048xbf16>
    %dot_general3A_151 = arith.constant dense<0.000000e+00> : vector<1024x2048xf32>
    %dot_general3A_152 = tpu.matmul %convert_element_type3A_11, %slice3A_150, %dot_general3A_151 {dimension_numbers = #tpu.dot_dimension_numbers<[1], [0], [0], [1], [0, 0, 1, 1], [], []>, transpose_lhs_hint = false} : vector<1024x64xbf16>, vector<64x2048xbf16>, vector<1024x2048xf32> -> vector<1024x2048xf32>
    %dot_general3A_153 = arith.constant dense<0.000000e+00> : vector<1024x2048xf32>
    %dot_general3A_154 = tpu.matmul %convert_element_type3A_17, %slice3A_150, %dot_general3A_153 {dimension_numbers = #tpu.dot_dimension_numbers<[1], [0], [0], [1], [0, 0, 1, 1], [], []>, transpose_lhs_hint = false} : vector<1024x64xbf16>, vector<64x2048xbf16>, vector<1024x2048xf32> -> vector<1024x2048xf32>
    %mul3A_155 = arith.mulf %dot_general3A_152, %dot_general3A_154 : vector<1024x2048xf32>
    %slice3A_156 = vector.extract_strided_slice %mul3A_155 {offsets = [0, 0], sizes = [1024, 512], strides = [1, 1]} : vector<1024x2048xf32> to vector<1024x512xf32>
    %add3A_157 = arith.addf %add3A_149, %slice3A_156 : vector<1024x512xf32>
    %slice3A_158 = vector.extract_strided_slice %mul3A_155 {offsets = [0, 512], sizes = [1024, 512], strides = [1, 1]} : vector<1024x2048xf32> to vector<1024x512xf32>
    %add3A_159 = arith.addf %add3A_157, %slice3A_158 : vector<1024x512xf32>
    %slice3A_160 = vector.extract_strided_slice %mul3A_155 {offsets = [0, 1024], sizes = [1024, 512], strides = [1, 1]} : vector<1024x2048xf32> to vector<1024x512xf32>
    %add3A_161 = arith.addf %add3A_159, %slice3A_160 : vector<1024x512xf32>
    %slice3A_162 = vector.extract_strided_slice %mul3A_155 {offsets = [0, 1536], sizes = [1024, 512], strides = [1, 1]} : vector<1024x2048xf32> to vector<1024x512xf32>
    %add3A_163 = arith.addf %add3A_161, %slice3A_162 : vector<1024x512xf32>
    %slice3A_164 = vector.extract_strided_slice %concatenate3A {offsets = [0, 4096], sizes = [64, 2048], strides = [1, 1]} : vector<64x6144xbf16> to vector<64x2048xbf16>
    %dot_general3A_165 = arith.constant dense<0.000000e+00> : vector<1024x2048xf32>
    %dot_general3A_166 = tpu.matmul %convert_element_type3A_11, %slice3A_164, %dot_general3A_165 {dimension_numbers = #tpu.dot_dimension_numbers<[1], [0], [0], [1], [0, 0, 1, 1], [], []>, transpose_lhs_hint = false} : vector<1024x64xbf16>, vector<64x2048xbf16>, vector<1024x2048xf32> -> vector<1024x2048xf32>
    %dot_general3A_167 = arith.constant dense<0.000000e+00> : vector<1024x2048xf32>
    %dot_general3A_168 = tpu.matmul %convert_element_type3A_17, %slice3A_164, %dot_general3A_167 {dimension_numbers = #tpu.dot_dimension_numbers<[1], [0], [0], [1], [0, 0, 1, 1], [], []>, transpose_lhs_hint = false} : vector<1024x64xbf16>, vector<64x2048xbf16>, vector<1024x2048xf32> -> vector<1024x2048xf32>
    %mul3A_169 = arith.mulf %dot_general3A_166, %dot_general3A_168 : vector<1024x2048xf32>
    %slice3A_170 = vector.extract_strided_slice %mul3A_169 {offsets = [0, 0], sizes = [1024, 512], strides = [1, 1]} : vector<1024x2048xf32> to vector<1024x512xf32>
    %add3A_171 = arith.addf %add3A_163, %slice3A_170 : vector<1024x512xf32>
    %slice3A_172 = vector.extract_strided_slice %mul3A_169 {offsets = [0, 512], sizes = [1024, 512], strides = [1, 1]} : vector<1024x2048xf32> to vector<1024x512xf32>
    %add3A_173 = arith.addf %add3A_171, %slice3A_172 : vector<1024x512xf32>
    %slice3A_174 = vector.extract_strided_slice %mul3A_169 {offsets = [0, 1024], sizes = [1024, 512], strides = [1, 1]} : vector<1024x2048xf32> to vector<1024x512xf32>
    %add3A_175 = arith.addf %add3A_173, %slice3A_174 : vector<1024x512xf32>
    %slice3A_176 = vector.extract_strided_slice %mul3A_169 {offsets = [0, 1536], sizes = [1024, 512], strides = [1, 1]} : vector<1024x2048xf32> to vector<1024x512xf32>
    %add3A_177 = arith.addf %add3A_175, %slice3A_176 : vector<1024x512xf32>
    %mul3A_178 = arith.constant 0.0833333358 : f32
    %mul3A_179 = vector.broadcast %mul3A_178 : f32 to vector<1024x512xf32>
    %mul3A_180 = arith.mulf %add3A_177, %mul3A_179 : vector<1024x512xf32>
    %reduce_sum3A = arith.constant dense<0.000000e+00> : vector<1024xf32>
    %reduce_sum3A_181 = vector.multi_reduction <add>, %mul3A_180, %reduce_sum3A [1] : vector<1024x512xf32> to vector<1024xf32>
    %broadcast_in_dim3A_182 = vector.shape_cast %reduce_sum3A_181 : vector<1024xf32> to vector<1024x1xf32>
    %add3A_183 = arith.constant 9.99999974E-6 : f32
    %add3A_184 = vector.broadcast %add3A_183 : f32 to vector<1024x1xf32>
    %add3A_185 = arith.addf %broadcast_in_dim3A_182, %add3A_184 : vector<1024x1xf32>
    %div3A = vector.broadcast %add3A_185 : vector<1024x1xf32> to vector<1024x512xf32>
    %div3A_186 = arith.divf %mul3A_180, %div3A : vector<1024x512xf32>
    %convert_element_type3A_187 = arith.truncf %div3A_186 : vector<1024x512xf32> to vector<1024x512xbf16>
    %get3A_188 = arith.constant 0 : index
    %get3A_189 = arith.constant 0 : index
    %get3A_190 = arith.constant 0 : index
    %get3A_191 = vector.load %arg3[%get3A_188, %get3A_189, %get3A_190] : memref<1x512x768xf32, #tpu.memory_space<vmem>>, vector<1x512x768xf32>
    %get3A_192 = vector.shape_cast %get3A_191 : vector<1x512x768xf32> to vector<512x768xf32>
    %convert_element_type3A_193 = arith.truncf %get3A_192 : vector<512x768xf32> to vector<512x768xbf16>
    %dot_general3A_194 = arith.constant dense<0.000000e+00> : vector<1024x768xf32>
    %dot_general3A_195 = tpu.matmul %convert_element_type3A_187, %convert_element_type3A_193, %dot_general3A_194 {dimension_numbers = #tpu.dot_dimension_numbers<[1], [0], [0], [1], [0, 0, 1, 1], [], []>, transpose_lhs_hint = false} : vector<1024x512xbf16>, vector<512x768xbf16>, vector<1024x768xf32> -> vector<1024x768xf32>
    %swap3A = arith.constant 0 : index
    %swap3A_196 = arith.constant 0 : index
    %swap3A_197 = arith.constant 0 : index
    %swap3A_198 = vector.load %arg5[%swap3A, %swap3A_196, %swap3A_197] : memref<1x1024x768xf32, #tpu.memory_space<vmem>>, vector<1x1024x768xf32>
    %swap3A_199 = vector.shape_cast %swap3A_198 : vector<1x1024x768xf32> to vector<1024x768xf32>
    %swap3A_200 = vector.shape_cast %dot_general3A_195 : vector<1024x768xf32> to vector<1x1024x768xf32>
    tpu.vector_store %arg5[%swap3A, %swap3A_196, %swap3A_197], %swap3A_200 {strides = array<i32>} : memref<1x1024x768xf32, #tpu.memory_space<vmem>>, vector<1x1024x768xf32>,
    return
  }
  func.func @transform_0(%arg0: i32) -> (i32, i32, i32) {
    %c0_i32 = arith.constant 0 : i32
    %c0_i32_0 = arith.constant 0 : i32
    %c0_i32_1 = arith.constant 0 : i32
    return %arg0, %c0_i32, %c0_i32_0 : i32, i32, i32
  }
  func.func @transform_1(%arg0: i32) -> (i32, i32, i32) {
    %c0_i32 = arith.constant 0 : i32
    %c0_i32_0 = arith.constant 0 : i32
    %c0_i32_1 = arith.constant 0 : i32
    return %arg0, %c0_i32, %c0_i32_0 : i32, i32, i32
  }
  func.func @transform_2(%arg0: i32) -> (i32, i32, i32) {
    %c0_i32 = arith.constant 0 : i32
    %c0_i32_0 = arith.constant 0 : i32
    %c0_i32_1 = arith.constant 0 : i32
    return %arg0, %c0_i32, %c0_i32_0 : i32, i32, i32
  }
  func.func @transform_3(%arg0: i32) -> (i32, i32, i32, i32) {
    %c0_i32 = arith.constant 0 : i32
    %c0_i32_0 = arith.constant 0 : i32
    %c0_i32_1 = arith.constant 0 : i32
    %c0_i32_2 = arith.constant 0 : i32
    return %arg0, %c0_i32, %c0_i32_0, %c0_i32_1 : i32, i32, i32, i32
  }
  func.func @transform_4(%arg0: i32) -> (i32, i32, i32) {
    %c0_i32 = arith.constant 0 : i32
    %c0_i32_0 = arith.constant 0 : i32
    %c0_i32_1 = arith.constant 0 : i32
    return %arg0, %c0_i32, %c0_i32_0 : i32, i32, i32
  }
}

module attributes {stable_mosaic.version = 14 : i64} {
  func.func @_tc_emb_kernel(%arg0: i32, %arg1: memref<1x1x192xi32, #tpu.memory_space<vmem>>, %arg2: memref<1x1x1024xi32, #tpu.memory_space<vmem>>, %arg3: memref<1x1x1024xi32, #tpu.memory_space<vmem>>, %arg4: memref<1x512x768xf32, #tpu.memory_space<vmem>>, %arg5: memref<1x1024x768xf32, #tpu.memory_space<vmem>>, %arg6: memref<1x1024x768xf32, #tpu.memory_space<vmem>>) attributes {dimension_semantics = [#tpu.dimension_semantics<arbitrary>], iteration_bounds = array<i64: 4>, scalar_prefetch = 0 : i64, scratch_operands = 0 : i64, tpu.core_type = #tpu.core_type<tc>, window_params = [{transform_indices = @transform_0, window_bounds = array<i64: 1, 1, 192>}, {transform_indices = @transform_1, window_bounds = array<i64: 1, 1, 1024>}, {transform_indices = @transform_2, window_bounds = array<i64: 1, 1, 1024>}, {transform_indices = @transform_3, window_bounds = array<i64: 1, 512, 768>}, {transform_indices = @transform_4, window_bounds = array<i64: 1, 1024, 768>}, {transform_indices = @transform_5, window_bounds = array<i64: 1, 1024, 768>}]} {
    %get3A = arith.constant 0 : index
    %get3A_0 = arith.constant 0 : index
    %get3A_1 = arith.constant 0 : index
    %get3A_2 = vector.load %arg4[%get3A, %get3A_0, %get3A_1] : memref<1x512x768xf32, #tpu.memory_space<vmem>>, vector<1x512x768xf32>
    %get3A_3 = vector.shape_cast %get3A_2 : vector<1x512x768xf32> to vector<512x768xf32>
    %convert_element_type3A = arith.truncf %get3A_3 : vector<512x768xf32> to vector<512x768xbf16>
    %get3A_4 = arith.constant 0 : index
    %get3A_5 = arith.constant 0 : index
    %get3A_6 = arith.constant 0 : index
    %get3A_7 = vector.load %arg1[%get3A_4, %get3A_5, %get3A_6] : memref<1x1x192xi32, #tpu.memory_space<vmem>>, vector<1x1x192xi32>
    %get3A_8 = vector.shape_cast %get3A_7 : vector<1x1x192xi32> to vector<192xi32>
    %iota3A = tpu.iota {dimensions = array<i32: 1>} : vector<192x512xi32>
    %broadcast_in_dim3A = vector.shape_cast %get3A_8 : vector<192xi32> to vector<192x1xi32>
    %eq3A = vector.broadcast %broadcast_in_dim3A : vector<192x1xi32> to vector<192x512xi32>
    %eq3A_9 = arith.cmpi eq, %eq3A, %iota3A : vector<192x512xi32>
    %convert_element_type3A_10 = arith.extui %eq3A_9 : vector<192x512xi1> to vector<192x512xi32>
    %convert_element_type3A_11 = arith.sitofp %convert_element_type3A_10 : vector<192x512xi32> to vector<192x512xf32>
    %convert_element_type3A_12 = arith.truncf %convert_element_type3A_11 : vector<192x512xf32> to vector<192x512xbf16>
    %dot_general3A = arith.constant dense<0.000000e+00> : vector<192x768xf32>
    %dot_general3A_13 = tpu.matmul %convert_element_type3A_12, %convert_element_type3A, %dot_general3A {dimension_numbers = #tpu.dot_dimension_numbers<[1], [0], [0], [1], [0, 0, 1, 1], [], []>, transpose_lhs_hint = false} : vector<192x512xbf16>, vector<512x768xbf16>, vector<192x768xf32> -> vector<192x768xf32>
    %reshape3A = vector.shape_cast %dot_general3A_13 : vector<192x768xf32> to vector<64x3x768xf32>
    %reduce_max3A = arith.constant dense<0xFF800000> : vector<64x768xf32>
    %reduce_max3A_14 = vector.multi_reduction <maximumf>, %reshape3A, %reduce_max3A [1] : vector<64x3x768xf32> to vector<64x768xf32>
    %broadcast_in_dim3A_15 = vector.shape_cast %reduce_max3A_14 : vector<64x768xf32> to vector<64x1x768xf32>
    %sub3A = vector.broadcast %broadcast_in_dim3A_15 : vector<64x1x768xf32> to vector<64x3x768xf32>
    %sub3A_16 = arith.subf %reshape3A, %sub3A : vector<64x3x768xf32>
    %exp3A = math.exp %sub3A_16 : vector<64x3x768xf32>
    %reduce_sum3A = arith.constant dense<0.000000e+00> : vector<64x768xf32>
    %reduce_sum3A_17 = vector.multi_reduction <add>, %exp3A, %reduce_sum3A [1] : vector<64x3x768xf32> to vector<64x768xf32>
    %log3A = math.log %reduce_sum3A_17 : vector<64x768xf32>
    %add3A = arith.addf %reduce_max3A_14, %log3A : vector<64x768xf32>
    %convert_element_type3A_18 = arith.truncf %add3A : vector<64x768xf32> to vector<64x768xbf16>
    %get3A_19 = arith.constant 0 : index
    %get3A_20 = arith.constant 0 : index
    %get3A_21 = arith.constant 0 : index
    %get3A_22 = vector.load %arg2[%get3A_19, %get3A_20, %get3A_21] : memref<1x1x1024xi32, #tpu.memory_space<vmem>>, vector<1x1x1024xi32>
    %get3A_23 = vector.shape_cast %get3A_22 : vector<1x1x1024xi32> to vector<1024xi32>
    %get3A_24 = arith.constant 0 : index
    %get3A_25 = arith.constant 0 : index
    %get3A_26 = arith.constant 0 : index
    %get3A_27 = vector.load %arg3[%get3A_24, %get3A_25, %get3A_26] : memref<1x1x1024xi32, #tpu.memory_space<vmem>>, vector<1x1x1024xi32>
    %get3A_28 = vector.shape_cast %get3A_27 : vector<1x1x1024xi32> to vector<1024xi32>
    %iota3A_29 = tpu.iota {dimensions = array<i32: 1>} : vector<1024x64xi32>
    %broadcast_in_dim3A_30 = vector.shape_cast %get3A_23 : vector<1024xi32> to vector<1024x1xi32>
    %eq3A_31 = vector.broadcast %broadcast_in_dim3A_30 : vector<1024x1xi32> to vector<1024x64xi32>
    %eq3A_32 = arith.cmpi eq, %eq3A_31, %iota3A_29 : vector<1024x64xi32>
    %convert_element_type3A_33 = arith.extui %eq3A_32 : vector<1024x64xi1> to vector<1024x64xi32>
    %convert_element_type3A_34 = arith.sitofp %convert_element_type3A_33 : vector<1024x64xi32> to vector<1024x64xf32>
    %convert_element_type3A_35 = arith.truncf %convert_element_type3A_34 : vector<1024x64xf32> to vector<1024x64xbf16>
    %broadcast_in_dim3A_36 = vector.shape_cast %get3A_28 : vector<1024xi32> to vector<1024x1xi32>
    %eq3A_37 = vector.broadcast %broadcast_in_dim3A_36 : vector<1024x1xi32> to vector<1024x64xi32>
    %eq3A_38 = arith.cmpi eq, %eq3A_37, %iota3A_29 : vector<1024x64xi32>
    %convert_element_type3A_39 = arith.extui %eq3A_38 : vector<1024x64xi1> to vector<1024x64xi32>
    %convert_element_type3A_40 = arith.sitofp %convert_element_type3A_39 : vector<1024x64xi32> to vector<1024x64xf32>
    %convert_element_type3A_41 = arith.truncf %convert_element_type3A_40 : vector<1024x64xf32> to vector<1024x64xbf16>
    %dot_general3A_42 = arith.constant dense<0.000000e+00> : vector<1024x768xf32>
    %dot_general3A_43 = tpu.matmul %convert_element_type3A_35, %convert_element_type3A_18, %dot_general3A_42 {dimension_numbers = #tpu.dot_dimension_numbers<[1], [0], [0], [1], [0, 0, 1, 1], [], []>, transpose_lhs_hint = false} : vector<1024x64xbf16>, vector<64x768xbf16>, vector<1024x768xf32> -> vector<1024x768xf32>
    %swap3A = arith.constant 0 : index
    %swap3A_44 = arith.constant 0 : index
    %swap3A_45 = arith.constant 0 : index
    %swap3A_46 = vector.load %arg5[%swap3A, %swap3A_44, %swap3A_45] : memref<1x1024x768xf32, #tpu.memory_space<vmem>>, vector<1x1024x768xf32>
    %swap3A_47 = vector.shape_cast %swap3A_46 : vector<1x1024x768xf32> to vector<1024x768xf32>
    %swap3A_48 = vector.shape_cast %dot_general3A_43 : vector<1024x768xf32> to vector<1x1024x768xf32>
    tpu.vector_store %arg5[%swap3A, %swap3A_44, %swap3A_45], %swap3A_48 {strides = array<i32>} : memref<1x1024x768xf32, #tpu.memory_space<vmem>>, vector<1x1024x768xf32>,
    %dot_general3A_49 = arith.constant dense<0.000000e+00> : vector<1024x768xf32>
    %dot_general3A_50 = tpu.matmul %convert_element_type3A_41, %convert_element_type3A_18, %dot_general3A_49 {dimension_numbers = #tpu.dot_dimension_numbers<[1], [0], [0], [1], [0, 0, 1, 1], [], []>, transpose_lhs_hint = false} : vector<1024x64xbf16>, vector<64x768xbf16>, vector<1024x768xf32> -> vector<1024x768xf32>
    %swap3A_51 = arith.constant 0 : index
    %swap3A_52 = arith.constant 0 : index
    %swap3A_53 = arith.constant 0 : index
    %swap3A_54 = vector.load %arg6[%swap3A_51, %swap3A_52, %swap3A_53] : memref<1x1024x768xf32, #tpu.memory_space<vmem>>, vector<1x1024x768xf32>
    %swap3A_55 = vector.shape_cast %swap3A_54 : vector<1x1024x768xf32> to vector<1024x768xf32>
    %swap3A_56 = vector.shape_cast %dot_general3A_50 : vector<1024x768xf32> to vector<1x1024x768xf32>
    tpu.vector_store %arg6[%swap3A_51, %swap3A_52, %swap3A_53], %swap3A_56 {strides = array<i32>} : memref<1x1024x768xf32, #tpu.memory_space<vmem>>, vector<1x1024x768xf32>,
    return
  }
  func.func @transform_0(%arg0: i32) -> (i32, i32, i32) {
    %c0_i32 = arith.constant 0 : i32
    %c0_i32_0 = arith.constant 0 : i32
    %c0_i32_1 = arith.constant 0 : i32
    return %arg0, %c0_i32, %c0_i32_0 : i32, i32, i32
  }
  func.func @transform_1(%arg0: i32) -> (i32, i32, i32) {
    %c0_i32 = arith.constant 0 : i32
    %c0_i32_0 = arith.constant 0 : i32
    %c0_i32_1 = arith.constant 0 : i32
    return %arg0, %c0_i32, %c0_i32_0 : i32, i32, i32
  }
  func.func @transform_2(%arg0: i32) -> (i32, i32, i32) {
    %c0_i32 = arith.constant 0 : i32
    %c0_i32_0 = arith.constant 0 : i32
    %c0_i32_1 = arith.constant 0 : i32
    return %arg0, %c0_i32, %c0_i32_0 : i32, i32, i32
  }
  func.func @transform_3(%arg0: i32) -> (i32, i32, i32) {
    %c0_i32 = arith.constant 0 : i32
    %c0_i32_0 = arith.constant 0 : i32
    %c0_i32_1 = arith.constant 0 : i32
    return %arg0, %c0_i32, %c0_i32_0 : i32, i32, i32
  }
  func.func @transform_4(%arg0: i32) -> (i32, i32, i32) {
    %c0_i32 = arith.constant 0 : i32
    %c0_i32_0 = arith.constant 0 : i32
    %c0_i32_1 = arith.constant 0 : i32
    return %arg0, %c0_i32, %c0_i32_0 : i32, i32, i32
  }
  func.func @transform_5(%arg0: i32) -> (i32, i32, i32) {
    %c0_i32 = arith.constant 0 : i32
    %c0_i32_0 = arith.constant 0 : i32
    %c0_i32_1 = arith.constant 0 : i32
    return %arg0, %c0_i32, %c0_i32_0 : i32, i32, i32
  }
}

</mosaic_0001>

<sc_bundles>
// kernel: kernel.5.cloned.1.call-start
scs
__scs_entry_jumppad:
0x0: {  	(pc) =	sbr.rel $0x88, $3  }
0x1: {  	(tag) =	ssettag $0x0;
	lr =	simm.s32 $0x1  }
0x2: {  	[smem:$0x3F9D] =	sst lr;
	_ =	strace $0xD0000000  }
0x3: {  	_ = 	snop  }
0x4: {  	_ = 	snop  }
0x5: {  	_ = 	snop  }
0x6: {  	_ = 	snop  }
0x7: {  	_ = 	snop  }
__scs_overlays_trampoline_lowered:
0x8: {  	[smem:$0x3FAC] =	sst s0  }
0x9: {  	[smem:$0x3FAD] =	sst s1  }
0xa: {  	[smem:$0x3FAE] =	sst s2  }
0xb: {  	[smem:$0x3FAF] =	sst s3  }
0xc: {  	[smem:$0x3FB0] =	sst s4  }
0xd: {  	[smem:$0x3FB1] =	sst s5  }
0xe: {  	[smem:$0x3FB2] =	sst s6  }
0xf: {  	[smem:$0x3FB3] =	sst s7  }
0x10: {  	[smem:$0x3FB4] =	sst s8  }
0x11: {  	[smem:$0x3FB5] =	sst s9;
	s0 =	simm.s32 @!p0 $0x0  }
0x12: {  	s1 =	sld [smem:$0x3F9B];
	s0 =	simm.s32 @p0 $0x1  }
0x13: {  	[smem:$0x3FB6] =	sst s0;
	s0 =	simm.s32 @!p1 $0x0  }
0x14: {  	s2 =	sld [smem:$0x3F9A];
	s0 =	simm.s32 @p1 $0x1  }
0x15: {  	[smem:$0x3FB7] =	sst s0;
	s0 =	simm.s32 @!p2 $0x0  }
0x16: {  	s3 =	sld [smem:$0x3FDB];
	s0 =	simm.s32 @p2 $0x1  }
0x17: {  	s4 =	simm.s32 $0x1BF5;
	[smem:$0x3FB9] =	sst s0  }
0x18: {  	s0 =	sld [smem:$0x3F9C];
	_ =	swait.ge [sflag:s4], $0x0  }
0x19: {  	s7 =	sld [smem:$0x3F9D]  }
0x1a: {  	s8 =	sadd.s32 $0xFFFFE003, lr  }
0x1b: {  	s9 =	sadd.s32 $0xFFFFFEF7, lr;
	s5 =	simm.s32 $0xFFFFFFFF;
	p2 =	slt.u32 s8, $0xFFFFF086  }
0x1c: {  	p1 =	slt.u32 s9, $0xF7A;
	s5 =	simm.s32 @!p2 $0x0  }
0x1d: {  	s5 =	simm.s32 @p1 $0x1;
	p0 =	seq.s32 s7, s2  }
0x1e: {  	s7 =	smul.u32 @!p0 $0xF7A, s2;
	p2 =	seq.s32 @!p0 s5, $0x0  }
0x1f: {  	s9 =	smul.u32 $0xF7A, s1;
	s8 =	simm.s32 @!p0 $0x1BF5;
	p2 =	por !p2, p0  }
0x20: {  	[sflag:s8] =	ssyncset.s32 @!p0 $0xFFFFF086;
	s6 =	sadd.s32 @!p0 s3, s7;
	s7 =	simm.s32 @!p0 $0x108  }
0x21: {  	s3 =	sadd.s32 s3, s9;
	s6 =	sadd.s32 @!p0 $0x88, s6;
	s7 =	simm.s32 @p2 $0x1082  }
0x22: {  	[simem:s7], [sflag:s8] =	dma.local @!p0 [hbm:s6], $0xF7A  }
0x23: {  	s9 =	sor.u32 $0xD0000000, s2;
	s6 =	simm.s32 $0x108;
	_ =	swait.ge @!p0 [sflag:s8], $0x0  }
0x24: {  	s3 =	sadd.s32 $0x88, s3;
	s6 =	simm.s32 @!p1 $0x1082;
	[sflag:s4] =	ssyncset.s32 $0xFFFFF086  }
0x25: {  	[simem:s6], [sflag:s4] =	dma.local [hbm:s3], $0xF7A  }
0x26: {  	[smem:$0x3F9D] =	sst s1;
	(tag) =	ssettag s2;
	_ =	strace s9  }
0x27: {  	s1 =	sld [smem:$0x3FAD]  }
0x28: {  	s2 =	sld [smem:$0x3FAE]  }
0x29: {  	s4 =	sld [smem:$0x3FB0]  }
0x2a: {  	p0 =	seq.s32 s5, $0x0;
	s5 =	sld [smem:$0x3FB1]  }
0x2b: {  	s6 =	sld [smem:$0x3FB2]  }
0x2c: {  	s7 =	sld [smem:$0x3FB3]  }
0x2d: {  	s3 =	simm.s32 $0x108;
	s8 =	sld [smem:$0x3FB4]  }
0x2e: {  	s3 =	simm.s32 @!p0 $0x1082;
	s9 =	sld [smem:$0x3FB5]  }
0x2f: {  	lr =	sadd.s32 s0, s3;
	s0 =	sld [smem:$0x3FAC]  }
0x30: {  	s3 =	sld [smem:$0x3FAF]  }
0x31: {  	[smem:$0x3FB8] =	sst s10  }
0x32: {  	s10 =	sld [smem:$0x3FB6];
	_ =	sdelay $0x3  }
0x33: {  	p0 =	seq.s32 s10, $0x1;
	s10 =	sld [smem:$0x3FB8];
	_ =	sdelay $0x3  }
0x34: {  	[smem:$0x3FB8] =	sst s10  }
0x35: {  	s10 =	sld [smem:$0x3FB7];
	_ =	sdelay $0x3  }
0x36: {  	p1 =	seq.s32 s10, $0x1;
	s10 =	sld [smem:$0x3FB8];
	_ =	sdelay $0x3  }
0x37: {  	[smem:$0x3FB8] =	sst s10  }
0x38: {  	s10 =	sld [smem:$0x3FB9]  }
0x39: {  	_ = 	snop;
	(pc) =	sbr.ind lr, $3  }
0x3a: {  	_ = 	snop  }
0x3b: {  	_ = 	snop  }
0x3c: {  	p2 =	seq.s32 s10, $0x1;
	s10 =	sld [smem:$0x3FB8]  }
0x3d: {  	_ =	shalt  }
0x3e: {  	_ =	shalt  }
0x3f: {  	_ =	shalt  }
0x40: {  	_ =	shalt  }
0x41: {  	_ =	shalt  }
0x42: {  	_ =	shalt  }
0x43: {  	_ =	shalt  }
0x44: {  	_ =	shalt  }
0x45: {  	_ =	shalt  }
0x46: {  	_ =	shalt  }
0x47: {  	_ =	shalt  }
0x48: {  	_ =	shalt  }
0x49: {  	_ =	shalt  }
0x4a: {  	_ =	shalt  }
0x4b: {  	_ =	shalt  }
0x4c: {  	_ =	shalt  }
0x4d: {  	_ =	shalt  }
0x4e: {  	_ =	shalt  }
0x4f: {  	_ =	shalt  }
0x50: {  	_ =	shalt  }
0x51: {  	_ =	shalt  }
0x52: {  	_ =	shalt  }
0x53: {  	_ =	shalt  }
0x54: {  	_ =	shalt  }
0x55: {  	_ =	shalt  }
0x56: {  	_ =	shalt  }
0x57: {  	_ =	shalt  }
0x58: {  	_ =	shalt  }
0x59: {  	_ =	shalt  }
0x5a: {  	_ =	shalt  }
0x5b: {  	_ =	shalt  }
0x5c: {  	_ =	shalt  }
0x5d: {  	_ =	shalt  }
0x5e: {  	_ =	shalt  }
0x5f: {  	_ =	shalt  }
0x60: {  	_ =	shalt  }
0x61: {  	_ =	shalt  }
0x62: {  	_ =	shalt  }
0x63: {  	_ =	shalt  }
0x64: {  	_ =	shalt  }
0x65: {  	_ =	shalt  }
0x66: {  	_ =	shalt  }
0x67: {  	_ =	shalt  }
0x68: {  	_ =	shalt  }
0x69: {  	_ =	shalt  }
0x6a: {  	_ =	shalt  }
0x6b: {  	_ =	shalt  }
0x6c: {  	_ =	shalt  }
0x6d: {  	_ =	shalt  }
0x6e: {  	_ =	shalt  }
0x6f: {  	_ =	shalt  }
0x70: {  	_ =	shalt  }
0x71: {  	_ =	shalt  }
0x72: {  	_ =	shalt  }
0x73: {  	_ =	shalt  }
0x74: {  	_ =	shalt  }
0x75: {  	_ =	shalt  }
0x76: {  	_ =	shalt  }
0x77: {  	_ =	shalt  }
0x78: {  	_ =	shalt  }
0x79: {  	_ =	shalt  }
0x7a: {  	_ =	shalt  }
0x7b: {  	_ =	shalt  }
0x7c: {  	_ =	shalt  }
0x7d: {  	_ =	shalt  }
0x7e: {  	_ =	shalt  }
0x7f: {  	_ =	shalt  }
0x80: {  	_ =	shalt  }
0x81: {  	_ =	shalt  }
0x82: {  	_ =	shalt  }
0x83: {  	_ =	shalt  }
0x84: {  	_ =	shalt  }
0x85: {  	_ =	shalt  }
0x86: {  	_ =	shalt  }
0x87: {  	_ =	shalt  }
.Lfunc_end0:
.L_simem_size_0:
called_computation_lowered:
.L_overlay_start_0:
0x88: {  	s2 =	sld [smem:$0x3FD9]  }
0x89: {  	s3 =	sld [smem:$0x3FFE];
	_ =	sdelay $0x1  }
0x8a: {  	s1 =	srdreg.scid  }
0x8b: {  	s0 =	sand.u32 $0x1, s1  }
0x8c: {  	s14 =	sshll.u32 s0, $0xA;
	s2 =	sadd.s32 s3, s2  }
0x8d: {  	s2 =	sadd.s32 s2, s14  }
0x8e: {  	[smem:$0x3FC4] =	sst s2  }
0x8f: {  	_ = 	snop  }
0x90: {  	s2 =	sld [smem:$0x3FD0];
	_ =	sdelay $0x2  }
0x91: {  	s4 =	simm.s32 $0xA;
	s5 =	simm.s32 $0x10;
	s15 =	sld [smem:$0x3FC8]  }
0x92: {  	[smem:s5], [sflag:s4] =	dma.local [hbm:s2], $0x1  }
0x93: {  	_ =	swait.eq [sflag:s4], $0x1  }
0x94: {  	[sflag:s4] =	ssyncset.done $0x0  }
0x95: {  	[sflag:s4] =	ssyncadd.s32 $0xFFFFFFFF  }
0x96: {  	s16 =	sld [smem:$0x12];
	(tm) =	ssettm $0x1  }
0x97: {  	s17 =	sld [smem:$0x3FFB];
	_ =	sdelay $0x3  }
0x98: {  	_ =	strace s17  }
0x99: {  	s4 =	sld [smem:$0x3FFC];
	_ =	sdelay $0x3  }
0x9a: {  	_ =	strace s4  }
0x9b: {  	s4 =	sld [smem:$0x3FFD];
	_ =	sdelay $0x3  }
0x9c: {  	_ =	strace s4  }
0x9d: {  	_ =	strace $0x8FFFFFFF  }
0x9e: {  	s18 =	sld [smem:$0x3FDB];
	_ =	sdelay $0x1  }
0x9f: {  	s19 =	simm.s32 $_scs_section_size  }
0xa0: {  	s6 =	simm.s32 $_size__tile_overlayer_lowered;
	s7 =	simm.s32 $_tile_overlayer_lowered  }
0xa1: {  	s22 =	simm.s32 $0x1BFF;
	s21 =	sshll.u32 s7, $0x1;
	s4 =	sadd.s32 s19, s18  }
0xa2: {  	s8 =	simm.s32 $0x0;
	s20 =	sshll.u32 s6, $0x1;
	s6 =	sadd.s32 s21, s4  }
0xa3: {  	[timem:s8], [sflag:s22] =	dma.local [hbm:s6], s20  }
0xa4: {  	_ =	swait.ge [sflag:s22], s20  }
0xa5: {  	s5 =	ssub.s32 $0x0, s20;
	[sflag:s22] =	ssyncset.done $0x0  }
0xa6: {  	[sflag:s22] =	ssyncadd.s32 s5;
	_ =	sdelay $0x1  }
0xa7: {  	s23 =	simm.s32 $0x1B8B  }
0xa8: {  	_ =	swait.ge [sflag:s23], $0x1  }
0xa9: {  	[sflag:s23] =	ssyncset.done $0x0  }
0xaa: {  	s25 =	simm.s32 $0x1B8E;
	s24 =	sld [smem:$0x3FFE];
	[sflag:s23] =	ssyncadd.s32 $0xFFFFFFFF  }
0xab: {  	s26 =	simm.s32 $execute0_lowered;
	[smem:$0x3FD2] =	sst s25  }
0xac: {  	s6 =	sshll.u32 s26, $0x1;
	_ =	strace $0x80000046;
	[dreg:$0x1] =	wrdreg $0xFFFFFFFF  }
0xad: {  	s28 =	simm.s32 $_size_execute0_lowered;
	s4 =	sadd.s32 s4, s6;
	[dreg:$0x0] =	wrdreg $0x0  }
0xae: {  	s6 =	sshll.u32 s28, $0x1;
	[dreg:$0x2] =	wrdreg s4  }
0xaf: {  	[dreg:$0x3] =	wrdreg s6  }
0xb0: {  	[dreg:$0x4] =	wrdreg $0xC0  }
0xb1: {  	_ =	task [dreg:s8], $0x5FFFF  }
0xb2: {  	[dreg:$0x1] =	wrdreg $0xFFFFFFFF  }
0xb3: {  	[dreg:$0x0] =	wrdreg $0x60  }
0xb4: {  	[dreg:$0x2] =	wrdreg s15  }
0xb5: {  	[dreg:$0x3] =	wrdreg s24  }
0xb6: {  	[dreg:$0x4] =	wrdreg s16  }
0xb7: {  	[dreg:$0x5] =	wrdreg $0x9  }
0xb8: {  	_ =	task.clear_ibuf [dreg:s8], $0x6FFFF;
	_ =	strace $0x90000046  }
0xb9: {  	s29 =	simm.s32 $0x9;
	_ =	strace $0x80000048  }
0xba: {  	_ =	swait.ge [sflag:s29], $0x1  }
0xbb: {  	[sflag:s29] =	ssyncadd.s32 $0xFFFFFFFF  }
0xbc: {  	_ =	strace $0x90000048  }
0xbd: {  	_ =	sfence  }
0xbe: {  	s30 =	sld [smem:$0x0];
	_ =	sdelay $0x2  }
0xbf: {  	s31 =	sshll.u32 s1, $0xD;
	s1 =	sshrl.u32 s1, $0x2  }
0xc0: {  	s3 =	sand.u32 $0x4000, s31;
	s1 =	sadd.s32 s1, s30  }
0xc1: {  	s0 =	sor.u32 s3, s0;
	s1 =	sshll.u32 s1, $0x11  }
0xc2: {  	s0 =	sor.u32 s1, s0  }
0xc3: {  	s0 =	sadd.s32 $0x8F2B, s0  }
0xc4: {  	[sflag:s0] =	ssyncadd.remote.s32 $0x1  }
0xc5: {  	_ =	sfence.sel $0xFFFF  }
0xc6: {  	[dreg:$0x0] =	wrdreg $0xFFFFFFFF;
	(pc) =	sbr.abs _section_cstart, $3  }
0xc7: {  	[dreg:$0x1] =	wrdreg $0xFFFFFFFF  }
0xc8: {  	_ =	task.clear_ibuf [dreg:s8], $0x2FFFF;
	_ =	strace $0x9FFFFFFF  }
0xc9: {  	(tm) =	ssettm $0x7FFFFFFF  }
tec
execute0_lowered:
.L_overlay_start_1:
0x0: {  	(tag) =	ssettag $0x1  }
0x1: {  	s1 =	rddreg [dreg:$0x0];
	s0 =	srdreg.scid  }
0x2: {  	s3 =	stileid.u32;
	s2 =	rddreg [dreg:$0x1]  }
0x3: {  	s4 =	rddreg [dreg:$0x2];
	s10 =	simm.s32 $0x3;
	s28 =	simm.s32 $0x8180  }
0x4: {  	s29 =	simm.s32 $0x8980;
	s30 =	simm.s32 $0x9180;
	s31 =	simm.s32 $0x9980  }
0x5: {  	s11 =	simm.s32 $0xB180;
	s12 =	simm.s32 $0xB980;
	s13 =	simm.s32 $0x1  }
0x6: {  	s14 =	simm.s32 $0x18180;
	s0 =	sand.u32 $0x1, s0;
	s3 =	sshll.u32 s3, $0x1  }
0x7: {  	s15 =	simm.s32 $0x2;
	s16 =	simm.s32 $0x0;
	s5 =	sor.u32 s0, s3  }
0x8: {  	s3 =	simm.s32 $0x0;
	s0 =	ssub.s32 $0x2, s0;
	s6 =	smul.u32 $0x24, s5  }
0x9: {  	[smem:$0x7FF] =	sst s3;
	s7 =	smul.u32 $0xC000, s5;
	s23 =	sshrl.u32 s0, $0x1  }
0xa: {  	s24 =	smul.u32 $0x1800, s5;
	s5 =	sadd.s32 $0x100, s1;
	_ =	strace $0x80000047  }
0xb: {  	s0 =	ssub.s32 s0, s23;
	s23 =	simm.s32 $0x6180;
	s2 =	sadd.s32 s6, s2  }
0xc: {  	s7 =	sshrl.u32 s7, $0x3;
	s9 =	smax.u32 s0, $0x1;
	s2 =	sadd.s32 $0x1600, s2  }
0xd: {  	s25 =	sadd.s32 s4, s7;
	s4 =	sadd.s32 s4, s24;
	[dreg:$0x4] =	wrdreg s2  }
0xe: {  	v2 =	vlaneseq.u32;
	s0 =	simm.s32 $0xA980;
	s24 =	simm.s32 $0x6980;
	[dreg:$0x5] =	wrdreg s4  }
0xf: {  	vm0 =	vmmov $0xffff;
	v1 =	vshrl.u32 v2, $0x3;
	s26 =	sadd.s32 $0x800, s25;
	s8 =	sadd.s32 $0x1000, s25;
	s25 =	simm.s32 $0x7180  }
0x10: {  	v0 =	vand.u32 $0x7, v2;
	v2 =	vor.u32 $0x8, v2;
	v1 =	vmul.u32 $0x8, v1;
	s2 =	simm.s32 $0xA180;
	[dreg:$0x6] =	wrdreg s26;
	s26 =	simm.s32 $0x7980  }
.LBB2_1:
0x11: {  	s4 =	rddreg [dreg:$0x4]  }
0x12: {  	[tilespmem:s3], [sflag:$0x3] =	stream.linear.gather [hbm4b:s4+s3], $0x120, $0x38;
	[tilespmem:$0x1C180] =	vst v63  }
0x13: {  	_ =	swait.ge [sflag:s10], $0x120  }
0x14: {  	[sflag:s10] =	ssyncset.done $0x0  }
0x15: {  	[sflag:s10] =	ssyncadd.s32 $0xFFFFFEE0  }
0x16: {  	v3 =	vld [tilespmem:$0x0];
	_ =	sdelay $0x4  }
0x17: {  	v4 =	vshll.u32 v3, $0x2  }
0x18: {  	v3 =	vand.u32 $0x7, v3;
	v4 =	vand.u32 $0xFFFFFFE0, v4  }
0x19: {  	v3 =	vor.u32 v3, v4  }
0x1a: {  	v4 =	vperm.xlane v3, v0;
	_ =	sdelay $0x1  }
0x1b: {  	v4 =	vadd.s32 v1, v4;
	_ =	sdelay $0x1  }
0x1c: {  	v3 =	vperm.xlane v3, v2;
	_ =	sdelay $0x1  }
0x1d: {  	s19 =	simm.s32 $0x180;
	v3 =	vadd.s32 v1, v3  }
0x1e: {  	[tilespmem:s19], [sflag:$0x1] =	stream.indirect_vreg.gather [hbm4b:s1+s3], $0x80, v4, vm0, $0xb8;
	[tilespmem:$0x1C180] =	vst v63  }
0x1f: {  	s20 =	simm.s32 $0x980  }
0x20: {  	[tilespmem:s20], [sflag:$0x1] =	stream.indirect_vreg.gather [hbm4b:s5+s3], $0x80, v4, vm0, $0xb8;
	[tilespmem:$0x1C180] =	vst v63  }
0x21: {  	s21 =	simm.s32 $0x1180  }
0x22: {  	[tilespmem:s21], [sflag:$0x1] =	stream.indirect_vreg.gather [hbm4b:s1+s3], $0x80, v3, vm0, $0xb8;
	[tilespmem:$0x1C180] =	vst v63  }
0x23: {  	s22 =	simm.s32 $0x1980  }
0x24: {  	[tilespmem:s22], [sflag:$0x1] =	stream.indirect_vreg.gather [hbm4b:s5+s3], $0x80, v3, vm0, $0xb8;
	[tilespmem:$0x1C180] =	vst v63  }
0x25: {  	v3 =	vld [tilespmem:$0x10];
	_ =	sdelay $0x4  }
0x26: {  	v53 =	vshll.u32 v3, $0x2  }
0x27: {  	v3 =	vand.u32 $0x7, v3;
	v4 =	vand.u32 $0xFFFFFFE0, v53  }
0x28: {  	v3 =	vor.u32 v3, v4  }
0x29: {  	v4 =	vperm.xlane v3, v0;
	_ =	sdelay $0x1  }
0x2a: {  	v4 =	vadd.s32 v1, v4;
	_ =	sdelay $0x1  }
0x2b: {  	v3 =	vperm.xlane v3, v2;
	_ =	sdelay $0x1  }
0x2c: {  	s6 =	simm.s32 $0x2180;
	v3 =	vadd.s32 v1, v3  }
0x2d: {  	[tilespmem:s6], [sflag:$0x1] =	stream.indirect_vreg.gather [hbm4b:s1+s3], $0x80, v4, vm0, $0xb8;
	[tilespmem:$0x1C180] =	vst v63  }
0x2e: {  	s7 =	simm.s32 $0x2980  }
0x2f: {  	[tilespmem:s7], [sflag:$0x1] =	stream.indirect_vreg.gather [hbm4b:s5+s3], $0x80, v4, vm0, $0xb8;
	[tilespmem:$0x1C180] =	vst v63  }
0x30: {  	s17 =	simm.s32 $0x3180  }
0x31: {  	[tilespmem:s17], [sflag:$0x1] =	stream.indirect_vreg.gather [hbm4b:s1+s3], $0x80, v3, vm0, $0xb8;
	[tilespmem:$0x1C180] =	vst v63  }
0x32: {  	s18 =	simm.s32 $0x3980  }
0x33: {  	[tilespmem:s18], [sflag:$0x1] =	stream.indirect_vreg.gather [hbm4b:s5+s3], $0x80, v3, vm0, $0xb8;
	[tilespmem:$0x1C180] =	vst v63  }
0x34: {  	v3 =	vld [tilespmem:$0x20];
	_ =	sdelay $0x4  }
0x35: {  	v54 =	vshll.u32 v3, $0x2  }
0x36: {  	v3 =	vand.u32 $0x7, v3;
	v4 =	vand.u32 $0xFFFFFFE0, v54  }
0x37: {  	v3 =	vor.u32 v3, v4  }
0x38: {  	v4 =	vperm.xlane v3, v0;
	_ =	sdelay $0x1  }
0x39: {  	v4 =	vadd.s32 v1, v4;
	_ =	sdelay $0x1  }
0x3a: {  	v3 =	vperm.xlane v3, v2;
	_ =	sdelay $0x1  }
0x3b: {  	s19 =	simm.s32 $0x4180;
	v3 =	vadd.s32 v1, v3  }
0x3c: {  	[tilespmem:s19], [sflag:$0x1] =	stream.indirect_vreg.gather [hbm4b:s1+s3], $0x80, v4, vm0, $0xb8;
	[tilespmem:$0x1C180] =	vst v63  }
0x3d: {  	s20 =	simm.s32 $0x4980  }
0x3e: {  	[tilespmem:s20], [sflag:$0x1] =	stream.indirect_vreg.gather [hbm4b:s5+s3], $0x80, v4, vm0, $0xb8;
	[tilespmem:$0x1C180] =	vst v63  }
0x3f: {  	s21 =	simm.s32 $0x5180  }
0x40: {  	[tilespmem:s21], [sflag:$0x1] =	stream.indirect_vreg.gather [hbm4b:s1+s3], $0x80, v3, vm0, $0xb8;
	[tilespmem:$0x1C180] =	vst v63  }
0x41: {  	s22 =	simm.s32 $0x5980  }
0x42: {  	[tilespmem:s22], [sflag:$0x1] =	stream.indirect_vreg.gather [hbm4b:s5+s3], $0x80, v3, vm0, $0xb8;
	[tilespmem:$0x1C180] =	vst v63  }
0x43: {  	v3 =	vld [tilespmem:$0x30];
	_ =	sdelay $0x4  }
0x44: {  	v55 =	vshll.u32 v3, $0x2  }
0x45: {  	v3 =	vand.u32 $0x7, v3;
	v4 =	vand.u32 $0xFFFFFFE0, v55  }
0x46: {  	v3 =	vor.u32 v3, v4  }
0x47: {  	v4 =	vperm.xlane v3, v0;
	_ =	sdelay $0x1  }
0x48: {  	v4 =	vadd.s32 v1, v4;
	_ =	sdelay $0x1  }
0x49: {  	v3 =	vperm.xlane v3, v2;
	_ =	sdelay $0x1  }
0x4a: {  	v3 =	vadd.s32 v1, v3  }
0x4b: {  	[tilespmem:s23], [sflag:$0x1] =	stream.indirect_vreg.gather [hbm4b:s1+s3], $0x80, v4, vm0, $0xb8;
	[tilespmem:$0x1C180] =	vst v63  }
0x4c: {  	_ = 	snop  }
0x4d: {  	[tilespmem:s24], [sflag:$0x1] =	stream.indirect_vreg.gather [hbm4b:s5+s3], $0x80, v4, vm0, $0xb8;
	[tilespmem:$0x1C180] =	vst v63  }
0x4e: {  	_ = 	snop  }
0x4f: {  	[tilespmem:s25], [sflag:$0x1] =	stream.indirect_vreg.gather [hbm4b:s1+s3], $0x80, v3, vm0, $0xb8;
	[tilespmem:$0x1C180] =	vst v63  }
0x50: {  	_ = 	snop  }
0x51: {  	[tilespmem:s26], [sflag:$0x1] =	stream.indirect_vreg.gather [hbm4b:s5+s3], $0x80, v3, vm0, $0xb8;
	[tilespmem:$0x1C180] =	vst v63  }
0x52: {  	v3 =	vld [tilespmem:$0x40];
	_ =	sdelay $0x4  }
0x53: {  	v56 =	vshll.u32 v3, $0x2  }
0x54: {  	v3 =	vand.u32 $0x7, v3;
	v4 =	vand.u32 $0xFFFFFFE0, v56  }
0x55: {  	v3 =	vor.u32 v3, v4  }
0x56: {  	v4 =	vperm.xlane v3, v0;
	_ =	sdelay $0x1  }
0x57: {  	v4 =	vadd.s32 v1, v4;
	_ =	sdelay $0x1  }
0x58: {  	v3 =	vperm.xlane v3, v2;
	_ =	sdelay $0x1  }
0x59: {  	v3 =	vadd.s32 v1, v3  }
0x5a: {  	[tilespmem:s28], [sflag:$0x1] =	stream.indirect_vreg.gather [hbm4b:s1+s3], $0x80, v4, vm0, $0xb8;
	[tilespmem:$0x1C180] =	vst v63  }
0x5b: {  	_ = 	snop  }
0x5c: {  	[tilespmem:s29], [sflag:$0x1] =	stream.indirect_vreg.gather [hbm4b:s5+s3], $0x80, v4, vm0, $0xb8;
	[tilespmem:$0x1C180] =	vst v63  }
0x5d: {  	_ = 	snop  }
0x5e: {  	[tilespmem:s30], [sflag:$0x1] =	stream.indirect_vreg.gather [hbm4b:s1+s3], $0x80, v3, vm0, $0xb8;
	[tilespmem:$0x1C180] =	vst v63  }
0x5f: {  	_ = 	snop  }
0x60: {  	[tilespmem:s31], [sflag:$0x1] =	stream.indirect_vreg.gather [hbm4b:s5+s3], $0x80, v3, vm0, $0xb8;
	[tilespmem:$0x1C180] =	vst v63  }
0x61: {  	v3 =	vld [tilespmem:$0x50];
	_ =	sdelay $0x4  }
0x62: {  	v57 =	vshll.u32 v3, $0x2  }
0x63: {  	v3 =	vand.u32 $0x7, v3;
	v4 =	vand.u32 $0xFFFFFFE0, v57  }
0x64: {  	v3 =	vor.u32 v3, v4  }
0x65: {  	v4 =	vperm.xlane v3, v0;
	_ =	sdelay $0x1  }
0x66: {  	v4 =	vadd.s32 v1, v4;
	_ =	sdelay $0x1  }
0x67: {  	v3 =	vperm.xlane v3, v2;
	_ =	sdelay $0x1  }
0x68: {  	v3 =	vadd.s32 v1, v3  }
0x69: {  	[tilespmem:s2], [sflag:$0x1] =	stream.indirect_vreg.gather [hbm4b:s1+s3], $0x80, v4, vm0, $0xb8;
	[tilespmem:$0x1C180] =	vst v63  }
0x6a: {  	_ = 	snop  }
0x6b: {  	[tilespmem:s0], [sflag:$0x1] =	stream.indirect_vreg.gather [hbm4b:s5+s3], $0x80, v4, vm0, $0xb8;
	[tilespmem:$0x1C180] =	vst v63  }
0x6c: {  	_ = 	snop  }
0x6d: {  	[tilespmem:s11], [sflag:$0x1] =	stream.indirect_vreg.gather [hbm4b:s1+s3], $0x80, v3, vm0, $0xb8;
	[tilespmem:$0x1C180] =	vst v63  }
0x6e: {  	_ = 	snop  }
0x6f: {  	[tilespmem:s12], [sflag:$0x1] =	stream.indirect_vreg.gather [hbm4b:s5+s3], $0x80, v3, vm0, $0xb8;
	[tilespmem:$0x1C180] =	vst v63  }
0x70: {  	v3 =	vld [tilespmem:$0x60];
	_ =	sdelay $0x4  }
0x71: {  	v58 =	vshll.u32 v3, $0x2  }
0x72: {  	v3 =	vand.u32 $0x7, v3;
	v4 =	vand.u32 $0xFFFFFFE0, v58  }
0x73: {  	v3 =	vor.u32 v3, v4  }
0x74: {  	v4 =	vperm.xlane v3, v0;
	_ =	sdelay $0x1  }
0x75: {  	v4 =	vadd.s32 v1, v4;
	_ =	sdelay $0x1  }
0x76: {  	v3 =	vperm.xlane v3, v2;
	_ =	sdelay $0x1  }
0x77: {  	s6 =	simm.s32 $0xC180;
	v3 =	vadd.s32 v1, v3  }
0x78: {  	[tilespmem:s6], [sflag:$0x2] =	stream.indirect_vreg.gather [hbm4b:s1+s3], $0x80, v4, vm0, $0xb8;
	[tilespmem:$0x1C180] =	vst v63  }
0x79: {  	s7 =	simm.s32 $0xC980  }
0x7a: {  	[tilespmem:s7], [sflag:$0x2] =	stream.indirect_vreg.gather [hbm4b:s5+s3], $0x80, v4, vm0, $0xb8;
	[tilespmem:$0x1C180] =	vst v63  }
0x7b: {  	s17 =	simm.s32 $0xD180  }
0x7c: {  	[tilespmem:s17], [sflag:$0x2] =	stream.indirect_vreg.gather [hbm4b:s1+s3], $0x80, v3, vm0, $0xb8;
	[tilespmem:$0x1C180] =	vst v63  }
0x7d: {  	s18 =	simm.s32 $0xD980  }
0x7e: {  	[tilespmem:s18], [sflag:$0x2] =	stream.indirect_vreg.gather [hbm4b:s5+s3], $0x80, v3, vm0, $0xb8;
	[tilespmem:$0x1C180] =	vst v63  }
0x7f: {  	v3 =	vld [tilespmem:$0x70];
	_ =	sdelay $0x4  }
0x80: {  	v59 =	vshll.u32 v3, $0x2  }
0x81: {  	v3 =	vand.u32 $0x7, v3;
	v4 =	vand.u32 $0xFFFFFFE0, v59  }
0x82: {  	v3 =	vor.u32 v3, v4  }
0x83: {  	v4 =	vperm.xlane v3, v0;
	_ =	sdelay $0x1  }
0x84: {  	v4 =	vadd.s32 v1, v4;
	_ =	sdelay $0x1  }
0x85: {  	v3 =	vperm.xlane v3, v2;
	_ =	sdelay $0x1  }
0x86: {  	s19 =	simm.s32 $0xE180;
	v3 =	vadd.s32 v1, v3  }
0x87: {  	[tilespmem:s19], [sflag:$0x2] =	stream.indirect_vreg.gather [hbm4b:s1+s3], $0x80, v4, vm0, $0xb8;
	[tilespmem:$0x1C180] =	vst v63  }
0x88: {  	s20 =	simm.s32 $0xE980  }
0x89: {  	[tilespmem:s20], [sflag:$0x2] =	stream.indirect_vreg.gather [hbm4b:s5+s3], $0x80, v4, vm0, $0xb8;
	[tilespmem:$0x1C180] =	vst v63  }
0x8a: {  	s21 =	simm.s32 $0xF180  }
0x8b: {  	[tilespmem:s21], [sflag:$0x2] =	stream.indirect_vreg.gather [hbm4b:s1+s3], $0x80, v3, vm0, $0xb8;
	[tilespmem:$0x1C180] =	vst v63  }
0x8c: {  	s22 =	simm.s32 $0xF980  }
0x8d: {  	[tilespmem:s22], [sflag:$0x2] =	stream.indirect_vreg.gather [hbm4b:s5+s3], $0x80, v3, vm0, $0xb8;
	[tilespmem:$0x1C180] =	vst v63  }
0x8e: {  	v3 =	vld [tilespmem:$0x80];
	_ =	sdelay $0x4  }
0x8f: {  	v60 =	vshll.u32 v3, $0x2  }
0x90: {  	v3 =	vand.u32 $0x7, v3;
	v4 =	vand.u32 $0xFFFFFFE0, v60  }
0x91: {  	v3 =	vor.u32 v3, v4  }
0x92: {  	v4 =	vperm.xlane v3, v0;
	_ =	sdelay $0x1  }
0x93: {  	v4 =	vadd.s32 v1, v4;
	_ =	sdelay $0x1  }
0x94: {  	v3 =	vperm.xlane v3, v2;
	_ =	sdelay $0x1  }
0x95: {  	s6 =	simm.s32 $0x10180;
	v3 =	vadd.s32 v1, v3  }
0x96: {  	[tilespmem:s6], [sflag:$0x2] =	stream.indirect_vreg.gather [hbm4b:s1+s3], $0x80, v4, vm0, $0xb8;
	[tilespmem:$0x1C180] =	vst v63  }
0x97: {  	s7 =	simm.s32 $0x10980  }
0x98: {  	[tilespmem:s7], [sflag:$0x2] =	stream.indirect_vreg.gather [hbm4b:s5+s3], $0x80, v4, vm0, $0xb8;
	[tilespmem:$0x1C180] =	vst v63  }
0x99: {  	s17 =	simm.s32 $0x11180  }
0x9a: {  	[tilespmem:s17], [sflag:$0x2] =	stream.indirect_vreg.gather [hbm4b:s1+s3], $0x80, v3, vm0, $0xb8;
	[tilespmem:$0x1C180] =	vst v63  }
0x9b: {  	s18 =	simm.s32 $0x11980  }
0x9c: {  	[tilespmem:s18], [sflag:$0x2] =	stream.indirect_vreg.gather [hbm4b:s5+s3], $0x80, v3, vm0, $0xb8;
	[tilespmem:$0x1C180] =	vst v63  }
0x9d: {  	v3 =	vld [tilespmem:$0x90];
	_ =	sdelay $0x4  }
0x9e: {  	v61 =	vshll.u32 v3, $0x2  }
0x9f: {  	v3 =	vand.u32 $0x7, v3;
	v4 =	vand.u32 $0xFFFFFFE0, v61  }
0xa0: {  	v3 =	vor.u32 v3, v4  }
0xa1: {  	v4 =	vperm.xlane v3, v0;
	_ =	sdelay $0x1  }
0xa2: {  	v4 =	vadd.s32 v1, v4;
	_ =	sdelay $0x1  }
0xa3: {  	v3 =	vperm.xlane v3, v2;
	_ =	sdelay $0x1  }
0xa4: {  	s19 =	simm.s32 $0x12180;
	v3 =	vadd.s32 v1, v3  }
0xa5: {  	[tilespmem:s19], [sflag:$0x2] =	stream.indirect_vreg.gather [hbm4b:s1+s3], $0x80, v4, vm0, $0xb8;
	[tilespmem:$0x1C180] =	vst v63  }
0xa6: {  	s20 =	simm.s32 $0x12980  }
0xa7: {  	[tilespmem:s20], [sflag:$0x2] =	stream.indirect_vreg.gather [hbm4b:s5+s3], $0x80, v4, vm0, $0xb8;
	[tilespmem:$0x1C180] =	vst v63  }
0xa8: {  	s21 =	simm.s32 $0x13180  }
0xa9: {  	[tilespmem:s21], [sflag:$0x2] =	stream.indirect_vreg.gather [hbm4b:s1+s3], $0x80, v3, vm0, $0xb8;
	[tilespmem:$0x1C180] =	vst v63  }
0xaa: {  	s22 =	simm.s32 $0x13980  }
0xab: {  	[tilespmem:s22], [sflag:$0x2] =	stream.indirect_vreg.gather [hbm4b:s5+s3], $0x80, v3, vm0, $0xb8;
	[tilespmem:$0x1C180] =	vst v63  }
0xac: {  	v3 =	vld [tilespmem:$0xA0];
	_ =	sdelay $0x4  }
0xad: {  	v62 =	vshll.u32 v3, $0x2  }
0xae: {  	v3 =	vand.u32 $0x7, v3;
	v4 =	vand.u32 $0xFFFFFFE0, v62  }
0xaf: {  	v3 =	vor.u32 v3, v4  }
0xb0: {  	v4 =	vperm.xlane v3, v0;
	_ =	sdelay $0x1  }
0xb1: {  	v4 =	vadd.s32 v1, v4;
	_ =	sdelay $0x1  }
0xb2: {  	v3 =	vperm.xlane v3, v2;
	_ =	sdelay $0x1  }
0xb3: {  	s6 =	simm.s32 $0x14180;
	v3 =	vadd.s32 v1, v3  }
0xb4: {  	[tilespmem:s6], [sflag:$0x2] =	stream.indirect_vreg.gather [hbm4b:s1+s3], $0x80, v4, vm0, $0xb8;
	[tilespmem:$0x1C180] =	vst v63  }
0xb5: {  	s7 =	simm.s32 $0x14980  }
0xb6: {  	[tilespmem:s7], [sflag:$0x2] =	stream.indirect_vreg.gather [hbm4b:s5+s3], $0x80, v4, vm0, $0xb8;
	[tilespmem:$0x1C180] =	vst v63  }
0xb7: {  	s17 =	simm.s32 $0x15180  }
0xb8: {  	[tilespmem:s17], [sflag:$0x2] =	stream.indirect_vreg.gather [hbm4b:s1+s3], $0x80, v3, vm0, $0xb8;
	[tilespmem:$0x1C180] =	vst v63  }
0xb9: {  	s18 =	simm.s32 $0x15980  }
0xba: {  	[tilespmem:s18], [sflag:$0x2] =	stream.indirect_vreg.gather [hbm4b:s5+s3], $0x80, v3, vm0, $0xb8;
	[tilespmem:$0x1C180] =	vst v63  }
0xbb: {  	v3 =	vld [tilespmem:$0xB0];
	_ =	sdelay $0x4  }
0xbc: {  	v63 =	vshll.u32 v3, $0x2  }
0xbd: {  	v3 =	vand.u32 $0x7, v3;
	v4 =	vand.u32 $0xFFFFFFE0, v63  }
0xbe: {  	v3 =	vor.u32 v3, v4  }
0xbf: {  	v4 =	vperm.xlane v3, v0;
	_ =	sdelay $0x1  }
0xc0: {  	v4 =	vadd.s32 v1, v4;
	_ =	sdelay $0x1  }
0xc1: {  	v3 =	vperm.xlane v3, v2;
	_ =	sdelay $0x1  }
0xc2: {  	s19 =	simm.s32 $0x16180;
	v3 =	vadd.s32 v1, v3  }
0xc3: {  	[tilespmem:s19], [sflag:$0x2] =	stream.indirect_vreg.gather [hbm4b:s1+s3], $0x80, v4, vm0, $0xb8;
	[tilespmem:$0x1C180] =	vst v63  }
0xc4: {  	s20 =	simm.s32 $0x16980  }
0xc5: {  	[tilespmem:s20], [sflag:$0x2] =	stream.indirect_vreg.gather [hbm4b:s5+s3], $0x80, v4, vm0, $0xb8;
	[tilespmem:$0x1C180] =	vst v63  }
0xc6: {  	s21 =	simm.s32 $0x17180  }
0xc7: {  	[tilespmem:s21], [sflag:$0x2] =	stream.indirect_vreg.gather [hbm4b:s1+s3], $0x80, v3, vm0, $0xb8;
	[tilespmem:$0x1C180] =	vst v63  }
0xc8: {  	s22 =	simm.s32 $0x17980  }
0xc9: {  	[tilespmem:s22], [sflag:$0x2] =	stream.indirect_vreg.gather [hbm4b:s5+s3], $0x80, v3, vm0, $0xb8;
	[tilespmem:$0x1C180] =	vst v63  }
0xca: {  	_ =	swait.ge [sflag:s13], $0xC000  }
0xcb: {  	s4 =	simm.s32 $0x0;
	s17 =	simm.s32 $0x100;
	[sflag:s13] =	ssyncset.done $0x0  }
0xcc: {  	s18 =	simm.s32 $0x0;
	s19 =	simm.s32 $0x0;
	[sflag:s13] =	ssyncadd.s32 $0xFFFF4000  }
.LBB2_2:
0xcd: {  	s6 =	sand.u32 $0xF000, s18;
	s20 =	sadd.s32 $0xFFFFFF00, s17  }
0xce: {  	s21 =	sadd.s32 $0x200, s18;
	s22 =	sadd.s32 $0xFFFFFF80, s17;
	s20 =	sand.u32 $0x380, s20  }
0xcf: {  	s21 =	sand.u32 $0x1F000, s21;
	s7 =	sand.u32 $0x380, s22;
	s20 =	sor.u32 s20, s6  }
0xd0: {  	s22 =	sadd.s32 $0x400, s18;
	s21 =	sor.u32 s7, s21;
	v3 =	vld [tilespmem:s20+$0x180]  }
0xd1: {  	s6 =	sand.u32 $0x1F000, s22;
	s7 =	sand.u32 $0x380, s17;
	v4 =	vld [tilespmem:s21+$0x180]  }
0xd2: {  	s6 =	sor.u32 s7, s6  }
0xd3: {  	v5 =	vld [tilespmem:s6+$0x180];
	_ =	sdelay $0x2  }
0xd4: {  	v3 =	vadd.f32 v4, v3;
	_ =	sdelay $0x1  }
0xd5: {  	s22 =	sand.u32 $0x3000, s4;
	s7 =	sand.u32 $0x380, s19;
	v3 =	vadd.f32 v5, v3  }
0xd6: {  	s7 =	sor.u32 s7, s22  }
0xd7: {  	[tilespmem:s7+$0x18180] =	vst v3  }
0xd8: {  	v3 =	vld [tilespmem:s20+$0x190]  }
0xd9: {  	v58 =	vld [tilespmem:s21+$0x190];
	_ =	sdelay $0x1  }
0xda: {  	v59 =	vld [tilespmem:s6+$0x190];
	_ =	sdelay $0x2  }
0xdb: {  	v3 =	vadd.f32 v58, v3;
	_ =	sdelay $0x1  }
0xdc: {  	v3 =	vadd.f32 v59, v3  }
0xdd: {  	s22 =	sadd.s32 $0x18180, s7  }
0xde: {  	[tilespmem:s22+$0x10] =	vst v3  }
0xdf: {  	v3 =	vld [tilespmem:s20+$0x1A0]  }
0xe0: {  	v60 =	vld [tilespmem:s21+$0x1A0];
	_ =	sdelay $0x1  }
0xe1: {  	v61 =	vld [tilespmem:s6+$0x1A0];
	_ =	sdelay $0x2  }
0xe2: {  	v3 =	vadd.f32 v60, v3;
	_ =	sdelay $0x1  }
0xe3: {  	v3 =	vadd.f32 v61, v3;
	_ =	sdelay $0x1  }
0xe4: {  	[tilespmem:s22+$0x20] =	vst v3  }
0xe5: {  	v3 =	vld [tilespmem:s20+$0x1B0]  }
0xe6: {  	v62 =	vld [tilespmem:s21+$0x1B0];
	_ =	sdelay $0x1  }
0xe7: {  	v63 =	vld [tilespmem:s6+$0x1B0];
	_ =	sdelay $0x2  }
0xe8: {  	v3 =	vadd.f32 v62, v3;
	_ =	sdelay $0x1  }
0xe9: {  	v3 =	vadd.f32 v63, v3;
	_ =	sdelay $0x1  }
0xea: {  	[tilespmem:s22+$0x30] =	vst v3  }
0xeb: {  	v3 =	vld [tilespmem:s20+$0x1C0]  }
0xec: {  	v8 =	vld [tilespmem:s21+$0x1C0];
	_ =	sdelay $0x1  }
0xed: {  	v9 =	vld [tilespmem:s6+$0x1C0];
	_ =	sdelay $0x2  }
0xee: {  	v3 =	vadd.f32 v8, v3;
	_ =	sdelay $0x1  }
0xef: {  	v3 =	vadd.f32 v9, v3;
	_ =	sdelay $0x1  }
0xf0: {  	[tilespmem:s22+$0x40] =	vst v3  }
0xf1: {  	v3 =	vld [tilespmem:s20+$0x1D0]  }
0xf2: {  	v10 =	vld [tilespmem:s21+$0x1D0];
	_ =	sdelay $0x1  }
0xf3: {  	v11 =	vld [tilespmem:s6+$0x1D0];
	_ =	sdelay $0x2  }
0xf4: {  	v3 =	vadd.f32 v10, v3;
	_ =	sdelay $0x1  }
0xf5: {  	v3 =	vadd.f32 v11, v3;
	_ =	sdelay $0x1  }
0xf6: {  	[tilespmem:s22+$0x50] =	vst v3  }
0xf7: {  	v3 =	vld [tilespmem:s20+$0x1E0]  }
0xf8: {  	v12 =	vld [tilespmem:s21+$0x1E0];
	_ =	sdelay $0x1  }
0xf9: {  	v13 =	vld [tilespmem:s6+$0x1E0];
	_ =	sdelay $0x2  }
0xfa: {  	v3 =	vadd.f32 v12, v3;
	_ =	sdelay $0x1  }
0xfb: {  	v3 =	vadd.f32 v13, v3;
	_ =	sdelay $0x1  }
0xfc: {  	[tilespmem:s22+$0x60] =	vst v3  }
0xfd: {  	v3 =	vld [tilespmem:s20+$0x1F0]  }
0xfe: {  	v14 =	vld [tilespmem:s21+$0x1F0];
	_ =	sdelay $0x1  }
0xff: {  	v15 =	vld [tilespmem:s6+$0x1F0];
	_ =	sdelay $0x2  }
0x100: {  	v3 =	vadd.f32 v14, v3;
	_ =	sdelay $0x1  }
0x101: {  	v3 =	vadd.f32 v15, v3;
	_ =	sdelay $0x1  }
0x102: {  	[tilespmem:s22+$0x70] =	vst v3  }
0x103: {  	v3 =	vld [tilespmem:s20+$0x580]  }
0x104: {  	v16 =	vld [tilespmem:s21+$0x580];
	_ =	sdelay $0x1  }
0x105: {  	v17 =	vld [tilespmem:s6+$0x580];
	_ =	sdelay $0x2  }
0x106: {  	v3 =	vadd.f32 v16, v3;
	_ =	sdelay $0x1  }
0x107: {  	v3 =	vadd.f32 v17, v3;
	_ =	sdelay $0x1  }
0x108: {  	[tilespmem:s22+$0x400] =	vst v3  }
0x109: {  	v3 =	vld [tilespmem:s20+$0x590]  }
0x10a: {  	v18 =	vld [tilespmem:s21+$0x590];
	_ =	sdelay $0x1  }
0x10b: {  	v19 =	vld [tilespmem:s6+$0x590];
	_ =	sdelay $0x2  }
0x10c: {  	v3 =	vadd.f32 v18, v3;
	_ =	sdelay $0x1  }
0x10d: {  	v3 =	vadd.f32 v19, v3;
	_ =	sdelay $0x1  }
0x10e: {  	[tilespmem:s22+$0x410] =	vst v3  }
0x10f: {  	v3 =	vld [tilespmem:s20+$0x5A0]  }
0x110: {  	v20 =	vld [tilespmem:s21+$0x5A0];
	_ =	sdelay $0x1  }
0x111: {  	v21 =	vld [tilespmem:s6+$0x5A0];
	_ =	sdelay $0x2  }
0x112: {  	v3 =	vadd.f32 v20, v3;
	_ =	sdelay $0x1  }
0x113: {  	v3 =	vadd.f32 v21, v3;
	_ =	sdelay $0x1  }
0x114: {  	[tilespmem:s22+$0x420] =	vst v3  }
0x115: {  	v3 =	vld [tilespmem:s20+$0x5B0]  }
0x116: {  	v22 =	vld [tilespmem:s21+$0x5B0];
	_ =	sdelay $0x1  }
0x117: {  	v23 =	vld [tilespmem:s6+$0x5B0];
	_ =	sdelay $0x2  }
0x118: {  	v3 =	vadd.f32 v22, v3;
	_ =	sdelay $0x1  }
0x119: {  	v3 =	vadd.f32 v23, v3;
	_ =	sdelay $0x1  }
0x11a: {  	[tilespmem:s22+$0x430] =	vst v3  }
0x11b: {  	v3 =	vld [tilespmem:s20+$0x5C0]  }
0x11c: {  	v24 =	vld [tilespmem:s21+$0x5C0];
	_ =	sdelay $0x1  }
0x11d: {  	v25 =	vld [tilespmem:s6+$0x5C0];
	_ =	sdelay $0x2  }
0x11e: {  	v3 =	vadd.f32 v24, v3;
	_ =	sdelay $0x1  }
0x11f: {  	v3 =	vadd.f32 v25, v3;
	_ =	sdelay $0x1  }
0x120: {  	[tilespmem:s22+$0x440] =	vst v3  }
0x121: {  	v3 =	vld [tilespmem:s20+$0x5D0]  }
0x122: {  	v26 =	vld [tilespmem:s21+$0x5D0];
	_ =	sdelay $0x1  }
0x123: {  	v27 =	vld [tilespmem:s6+$0x5D0];
	_ =	sdelay $0x2  }
0x124: {  	v3 =	vadd.f32 v26, v3;
	_ =	sdelay $0x1  }
0x125: {  	v3 =	vadd.f32 v27, v3;
	_ =	sdelay $0x1  }
0x126: {  	[tilespmem:s22+$0x450] =	vst v3  }
0x127: {  	v3 =	vld [tilespmem:s20+$0x5E0]  }
0x128: {  	v28 =	vld [tilespmem:s21+$0x5E0];
	_ =	sdelay $0x1  }
0x129: {  	v29 =	vld [tilespmem:s6+$0x5E0];
	_ =	sdelay $0x2  }
0x12a: {  	v3 =	vadd.f32 v28, v3;
	_ =	sdelay $0x1  }
0x12b: {  	v3 =	vadd.f32 v29, v3;
	_ =	sdelay $0x1  }
0x12c: {  	[tilespmem:s22+$0x460] =	vst v3  }
0x12d: {  	v3 =	vld [tilespmem:s20+$0x5F0]  }
0x12e: {  	v30 =	vld [tilespmem:s21+$0x5F0];
	_ =	sdelay $0x1  }
0x12f: {  	v31 =	vld [tilespmem:s6+$0x5F0];
	_ =	sdelay $0x2  }
0x130: {  	v3 =	vadd.f32 v30, v3;
	_ =	sdelay $0x1  }
0x131: {  	v3 =	vadd.f32 v31, v3;
	_ =	sdelay $0x1  }
0x132: {  	[tilespmem:s22+$0x470] =	vst v3  }
0x133: {  	v3 =	vld [tilespmem:s20+$0x980]  }
0x134: {  	v32 =	vld [tilespmem:s21+$0x980];
	_ =	sdelay $0x1  }
0x135: {  	v33 =	vld [tilespmem:s6+$0x980];
	_ =	sdelay $0x2  }
0x136: {  	v3 =	vadd.f32 v32, v3;
	_ =	sdelay $0x1  }
0x137: {  	v3 =	vadd.f32 v33, v3;
	_ =	sdelay $0x1  }
0x138: {  	[tilespmem:s22+$0x800] =	vst v3  }
0x139: {  	v3 =	vld [tilespmem:s20+$0x990]  }
0x13a: {  	v34 =	vld [tilespmem:s21+$0x990];
	_ =	sdelay $0x1  }
0x13b: {  	v35 =	vld [tilespmem:s6+$0x990];
	_ =	sdelay $0x2  }
0x13c: {  	v3 =	vadd.f32 v34, v3;
	_ =	sdelay $0x1  }
0x13d: {  	v3 =	vadd.f32 v35, v3;
	_ =	sdelay $0x1  }
0x13e: {  	[tilespmem:s22+$0x810] =	vst v3  }
0x13f: {  	v3 =	vld [tilespmem:s20+$0x9A0]  }
0x140: {  	v36 =	vld [tilespmem:s21+$0x9A0];
	_ =	sdelay $0x1  }
0x141: {  	v37 =	vld [tilespmem:s6+$0x9A0];
	_ =	sdelay $0x2  }
0x142: {  	v3 =	vadd.f32 v36, v3;
	_ =	sdelay $0x1  }
0x143: {  	v3 =	vadd.f32 v37, v3;
	_ =	sdelay $0x1  }
0x144: {  	[tilespmem:s22+$0x820] =	vst v3  }
0x145: {  	v3 =	vld [tilespmem:s20+$0x9B0]  }
0x146: {  	v38 =	vld [tilespmem:s21+$0x9B0];
	_ =	sdelay $0x1  }
0x147: {  	v39 =	vld [tilespmem:s6+$0x9B0];
	_ =	sdelay $0x2  }
0x148: {  	v3 =	vadd.f32 v38, v3;
	_ =	sdelay $0x1  }
0x149: {  	v3 =	vadd.f32 v39, v3;
	_ =	sdelay $0x1  }
0x14a: {  	[tilespmem:s22+$0x830] =	vst v3  }
0x14b: {  	v3 =	vld [tilespmem:s20+$0x9C0]  }
0x14c: {  	v40 =	vld [tilespmem:s21+$0x9C0];
	_ =	sdelay $0x1  }
0x14d: {  	v41 =	vld [tilespmem:s6+$0x9C0];
	_ =	sdelay $0x2  }
0x14e: {  	v3 =	vadd.f32 v40, v3;
	_ =	sdelay $0x1  }
0x14f: {  	v3 =	vadd.f32 v41, v3;
	_ =	sdelay $0x1  }
0x150: {  	[tilespmem:s22+$0x840] =	vst v3  }
0x151: {  	v3 =	vld [tilespmem:s20+$0x9D0]  }
0x152: {  	v42 =	vld [tilespmem:s21+$0x9D0];
	_ =	sdelay $0x1  }
0x153: {  	v43 =	vld [tilespmem:s6+$0x9D0];
	_ =	sdelay $0x2  }
0x154: {  	v3 =	vadd.f32 v42, v3;
	_ =	sdelay $0x1  }
0x155: {  	v3 =	vadd.f32 v43, v3;
	_ =	sdelay $0x1  }
0x156: {  	[tilespmem:s22+$0x850] =	vst v3  }
0x157: {  	v3 =	vld [tilespmem:s20+$0x9E0]  }
0x158: {  	v44 =	vld [tilespmem:s21+$0x9E0];
	_ =	sdelay $0x1  }
0x159: {  	v45 =	vld [tilespmem:s6+$0x9E0];
	_ =	sdelay $0x2  }
0x15a: {  	v3 =	vadd.f32 v44, v3;
	_ =	sdelay $0x1  }
0x15b: {  	v3 =	vadd.f32 v45, v3;
	_ =	sdelay $0x1  }
0x15c: {  	[tilespmem:s22+$0x860] =	vst v3  }
0x15d: {  	v3 =	vld [tilespmem:s20+$0x9F0]  }
0x15e: {  	v46 =	vld [tilespmem:s21+$0x9F0];
	_ =	sdelay $0x1  }
0x15f: {  	v47 =	vld [tilespmem:s6+$0x9F0];
	_ =	sdelay $0x2  }
0x160: {  	v3 =	vadd.f32 v46, v3;
	_ =	sdelay $0x1  }
0x161: {  	v3 =	vadd.f32 v47, v3;
	_ =	sdelay $0x1  }
0x162: {  	[tilespmem:s22+$0x870] =	vst v3  }
0x163: {  	v3 =	vld [tilespmem:s20+$0xD80]  }
0x164: {  	v48 =	vld [tilespmem:s21+$0xD80];
	_ =	sdelay $0x1  }
0x165: {  	v49 =	vld [tilespmem:s6+$0xD80];
	_ =	sdelay $0x2  }
0x166: {  	v3 =	vadd.f32 v48, v3;
	_ =	sdelay $0x1  }
0x167: {  	v3 =	vadd.f32 v49, v3;
	_ =	sdelay $0x1  }
0x168: {  	[tilespmem:s22+$0xC00] =	vst v3  }
0x169: {  	v3 =	vld [tilespmem:s20+$0xD90]  }
0x16a: {  	v50 =	vld [tilespmem:s21+$0xD90];
	_ =	sdelay $0x1  }
0x16b: {  	v51 =	vld [tilespmem:s6+$0xD90];
	_ =	sdelay $0x2  }
0x16c: {  	v3 =	vadd.f32 v50, v3;
	_ =	sdelay $0x1  }
0x16d: {  	v3 =	vadd.f32 v51, v3;
	_ =	sdelay $0x1  }
0x16e: {  	[tilespmem:s22+$0xC10] =	vst v3  }
0x16f: {  	v3 =	vld [tilespmem:s20+$0xDA0]  }
0x170: {  	v52 =	vld [tilespmem:s21+$0xDA0];
	_ =	sdelay $0x1  }
0x171: {  	v53 =	vld [tilespmem:s6+$0xDA0];
	_ =	sdelay $0x2  }
0x172: {  	v3 =	vadd.f32 v52, v3;
	_ =	sdelay $0x1  }
0x173: {  	v3 =	vadd.f32 v53, v3;
	_ =	sdelay $0x1  }
0x174: {  	[tilespmem:s22+$0xC20] =	vst v3  }
0x175: {  	v3 =	vld [tilespmem:s20+$0xDB0]  }
0x176: {  	v54 =	vld [tilespmem:s21+$0xDB0];
	_ =	sdelay $0x1  }
0x177: {  	v55 =	vld [tilespmem:s6+$0xDB0];
	_ =	sdelay $0x2  }
0x178: {  	v3 =	vadd.f32 v54, v3;
	_ =	sdelay $0x1  }
0x179: {  	v3 =	vadd.f32 v55, v3;
	_ =	sdelay $0x1  }
0x17a: {  	[tilespmem:s22+$0xC30] =	vst v3  }
0x17b: {  	v3 =	vld [tilespmem:s20+$0xDC0]  }
0x17c: {  	v56 =	vld [tilespmem:s21+$0xDC0];
	_ =	sdelay $0x1  }
0x17d: {  	v57 =	vld [tilespmem:s6+$0xDC0];
	_ =	sdelay $0x2  }
0x17e: {  	v3 =	vadd.f32 v56, v3;
	_ =	sdelay $0x1  }
0x17f: {  	v3 =	vadd.f32 v57, v3;
	_ =	sdelay $0x1  }
0x180: {  	[tilespmem:s22+$0xC40] =	vst v3  }
0x181: {  	v3 =	vld [tilespmem:s20+$0xDD0]  }
0x182: {  	v58 =	vld [tilespmem:s21+$0xDD0];
	_ =	sdelay $0x1  }
0x183: {  	v59 =	vld [tilespmem:s6+$0xDD0];
	_ =	sdelay $0x2  }
0x184: {  	v3 =	vadd.f32 v58, v3;
	_ =	sdelay $0x1  }
0x185: {  	v3 =	vadd.f32 v59, v3;
	_ =	sdelay $0x1  }
0x186: {  	[tilespmem:s22+$0xC50] =	vst v3  }
0x187: {  	v3 =	vld [tilespmem:s20+$0xDE0]  }
0x188: {  	v60 =	vld [tilespmem:s21+$0xDE0];
	_ =	sdelay $0x1  }
0x189: {  	v61 =	vld [tilespmem:s6+$0xDE0];
	_ =	sdelay $0x2  }
0x18a: {  	v3 =	vadd.f32 v60, v3;
	_ =	sdelay $0x1  }
0x18b: {  	v3 =	vadd.f32 v61, v3;
	_ =	sdelay $0x1  }
0x18c: {  	[tilespmem:s22+$0xC60] =	vst v3  }
0x18d: {  	v3 =	vld [tilespmem:s20+$0xDF0]  }
0x18e: {  	v62 =	vld [tilespmem:s21+$0xDF0];
	_ =	sdelay $0x1  }
0x18f: {  	v63 =	vld [tilespmem:s6+$0xDF0];
	_ =	sdelay $0x1  }
0x190: {  	p0 =	sne.s32 s17, $0x2F80  }
.Ltmp0:
0x191: {  	v3 =	vadd.f32 v62, v3;
	(pc) =	sbr.rel @p0 .LBB2_2-.Ltmp0, $4  }
0x192: {  	_ = 	snop  }
0x193: {  	v3 =	vadd.f32 v63, v3  }
0x194: {  	s18 =	sadd.s32 $0x600, s18  }
0x195: {  	s4 =	sadd.s32 $0x200, s4;
	s17 =	sadd.s32 $0x180, s17;
	s19 =	sadd.s32 $0x80, s19;
	[tilespmem:s22+$0xC70] =	vst v3  }
0x196: {  	s17 =	simm.s32 $0x0;
	s4 =	rddreg [dreg:$0x5]  }
0x197: {  	[hbm4b:s4+s17] =	stream.linear.scatter [tilespmem:s14], [sflag:$0x3], $0x4000, $0x38;
	[tilespmem:$0x1C180] =	vst v63  }
0x198: {  	_ =	swait.ge [sflag:s10], $0x4000  }
0x199: {  	[sflag:s10] =	ssyncset.done $0x0  }
0x19a: {  	[sflag:s10] =	ssyncadd.s32 $0xFFFFC000  }
0x19b: {  	v3 =	vld [tilespmem:$0xC0];
	_ =	sdelay $0x4  }
0x19c: {  	v4 =	vshll.u32 v3, $0x2  }
0x19d: {  	v3 =	vand.u32 $0x7, v3;
	v4 =	vand.u32 $0xFFFFFFE0, v4  }
0x19e: {  	v3 =	vor.u32 v3, v4  }
0x19f: {  	v4 =	vperm.xlane v3, v0;
	_ =	sdelay $0x1  }
0x1a0: {  	v4 =	vadd.s32 v1, v4;
	_ =	sdelay $0x1  }
0x1a1: {  	v3 =	vperm.xlane v3, v2;
	_ =	sdelay $0x1  }
0x1a2: {  	s18 =	simm.s32 $0x180;
	v3 =	vadd.s32 v1, v3  }
0x1a3: {  	[tilespmem:s18], [sflag:$0x1] =	stream.indirect_vreg.gather [hbm4b:s1+s17], $0x80, v4, vm0, $0xb8;
	[tilespmem:$0x1C180] =	vst v63  }
0x1a4: {  	s19 =	simm.s32 $0x980  }
0x1a5: {  	[tilespmem:s19], [sflag:$0x1] =	stream.indirect_vreg.gather [hbm4b:s5+s17], $0x80, v4, vm0, $0xb8;
	[tilespmem:$0x1C180] =	vst v63  }
0x1a6: {  	s20 =	simm.s32 $0x1180  }
0x1a7: {  	[tilespmem:s20], [sflag:$0x1] =	stream.indirect_vreg.gather [hbm4b:s1+s17], $0x80, v3, vm0, $0xb8;
	[tilespmem:$0x1C180] =	vst v63  }
0x1a8: {  	s21 =	simm.s32 $0x1980  }
0x1a9: {  	[tilespmem:s21], [sflag:$0x1] =	stream.indirect_vreg.gather [hbm4b:s5+s17], $0x80, v3, vm0, $0xb8;
	[tilespmem:$0x1C180] =	vst v63  }
0x1aa: {  	v3 =	vld [tilespmem:$0xD0];
	_ =	sdelay $0x4  }
0x1ab: {  	v59 =	vshll.u32 v3, $0x2  }
0x1ac: {  	v3 =	vand.u32 $0x7, v3;
	v4 =	vand.u32 $0xFFFFFFE0, v59  }
0x1ad: {  	v3 =	vor.u32 v3, v4  }
0x1ae: {  	v4 =	vperm.xlane v3, v0;
	_ =	sdelay $0x1  }
0x1af: {  	v4 =	vadd.s32 v1, v4;
	_ =	sdelay $0x1  }
0x1b0: {  	v3 =	vperm.xlane v3, v2;
	_ =	sdelay $0x1  }
0x1b1: {  	s22 =	simm.s32 $0x2180;
	v3 =	vadd.s32 v1, v3  }
0x1b2: {  	[tilespmem:s22], [sflag:$0x1] =	stream.indirect_vreg.gather [hbm4b:s1+s17], $0x80, v4, vm0, $0xb8;
	[tilespmem:$0x1C180] =	vst v63  }
0x1b3: {  	s6 =	simm.s32 $0x2980  }
0x1b4: {  	[tilespmem:s6], [sflag:$0x1] =	stream.indirect_vreg.gather [hbm4b:s5+s17], $0x80, v4, vm0, $0xb8;
	[tilespmem:$0x1C180] =	vst v63  }
0x1b5: {  	s7 =	simm.s32 $0x3180  }
0x1b6: {  	[tilespmem:s7], [sflag:$0x1] =	stream.indirect_vreg.gather [hbm4b:s1+s17], $0x80, v3, vm0, $0xb8;
	[tilespmem:$0x1C180] =	vst v63  }
0x1b7: {  	s18 =	simm.s32 $0x3980  }
0x1b8: {  	[tilespmem:s18], [sflag:$0x1] =	stream.indirect_vreg.gather [hbm4b:s5+s17], $0x80, v3, vm0, $0xb8;
	[tilespmem:$0x1C180] =	vst v63  }
0x1b9: {  	v3 =	vld [tilespmem:$0xE0];
	_ =	sdelay $0x4  }
0x1ba: {  	v60 =	vshll.u32 v3, $0x2  }
0x1bb: {  	v3 =	vand.u32 $0x7, v3;
	v4 =	vand.u32 $0xFFFFFFE0, v60  }
0x1bc: {  	v3 =	vor.u32 v3, v4  }
0x1bd: {  	v4 =	vperm.xlane v3, v0;
	_ =	sdelay $0x1  }
0x1be: {  	v4 =	vadd.s32 v1, v4;
	_ =	sdelay $0x1  }
0x1bf: {  	v3 =	vperm.xlane v3, v2;
	_ =	sdelay $0x1  }
0x1c0: {  	s19 =	simm.s32 $0x4180;
	v3 =	vadd.s32 v1, v3  }
0x1c1: {  	[tilespmem:s19], [sflag:$0x1] =	stream.indirect_vreg.gather [hbm4b:s1+s17], $0x80, v4, vm0, $0xb8;
	[tilespmem:$0x1C180] =	vst v63  }
0x1c2: {  	s20 =	simm.s32 $0x4980  }
0x1c3: {  	[tilespmem:s20], [sflag:$0x1] =	stream.indirect_vreg.gather [hbm4b:s5+s17], $0x80, v4, vm0, $0xb8;
	[tilespmem:$0x1C180] =	vst v63  }
0x1c4: {  	s21 =	simm.s32 $0x5180  }
0x1c5: {  	[tilespmem:s21], [sflag:$0x1] =	stream.indirect_vreg.gather [hbm4b:s1+s17], $0x80, v3, vm0, $0xb8;
	[tilespmem:$0x1C180] =	vst v63  }
0x1c6: {  	s22 =	simm.s32 $0x5980  }
0x1c7: {  	[tilespmem:s22], [sflag:$0x1] =	stream.indirect_vreg.gather [hbm4b:s5+s17], $0x80, v3, vm0, $0xb8;
	[tilespmem:$0x1C180] =	vst v63  }
0x1c8: {  	v3 =	vld [tilespmem:$0xF0];
	_ =	sdelay $0x4  }
0x1c9: {  	v61 =	vshll.u32 v3, $0x2  }
0x1ca: {  	v3 =	vand.u32 $0x7, v3;
	v4 =	vand.u32 $0xFFFFFFE0, v61  }
0x1cb: {  	v3 =	vor.u32 v3, v4  }
0x1cc: {  	v4 =	vperm.xlane v3, v0;
	_ =	sdelay $0x1  }
0x1cd: {  	v4 =	vadd.s32 v1, v4;
	_ =	sdelay $0x1  }
0x1ce: {  	v3 =	vperm.xlane v3, v2;
	_ =	sdelay $0x1  }
0x1cf: {  	v3 =	vadd.s32 v1, v3  }
0x1d0: {  	[tilespmem:s23], [sflag:$0x1] =	stream.indirect_vreg.gather [hbm4b:s1+s17], $0x80, v4, vm0, $0xb8;
	[tilespmem:$0x1C180] =	vst v63  }
0x1d1: {  	_ = 	snop  }
0x1d2: {  	[tilespmem:s24], [sflag:$0x1] =	stream.indirect_vreg.gather [hbm4b:s5+s17], $0x80, v4, vm0, $0xb8;
	[tilespmem:$0x1C180] =	vst v63  }
0x1d3: {  	_ = 	snop  }
0x1d4: {  	[tilespmem:s25], [sflag:$0x1] =	stream.indirect_vreg.gather [hbm4b:s1+s17], $0x80, v3, vm0, $0xb8;
	[tilespmem:$0x1C180] =	vst v63  }
0x1d5: {  	_ = 	snop  }
0x1d6: {  	[tilespmem:s26], [sflag:$0x1] =	stream.indirect_vreg.gather [hbm4b:s5+s17], $0x80, v3, vm0, $0xb8;
	[tilespmem:$0x1C180] =	vst v63  }
0x1d7: {  	v3 =	vld [tilespmem:$0x100];
	_ =	sdelay $0x4  }
0x1d8: {  	v62 =	vshll.u32 v3, $0x2  }
0x1d9: {  	v3 =	vand.u32 $0x7, v3;
	v4 =	vand.u32 $0xFFFFFFE0, v62  }
0x1da: {  	v3 =	vor.u32 v3, v4  }
0x1db: {  	v4 =	vperm.xlane v3, v0;
	_ =	sdelay $0x1  }
0x1dc: {  	v4 =	vadd.s32 v1, v4;
	_ =	sdelay $0x1  }
0x1dd: {  	v3 =	vperm.xlane v3, v2;
	_ =	sdelay $0x1  }
0x1de: {  	v3 =	vadd.s32 v1, v3  }
0x1df: {  	[tilespmem:s28], [sflag:$0x1] =	stream.indirect_vreg.gather [hbm4b:s1+s17], $0x80, v4, vm0, $0xb8;
	[tilespmem:$0x1C180] =	vst v63  }
0x1e0: {  	_ = 	snop  }
0x1e1: {  	[tilespmem:s29], [sflag:$0x1] =	stream.indirect_vreg.gather [hbm4b:s5+s17], $0x80, v4, vm0, $0xb8;
	[tilespmem:$0x1C180] =	vst v63  }
0x1e2: {  	_ = 	snop  }
0x1e3: {  	[tilespmem:s30], [sflag:$0x1] =	stream.indirect_vreg.gather [hbm4b:s1+s17], $0x80, v3, vm0, $0xb8;
	[tilespmem:$0x1C180] =	vst v63  }
0x1e4: {  	_ = 	snop  }
0x1e5: {  	[tilespmem:s31], [sflag:$0x1] =	stream.indirect_vreg.gather [hbm4b:s5+s17], $0x80, v3, vm0, $0xb8;
	[tilespmem:$0x1C180] =	vst v63  }
0x1e6: {  	v3 =	vld [tilespmem:$0x110];
	_ =	sdelay $0x4  }
0x1e7: {  	v63 =	vshll.u32 v3, $0x2  }
0x1e8: {  	v3 =	vand.u32 $0x7, v3;
	v4 =	vand.u32 $0xFFFFFFE0, v63  }
0x1e9: {  	v3 =	vor.u32 v3, v4  }
0x1ea: {  	v4 =	vperm.xlane v3, v0;
	_ =	sdelay $0x1  }
0x1eb: {  	v4 =	vadd.s32 v1, v4;
	_ =	sdelay $0x1  }
0x1ec: {  	v3 =	vperm.xlane v3, v2;
	_ =	sdelay $0x1  }
0x1ed: {  	v3 =	vadd.s32 v1, v3  }
0x1ee: {  	[tilespmem:s2], [sflag:$0x1] =	stream.indirect_vreg.gather [hbm4b:s1+s17], $0x80, v4, vm0, $0xb8;
	[tilespmem:$0x1C180] =	vst v63  }
0x1ef: {  	_ = 	snop  }
0x1f0: {  	[tilespmem:s0], [sflag:$0x1] =	stream.indirect_vreg.gather [hbm4b:s5+s17], $0x80, v4, vm0, $0xb8;
	[tilespmem:$0x1C180] =	vst v63  }
0x1f1: {  	_ = 	snop  }
0x1f2: {  	[tilespmem:s11], [sflag:$0x1] =	stream.indirect_vreg.gather [hbm4b:s1+s17], $0x80, v3, vm0, $0xb8;
	[tilespmem:$0x1C180] =	vst v63  }
0x1f3: {  	_ = 	snop  }
0x1f4: {  	[tilespmem:s12], [sflag:$0x1] =	stream.indirect_vreg.gather [hbm4b:s5+s17], $0x80, v3, vm0, $0xb8;
	[tilespmem:$0x1C180] =	vst v63  }
0x1f5: {  	_ =	swait.ge [sflag:s15], $0xC000  }
0x1f6: {  	s4 =	simm.s32 $0x0;
	[sflag:s15] =	ssyncset.done $0x0  }
0x1f7: {  	s18 =	simm.s32 $0x100;
	s19 =	simm.s32 $0x0;
	[sflag:s15] =	ssyncadd.s32 $0xFFFF4000  }
.LBB2_4:
0x1f8: {  	s6 =	sand.u32 $0xF000, s17;
	s7 =	sadd.s32 $0xFFFFFF00, s18  }
0x1f9: {  	s21 =	sadd.s32 $0x200, s17;
	s22 =	sadd.s32 $0xFFFFFF80, s18;
	s7 =	sand.u32 $0x380, s7  }
0x1fa: {  	s21 =	sand.u32 $0x1F000, s21;
	s22 =	sand.u32 $0x380, s22;
	s20 =	sor.u32 s7, s6  }
0x1fb: {  	s21 =	sor.u32 s22, s21;
	s7 =	sadd.s32 $0x400, s17;
	v3 =	vld [tilespmem:s20+$0xC180]  }
0x1fc: {  	s22 =	sand.u32 $0x380, s18;
	v4 =	vld [tilespmem:s21+$0xC180];
	s6 =	sand.u32 $0x1F000, s7  }
0x1fd: {  	s6 =	sor.u32 s22, s6  }
0x1fe: {  	v5 =	vld [tilespmem:s6+$0xC180];
	_ =	sdelay $0x2  }
0x1ff: {  	v3 =	vadd.f32 v4, v3;
	_ =	sdelay $0x1  }
0x200: {  	s7 =	sand.u32 $0x3000, s4;
	s22 =	sand.u32 $0x380, s19;
	v3 =	vadd.f32 v5, v3  }
0x201: {  	s7 =	sor.u32 s22, s7  }
0x202: {  	[tilespmem:s7+$0x18180] =	vst v3  }
0x203: {  	v3 =	vld [tilespmem:s20+$0xC190]  }
0x204: {  	v58 =	vld [tilespmem:s21+$0xC190];
	_ =	sdelay $0x1  }
0x205: {  	v59 =	vld [tilespmem:s6+$0xC190];
	_ =	sdelay $0x2  }
0x206: {  	v3 =	vadd.f32 v58, v3;
	_ =	sdelay $0x1  }
0x207: {  	v3 =	vadd.f32 v59, v3  }
0x208: {  	s22 =	sadd.s32 $0x18180, s7  }
0x209: {  	[tilespmem:s22+$0x10] =	vst v3  }
0x20a: {  	v3 =	vld [tilespmem:s20+$0xC1A0]  }
0x20b: {  	v60 =	vld [tilespmem:s21+$0xC1A0];
	_ =	sdelay $0x1  }
0x20c: {  	v61 =	vld [tilespmem:s6+$0xC1A0];
	_ =	sdelay $0x2  }
0x20d: {  	v3 =	vadd.f32 v60, v3;
	_ =	sdelay $0x1  }
0x20e: {  	v3 =	vadd.f32 v61, v3;
	_ =	sdelay $0x1  }
0x20f: {  	[tilespmem:s22+$0x20] =	vst v3  }
0x210: {  	v3 =	vld [tilespmem:s20+$0xC1B0]  }
0x211: {  	v62 =	vld [tilespmem:s21+$0xC1B0];
	_ =	sdelay $0x1  }
0x212: {  	v63 =	vld [tilespmem:s6+$0xC1B0];
	_ =	sdelay $0x2  }
0x213: {  	v3 =	vadd.f32 v62, v3;
	_ =	sdelay $0x1  }
0x214: {  	v3 =	vadd.f32 v63, v3;
	_ =	sdelay $0x1  }
0x215: {  	[tilespmem:s22+$0x30] =	vst v3  }
0x216: {  	v3 =	vld [tilespmem:s20+$0xC1C0]  }
0x217: {  	v8 =	vld [tilespmem:s21+$0xC1C0];
	_ =	sdelay $0x1  }
0x218: {  	v9 =	vld [tilespmem:s6+$0xC1C0];
	_ =	sdelay $0x2  }
0x219: {  	v3 =	vadd.f32 v8, v3;
	_ =	sdelay $0x1  }
0x21a: {  	v3 =	vadd.f32 v9, v3;
	_ =	sdelay $0x1  }
0x21b: {  	[tilespmem:s22+$0x40] =	vst v3  }
0x21c: {  	v3 =	vld [tilespmem:s20+$0xC1D0]  }
0x21d: {  	v10 =	vld [tilespmem:s21+$0xC1D0];
	_ =	sdelay $0x1  }
0x21e: {  	v11 =	vld [tilespmem:s6+$0xC1D0];
	_ =	sdelay $0x2  }
0x21f: {  	v3 =	vadd.f32 v10, v3;
	_ =	sdelay $0x1  }
0x220: {  	v3 =	vadd.f32 v11, v3;
	_ =	sdelay $0x1  }
0x221: {  	[tilespmem:s22+$0x50] =	vst v3  }
0x222: {  	v3 =	vld [tilespmem:s20+$0xC1E0]  }
0x223: {  	v12 =	vld [tilespmem:s21+$0xC1E0];
	_ =	sdelay $0x1  }
0x224: {  	v13 =	vld [tilespmem:s6+$0xC1E0];
	_ =	sdelay $0x2  }
0x225: {  	v3 =	vadd.f32 v12, v3;
	_ =	sdelay $0x1  }
0x226: {  	v3 =	vadd.f32 v13, v3;
	_ =	sdelay $0x1  }
0x227: {  	[tilespmem:s22+$0x60] =	vst v3  }
0x228: {  	v3 =	vld [tilespmem:s20+$0xC1F0]  }
0x229: {  	v14 =	vld [tilespmem:s21+$0xC1F0];
	_ =	sdelay $0x1  }
0x22a: {  	v15 =	vld [tilespmem:s6+$0xC1F0];
	_ =	sdelay $0x2  }
0x22b: {  	v3 =	vadd.f32 v14, v3;
	_ =	sdelay $0x1  }
0x22c: {  	v3 =	vadd.f32 v15, v3;
	_ =	sdelay $0x1  }
0x22d: {  	[tilespmem:s22+$0x70] =	vst v3  }
0x22e: {  	v3 =	vld [tilespmem:s20+$0xC580]  }
0x22f: {  	v16 =	vld [tilespmem:s21+$0xC580];
	_ =	sdelay $0x1  }
0x230: {  	v17 =	vld [tilespmem:s6+$0xC580];
	_ =	sdelay $0x2  }
0x231: {  	v3 =	vadd.f32 v16, v3;
	_ =	sdelay $0x1  }
0x232: {  	v3 =	vadd.f32 v17, v3;
	_ =	sdelay $0x1  }
0x233: {  	[tilespmem:s22+$0x400] =	vst v3  }
0x234: {  	v3 =	vld [tilespmem:s20+$0xC590]  }
0x235: {  	v18 =	vld [tilespmem:s21+$0xC590];
	_ =	sdelay $0x1  }
0x236: {  	v19 =	vld [tilespmem:s6+$0xC590];
	_ =	sdelay $0x2  }
0x237: {  	v3 =	vadd.f32 v18, v3;
	_ =	sdelay $0x1  }
0x238: {  	v3 =	vadd.f32 v19, v3;
	_ =	sdelay $0x1  }
0x239: {  	[tilespmem:s22+$0x410] =	vst v3  }
0x23a: {  	v3 =	vld [tilespmem:s20+$0xC5A0]  }
0x23b: {  	v20 =	vld [tilespmem:s21+$0xC5A0];
	_ =	sdelay $0x1  }
0x23c: {  	v21 =	vld [tilespmem:s6+$0xC5A0];
	_ =	sdelay $0x2  }
0x23d: {  	v3 =	vadd.f32 v20, v3;
	_ =	sdelay $0x1  }
0x23e: {  	v3 =	vadd.f32 v21, v3;
	_ =	sdelay $0x1  }
0x23f: {  	[tilespmem:s22+$0x420] =	vst v3  }
0x240: {  	v3 =	vld [tilespmem:s20+$0xC5B0]  }
0x241: {  	v22 =	vld [tilespmem:s21+$0xC5B0];
	_ =	sdelay $0x1  }
0x242: {  	v23 =	vld [tilespmem:s6+$0xC5B0];
	_ =	sdelay $0x2  }
0x243: {  	v3 =	vadd.f32 v22, v3;
	_ =	sdelay $0x1  }
0x244: {  	v3 =	vadd.f32 v23, v3;
	_ =	sdelay $0x1  }
0x245: {  	[tilespmem:s22+$0x430] =	vst v3  }
0x246: {  	v3 =	vld [tilespmem:s20+$0xC5C0]  }
0x247: {  	v24 =	vld [tilespmem:s21+$0xC5C0];
	_ =	sdelay $0x1  }
0x248: {  	v25 =	vld [tilespmem:s6+$0xC5C0];
	_ =	sdelay $0x2  }
0x249: {  	v3 =	vadd.f32 v24, v3;
	_ =	sdelay $0x1  }
0x24a: {  	v3 =	vadd.f32 v25, v3;
	_ =	sdelay $0x1  }
0x24b: {  	[tilespmem:s22+$0x440] =	vst v3  }
0x24c: {  	v3 =	vld [tilespmem:s20+$0xC5D0]  }
0x24d: {  	v26 =	vld [tilespmem:s21+$0xC5D0];
	_ =	sdelay $0x1  }
0x24e: {  	v27 =	vld [tilespmem:s6+$0xC5D0];
	_ =	sdelay $0x2  }
0x24f: {  	v3 =	vadd.f32 v26, v3;
	_ =	sdelay $0x1  }
0x250: {  	v3 =	vadd.f32 v27, v3;
	_ =	sdelay $0x1  }
0x251: {  	[tilespmem:s22+$0x450] =	vst v3  }
0x252: {  	v3 =	vld [tilespmem:s20+$0xC5E0]  }
0x253: {  	v28 =	vld [tilespmem:s21+$0xC5E0];
	_ =	sdelay $0x1  }
0x254: {  	v29 =	vld [tilespmem:s6+$0xC5E0];
	_ =	sdelay $0x2  }
0x255: {  	v3 =	vadd.f32 v28, v3;
	_ =	sdelay $0x1  }
0x256: {  	v3 =	vadd.f32 v29, v3;
	_ =	sdelay $0x1  }
0x257: {  	[tilespmem:s22+$0x460] =	vst v3  }
0x258: {  	v3 =	vld [tilespmem:s20+$0xC5F0]  }
0x259: {  	v30 =	vld [tilespmem:s21+$0xC5F0];
	_ =	sdelay $0x1  }
0x25a: {  	v31 =	vld [tilespmem:s6+$0xC5F0];
	_ =	sdelay $0x2  }
0x25b: {  	v3 =	vadd.f32 v30, v3;
	_ =	sdelay $0x1  }
0x25c: {  	v3 =	vadd.f32 v31, v3;
	_ =	sdelay $0x1  }
0x25d: {  	[tilespmem:s22+$0x470] =	vst v3  }
0x25e: {  	v3 =	vld [tilespmem:s20+$0xC980]  }
0x25f: {  	v32 =	vld [tilespmem:s21+$0xC980];
	_ =	sdelay $0x1  }
0x260: {  	v33 =	vld [tilespmem:s6+$0xC980];
	_ =	sdelay $0x2  }
0x261: {  	v3 =	vadd.f32 v32, v3;
	_ =	sdelay $0x1  }
0x262: {  	v3 =	vadd.f32 v33, v3;
	_ =	sdelay $0x1  }
0x263: {  	[tilespmem:s22+$0x800] =	vst v3  }
0x264: {  	v3 =	vld [tilespmem:s20+$0xC990]  }
0x265: {  	v34 =	vld [tilespmem:s21+$0xC990];
	_ =	sdelay $0x1  }
0x266: {  	v35 =	vld [tilespmem:s6+$0xC990];
	_ =	sdelay $0x2  }
0x267: {  	v3 =	vadd.f32 v34, v3;
	_ =	sdelay $0x1  }
0x268: {  	v3 =	vadd.f32 v35, v3;
	_ =	sdelay $0x1  }
0x269: {  	[tilespmem:s22+$0x810] =	vst v3  }
0x26a: {  	v3 =	vld [tilespmem:s20+$0xC9A0]  }
0x26b: {  	v36 =	vld [tilespmem:s21+$0xC9A0];
	_ =	sdelay $0x1  }
0x26c: {  	v37 =	vld [tilespmem:s6+$0xC9A0];
	_ =	sdelay $0x2  }
0x26d: {  	v3 =	vadd.f32 v36, v3;
	_ =	sdelay $0x1  }
0x26e: {  	v3 =	vadd.f32 v37, v3;
	_ =	sdelay $0x1  }
0x26f: {  	[tilespmem:s22+$0x820] =	vst v3  }
0x270: {  	v3 =	vld [tilespmem:s20+$0xC9B0]  }
0x271: {  	v38 =	vld [tilespmem:s21+$0xC9B0];
	_ =	sdelay $0x1  }
0x272: {  	v39 =	vld [tilespmem:s6+$0xC9B0];
	_ =	sdelay $0x2  }
0x273: {  	v3 =	vadd.f32 v38, v3;
	_ =	sdelay $0x1  }
0x274: {  	v3 =	vadd.f32 v39, v3;
	_ =	sdelay $0x1  }
0x275: {  	[tilespmem:s22+$0x830] =	vst v3  }
0x276: {  	v3 =	vld [tilespmem:s20+$0xC9C0]  }
0x277: {  	v40 =	vld [tilespmem:s21+$0xC9C0];
	_ =	sdelay $0x1  }
0x278: {  	v41 =	vld [tilespmem:s6+$0xC9C0];
	_ =	sdelay $0x2  }
0x279: {  	v3 =	vadd.f32 v40, v3;
	_ =	sdelay $0x1  }
0x27a: {  	v3 =	vadd.f32 v41, v3;
	_ =	sdelay $0x1  }
0x27b: {  	[tilespmem:s22+$0x840] =	vst v3  }
0x27c: {  	v3 =	vld [tilespmem:s20+$0xC9D0]  }
0x27d: {  	v42 =	vld [tilespmem:s21+$0xC9D0];
	_ =	sdelay $0x1  }
0x27e: {  	v43 =	vld [tilespmem:s6+$0xC9D0];
	_ =	sdelay $0x2  }
0x27f: {  	v3 =	vadd.f32 v42, v3;
	_ =	sdelay $0x1  }
0x280: {  	v3 =	vadd.f32 v43, v3;
	_ =	sdelay $0x1  }
0x281: {  	[tilespmem:s22+$0x850] =	vst v3  }
0x282: {  	v3 =	vld [tilespmem:s20+$0xC9E0]  }
0x283: {  	v44 =	vld [tilespmem:s21+$0xC9E0];
	_ =	sdelay $0x1  }
0x284: {  	v45 =	vld [tilespmem:s6+$0xC9E0];
	_ =	sdelay $0x2  }
0x285: {  	v3 =	vadd.f32 v44, v3;
	_ =	sdelay $0x1  }
0x286: {  	v3 =	vadd.f32 v45, v3;
	_ =	sdelay $0x1  }
0x287: {  	[tilespmem:s22+$0x860] =	vst v3  }
0x288: {  	v3 =	vld [tilespmem:s20+$0xC9F0]  }
0x289: {  	v46 =	vld [tilespmem:s21+$0xC9F0];
	_ =	sdelay $0x1  }
0x28a: {  	v47 =	vld [tilespmem:s6+$0xC9F0];
	_ =	sdelay $0x2  }
0x28b: {  	v3 =	vadd.f32 v46, v3;
	_ =	sdelay $0x1  }
0x28c: {  	v3 =	vadd.f32 v47, v3;
	_ =	sdelay $0x1  }
0x28d: {  	[tilespmem:s22+$0x870] =	vst v3  }
0x28e: {  	v3 =	vld [tilespmem:s20+$0xCD80]  }
0x28f: {  	v48 =	vld [tilespmem:s21+$0xCD80];
	_ =	sdelay $0x1  }
0x290: {  	v49 =	vld [tilespmem:s6+$0xCD80];
	_ =	sdelay $0x2  }
0x291: {  	v3 =	vadd.f32 v48, v3;
	_ =	sdelay $0x1  }
0x292: {  	v3 =	vadd.f32 v49, v3;
	_ =	sdelay $0x1  }
0x293: {  	[tilespmem:s22+$0xC00] =	vst v3  }
0x294: {  	v3 =	vld [tilespmem:s20+$0xCD90]  }
0x295: {  	v50 =	vld [tilespmem:s21+$0xCD90];
	_ =	sdelay $0x1  }
0x296: {  	v51 =	vld [tilespmem:s6+$0xCD90];
	_ =	sdelay $0x2  }
0x297: {  	v3 =	vadd.f32 v50, v3;
	_ =	sdelay $0x1  }
0x298: {  	v3 =	vadd.f32 v51, v3;
	_ =	sdelay $0x1  }
0x299: {  	[tilespmem:s22+$0xC10] =	vst v3  }
0x29a: {  	v3 =	vld [tilespmem:s20+$0xCDA0]  }
0x29b: {  	v52 =	vld [tilespmem:s21+$0xCDA0];
	_ =	sdelay $0x1  }
0x29c: {  	v53 =	vld [tilespmem:s6+$0xCDA0];
	_ =	sdelay $0x2  }
0x29d: {  	v3 =	vadd.f32 v52, v3;
	_ =	sdelay $0x1  }
0x29e: {  	v3 =	vadd.f32 v53, v3;
	_ =	sdelay $0x1  }
0x29f: {  	[tilespmem:s22+$0xC20] =	vst v3  }
0x2a0: {  	v3 =	vld [tilespmem:s20+$0xCDB0]  }
0x2a1: {  	v54 =	vld [tilespmem:s21+$0xCDB0];
	_ =	sdelay $0x1  }
0x2a2: {  	v55 =	vld [tilespmem:s6+$0xCDB0];
	_ =	sdelay $0x2  }
0x2a3: {  	v3 =	vadd.f32 v54, v3;
	_ =	sdelay $0x1  }
0x2a4: {  	v3 =	vadd.f32 v55, v3;
	_ =	sdelay $0x1  }
0x2a5: {  	[tilespmem:s22+$0xC30] =	vst v3  }
0x2a6: {  	v3 =	vld [tilespmem:s20+$0xCDC0]  }
0x2a7: {  	v56 =	vld [tilespmem:s21+$0xCDC0];
	_ =	sdelay $0x1  }
0x2a8: {  	v57 =	vld [tilespmem:s6+$0xCDC0];
	_ =	sdelay $0x2  }
0x2a9: {  	v3 =	vadd.f32 v56, v3;
	_ =	sdelay $0x1  }
0x2aa: {  	v3 =	vadd.f32 v57, v3;
	_ =	sdelay $0x1  }
0x2ab: {  	[tilespmem:s22+$0xC40] =	vst v3  }
0x2ac: {  	v3 =	vld [tilespmem:s20+$0xCDD0]  }
0x2ad: {  	v58 =	vld [tilespmem:s21+$0xCDD0];
	_ =	sdelay $0x1  }
0x2ae: {  	v59 =	vld [tilespmem:s6+$0xCDD0];
	_ =	sdelay $0x2  }
0x2af: {  	v3 =	vadd.f32 v58, v3;
	_ =	sdelay $0x1  }
0x2b0: {  	v3 =	vadd.f32 v59, v3;
	_ =	sdelay $0x1  }
0x2b1: {  	[tilespmem:s22+$0xC50] =	vst v3  }
0x2b2: {  	v3 =	vld [tilespmem:s20+$0xCDE0]  }
0x2b3: {  	v60 =	vld [tilespmem:s21+$0xCDE0];
	_ =	sdelay $0x1  }
0x2b4: {  	v61 =	vld [tilespmem:s6+$0xCDE0];
	_ =	sdelay $0x2  }
0x2b5: {  	v3 =	vadd.f32 v60, v3;
	_ =	sdelay $0x1  }
0x2b6: {  	v3 =	vadd.f32 v61, v3;
	_ =	sdelay $0x1  }
0x2b7: {  	[tilespmem:s22+$0xC60] =	vst v3  }
0x2b8: {  	v3 =	vld [tilespmem:s20+$0xCDF0]  }
0x2b9: {  	v62 =	vld [tilespmem:s21+$0xCDF0];
	_ =	sdelay $0x1  }
0x2ba: {  	v63 =	vld [tilespmem:s6+$0xCDF0];
	_ =	sdelay $0x1  }
0x2bb: {  	p0 =	sne.s32 s18, $0x2F80  }
.Ltmp1:
0x2bc: {  	v3 =	vadd.f32 v62, v3;
	(pc) =	sbr.rel @p0 .LBB2_4-.Ltmp1, $4  }
0x2bd: {  	_ = 	snop  }
0x2be: {  	v3 =	vadd.f32 v63, v3  }
0x2bf: {  	s17 =	sadd.s32 $0x600, s17  }
0x2c0: {  	s18 =	sadd.s32 $0x180, s18;
	s4 =	sadd.s32 $0x200, s4;
	s19 =	sadd.s32 $0x80, s19;
	[tilespmem:s22+$0xC70] =	vst v3  }
0x2c1: {  	s17 =	simm.s32 $0x0;
	s4 =	rddreg [dreg:$0x6]  }
0x2c2: {  	[hbm4b:s4+s17] =	stream.linear.scatter [tilespmem:s14], [sflag:$0x3], $0x4000, $0x38;
	[tilespmem:$0x1C180] =	vst v63  }
0x2c3: {  	_ =	swait.ge [sflag:s10], $0x4000  }
0x2c4: {  	[sflag:s10] =	ssyncset.done $0x0  }
0x2c5: {  	[sflag:s10] =	ssyncadd.s32 $0xFFFFC000  }
0x2c6: {  	_ =	swait.ge [sflag:s13], $0xC000  }
0x2c7: {  	s18 =	simm.s32 $0x100;
	[sflag:s13] =	ssyncset.done $0x0  }
0x2c8: {  	s19 =	simm.s32 $0x0;
	s4 =	simm.s32 $0x0;
	[sflag:s13] =	ssyncadd.s32 $0xFFFF4000  }
.LBB2_6:
0x2c9: {  	s6 =	sand.u32 $0xF000, s17;
	s7 =	sadd.s32 $0xFFFFFF00, s18  }
0x2ca: {  	s21 =	sadd.s32 $0x200, s17;
	s22 =	sadd.s32 $0xFFFFFF80, s18;
	s7 =	sand.u32 $0x380, s7  }
0x2cb: {  	s21 =	sand.u32 $0x1F000, s21;
	s22 =	sand.u32 $0x380, s22;
	s20 =	sor.u32 s7, s6  }
0x2cc: {  	s21 =	sor.u32 s22, s21;
	s7 =	sadd.s32 $0x400, s17;
	v3 =	vld [tilespmem:s20+$0x180]  }
0x2cd: {  	s22 =	sand.u32 $0x380, s18;
	v4 =	vld [tilespmem:s21+$0x180];
	s6 =	sand.u32 $0x1F000, s7  }
0x2ce: {  	s6 =	sor.u32 s22, s6  }
0x2cf: {  	v5 =	vld [tilespmem:s6+$0x180];
	_ =	sdelay $0x2  }
0x2d0: {  	v3 =	vadd.f32 v4, v3;
	_ =	sdelay $0x1  }
0x2d1: {  	s7 =	sand.u32 $0x3000, s4;
	s22 =	sand.u32 $0x380, s19;
	v3 =	vadd.f32 v5, v3  }
0x2d2: {  	s7 =	sor.u32 s22, s7  }
0x2d3: {  	[tilespmem:s7+$0x18180] =	vst v3  }
0x2d4: {  	v3 =	vld [tilespmem:s20+$0x190]  }
0x2d5: {  	v58 =	vld [tilespmem:s21+$0x190];
	_ =	sdelay $0x1  }
0x2d6: {  	v59 =	vld [tilespmem:s6+$0x190];
	_ =	sdelay $0x2  }
0x2d7: {  	v3 =	vadd.f32 v58, v3;
	_ =	sdelay $0x1  }
0x2d8: {  	v3 =	vadd.f32 v59, v3  }
0x2d9: {  	s22 =	sadd.s32 $0x18180, s7  }
0x2da: {  	[tilespmem:s22+$0x10] =	vst v3  }
0x2db: {  	v3 =	vld [tilespmem:s20+$0x1A0]  }
0x2dc: {  	v60 =	vld [tilespmem:s21+$0x1A0];
	_ =	sdelay $0x1  }
0x2dd: {  	v61 =	vld [tilespmem:s6+$0x1A0];
	_ =	sdelay $0x2  }
0x2de: {  	v3 =	vadd.f32 v60, v3;
	_ =	sdelay $0x1  }
0x2df: {  	v3 =	vadd.f32 v61, v3;
	_ =	sdelay $0x1  }
0x2e0: {  	[tilespmem:s22+$0x20] =	vst v3  }
0x2e1: {  	v3 =	vld [tilespmem:s20+$0x1B0]  }
0x2e2: {  	v62 =	vld [tilespmem:s21+$0x1B0];
	_ =	sdelay $0x1  }
0x2e3: {  	v63 =	vld [tilespmem:s6+$0x1B0];
	_ =	sdelay $0x2  }
0x2e4: {  	v3 =	vadd.f32 v62, v3;
	_ =	sdelay $0x1  }
0x2e5: {  	v3 =	vadd.f32 v63, v3;
	_ =	sdelay $0x1  }
0x2e6: {  	[tilespmem:s22+$0x30] =	vst v3  }
0x2e7: {  	v3 =	vld [tilespmem:s20+$0x1C0]  }
0x2e8: {  	v8 =	vld [tilespmem:s21+$0x1C0];
	_ =	sdelay $0x1  }
0x2e9: {  	v9 =	vld [tilespmem:s6+$0x1C0];
	_ =	sdelay $0x2  }
0x2ea: {  	v3 =	vadd.f32 v8, v3;
	_ =	sdelay $0x1  }
0x2eb: {  	v3 =	vadd.f32 v9, v3;
	_ =	sdelay $0x1  }
0x2ec: {  	[tilespmem:s22+$0x40] =	vst v3  }
0x2ed: {  	v3 =	vld [tilespmem:s20+$0x1D0]  }
0x2ee: {  	v10 =	vld [tilespmem:s21+$0x1D0];
	_ =	sdelay $0x1  }
0x2ef: {  	v11 =	vld [tilespmem:s6+$0x1D0];
	_ =	sdelay $0x2  }
0x2f0: {  	v3 =	vadd.f32 v10, v3;
	_ =	sdelay $0x1  }
0x2f1: {  	v3 =	vadd.f32 v11, v3;
	_ =	sdelay $0x1  }
0x2f2: {  	[tilespmem:s22+$0x50] =	vst v3  }
0x2f3: {  	v3 =	vld [tilespmem:s20+$0x1E0]  }
0x2f4: {  	v12 =	vld [tilespmem:s21+$0x1E0];
	_ =	sdelay $0x1  }
0x2f5: {  	v13 =	vld [tilespmem:s6+$0x1E0];
	_ =	sdelay $0x2  }
0x2f6: {  	v3 =	vadd.f32 v12, v3;
	_ =	sdelay $0x1  }
0x2f7: {  	v3 =	vadd.f32 v13, v3;
	_ =	sdelay $0x1  }
0x2f8: {  	[tilespmem:s22+$0x60] =	vst v3  }
0x2f9: {  	v3 =	vld [tilespmem:s20+$0x1F0]  }
0x2fa: {  	v14 =	vld [tilespmem:s21+$0x1F0];
	_ =	sdelay $0x1  }
0x2fb: {  	v15 =	vld [tilespmem:s6+$0x1F0];
	_ =	sdelay $0x2  }
0x2fc: {  	v3 =	vadd.f32 v14, v3;
	_ =	sdelay $0x1  }
0x2fd: {  	v3 =	vadd.f32 v15, v3;
	_ =	sdelay $0x1  }
0x2fe: {  	[tilespmem:s22+$0x70] =	vst v3  }
0x2ff: {  	v3 =	vld [tilespmem:s20+$0x580]  }
0x300: {  	v16 =	vld [tilespmem:s21+$0x580];
	_ =	sdelay $0x1  }
0x301: {  	v17 =	vld [tilespmem:s6+$0x580];
	_ =	sdelay $0x2  }
0x302: {  	v3 =	vadd.f32 v16, v3;
	_ =	sdelay $0x1  }
0x303: {  	v3 =	vadd.f32 v17, v3;
	_ =	sdelay $0x1  }
0x304: {  	[tilespmem:s22+$0x400] =	vst v3  }
0x305: {  	v3 =	vld [tilespmem:s20+$0x590]  }
0x306: {  	v18 =	vld [tilespmem:s21+$0x590];
	_ =	sdelay $0x1  }
0x307: {  	v19 =	vld [tilespmem:s6+$0x590];
	_ =	sdelay $0x2  }
0x308: {  	v3 =	vadd.f32 v18, v3;
	_ =	sdelay $0x1  }
0x309: {  	v3 =	vadd.f32 v19, v3;
	_ =	sdelay $0x1  }
0x30a: {  	[tilespmem:s22+$0x410] =	vst v3  }
0x30b: {  	v3 =	vld [tilespmem:s20+$0x5A0]  }
0x30c: {  	v20 =	vld [tilespmem:s21+$0x5A0];
	_ =	sdelay $0x1  }
0x30d: {  	v21 =	vld [tilespmem:s6+$0x5A0];
	_ =	sdelay $0x2  }
0x30e: {  	v3 =	vadd.f32 v20, v3;
	_ =	sdelay $0x1  }
0x30f: {  	v3 =	vadd.f32 v21, v3;
	_ =	sdelay $0x1  }
0x310: {  	[tilespmem:s22+$0x420] =	vst v3  }
0x311: {  	v3 =	vld [tilespmem:s20+$0x5B0]  }
0x312: {  	v22 =	vld [tilespmem:s21+$0x5B0];
	_ =	sdelay $0x1  }
0x313: {  	v23 =	vld [tilespmem:s6+$0x5B0];
	_ =	sdelay $0x2  }
0x314: {  	v3 =	vadd.f32 v22, v3;
	_ =	sdelay $0x1  }
0x315: {  	v3 =	vadd.f32 v23, v3;
	_ =	sdelay $0x1  }
0x316: {  	[tilespmem:s22+$0x430] =	vst v3  }
0x317: {  	v3 =	vld [tilespmem:s20+$0x5C0]  }
0x318: {  	v24 =	vld [tilespmem:s21+$0x5C0];
	_ =	sdelay $0x1  }
0x319: {  	v25 =	vld [tilespmem:s6+$0x5C0];
	_ =	sdelay $0x2  }
0x31a: {  	v3 =	vadd.f32 v24, v3;
	_ =	sdelay $0x1  }
0x31b: {  	v3 =	vadd.f32 v25, v3;
	_ =	sdelay $0x1  }
0x31c: {  	[tilespmem:s22+$0x440] =	vst v3  }
0x31d: {  	v3 =	vld [tilespmem:s20+$0x5D0]  }
0x31e: {  	v26 =	vld [tilespmem:s21+$0x5D0];
	_ =	sdelay $0x1  }
0x31f: {  	v27 =	vld [tilespmem:s6+$0x5D0];
	_ =	sdelay $0x2  }
0x320: {  	v3 =	vadd.f32 v26, v3;
	_ =	sdelay $0x1  }
0x321: {  	v3 =	vadd.f32 v27, v3;
	_ =	sdelay $0x1  }
0x322: {  	[tilespmem:s22+$0x450] =	vst v3  }
0x323: {  	v3 =	vld [tilespmem:s20+$0x5E0]  }
0x324: {  	v28 =	vld [tilespmem:s21+$0x5E0];
	_ =	sdelay $0x1  }
0x325: {  	v29 =	vld [tilespmem:s6+$0x5E0];
	_ =	sdelay $0x2  }
0x326: {  	v3 =	vadd.f32 v28, v3;
	_ =	sdelay $0x1  }
0x327: {  	v3 =	vadd.f32 v29, v3;
	_ =	sdelay $0x1  }
0x328: {  	[tilespmem:s22+$0x460] =	vst v3  }
0x329: {  	v3 =	vld [tilespmem:s20+$0x5F0]  }
0x32a: {  	v30 =	vld [tilespmem:s21+$0x5F0];
	_ =	sdelay $0x1  }
0x32b: {  	v31 =	vld [tilespmem:s6+$0x5F0];
	_ =	sdelay $0x2  }
0x32c: {  	v3 =	vadd.f32 v30, v3;
	_ =	sdelay $0x1  }
0x32d: {  	v3 =	vadd.f32 v31, v3;
	_ =	sdelay $0x1  }
0x32e: {  	[tilespmem:s22+$0x470] =	vst v3  }
0x32f: {  	v3 =	vld [tilespmem:s20+$0x980]  }
0x330: {  	v32 =	vld [tilespmem:s21+$0x980];
	_ =	sdelay $0x1  }
0x331: {  	v33 =	vld [tilespmem:s6+$0x980];
	_ =	sdelay $0x2  }
0x332: {  	v3 =	vadd.f32 v32, v3;
	_ =	sdelay $0x1  }
0x333: {  	v3 =	vadd.f32 v33, v3;
	_ =	sdelay $0x1  }
0x334: {  	[tilespmem:s22+$0x800] =	vst v3  }
0x335: {  	v3 =	vld [tilespmem:s20+$0x990]  }
0x336: {  	v34 =	vld [tilespmem:s21+$0x990];
	_ =	sdelay $0x1  }
0x337: {  	v35 =	vld [tilespmem:s6+$0x990];
	_ =	sdelay $0x2  }
0x338: {  	v3 =	vadd.f32 v34, v3;
	_ =	sdelay $0x1  }
0x339: {  	v3 =	vadd.f32 v35, v3;
	_ =	sdelay $0x1  }
0x33a: {  	[tilespmem:s22+$0x810] =	vst v3  }
0x33b: {  	v3 =	vld [tilespmem:s20+$0x9A0]  }
0x33c: {  	v36 =	vld [tilespmem:s21+$0x9A0];
	_ =	sdelay $0x1  }
0x33d: {  	v37 =	vld [tilespmem:s6+$0x9A0];
	_ =	sdelay $0x2  }
0x33e: {  	v3 =	vadd.f32 v36, v3;
	_ =	sdelay $0x1  }
0x33f: {  	v3 =	vadd.f32 v37, v3;
	_ =	sdelay $0x1  }
0x340: {  	[tilespmem:s22+$0x820] =	vst v3  }
0x341: {  	v3 =	vld [tilespmem:s20+$0x9B0]  }
0x342: {  	v38 =	vld [tilespmem:s21+$0x9B0];
	_ =	sdelay $0x1  }
0x343: {  	v39 =	vld [tilespmem:s6+$0x9B0];
	_ =	sdelay $0x2  }
0x344: {  	v3 =	vadd.f32 v38, v3;
	_ =	sdelay $0x1  }
0x345: {  	v3 =	vadd.f32 v39, v3;
	_ =	sdelay $0x1  }
0x346: {  	[tilespmem:s22+$0x830] =	vst v3  }
0x347: {  	v3 =	vld [tilespmem:s20+$0x9C0]  }
0x348: {  	v40 =	vld [tilespmem:s21+$0x9C0];
	_ =	sdelay $0x1  }
0x349: {  	v41 =	vld [tilespmem:s6+$0x9C0];
	_ =	sdelay $0x2  }
0x34a: {  	v3 =	vadd.f32 v40, v3;
	_ =	sdelay $0x1  }
0x34b: {  	v3 =	vadd.f32 v41, v3;
	_ =	sdelay $0x1  }
0x34c: {  	[tilespmem:s22+$0x840] =	vst v3  }
0x34d: {  	v3 =	vld [tilespmem:s20+$0x9D0]  }
0x34e: {  	v42 =	vld [tilespmem:s21+$0x9D0];
	_ =	sdelay $0x1  }
0x34f: {  	v43 =	vld [tilespmem:s6+$0x9D0];
	_ =	sdelay $0x2  }
0x350: {  	v3 =	vadd.f32 v42, v3;
	_ =	sdelay $0x1  }
0x351: {  	v3 =	vadd.f32 v43, v3;
	_ =	sdelay $0x1  }
0x352: {  	[tilespmem:s22+$0x850] =	vst v3  }
0x353: {  	v3 =	vld [tilespmem:s20+$0x9E0]  }
0x354: {  	v44 =	vld [tilespmem:s21+$0x9E0];
	_ =	sdelay $0x1  }
0x355: {  	v45 =	vld [tilespmem:s6+$0x9E0];
	_ =	sdelay $0x2  }
0x356: {  	v3 =	vadd.f32 v44, v3;
	_ =	sdelay $0x1  }
0x357: {  	v3 =	vadd.f32 v45, v3;
	_ =	sdelay $0x1  }
0x358: {  	[tilespmem:s22+$0x860] =	vst v3  }
0x359: {  	v3 =	vld [tilespmem:s20+$0x9F0]  }
0x35a: {  	v46 =	vld [tilespmem:s21+$0x9F0];
	_ =	sdelay $0x1  }
0x35b: {  	v47 =	vld [tilespmem:s6+$0x9F0];
	_ =	sdelay $0x2  }
0x35c: {  	v3 =	vadd.f32 v46, v3;
	_ =	sdelay $0x1  }
0x35d: {  	v3 =	vadd.f32 v47, v3;
	_ =	sdelay $0x1  }
0x35e: {  	[tilespmem:s22+$0x870] =	vst v3  }
0x35f: {  	v3 =	vld [tilespmem:s20+$0xD80]  }
0x360: {  	v48 =	vld [tilespmem:s21+$0xD80];
	_ =	sdelay $0x1  }
0x361: {  	v49 =	vld [tilespmem:s6+$0xD80];
	_ =	sdelay $0x2  }
0x362: {  	v3 =	vadd.f32 v48, v3;
	_ =	sdelay $0x1  }
0x363: {  	v3 =	vadd.f32 v49, v3;
	_ =	sdelay $0x1  }
0x364: {  	[tilespmem:s22+$0xC00] =	vst v3  }
0x365: {  	v3 =	vld [tilespmem:s20+$0xD90]  }
0x366: {  	v50 =	vld [tilespmem:s21+$0xD90];
	_ =	sdelay $0x1  }
0x367: {  	v51 =	vld [tilespmem:s6+$0xD90];
	_ =	sdelay $0x2  }
0x368: {  	v3 =	vadd.f32 v50, v3;
	_ =	sdelay $0x1  }
0x369: {  	v3 =	vadd.f32 v51, v3;
	_ =	sdelay $0x1  }
0x36a: {  	[tilespmem:s22+$0xC10] =	vst v3  }
0x36b: {  	v3 =	vld [tilespmem:s20+$0xDA0]  }
0x36c: {  	v52 =	vld [tilespmem:s21+$0xDA0];
	_ =	sdelay $0x1  }
0x36d: {  	v53 =	vld [tilespmem:s6+$0xDA0];
	_ =	sdelay $0x2  }
0x36e: {  	v3 =	vadd.f32 v52, v3;
	_ =	sdelay $0x1  }
0x36f: {  	v3 =	vadd.f32 v53, v3;
	_ =	sdelay $0x1  }
0x370: {  	[tilespmem:s22+$0xC20] =	vst v3  }
0x371: {  	v3 =	vld [tilespmem:s20+$0xDB0]  }
0x372: {  	v54 =	vld [tilespmem:s21+$0xDB0];
	_ =	sdelay $0x1  }
0x373: {  	v55 =	vld [tilespmem:s6+$0xDB0];
	_ =	sdelay $0x2  }
0x374: {  	v3 =	vadd.f32 v54, v3;
	_ =	sdelay $0x1  }
0x375: {  	v3 =	vadd.f32 v55, v3;
	_ =	sdelay $0x1  }
0x376: {  	[tilespmem:s22+$0xC30] =	vst v3  }
0x377: {  	v3 =	vld [tilespmem:s20+$0xDC0]  }
0x378: {  	v56 =	vld [tilespmem:s21+$0xDC0];
	_ =	sdelay $0x1  }
0x379: {  	v57 =	vld [tilespmem:s6+$0xDC0];
	_ =	sdelay $0x2  }
0x37a: {  	v3 =	vadd.f32 v56, v3;
	_ =	sdelay $0x1  }
0x37b: {  	v3 =	vadd.f32 v57, v3;
	_ =	sdelay $0x1  }
0x37c: {  	[tilespmem:s22+$0xC40] =	vst v3  }
0x37d: {  	v3 =	vld [tilespmem:s20+$0xDD0]  }
0x37e: {  	v58 =	vld [tilespmem:s21+$0xDD0];
	_ =	sdelay $0x1  }
0x37f: {  	v59 =	vld [tilespmem:s6+$0xDD0];
	_ =	sdelay $0x2  }
0x380: {  	v3 =	vadd.f32 v58, v3;
	_ =	sdelay $0x1  }
0x381: {  	v3 =	vadd.f32 v59, v3;
	_ =	sdelay $0x1  }
0x382: {  	[tilespmem:s22+$0xC50] =	vst v3  }
0x383: {  	v3 =	vld [tilespmem:s20+$0xDE0]  }
0x384: {  	v60 =	vld [tilespmem:s21+$0xDE0];
	_ =	sdelay $0x1  }
0x385: {  	v61 =	vld [tilespmem:s6+$0xDE0];
	_ =	sdelay $0x2  }
0x386: {  	v3 =	vadd.f32 v60, v3;
	_ =	sdelay $0x1  }
0x387: {  	v3 =	vadd.f32 v61, v3;
	_ =	sdelay $0x1  }
0x388: {  	[tilespmem:s22+$0xC60] =	vst v3  }
0x389: {  	v3 =	vld [tilespmem:s20+$0xDF0]  }
0x38a: {  	v62 =	vld [tilespmem:s21+$0xDF0];
	_ =	sdelay $0x1  }
0x38b: {  	v63 =	vld [tilespmem:s6+$0xDF0];
	_ =	sdelay $0x1  }
0x38c: {  	p0 =	sne.s32 s18, $0x2F80  }
.Ltmp2:
0x38d: {  	v3 =	vadd.f32 v62, v3;
	(pc) =	sbr.rel @p0 .LBB2_6-.Ltmp2, $4  }
0x38e: {  	_ = 	snop  }
0x38f: {  	v3 =	vadd.f32 v63, v3  }
0x390: {  	s17 =	sadd.s32 $0x600, s17  }
0x391: {  	s18 =	sadd.s32 $0x180, s18;
	s4 =	sadd.s32 $0x200, s4;
	s19 =	sadd.s32 $0x80, s19;
	[tilespmem:s22+$0xC70] =	vst v3  }
0x392: {  	s16 =	sadd.s32 $0x1, s16  }
0x393: {  	p0 =	sne.s32 s16, s9  }
.Ltmp3:
0x394: {  	_ = 	snop;
	(pc) =	sbr.rel @p0 .LBB2_1-.Ltmp3, $4  }
0x395: {  	[hbm4b:s8+s3] =	stream.linear.scatter [tilespmem:s14], [sflag:$0x3], $0x4000, $0x38;
	[tilespmem:$0x1C180] =	vst v63  }
0x396: {  	_ =	swait.ge [sflag:s10], $0x4000  }
0x397: {  	[sflag:s10] =	ssyncset.done $0x0  }
0x398: {  	[sflag:s10] =	ssyncadd.s32 $0xFFFFC000  }
0x399: {  	_ =	sfence.sel $0x180000  }
0x39a: {  	[bflag:$0x0] =	sbarrier.arrive $0xFFFF  }
0x39b: {  	_ =	strace $0x90000047  }
0x39c: {  	s0 =	stileid.u32;
	[bflag:$0x2] =	sbarrier.arrive $0xFFFF  }
0x39d: {  	p0 =	sne.s32 s0, $0x0;
	s0 =	rddreg [dreg:$0x3]  }
0x39e: {  	s0 =	sadd.s32 @!p0 $0x100000, s0  }
0x39f: {  	[sflag:s0] =	ssyncadd.tile.s32 @!p0 $0x1;
	_ =	shalt  }
.Lfunc_end2:
_tile_overlayer_lowered:
.L_overlay_start_2:
0x3a0: {  	(tag) =	ssettag $0x2  }
0x3a1: {  	s0 =	rddreg [dreg:$0x0];
	s2 =	stileid.u32  }
0x3a2: {  	s1 =	rddreg [dreg:$0x1];
	p0 =	sne.s32 s2, $0x0  }
0x3a3: {  	s3 =	rddreg [dreg:$0x2];
	[bflag:$0x3] =	sbarrier.arrive $0xFFFF;
	s2 =	simm.s32 @!p0 $0x1C03  }
0x3a4: {  	[timem:s3], [sflag:s2] =	dma.local @!p0 [hbm:s0], s1  }
0x3a5: {  	s0 =	simm.s32 @!p0 $0x3  }
0x3a6: {  	_ =	swait.ge @!p0 [sflag:s0], s1  }
0x3a7: {  	s1 =	ssub.s32 @!p0 $0x0, s1;
	[sflag:s0] =	ssyncset.done @!p0 $0x0  }
0x3a8: {  	[sflag:s0] =	ssyncadd.s32 @!p0 s1  }
0x3a9: {  	[bflag:$0x3] =	sbarrier.arrive $0xFFFF  }
0x3aa: {  	_ =	shalt  }

</sc_bundles>
